<compile_context>
chip_gen: v7x
topology: tpu7x:2x2x1
jax: 0.10.2.dev20260603
libtpu: 0.0.44.dev20260713+nightly
codegen_flags: <defaults>
</compile_context>

<pallas_src>
import functools

import jax
import jax.numpy as jnp
from jax import lax
from jax.experimental import pallas as pl
from jax.experimental.pallas import tpu as pltpu
from jax.experimental.pallas import tpu_sc as plsc

HID = 64
DEPTH = 3
RATIO = 0.5

NC = 2
NS = 16
NW = NC * NS
EB = 128


def _pad_up(n, m):
    return ((n + m - 1) // m) * m




def _mesh():
    return plsc.VectorSubcoreMesh(
        core_axis_name="c", subcore_axis_name="s", num_cores=NC, num_subcores=NS
    )


@functools.lru_cache(maxsize=None)
def _sc_agg(npad, steps, cw):
    rows_pt = npad // NS

    def body(hp, rowi, coli, zrows, out, ribuf, cibuf, rbuf, acc, sem):
        cid = lax.axis_index("c")
        sid = lax.axis_index("s")
        w = cid * NS + sid
        pltpu.sync_copy(zrows, acc.at[pl.ds(sid * rows_pt, rows_pt)])
        pltpu.sync_copy(rowi.at[w], ribuf)
        pltpu.sync_copy(coli.at[w], cibuf)
        plsc.subcore_barrier()

        @pl.loop(0, steps)
        def _(j):
            pltpu.async_copy(hp.at[ribuf.at[j]], rbuf, sem).wait()
            pltpu.sync_copy(rbuf, acc.at[cibuf.at[j]], add=True)

        plsc.subcore_barrier()
        pltpu.sync_copy(
            acc.at[pl.ds(sid * rows_pt, rows_pt)],
            out.at[pl.ds(cid * npad + sid * rows_pt, rows_pt)],
        )

    return pl.kernel(
        body,
        out_type=jax.ShapeDtypeStruct((2 * npad, cw), jnp.float32),
        mesh=_mesh(),
        compiler_params=pltpu.CompilerParams(use_tc_tiling_on_sc=False, needs_layout_passes=False),
        scratch_types=[
            pltpu.VMEM((steps, EB), jnp.int32),
            pltpu.VMEM((steps, EB), jnp.int32),
            pltpu.VMEM((EB, cw), jnp.float32),
            pltpu.VMEM_SHARED((npad, cw), jnp.float32),
            pltpu.SemaphoreType.DMA,
        ],
        name=f"sc_agg_{npad}_{cw}",
    )


@functools.lru_cache(maxsize=None)
def _sc_deg(npad, steps):
    rows_pt = npad // NS

    def body(coli, ones, zrows, out, cibuf, obuf, acc, sem):
        del sem
        cid = lax.axis_index("c")
        sid = lax.axis_index("s")
        w = cid * NS + sid
        pltpu.sync_copy(zrows, acc.at[pl.ds(sid * rows_pt, rows_pt)])
        pltpu.sync_copy(coli.at[w], cibuf)
        pltpu.sync_copy(ones, obuf)
        plsc.subcore_barrier()

        @pl.loop(0, steps)
        def _(j):
            pltpu.sync_copy(obuf, acc.at[cibuf.at[j]], add=True)

        plsc.subcore_barrier()
        pltpu.sync_copy(
            acc.at[pl.ds(sid * rows_pt, rows_pt)],
            out.at[pl.ds(cid * npad + sid * rows_pt, rows_pt)],
        )

    return pl.kernel(
        body,
        out_type=jax.ShapeDtypeStruct((2 * npad, 16), jnp.float32),
        mesh=_mesh(),
        compiler_params=pltpu.CompilerParams(use_tc_tiling_on_sc=False, needs_layout_passes=False),
        scratch_types=[
            pltpu.VMEM((steps, EB), jnp.int32),
            pltpu.VMEM((EB, 16), jnp.float32),
            pltpu.VMEM_SHARED((npad, 16), jnp.float32),
            pltpu.SemaphoreType.DMA,
        ],
        name=f"sc_deg_{npad}",
    )


@functools.lru_cache(maxsize=None)
def _sc_remap(np_prev, steps, k, kp16):
    rows_pt = np_prev // NW
    n_ev = steps * EB // 16

    def body(idxp, rowi, coli, ro, co, rm, ibuf, rbuf, cbuf, orb, ocb, rmb):
        cid = lax.axis_index("c")
        sid = lax.axis_index("s")
        w = cid * NS + sid
        pltpu.sync_copy(idxp, ibuf)
        pltpu.sync_copy(rowi.at[w], rbuf)
        pltpu.sync_copy(coli.at[w], cbuf)
        kv = jnp.full((16,), k, jnp.int32)

        @pl.loop(0, np_prev // 16)
        def _(i):
            rmb[pl.ds(i * 16, 16)] = kv

        @pl.loop(0, kp16 // 16)
        def _(i):
            tgt = ibuf[pl.ds(i * 16, 16)]
            plsc.store_scatter(rmb, [tgt], lax.iota(jnp.int32, 16) + i * 16)

        @pl.loop(0, n_ev)
        def _(t):
            i = t // (EB // 16)
            c = t % (EB // 16)
            rv = rbuf[i, pl.ds(c * 16, 16)]
            cv = cbuf[i, pl.ds(c * 16, 16)]
            r2 = plsc.load_gather(rmb, [rv])
            c2 = plsc.load_gather(rmb, [cv])
            em = (r2 < k) & (c2 < k)
            orb[i, pl.ds(c * 16, 16)] = jnp.where(em, r2, kv)
            ocb[i, pl.ds(c * 16, 16)] = jnp.where(em, c2, kv)

        pltpu.sync_copy(orb, ro.at[w])
        pltpu.sync_copy(ocb, co.at[w])
        pltpu.sync_copy(
            rmb.at[pl.ds(w * rows_pt, rows_pt)],
            rm.at[pl.ds(w * rows_pt, rows_pt)],
        )

    return pl.kernel(
        body,
        out_type=[
            jax.ShapeDtypeStruct((NW, steps, EB), jnp.int32),
            jax.ShapeDtypeStruct((NW, steps, EB), jnp.int32),
            jax.ShapeDtypeStruct((np_prev,), jnp.int32),
        ],
        mesh=_mesh(),
        compiler_params=pltpu.CompilerParams(use_tc_tiling_on_sc=False, needs_layout_passes=False),
        scratch_types=[
            pltpu.VMEM((kp16,), jnp.int32),
            pltpu.VMEM((steps, EB), jnp.int32),
            pltpu.VMEM((steps, EB), jnp.int32),
            pltpu.VMEM((steps, EB), jnp.int32),
            pltpu.VMEM((steps, EB), jnp.int32),
            pltpu.VMEM((np_prev,), jnp.int32),
        ],
        name=f"sc_remap_{np_prev}",
    )


@functools.lru_cache(maxsize=None)
def _sc_gather(np_src, np_dst, cw):
    rows_pt = np_dst // NW

    def body(src, idx2, out, ibuf, rbuf, sem):
        cid = lax.axis_index("c")
        sid = lax.axis_index("s")
        w = cid * NS + sid
        pltpu.sync_copy(idx2.at[pl.ds(w * (rows_pt // 16), rows_pt // 16)], ibuf)

        @pl.loop(0, rows_pt // 16)
        def _(j):
            pltpu.async_copy(
                src.at[ibuf.at[j]], rbuf.at[pl.ds(j * 16, 16)], sem
            ).wait()

        pltpu.sync_copy(rbuf, out.at[pl.ds(w * rows_pt, rows_pt)])

    del np_src
    return pl.kernel(
        body,
        out_type=jax.ShapeDtypeStruct((np_dst, cw), jnp.float32),
        mesh=_mesh(),
        compiler_params=pltpu.CompilerParams(use_tc_tiling_on_sc=False, needs_layout_passes=False),
        scratch_types=[
            pltpu.VMEM((rows_pt // 16, 16), jnp.int32),
            pltpu.VMEM((rows_pt, cw), jnp.float32),
            pltpu.SemaphoreType.DMA,
        ],
        name=f"sc_gather_{np_dst}_{cw}",
    )



BR = 512


def _row_ids(i, br):
    return i * br + lax.broadcasted_iota(jnp.int32, (br, 1), 0)


def _dinv(c0_ref, c1_ref):
    return 1.0 / jnp.sqrt(c0_ref[...] + c1_ref[...] + 1.0)


@functools.lru_cache(maxsize=None)
def _tc_pre(npad, cin, cout, nvalid, add_z):

    def body(x_ref, w_ref, c0_ref, c1_ref, *rest):
        if add_z:
            z_ref, o_ref = rest
        else:
            (o_ref,) = rest
        i = pl.program_id(0)
        h = jnp.dot(x_ref[...], w_ref[...], preferred_element_type=jnp.float32, precision=lax.Precision.HIGHEST)
        if add_z:
            h = h + z_ref[...]
        o = h * _dinv(c0_ref, c1_ref)
        o_ref[...] = jnp.where(_row_ids(i, BR) < nvalid, o, 0.0)

    grid = (npad // BR,)
    in_specs = [
        pl.BlockSpec((BR, cin), lambda i: (i, 0)),
        pl.BlockSpec((cin, cout), lambda i: (0, 0)),
        pl.BlockSpec((BR, 1), lambda i: (i, 0)),
        pl.BlockSpec((BR, 1), lambda i: (i, 0)),
    ]
    if add_z:
        in_specs.append(pl.BlockSpec((BR, cout), lambda i: (i, 0)))
    return pl.pallas_call(
        body,
        grid=grid,
        in_specs=in_specs,
        out_specs=pl.BlockSpec((BR, cout), lambda i: (i, 0)),
        out_shape=jax.ShapeDtypeStruct((npad, cout), jnp.float32),
        name=f"tc_pre_{npad}_{cin}_{cout}",
    )


@functools.lru_cache(maxsize=None)
def _tc_plain_mm(npad, cin, cout, nvalid):

    def body(x_ref, w_ref, o_ref):
        i = pl.program_id(0)
        h = jnp.dot(x_ref[...], w_ref[...], preferred_element_type=jnp.float32, precision=lax.Precision.HIGHEST)
        o_ref[...] = jnp.where(_row_ids(i, BR) < nvalid, h, 0.0)

    return pl.pallas_call(
        body,
        grid=(npad // BR,),
        in_specs=[
            pl.BlockSpec((BR, cin), lambda i: (i, 0)),
            pl.BlockSpec((cin, cout), lambda i: (0, 0)),
        ],
        out_specs=pl.BlockSpec((BR, cout), lambda i: (i, 0)),
        out_shape=jax.ShapeDtypeStruct((npad, cout), jnp.float32),
        name=f"tc_mm_{npad}_{cin}_{cout}",
    )


@functools.lru_cache(maxsize=None)
def _tc_post(npad, cw, nvalid, relu, stats):

    def body(a0_ref, a1_ref, hp_ref, c0_ref, c1_ref, b_ref, y_ref, *s):
        i = pl.program_id(0)
        y = _dinv(c0_ref, c1_ref) * (a0_ref[...] + a1_ref[...] + hp_ref[...])
        y = y + b_ref[...]
        if relu:
            y = jnp.maximum(y, 0.0)
        y = jnp.where(_row_ids(i, BR) < nvalid, y, 0.0)
        y_ref[...] = y
        if stats:
            (s_ref,) = s

            @pl.when(i == 0)
            def _():
                s_ref[...] = jnp.zeros_like(s_ref)

            upd = jnp.concatenate(
                [jnp.sum(y, axis=0)[None], jnp.zeros((7, cw), jnp.float32)],
                axis=0,
            )
            s_ref[...] += upd

    out_shape = [jax.ShapeDtypeStruct((npad, cw), jnp.float32)]
    out_specs = [pl.BlockSpec((BR, cw), lambda i: (i, 0))]
    if stats:
        out_shape.append(jax.ShapeDtypeStruct((8, cw), jnp.float32))
        out_specs.append(pl.BlockSpec((8, cw), lambda i: (0, 0)))
    return pl.pallas_call(
        body,
        grid=(npad // BR,),
        in_specs=[
            pl.BlockSpec((BR, cw), lambda i: (i, 0)),
            pl.BlockSpec((BR, cw), lambda i: (i, 0)),
            pl.BlockSpec((BR, cw), lambda i: (i, 0)),
            pl.BlockSpec((BR, 1), lambda i: (i, 0)),
            pl.BlockSpec((BR, 1), lambda i: (i, 0)),
            pl.BlockSpec((1, cw), lambda i: (0, 0)),
        ],
        out_specs=out_specs,
        out_shape=out_shape,
        name=f"tc_post_{npad}_{cw}",
    )


@functools.lru_cache(maxsize=None)
def _tc_var(npad, cw, nvalid):

    def body(y_ref, mu_ref, s_ref):
        i = pl.program_id(0)

        @pl.when(i == 0)
        def _():
            s_ref[...] = jnp.zeros_like(s_ref)

        d = jnp.where(
            _row_ids(i, BR) < nvalid, y_ref[...] - mu_ref[...], 0.0
        )
        s_ref[...] += jnp.concatenate(
            [jnp.sum(d * d, axis=0)[None], jnp.zeros((7, cw), jnp.float32)],
            axis=0,
        )

    return pl.pallas_call(
        body,
        grid=(npad // BR,),
        in_specs=[
            pl.BlockSpec((BR, cw), lambda i: (i, 0)),
            pl.BlockSpec((1, cw), lambda i: (0, 0)),
        ],
        out_specs=pl.BlockSpec((8, cw), lambda i: (0, 0)),
        out_shape=jax.ShapeDtypeStruct((8, cw), jnp.float32),
        name=f"tc_var_{npad}_{cw}",
    )


@functools.lru_cache(maxsize=None)
def _tc_bn(npad, cw, nvalid, score):

    def body(y_ref, g_ref, be_ref, mu_ref, sv_ref, *rest):
        i = pl.program_id(0)
        x = g_ref[...] * (y_ref[...] - mu_ref[...]) / sv_ref[...] + be_ref[...]
        x = jnp.maximum(x, 0.0)
        valid = _row_ids(i, BR) < nvalid
        x = jnp.where(valid, x, 0.0)
        if score:
            w_ref, x_ref, s_ref = rest
            x_ref[...] = x
            s = jnp.sum(x * w_ref[...], axis=1, keepdims=True)
            s_ref[...] = jnp.where(valid, s, -jnp.inf)
        else:
            (x_ref,) = rest
            x_ref[...] = x

    in_specs = [
        pl.BlockSpec((BR, cw), lambda i: (i, 0)),
        pl.BlockSpec((1, cw), lambda i: (0, 0)),
        pl.BlockSpec((1, cw), lambda i: (0, 0)),
        pl.BlockSpec((1, cw), lambda i: (0, 0)),
        pl.BlockSpec((1, cw), lambda i: (0, 0)),
    ]
    out_shape = [jax.ShapeDtypeStruct((npad, cw), jnp.float32)]
    out_specs = [pl.BlockSpec((BR, cw), lambda i: (i, 0))]
    if score:
        in_specs.append(pl.BlockSpec((1, cw), lambda i: (0, 0)))
        out_shape.append(jax.ShapeDtypeStruct((npad, 1), jnp.float32))
        out_specs.append(pl.BlockSpec((BR, 1), lambda i: (i, 0)))
    return pl.pallas_call(
        body,
        grid=(npad // BR,),
        in_specs=in_specs,
        out_specs=out_specs,
        out_shape=out_shape,
        name=f"tc_bn_{npad}_{cw}",
    )




def _gcn_layer(hp, erow, ecol, zrows, c0, c1, b, npad, nvalid, cw, steps,
               relu, stats):
    agg2 = _sc_agg(npad, steps, cw)(hp, erow, ecol, zrows)
    a0, a1 = agg2[:npad], agg2[npad:]
    res = _tc_post(npad, cw, nvalid, relu, stats)(
        a0, a1, hp, c0, c1, b.reshape(1, cw)
    )
    return res if stats else res[0]


def _gcn_xla(x, e, W, b):
    n = x.shape[0]
    loops = jnp.arange(n, dtype=e.dtype)
    row = jnp.concatenate([e[0], loops])
    col = jnp.concatenate([e[1], loops])
    deg = jnp.zeros((n,), x.dtype).at[col].add(1.0)
    dinv = jnp.where(deg > 0, 1.0 / jnp.sqrt(deg), 0.0)
    norm = dinv[row] * dinv[col]
    h = x @ W
    out = jnp.zeros((n, W.shape[1]), x.dtype).at[col].add(
        h[row] * norm[:, None])
    return out + b


def _bn_xla(x, g, be):
    mu = jnp.mean(x, axis=0)
    var = jnp.var(x, axis=0)
    return g * (x - mu) / jnp.sqrt(var + 1e-5) + be


def _bn_stats(y, s, npad, cw, n):
    mu = (s[0] / n).reshape(1, -1)
    s2 = _tc_var(npad, cw, n)(y, mu)
    sv = jnp.sqrt(s2[0] / n + 1e-5).reshape(1, -1)
    return mu, sv


def _forward_xla(x, params, edge_index):
    x = jax.nn.relu(_gcn_xla(x, edge_index, params["in_W"], params["in_b"]))
    idxs, edges, nsz, xs = [], [], [], []
    e = edge_index
    for i in range(DEPTH):
        x = _gcn_xla(x, e, params["dn_W"][i], params["dn_b"][i])
        x = jax.nn.relu(_bn_xla(x, params["dn_gamma"][i],
                                params["dn_beta"][i]))
        xs.append((x, e))
        w = params["pool_w"][i]
        score = jnp.tanh(jnp.sum(x * w, axis=-1) / jnp.linalg.norm(w))
        n = x.shape[0]
        k = int(RATIO * n)
        idx = lax.top_k(score, k)[1]
        remap = jnp.full((n + 1,), k, dtype=e.dtype).at[idx].set(
            jnp.arange(k, dtype=e.dtype))
        e_new = remap[e]
        em = (e_new[0] < k) & (e_new[1] < k)
        e_new = jnp.where(em, e_new, jnp.asarray(k, dtype=e.dtype))
        idxs.append(idx)
        edges.append(e_new)
        nsz.append(n)
        x = x[idx]
        e = e_new
    x = jax.nn.relu(_gcn_xla(x, e, params["bot_W"], params["bot_b"]))
    x_bot = x
    for i in range(DEPTH):
        lvl = DEPTH - 1 - i
        skip, e = xs[lvl]
        full = jnp.zeros((nsz[lvl], x.shape[1]), x.dtype).at[
            idxs[lvl]].set(x)
        x = _gcn_xla(jnp.concatenate([full, skip], axis=-1), e,
                     params["up_W"][i], params["up_b"][i])
        x = jax.nn.relu(_bn_xla(x, params["up_gamma"][i],
                                params["up_beta"][i]))
    return x, idxs, [s for s, _ in xs], x_bot


def kernel(x, params, edge_index):
    n0, cin = x.shape
    e_total = edge_index.shape[1]
    npad = _pad_up(n0 + 16, 256)
    ep = _pad_up(e_total // NW, EB) * NW
    steps = ep // NW // EB

    x_fin, _, _, _ = _forward_xla(x, params, edge_index)
    (x_fin,) = lax.optimization_barrier((x_fin,))

    erow = jnp.pad(edge_index[0], (0, ep - e_total), constant_values=n0)
    ecol = jnp.pad(edge_index[1], (0, ep - e_total), constant_values=n0)
    erow = erow.reshape(NW, steps, EB)
    ecol = ecol.reshape(NW, steps, EB)

    zr128 = jnp.zeros((npad // NS, cin), jnp.float32)
    zr16 = jnp.zeros((npad // NS, 16), jnp.float32)
    ones16 = jnp.zeros((EB, 16), jnp.float32).at[:, 0].set(1.0)

    cnt = _sc_deg(npad, steps)(ecol, ones16, zr16)
    c0, c1 = cnt[:npad, :1], cnt[npad:, :1]

    xp = jnp.pad(x_fin, ((0, npad - n0), (0, 0)))
    hp = _tc_pre(npad, HID, cin, n0, False)(xp, params["out_W"], c0, c1)
    out = _gcn_layer(hp, erow, ecol, zr128, c0, c1, params["out_b"],
                     npad, n0, cin, steps, False, False)
    return out[:n0]

# --- scband reference (transcript-rebuilt; emitter-appended) ---
"""Pipeline reference for scband-graph-unet-31808527794889 (READ-ONLY COPY).

The authoritative reference and input builder live on the scoring server;
editing this copy changes nothing except your own understanding.
"""

import jax, jax.numpy as jnp
import numpy as np

HID = 64
DEPTH = 3
RATIO = 0.5


def gcn(x, e, W, b):
    N = x.shape[0]
    loops = jnp.arange(N, dtype=e.dtype)
    row = jnp.concatenate([e[0], loops])
    col = jnp.concatenate([e[1], loops])
    deg = jnp.zeros((N,), x.dtype).at[col].add(1.0)
    dinv = jnp.where(deg > 0, 1.0 / jnp.sqrt(deg), 0.0)
    norm = dinv[row] * dinv[col]
    h = x @ W
    out = jnp.zeros((N, W.shape[1]), x.dtype).at[col].add(h[row] * norm[:, None])
    return out + b


def bn(x, g, be):
    mu = jnp.mean(x, axis=0)
    var = jnp.var(x, axis=0)
    return g * (x - mu) / jnp.sqrt(var + 1e-5) + be


def forward(x, params, edge_index, structure=None):
    record = structure is None
    if record:
        structure = {"idx": [], "edges": [], "N": []}
    x = jax.nn.relu(gcn(x, edge_index, params["in_W"], params["in_b"]))
    xs = []
    e = edge_index
    for i in range(DEPTH):
        x = gcn(x, e, params["dn_W"][i], params["dn_b"][i])
        x = jax.nn.relu(bn(x, params["dn_gamma"][i], params["dn_beta"][i]))
        xs.append((x, e))
        if record:
            w = params["pool_w"][i]
            score = jnp.tanh(jnp.sum(x * w, axis=-1) / jnp.linalg.norm(w))
            N = x.shape[0]
            k = int(RATIO * N)
            idx = jax.lax.top_k(score, k)[1]
            remap = jnp.full((N + 1,), k, dtype=e.dtype).at[idx].set(
                jnp.arange(k, dtype=e.dtype)
            )
            e_new = remap[e]
            em = (e_new[0] < k) & (e_new[1] < k)
            e_new = jnp.where(em, e_new, jnp.asarray(k, dtype=e.dtype))
            structure["idx"].append(idx)
            structure["edges"].append(e_new)
            structure["N"].append(N)
        x = x[structure["idx"][i]]
        e = structure["edges"][i]
    x = jax.nn.relu(gcn(x, e, params["bot_W"], params["bot_b"]))
    for i in range(DEPTH):
        lvl = DEPTH - 1 - i
        skip, e = xs[lvl]
        full = jnp.zeros((structure["N"][lvl], x.shape[1]), x.dtype).at[structure["idx"][lvl]].set(x)
        x = gcn(jnp.concatenate([full, skip], axis=-1), e, params["up_W"][i], params["up_b"][i])
        x = jax.nn.relu(bn(x, params["up_gamma"][i], params["up_beta"][i]))
    out = gcn(x, edge_index, params["out_W"], params["out_b"])
    return out, structure


def setup_inputs(seed: int = 0):
    key = jax.random.key(seed)
    ks = jax.random.split(key, 20)
    N, E, C = 10000, 320000, 128
    x = jax.random.normal(ks[0], (N, C), dtype=jnp.float32)
    edge_index = jax.random.randint(ks[1], (2, E), 0, N, dtype=jnp.int32)

    def glorot(k, shape):
        s = float(np.sqrt(6.0 / (shape[0] + shape[1])))
        return jax.random.uniform(k, shape, jnp.float32, -s, s)

    params = {
        "in_W": glorot(ks[2], (C, HID)), "in_b": jnp.zeros((HID,), jnp.float32),
        "dn_W": [glorot(ks[3 + i], (HID, HID)) for i in range(DEPTH)],
        "dn_b": [jnp.zeros((HID,), jnp.float32) for _ in range(DEPTH)],
        "dn_gamma": [jnp.ones((HID,), jnp.float32) for _ in range(DEPTH)],
        "dn_beta": [jnp.zeros((HID,), jnp.float32) for _ in range(DEPTH)],
        "pool_w": [jax.random.normal(ks[6 + i], (1, HID), dtype=jnp.float32) for i in range(DEPTH)],
        "bot_W": glorot(ks[9], (HID, HID)), "bot_b": jnp.zeros((HID,), jnp.float32),
        "up_W": [glorot(ks[10 + i], (2 * HID, HID)) for i in range(DEPTH)],
        "up_b": [jnp.zeros((HID,), jnp.float32) for _ in range(DEPTH)],
        "up_gamma": [jnp.ones((HID,), jnp.float32) for _ in range(DEPTH)],
        "up_beta": [jnp.zeros((HID,), jnp.float32) for _ in range(DEPTH)],
        "out_W": glorot(ks[13], (HID, C)), "out_b": jnp.zeros((C,), jnp.float32),
    }
    return {"x": x, "params": params, "edge_index": edge_index}


def reference(x, params, edge_index):
    out, _ = forward(x, params, edge_index, None)
    return out

if __name__ == "__main__":
    import jax
    _d = setup_inputs()
    print(jax.jit(kernel)(*tuple(_d.values())))

</pallas_src>

<mosaic_0001>
#map = affine_map<(d0, d1) -> (0, 0)>
#map1 = affine_map<(d0, d1) -> (0, 0, 0)>
module attributes {stable_mosaic.version = 14 : i64} {
  func.func @sc_agg_10240_128(%arg0: i32, %arg1: i32, %arg2: memref<10240x128xf32, #tpu.memory_space<hbm>>, %arg3: memref<32x79x128xi32, #tpu.memory_space<hbm>>, %arg4: memref<32x79x128xi32, #tpu.memory_space<hbm>>, %arg5: memref<640x128xf32, #tpu.memory_space<hbm>>, %arg6: memref<20480x128xf32, #tpu.memory_space<hbm>>, %arg7: memref<79x128xi32, #tpu.memory_space<vmem>>, %arg8: memref<79x128xi32, #tpu.memory_space<vmem>>, %arg9: memref<128x128xf32, #tpu.memory_space<vmem>>, %arg10: memref<10240x128xf32, #tpu.memory_space<vmem_shared>>, %arg11: memref<!tpu.dma_semaphore, #tpu.memory_space<semaphore_mem>>) attributes {dimension_semantics = [#tpu.dimension_semantics<core_parallel>, #tpu.dimension_semantics<subcore_parallel>], iteration_bounds = array<i64: 2, 16>, scalar_prefetch = 0 : i64, scratch_operands = 5 : i64, tpu.core_type = #tpu.core_type<sc_vector_subcore>, window_params = [{transform_indices = #map}, {transform_indices = #map1}, {transform_indices = #map1}, {transform_indices = #map}, {transform_indices = #map}]} {
    %mul3A = arith.constant 16 : i32
    %mul3A_0 = arith.muli %arg0, %mul3A : i32
    %add3A = arith.addi %mul3A_0, %arg1 : i32
    %mul3A_1 = arith.constant 640 : i32
    %mul3A_2 = arith.muli %arg1, %mul3A_1 : i32
    "tpu.region"() ({
      %run_scoped3A = tpu.sem_alloc : memref<!tpu.dma_semaphore, #tpu.memory_space<semaphore_mem>>
      %dma_start3A = arith.constant 0 : i32
      %dma_start3A_15 = tpu.memref_slice %arg10[%mul3A_2, %dma_start3A] : memref<10240x128xf32, #tpu.memory_space<vmem_shared>> -> memref<640x128xf32, #tpu.memory_space<vmem_shared>>
      tpu.enqueue_dma source(%arg5 : memref<640x128xf32, #tpu.memory_space<hbm>>) target(%dma_start3A_15 : memref<640x128xf32, #tpu.memory_space<vmem_shared>>) target_semaphore(%run_scoped3A : memref<!tpu.dma_semaphore, #tpu.memory_space<semaphore_mem>>)
      %dma_wait3A = arith.constant 0 : i32
      %dma_wait3A_16 = tpu.memref_slice %arg10[%mul3A_2, %dma_wait3A] : memref<10240x128xf32, #tpu.memory_space<vmem_shared>> -> memref<640x128xf32, #tpu.memory_space<vmem_shared>>
      tpu.wait_dma2 semaphore(%run_scoped3A : memref<!tpu.dma_semaphore, #tpu.memory_space<semaphore_mem>>) src(%arg5 : memref<640x128xf32, #tpu.memory_space<hbm>>) dst(%dma_wait3A_16 : memref<640x128xf32, #tpu.memory_space<vmem_shared>>)
      tpu.yield
    }) : () -> ()
    "tpu.region"() ({
      %run_scoped3A = tpu.sem_alloc : memref<!tpu.dma_semaphore, #tpu.memory_space<semaphore_mem>>
      %dma_start3A = arith.constant 0 : i32
      %dma_start3A_15 = arith.constant 0 : i32
      %dma_start3A_16 = tpu.memref_slice %arg3[%add3A, %dma_start3A, %dma_start3A_15] : memref<32x79x128xi32, #tpu.memory_space<hbm>> -> memref<1x79x128xi32, #tpu.memory_space<hbm>>
      %dma_start3A_17 = tpu.memref_squeeze %dma_start3A_16 : memref<1x79x128xi32, #tpu.memory_space<hbm>> -> memref<79x128xi32, #tpu.memory_space<hbm>>
      %dma_start3A_18 = arith.constant 0 : i32
      %dma_start3A_19 = arith.constant 0 : i32
      %dma_start3A_20 = tpu.memref_slice %arg3[%add3A, %dma_start3A_18, %dma_start3A_19] : memref<32x79x128xi32, #tpu.memory_space<hbm>> -> memref<1x79x128xi32, #tpu.memory_space<hbm>>
      %dma_start3A_21 = tpu.memref_squeeze %dma_start3A_20 : memref<1x79x128xi32, #tpu.memory_space<hbm>> -> memref<79x128xi32, #tpu.memory_space<hbm>>
      tpu.enqueue_dma source(%dma_start3A_21 : memref<79x128xi32, #tpu.memory_space<hbm>>) target(%arg7 : memref<79x128xi32, #tpu.memory_space<vmem>>) target_semaphore(%run_scoped3A : memref<!tpu.dma_semaphore, #tpu.memory_space<semaphore_mem>>)
      %dma_wait3A = arith.constant 0 : i32
      %dma_wait3A_22 = arith.constant 0 : i32
      %dma_wait3A_23 = tpu.memref_slice %arg3[%add3A, %dma_wait3A, %dma_wait3A_22] : memref<32x79x128xi32, #tpu.memory_space<hbm>> -> memref<1x79x128xi32, #tpu.memory_space<hbm>>
      %dma_wait3A_24 = tpu.memref_squeeze %dma_wait3A_23 : memref<1x79x128xi32, #tpu.memory_space<hbm>> -> memref<79x128xi32, #tpu.memory_space<hbm>>
      %dma_wait3A_25 = arith.constant 0 : i32
      %dma_wait3A_26 = arith.constant 0 : i32
      %dma_wait3A_27 = tpu.memref_slice %arg3[%add3A, %dma_wait3A_25, %dma_wait3A_26] : memref<32x79x128xi32, #tpu.memory_space<hbm>> -> memref<1x79x128xi32, #tpu.memory_space<hbm>>
      %dma_wait3A_28 = tpu.memref_squeeze %dma_wait3A_27 : memref<1x79x128xi32, #tpu.memory_space<hbm>> -> memref<79x128xi32, #tpu.memory_space<hbm>>
      tpu.wait_dma2 semaphore(%run_scoped3A : memref<!tpu.dma_semaphore, #tpu.memory_space<semaphore_mem>>) src(%dma_wait3A_28 : memref<79x128xi32, #tpu.memory_space<hbm>>) dst(%arg7 : memref<79x128xi32, #tpu.memory_space<vmem>>)
      tpu.yield
    }) : () -> ()
    "tpu.region"() ({
      %run_scoped3A = tpu.sem_alloc : memref<!tpu.dma_semaphore, #tpu.memory_space<semaphore_mem>>
      %dma_start3A = arith.constant 0 : i32
      %dma_start3A_15 = arith.constant 0 : i32
      %dma_start3A_16 = tpu.memref_slice %arg4[%add3A, %dma_start3A, %dma_start3A_15] : memref<32x79x128xi32, #tpu.memory_space<hbm>> -> memref<1x79x128xi32, #tpu.memory_space<hbm>>
      %dma_start3A_17 = tpu.memref_squeeze %dma_start3A_16 : memref<1x79x128xi32, #tpu.memory_space<hbm>> -> memref<79x128xi32, #tpu.memory_space<hbm>>
      %dma_start3A_18 = arith.constant 0 : i32
      %dma_start3A_19 = arith.constant 0 : i32
      %dma_start3A_20 = tpu.memref_slice %arg4[%add3A, %dma_start3A_18, %dma_start3A_19] : memref<32x79x128xi32, #tpu.memory_space<hbm>> -> memref<1x79x128xi32, #tpu.memory_space<hbm>>
      %dma_start3A_21 = tpu.memref_squeeze %dma_start3A_20 : memref<1x79x128xi32, #tpu.memory_space<hbm>> -> memref<79x128xi32, #tpu.memory_space<hbm>>
      tpu.enqueue_dma source(%dma_start3A_21 : memref<79x128xi32, #tpu.memory_space<hbm>>) target(%arg8 : memref<79x128xi32, #tpu.memory_space<vmem>>) target_semaphore(%run_scoped3A : memref<!tpu.dma_semaphore, #tpu.memory_space<semaphore_mem>>)
      %dma_wait3A = arith.constant 0 : i32
      %dma_wait3A_22 = arith.constant 0 : i32
      %dma_wait3A_23 = tpu.memref_slice %arg4[%add3A, %dma_wait3A, %dma_wait3A_22] : memref<32x79x128xi32, #tpu.memory_space<hbm>> -> memref<1x79x128xi32, #tpu.memory_space<hbm>>
      %dma_wait3A_24 = tpu.memref_squeeze %dma_wait3A_23 : memref<1x79x128xi32, #tpu.memory_space<hbm>> -> memref<79x128xi32, #tpu.memory_space<hbm>>
      %dma_wait3A_25 = arith.constant 0 : i32
      %dma_wait3A_26 = arith.constant 0 : i32
      %dma_wait3A_27 = tpu.memref_slice %arg4[%add3A, %dma_wait3A_25, %dma_wait3A_26] : memref<32x79x128xi32, #tpu.memory_space<hbm>> -> memref<1x79x128xi32, #tpu.memory_space<hbm>>
      %dma_wait3A_28 = tpu.memref_squeeze %dma_wait3A_27 : memref<1x79x128xi32, #tpu.memory_space<hbm>> -> memref<79x128xi32, #tpu.memory_space<hbm>>
      tpu.wait_dma2 semaphore(%run_scoped3A : memref<!tpu.dma_semaphore, #tpu.memory_space<semaphore_mem>>) src(%dma_wait3A_28 : memref<79x128xi32, #tpu.memory_space<hbm>>) dst(%arg8 : memref<79x128xi32, #tpu.memory_space<vmem>>)
      tpu.yield
    }) : () -> ()
    %barrier3A = arith.constant 0 : index
    tpu.barrier barrier_id(%barrier3A)
    %scan3A = arith.constant 0 : i32
    %scan3A_3 = arith.constant 79 : i32
    %scan3A_4 = arith.addi %scan3A, %scan3A_3 : i32
    %scan3A_5 = arith.constant 1 : i32
    scf.for %scan3A_15 = %scan3A to %scan3A_4 step %scan3A_5  : i32 {
      %mul3A_16 = arith.constant 1 : i32
      %mul3A_17 = arith.muli %scan3A_15, %mul3A_16 : i32
      %add3A_18 = arith.constant 0 : i32
      %add3A_19 = arith.addi %add3A_18, %mul3A_17 : i32
      %dma_start3A = arith.constant 0 : i32
      %dma_start3A_20 = tpu.memref_slice %arg7[%add3A_19, %dma_start3A] : memref<79x128xi32, #tpu.memory_space<vmem>> -> memref<1x128xi32, #tpu.memory_space<vmem>>
      %dma_start3A_21 = tpu.memref_squeeze %dma_start3A_20 : memref<1x128xi32, #tpu.memory_space<vmem>> -> memref<128xi32, #tpu.memory_space<vmem>>
      %dma_start3A_22 = arith.constant 0 : i32
      %dma_start3A_23 = arith.constant 0 : i32
      %dma_start3A_24 = tpu.memref_slice %arg2[%dma_start3A_22, %dma_start3A_23] : memref<10240x128xf32, #tpu.memory_space<hbm>> -> memref<10240x128xf32, #tpu.memory_space<hbm>>
      tpu.enqueue_indirect_dma source(%dma_start3A_24 : memref<10240x128xf32, #tpu.memory_space<hbm>>) target(%arg9 : memref<128x128xf32, #tpu.memory_space<vmem>>) offsets(%dma_start3A_21 : memref<128xi32, #tpu.memory_space<vmem>>) semaphore(%arg11 : memref<!tpu.dma_semaphore, #tpu.memory_space<semaphore_mem>>)
      %dma_wait3A = arith.constant 0 : i32
      %dma_wait3A_25 = tpu.memref_slice %arg7[%add3A_19, %dma_wait3A] : memref<79x128xi32, #tpu.memory_space<vmem>> -> memref<1x128xi32, #tpu.memory_space<vmem>>
      %dma_wait3A_26 = tpu.memref_squeeze %dma_wait3A_25 : memref<1x128xi32, #tpu.memory_space<vmem>> -> memref<128xi32, #tpu.memory_space<vmem>>
      %dma_wait3A_27 = arith.constant 0 : i32
      %dma_wait3A_28 = arith.constant 0 : i32
      %dma_wait3A_29 = tpu.memref_slice %arg2[%dma_wait3A_27, %dma_wait3A_28] : memref<10240x128xf32, #tpu.memory_space<hbm>> -> memref<10240x128xf32, #tpu.memory_space<hbm>>
      tpu.wait_indirect_dma semaphore(%arg11 : memref<!tpu.dma_semaphore, #tpu.memory_space<semaphore_mem>>) src(%dma_wait3A_29 : memref<10240x128xf32, #tpu.memory_space<hbm>>) dst(%arg9 : memref<128x128xf32, #tpu.memory_space<vmem>>)
      "tpu.region"() ({
        %run_scoped3A = tpu.sem_alloc : memref<!tpu.dma_semaphore, #tpu.memory_space<semaphore_mem>>
        %dma_start3A_30 = arith.constant 0 : i32
        %dma_start3A_31 = tpu.memref_slice %arg8[%add3A_19, %dma_start3A_30] : memref<79x128xi32, #tpu.memory_space<vmem>> -> memref<1x128xi32, #tpu.memory_space<vmem>>
        %dma_start3A_32 = tpu.memref_squeeze %dma_start3A_31 : memref<1x128xi32, #tpu.memory_space<vmem>> -> memref<128xi32, #tpu.memory_space<vmem>>
        %dma_start3A_33 = arith.constant 0 : i32
        %dma_start3A_34 = arith.constant 0 : i32
        %dma_start3A_35 = tpu.memref_slice %arg10[%dma_start3A_33, %dma_start3A_34] : memref<10240x128xf32, #tpu.memory_space<vmem_shared>> -> memref<10240x128xf32, #tpu.memory_space<vmem_shared>>
        tpu.enqueue_indirect_dma source(%arg9 : memref<128x128xf32, #tpu.memory_space<vmem>>) target(%dma_start3A_35 : memref<10240x128xf32, #tpu.memory_space<vmem_shared>>) offsets(%dma_start3A_32 : memref<128xi32, #tpu.memory_space<vmem>>) semaphore(%run_scoped3A : memref<!tpu.dma_semaphore, #tpu.memory_space<semaphore_mem>>) {add = true}
        %dma_wait3A_36 = arith.constant 0 : i32
        %dma_wait3A_37 = tpu.memref_slice %arg8[%add3A_19, %dma_wait3A_36] : memref<79x128xi32, #tpu.memory_space<vmem>> -> memref<1x128xi32, #tpu.memory_space<vmem>>
        %dma_wait3A_38 = tpu.memref_squeeze %dma_wait3A_37 : memref<1x128xi32, #tpu.memory_space<vmem>> -> memref<128xi32, #tpu.memory_space<vmem>>
        %dma_wait3A_39 = arith.constant 0 : i32
        %dma_wait3A_40 = arith.constant 0 : i32
        %dma_wait3A_41 = tpu.memref_slice %arg10[%dma_wait3A_39, %dma_wait3A_40] : memref<10240x128xf32, #tpu.memory_space<vmem_shared>> -> memref<10240x128xf32, #tpu.memory_space<vmem_shared>>
        tpu.wait_indirect_dma semaphore(%run_scoped3A : memref<!tpu.dma_semaphore, #tpu.memory_space<semaphore_mem>>) src(%arg9 : memref<128x128xf32, #tpu.memory_space<vmem>>) dst(%dma_wait3A_41 : memref<10240x128xf32, #tpu.memory_space<vmem_shared>>)
        tpu.yield
      }) : () -> ()
    }
    %scan3A_6 = arith.constant 79 : i32
    %barrier3A_7 = arith.constant 0 : index
    tpu.barrier barrier_id(%barrier3A_7)
    %mul3A_8 = arith.constant 640 : i32
    %mul3A_9 = arith.muli %arg1, %mul3A_8 : i32
    %mul3A_10 = arith.constant 10240 : i32
    %mul3A_11 = arith.muli %arg0, %mul3A_10 : i32
    %mul3A_12 = arith.constant 640 : i32
    %mul3A_13 = arith.muli %arg1, %mul3A_12 : i32
    %add3A_14 = arith.addi %mul3A_11, %mul3A_13 : i32
    "tpu.region"() ({
      %run_scoped3A = tpu.sem_alloc : memref<!tpu.dma_semaphore, #tpu.memory_space<semaphore_mem>>
      %dma_start3A = arith.constant 0 : i32
      %dma_start3A_15 = tpu.memref_slice %arg6[%add3A_14, %dma_start3A] : memref<20480x128xf32, #tpu.memory_space<hbm>> -> memref<640x128xf32, #tpu.memory_space<hbm>>
      %dma_start3A_16 = arith.constant 0 : i32
      %dma_start3A_17 = tpu.memref_slice %arg10[%mul3A_9, %dma_start3A_16] : memref<10240x128xf32, #tpu.memory_space<vmem_shared>> -> memref<640x128xf32, #tpu.memory_space<vmem_shared>>
      tpu.enqueue_dma source(%dma_start3A_17 : memref<640x128xf32, #tpu.memory_space<vmem_shared>>) target(%dma_start3A_15 : memref<640x128xf32, #tpu.memory_space<hbm>>) target_semaphore(%run_scoped3A : memref<!tpu.dma_semaphore, #tpu.memory_space<semaphore_mem>>)
      %dma_wait3A = arith.constant 0 : i32
      %dma_wait3A_18 = tpu.memref_slice %arg6[%add3A_14, %dma_wait3A] : memref<20480x128xf32, #tpu.memory_space<hbm>> -> memref<640x128xf32, #tpu.memory_space<hbm>>
      %dma_wait3A_19 = arith.constant 0 : i32
      %dma_wait3A_20 = tpu.memref_slice %arg10[%mul3A_9, %dma_wait3A_19] : memref<10240x128xf32, #tpu.memory_space<vmem_shared>> -> memref<640x128xf32, #tpu.memory_space<vmem_shared>>
      tpu.wait_dma2 semaphore(%run_scoped3A : memref<!tpu.dma_semaphore, #tpu.memory_space<semaphore_mem>>) src(%dma_wait3A_20 : memref<640x128xf32, #tpu.memory_space<vmem_shared>>) dst(%dma_wait3A_18 : memref<640x128xf32, #tpu.memory_space<hbm>>)
      tpu.yield
    }) : () -> ()
    return
  }
}

#map = affine_map<(d0, d1) -> (0, 0, 0)>
#map1 = affine_map<(d0, d1) -> (0, 0)>
module attributes {stable_mosaic.version = 14 : i64} {
  func.func @sc_deg_10240(%arg0: i32, %arg1: i32, %arg2: memref<32x79x128xi32, #tpu.memory_space<hbm>>, %arg3: memref<128x16xf32, #tpu.memory_space<hbm>>, %arg4: memref<640x16xf32, #tpu.memory_space<hbm>>, %arg5: memref<20480x16xf32, #tpu.memory_space<hbm>>, %arg6: memref<79x128xi32, #tpu.memory_space<vmem>>, %arg7: memref<128x16xf32, #tpu.memory_space<vmem>>, %arg8: memref<10240x16xf32, #tpu.memory_space<vmem_shared>>, %arg9: memref<!tpu.dma_semaphore, #tpu.memory_space<semaphore_mem>>) attributes {dimension_semantics = [#tpu.dimension_semantics<core_parallel>, #tpu.dimension_semantics<subcore_parallel>], iteration_bounds = array<i64: 2, 16>, scalar_prefetch = 0 : i64, scratch_operands = 4 : i64, tpu.core_type = #tpu.core_type<sc_vector_subcore>, window_params = [{transform_indices = #map}, {transform_indices = #map1}, {transform_indices = #map1}, {transform_indices = #map1}]} {
    %mul3A = arith.constant 16 : i32
    %mul3A_0 = arith.muli %arg0, %mul3A : i32
    %add3A = arith.addi %mul3A_0, %arg1 : i32
    %mul3A_1 = arith.constant 640 : i32
    %mul3A_2 = arith.muli %arg1, %mul3A_1 : i32
    "tpu.region"() ({
      %run_scoped3A = tpu.sem_alloc : memref<!tpu.dma_semaphore, #tpu.memory_space<semaphore_mem>>
      %dma_start3A = arith.constant 0 : i32
      %dma_start3A_15 = tpu.memref_slice %arg8[%mul3A_2, %dma_start3A] : memref<10240x16xf32, #tpu.memory_space<vmem_shared>> -> memref<640x16xf32, #tpu.memory_space<vmem_shared>>
      tpu.enqueue_dma source(%arg4 : memref<640x16xf32, #tpu.memory_space<hbm>>) target(%dma_start3A_15 : memref<640x16xf32, #tpu.memory_space<vmem_shared>>) target_semaphore(%run_scoped3A : memref<!tpu.dma_semaphore, #tpu.memory_space<semaphore_mem>>)
      %dma_wait3A = arith.constant 0 : i32
      %dma_wait3A_16 = tpu.memref_slice %arg8[%mul3A_2, %dma_wait3A] : memref<10240x16xf32, #tpu.memory_space<vmem_shared>> -> memref<640x16xf32, #tpu.memory_space<vmem_shared>>
      tpu.wait_dma2 semaphore(%run_scoped3A : memref<!tpu.dma_semaphore, #tpu.memory_space<semaphore_mem>>) src(%arg4 : memref<640x16xf32, #tpu.memory_space<hbm>>) dst(%dma_wait3A_16 : memref<640x16xf32, #tpu.memory_space<vmem_shared>>)
      tpu.yield
    }) : () -> ()
    "tpu.region"() ({
      %run_scoped3A = tpu.sem_alloc : memref<!tpu.dma_semaphore, #tpu.memory_space<semaphore_mem>>
      %dma_start3A = arith.constant 0 : i32
      %dma_start3A_15 = arith.constant 0 : i32
      %dma_start3A_16 = tpu.memref_slice %arg2[%add3A, %dma_start3A, %dma_start3A_15] : memref<32x79x128xi32, #tpu.memory_space<hbm>> -> memref<1x79x128xi32, #tpu.memory_space<hbm>>
      %dma_start3A_17 = tpu.memref_squeeze %dma_start3A_16 : memref<1x79x128xi32, #tpu.memory_space<hbm>> -> memref<79x128xi32, #tpu.memory_space<hbm>>
      %dma_start3A_18 = arith.constant 0 : i32
      %dma_start3A_19 = arith.constant 0 : i32
      %dma_start3A_20 = tpu.memref_slice %arg2[%add3A, %dma_start3A_18, %dma_start3A_19] : memref<32x79x128xi32, #tpu.memory_space<hbm>> -> memref<1x79x128xi32, #tpu.memory_space<hbm>>
      %dma_start3A_21 = tpu.memref_squeeze %dma_start3A_20 : memref<1x79x128xi32, #tpu.memory_space<hbm>> -> memref<79x128xi32, #tpu.memory_space<hbm>>
      tpu.enqueue_dma source(%dma_start3A_21 : memref<79x128xi32, #tpu.memory_space<hbm>>) target(%arg6 : memref<79x128xi32, #tpu.memory_space<vmem>>) target_semaphore(%run_scoped3A : memref<!tpu.dma_semaphore, #tpu.memory_space<semaphore_mem>>)
      %dma_wait3A = arith.constant 0 : i32
      %dma_wait3A_22 = arith.constant 0 : i32
      %dma_wait3A_23 = tpu.memref_slice %arg2[%add3A, %dma_wait3A, %dma_wait3A_22] : memref<32x79x128xi32, #tpu.memory_space<hbm>> -> memref<1x79x128xi32, #tpu.memory_space<hbm>>
      %dma_wait3A_24 = tpu.memref_squeeze %dma_wait3A_23 : memref<1x79x128xi32, #tpu.memory_space<hbm>> -> memref<79x128xi32, #tpu.memory_space<hbm>>
      %dma_wait3A_25 = arith.constant 0 : i32
      %dma_wait3A_26 = arith.constant 0 : i32
      %dma_wait3A_27 = tpu.memref_slice %arg2[%add3A, %dma_wait3A_25, %dma_wait3A_26] : memref<32x79x128xi32, #tpu.memory_space<hbm>> -> memref<1x79x128xi32, #tpu.memory_space<hbm>>
      %dma_wait3A_28 = tpu.memref_squeeze %dma_wait3A_27 : memref<1x79x128xi32, #tpu.memory_space<hbm>> -> memref<79x128xi32, #tpu.memory_space<hbm>>
      tpu.wait_dma2 semaphore(%run_scoped3A : memref<!tpu.dma_semaphore, #tpu.memory_space<semaphore_mem>>) src(%dma_wait3A_28 : memref<79x128xi32, #tpu.memory_space<hbm>>) dst(%arg6 : memref<79x128xi32, #tpu.memory_space<vmem>>)
      tpu.yield
    }) : () -> ()
    "tpu.region"() ({
      %run_scoped3A = tpu.sem_alloc : memref<!tpu.dma_semaphore, #tpu.memory_space<semaphore_mem>>
      tpu.enqueue_dma source(%arg3 : memref<128x16xf32, #tpu.memory_space<hbm>>) target(%arg7 : memref<128x16xf32, #tpu.memory_space<vmem>>) target_semaphore(%run_scoped3A : memref<!tpu.dma_semaphore, #tpu.memory_space<semaphore_mem>>)
      tpu.wait_dma2 semaphore(%run_scoped3A : memref<!tpu.dma_semaphore, #tpu.memory_space<semaphore_mem>>) src(%arg3 : memref<128x16xf32, #tpu.memory_space<hbm>>) dst(%arg7 : memref<128x16xf32, #tpu.memory_space<vmem>>)
      tpu.yield
    }) : () -> ()
    %barrier3A = arith.constant 0 : index
    tpu.barrier barrier_id(%barrier3A)
    %scan3A = arith.constant 0 : i32
    %scan3A_3 = arith.constant 79 : i32
    %scan3A_4 = arith.addi %scan3A, %scan3A_3 : i32
    %scan3A_5 = arith.constant 1 : i32
    scf.for %scan3A_15 = %scan3A to %scan3A_4 step %scan3A_5  : i32 {
      %mul3A_16 = arith.constant 1 : i32
      %mul3A_17 = arith.muli %scan3A_15, %mul3A_16 : i32
      %add3A_18 = arith.constant 0 : i32
      %add3A_19 = arith.addi %add3A_18, %mul3A_17 : i32
      "tpu.region"() ({
        %run_scoped3A = tpu.sem_alloc : memref<!tpu.dma_semaphore, #tpu.memory_space<semaphore_mem>>
        %dma_start3A = arith.constant 0 : i32
        %dma_start3A_20 = tpu.memref_slice %arg6[%add3A_19, %dma_start3A] : memref<79x128xi32, #tpu.memory_space<vmem>> -> memref<1x128xi32, #tpu.memory_space<vmem>>
        %dma_start3A_21 = tpu.memref_squeeze %dma_start3A_20 : memref<1x128xi32, #tpu.memory_space<vmem>> -> memref<128xi32, #tpu.memory_space<vmem>>
        %dma_start3A_22 = arith.constant 0 : i32
        %dma_start3A_23 = arith.constant 0 : i32
        %dma_start3A_24 = tpu.memref_slice %arg8[%dma_start3A_22, %dma_start3A_23] : memref<10240x16xf32, #tpu.memory_space<vmem_shared>> -> memref<10240x16xf32, #tpu.memory_space<vmem_shared>>
        tpu.enqueue_indirect_dma source(%arg7 : memref<128x16xf32, #tpu.memory_space<vmem>>) target(%dma_start3A_24 : memref<10240x16xf32, #tpu.memory_space<vmem_shared>>) offsets(%dma_start3A_21 : memref<128xi32, #tpu.memory_space<vmem>>) semaphore(%run_scoped3A : memref<!tpu.dma_semaphore, #tpu.memory_space<semaphore_mem>>) {add = true}
        %dma_wait3A = arith.constant 0 : i32
        %dma_wait3A_25 = tpu.memref_slice %arg6[%add3A_19, %dma_wait3A] : memref<79x128xi32, #tpu.memory_space<vmem>> -> memref<1x128xi32, #tpu.memory_space<vmem>>
        %dma_wait3A_26 = tpu.memref_squeeze %dma_wait3A_25 : memref<1x128xi32, #tpu.memory_space<vmem>> -> memref<128xi32, #tpu.memory_space<vmem>>
        %dma_wait3A_27 = arith.constant 0 : i32
        %dma_wait3A_28 = arith.constant 0 : i32
        %dma_wait3A_29 = tpu.memref_slice %arg8[%dma_wait3A_27, %dma_wait3A_28] : memref<10240x16xf32, #tpu.memory_space<vmem_shared>> -> memref<10240x16xf32, #tpu.memory_space<vmem_shared>>
        tpu.wait_indirect_dma semaphore(%run_scoped3A : memref<!tpu.dma_semaphore, #tpu.memory_space<semaphore_mem>>) src(%arg7 : memref<128x16xf32, #tpu.memory_space<vmem>>) dst(%dma_wait3A_29 : memref<10240x16xf32, #tpu.memory_space<vmem_shared>>)
        tpu.yield
      }) : () -> ()
    }
    %scan3A_6 = arith.constant 79 : i32
    %barrier3A_7 = arith.constant 0 : index
    tpu.barrier barrier_id(%barrier3A_7)
    %mul3A_8 = arith.constant 640 : i32
    %mul3A_9 = arith.muli %arg1, %mul3A_8 : i32
    %mul3A_10 = arith.constant 10240 : i32
    %mul3A_11 = arith.muli %arg0, %mul3A_10 : i32
    %mul3A_12 = arith.constant 640 : i32
    %mul3A_13 = arith.muli %arg1, %mul3A_12 : i32
    %add3A_14 = arith.addi %mul3A_11, %mul3A_13 : i32
    "tpu.region"() ({
      %run_scoped3A = tpu.sem_alloc : memref<!tpu.dma_semaphore, #tpu.memory_space<semaphore_mem>>
      %dma_start3A = arith.constant 0 : i32
      %dma_start3A_15 = tpu.memref_slice %arg5[%add3A_14, %dma_start3A] : memref<20480x16xf32, #tpu.memory_space<hbm>> -> memref<640x16xf32, #tpu.memory_space<hbm>>
      %dma_start3A_16 = arith.constant 0 : i32
      %dma_start3A_17 = tpu.memref_slice %arg8[%mul3A_9, %dma_start3A_16] : memref<10240x16xf32, #tpu.memory_space<vmem_shared>> -> memref<640x16xf32, #tpu.memory_space<vmem_shared>>
      tpu.enqueue_dma source(%dma_start3A_17 : memref<640x16xf32, #tpu.memory_space<vmem_shared>>) target(%dma_start3A_15 : memref<640x16xf32, #tpu.memory_space<hbm>>) target_semaphore(%run_scoped3A : memref<!tpu.dma_semaphore, #tpu.memory_space<semaphore_mem>>)
      %dma_wait3A = arith.constant 0 : i32
      %dma_wait3A_18 = tpu.memref_slice %arg5[%add3A_14, %dma_wait3A] : memref<20480x16xf32, #tpu.memory_space<hbm>> -> memref<640x16xf32, #tpu.memory_space<hbm>>
      %dma_wait3A_19 = arith.constant 0 : i32
      %dma_wait3A_20 = tpu.memref_slice %arg8[%mul3A_9, %dma_wait3A_19] : memref<10240x16xf32, #tpu.memory_space<vmem_shared>> -> memref<640x16xf32, #tpu.memory_space<vmem_shared>>
      tpu.wait_dma2 semaphore(%run_scoped3A : memref<!tpu.dma_semaphore, #tpu.memory_space<semaphore_mem>>) src(%dma_wait3A_20 : memref<640x16xf32, #tpu.memory_space<vmem_shared>>) dst(%dma_wait3A_18 : memref<640x16xf32, #tpu.memory_space<hbm>>)
      tpu.yield
    }) : () -> ()
    return
  }
}

module attributes {stable_mosaic.version = 14 : i64} {
  func.func @tc_pre_10240_64_128(%arg0: i32, %arg1: memref<512x64xf32, #tpu.memory_space<vmem>>, %arg2: memref<64x128xf32, #tpu.memory_space<vmem>>, %arg3: memref<512x1xf32, #tpu.memory_space<vmem>>, %arg4: memref<512x1xf32, #tpu.memory_space<vmem>>, %arg5: memref<512x128xf32, #tpu.memory_space<vmem>>) attributes {dimension_semantics = [#tpu.dimension_semantics<arbitrary>], iteration_bounds = array<i64: 20>, scalar_prefetch = 0 : i64, scratch_operands = 0 : i64, tpu.core_type = #tpu.core_type<tc>, window_params = [{transform_indices = @transform_0, window_bounds = array<i64: 512, 64>}, {pipeline_mode = #tpu.pipeline_mode<synchronous>, transform_indices = @transform_1, window_bounds = array<i64: 64, 128>}, {transform_indices = @transform_2, window_bounds = array<i64: 512, 1>}, {transform_indices = @transform_3, window_bounds = array<i64: 512, 1>}, {transform_indices = @transform_4, window_bounds = array<i64: 512, 128>}]} {
    %get3A = arith.constant 0 : index
    %get3A_0 = arith.constant 0 : index
    %get3A_1 = vector.load %arg1[%get3A, %get3A_0] : memref<512x64xf32, #tpu.memory_space<vmem>>, vector<512x64xf32>
    %get3A_2 = arith.constant 0 : index
    %get3A_3 = arith.constant 0 : index
    %get3A_4 = vector.load %arg2[%get3A_2, %get3A_3] : memref<64x128xf32, #tpu.memory_space<vmem>>, vector<64x128xf32>
    %dot_general3A = arith.constant dense<0.000000e+00> : vector<512x128xf32>
    %dot_general3A_5 = tpu.matmul %get3A_1, %get3A_4, %dot_general3A {dimension_numbers = #tpu.dot_dimension_numbers<[1], [0], [0], [1], [0, 0, 1, 1], [], []>, precision = #tpu.contract_precision<fp32>, transpose_lhs_hint = false} : vector<512x64xf32>, vector<64x128xf32>, vector<512x128xf32> -> vector<512x128xf32>
    %get3A_6 = arith.constant 0 : index
    %get3A_7 = arith.constant 0 : index
    %get3A_8 = vector.load %arg3[%get3A_6, %get3A_7] : memref<512x1xf32, #tpu.memory_space<vmem>>, vector<512x1xf32>
    %get3A_9 = arith.constant 0 : index
    %get3A_10 = arith.constant 0 : index
    %get3A_11 = vector.load %arg4[%get3A_9, %get3A_10] : memref<512x1xf32, #tpu.memory_space<vmem>>, vector<512x1xf32>
    %add3A = arith.addf %get3A_8, %get3A_11 : vector<512x1xf32>
    %add3A_12 = arith.constant 1.000000e+00 : f32
    %add3A_13 = vector.broadcast %add3A_12 : f32 to vector<512x1xf32>
    %add3A_14 = arith.addf %add3A, %add3A_13 : vector<512x1xf32>
    %sqrt3A = math.sqrt %add3A_14 : vector<512x1xf32>
    %div3A = arith.constant 1.000000e+00 : f32
    %div3A_15 = vector.broadcast %div3A : f32 to vector<512x1xf32>
    %div3A_16 = arith.divf %div3A_15, %sqrt3A : vector<512x1xf32>
    %mul3A = vector.broadcast %div3A_16 : vector<512x1xf32> to vector<512x128xf32>
    %mul3A_17 = arith.mulf %dot_general3A_5, %mul3A : vector<512x128xf32>
    %mul3A_18 = arith.constant 512 : i32
    %mul3A_19 = arith.muli %arg0, %mul3A_18 : i32
    %iota3A = tpu.iota {dimensions = array<i32: 0>} : vector<512x1xi32>
    %add3A_20 = vector.broadcast %mul3A_19 : i32 to vector<512x1xi32>
    %add3A_21 = arith.addi %add3A_20, %iota3A : vector<512x1xi32>
    %lt3A = arith.constant 10000 : i32
    %lt3A_22 = vector.broadcast %lt3A : i32 to vector<512x1xi32>
    %lt3A_23 = arith.cmpi slt, %add3A_21, %lt3A_22 : vector<512x1xi32>
    %jit3A = arith.constant 0.000000e+00 : f32
    %broadcast_in_dim3A = vector.shape_cast %lt3A_23 : vector<512x1xi1> to vector<512x1xi1>
    %broadcast_in_dim3A_24 = vector.broadcast %broadcast_in_dim3A : vector<512x1xi1> to vector<512x128xi1>
    %broadcast_in_dim3A_25 = vector.broadcast %jit3A : f32 to vector<512x128xf32>
    %select_n3A = arith.select %broadcast_in_dim3A_24, %mul3A_17, %broadcast_in_dim3A_25 : vector<512x128xi1>, vector<512x128xf32>
    %swap3A = arith.constant 0 : index
    %swap3A_26 = arith.constant 0 : index
    %swap3A_27 = vector.load %arg5[%swap3A, %swap3A_26] : memref<512x128xf32, #tpu.memory_space<vmem>>, vector<512x128xf32>
    tpu.vector_store %arg5[%swap3A, %swap3A_26], %select_n3A {strides = array<i32>} : memref<512x128xf32, #tpu.memory_space<vmem>>, vector<512x128xf32>,
    return
  }
  func.func @transform_0(%arg0: i32) -> (i32, i32) {
    %c0_i32 = arith.constant 0 : i32
    %c0_i32_0 = arith.constant 0 : i32
    return %arg0, %c0_i32 : i32, i32
  }
  func.func @transform_1(%arg0: i32) -> (i32, i32) {
    %c0_i32 = arith.constant 0 : i32
    %c0_i32_0 = arith.constant 0 : i32
    %c0_i32_1 = arith.constant 0 : i32
    return %c0_i32, %c0_i32_0 : i32, i32
  }
  func.func @transform_2(%arg0: i32) -> (i32, i32) {
    %c0_i32 = arith.constant 0 : i32
    %c0_i32_0 = arith.constant 0 : i32
    return %arg0, %c0_i32 : i32, i32
  }
  func.func @transform_3(%arg0: i32) -> (i32, i32) {
    %c0_i32 = arith.constant 0 : i32
    %c0_i32_0 = arith.constant 0 : i32
    return %arg0, %c0_i32 : i32, i32
  }
  func.func @transform_4(%arg0: i32) -> (i32, i32) {
    %c0_i32 = arith.constant 0 : i32
    %c0_i32_0 = arith.constant 0 : i32
    return %arg0, %c0_i32 : i32, i32
  }
}

module attributes {stable_mosaic.version = 14 : i64} {
  func.func @tc_post_10240_128(%arg0: i32, %arg1: memref<512x128xf32, #tpu.memory_space<vmem>>, %arg2: memref<512x128xf32, #tpu.memory_space<vmem>>, %arg3: memref<512x128xf32, #tpu.memory_space<vmem>>, %arg4: memref<512x1xf32, #tpu.memory_space<vmem>>, %arg5: memref<512x1xf32, #tpu.memory_space<vmem>>, %arg6: memref<1x128xf32, #tpu.memory_space<vmem>>, %arg7: memref<512x128xf32, #tpu.memory_space<vmem>>) attributes {dimension_semantics = [#tpu.dimension_semantics<arbitrary>], iteration_bounds = array<i64: 20>, scalar_prefetch = 0 : i64, scratch_operands = 0 : i64, tpu.core_type = #tpu.core_type<tc>, window_params = [{transform_indices = @transform_0, window_bounds = array<i64: 512, 128>}, {transform_indices = @transform_1, window_bounds = array<i64: 512, 128>}, {transform_indices = @transform_2, window_bounds = array<i64: 512, 128>}, {transform_indices = @transform_3, window_bounds = array<i64: 512, 1>}, {transform_indices = @transform_4, window_bounds = array<i64: 512, 1>}, {pipeline_mode = #tpu.pipeline_mode<synchronous>, transform_indices = @transform_5, window_bounds = array<i64: 1, 128>}, {transform_indices = @transform_6, window_bounds = array<i64: 512, 128>}]} {
    %get3A = arith.constant 0 : index
    %get3A_0 = arith.constant 0 : index
    %get3A_1 = vector.load %arg4[%get3A, %get3A_0] : memref<512x1xf32, #tpu.memory_space<vmem>>, vector<512x1xf32>
    %get3A_2 = arith.constant 0 : index
    %get3A_3 = arith.constant 0 : index
    %get3A_4 = vector.load %arg5[%get3A_2, %get3A_3] : memref<512x1xf32, #tpu.memory_space<vmem>>, vector<512x1xf32>
    %add3A = arith.addf %get3A_1, %get3A_4 : vector<512x1xf32>
    %add3A_5 = arith.constant 1.000000e+00 : f32
    %add3A_6 = vector.broadcast %add3A_5 : f32 to vector<512x1xf32>
    %add3A_7 = arith.addf %add3A, %add3A_6 : vector<512x1xf32>
    %sqrt3A = math.sqrt %add3A_7 : vector<512x1xf32>
    %div3A = arith.constant 1.000000e+00 : f32
    %div3A_8 = vector.broadcast %div3A : f32 to vector<512x1xf32>
    %div3A_9 = arith.divf %div3A_8, %sqrt3A : vector<512x1xf32>
    %get3A_10 = arith.constant 0 : index
    %get3A_11 = arith.constant 0 : index
    %get3A_12 = vector.load %arg1[%get3A_10, %get3A_11] : memref<512x128xf32, #tpu.memory_space<vmem>>, vector<512x128xf32>
    %get3A_13 = arith.constant 0 : index
    %get3A_14 = arith.constant 0 : index
    %get3A_15 = vector.load %arg2[%get3A_13, %get3A_14] : memref<512x128xf32, #tpu.memory_space<vmem>>, vector<512x128xf32>
    %add3A_16 = arith.addf %get3A_12, %get3A_15 : vector<512x128xf32>
    %get3A_17 = arith.constant 0 : index
    %get3A_18 = arith.constant 0 : index
    %get3A_19 = vector.load %arg3[%get3A_17, %get3A_18] : memref<512x128xf32, #tpu.memory_space<vmem>>, vector<512x128xf32>
    %add3A_20 = arith.addf %add3A_16, %get3A_19 : vector<512x128xf32>
    %mul3A = vector.broadcast %div3A_9 : vector<512x1xf32> to vector<512x128xf32>
    %mul3A_21 = arith.mulf %mul3A, %add3A_20 : vector<512x128xf32>
    %get3A_22 = arith.constant 0 : index
    %get3A_23 = arith.constant 0 : index
    %get3A_24 = vector.load %arg6[%get3A_22, %get3A_23] : memref<1x128xf32, #tpu.memory_space<vmem>>, vector<1x128xf32>
    %add3A_25 = vector.broadcast %get3A_24 : vector<1x128xf32> to vector<512x128xf32>
    %add3A_26 = arith.addf %mul3A_21, %add3A_25 : vector<512x128xf32>
    %mul3A_27 = arith.constant 512 : i32
    %mul3A_28 = arith.muli %arg0, %mul3A_27 : i32
    %iota3A = tpu.iota {dimensions = array<i32: 0>} : vector<512x1xi32>
    %add3A_29 = vector.broadcast %mul3A_28 : i32 to vector<512x1xi32>
    %add3A_30 = arith.addi %add3A_29, %iota3A : vector<512x1xi32>
    %lt3A = arith.constant 10000 : i32
    %lt3A_31 = vector.broadcast %lt3A : i32 to vector<512x1xi32>
    %lt3A_32 = arith.cmpi slt, %add3A_30, %lt3A_31 : vector<512x1xi32>
    %jit3A = arith.constant 0.000000e+00 : f32
    %broadcast_in_dim3A = vector.shape_cast %lt3A_32 : vector<512x1xi1> to vector<512x1xi1>
    %broadcast_in_dim3A_33 = vector.broadcast %broadcast_in_dim3A : vector<512x1xi1> to vector<512x128xi1>
    %broadcast_in_dim3A_34 = vector.broadcast %jit3A : f32 to vector<512x128xf32>
    %select_n3A = arith.select %broadcast_in_dim3A_33, %add3A_26, %broadcast_in_dim3A_34 : vector<512x128xi1>, vector<512x128xf32>
    %swap3A = arith.constant 0 : index
    %swap3A_35 = arith.constant 0 : index
    %swap3A_36 = vector.load %arg7[%swap3A, %swap3A_35] : memref<512x128xf32, #tpu.memory_space<vmem>>, vector<512x128xf32>
    tpu.vector_store %arg7[%swap3A, %swap3A_35], %select_n3A {strides = array<i32>} : memref<512x128xf32, #tpu.memory_space<vmem>>, vector<512x128xf32>,
    return
  }
  func.func @transform_0(%arg0: i32) -> (i32, i32) {
    %c0_i32 = arith.constant 0 : i32
    %c0_i32_0 = arith.constant 0 : i32
    return %arg0, %c0_i32 : i32, i32
  }
  func.func @transform_1(%arg0: i32) -> (i32, i32) {
    %c0_i32 = arith.constant 0 : i32
    %c0_i32_0 = arith.constant 0 : i32
    return %arg0, %c0_i32 : i32, i32
  }
  func.func @transform_2(%arg0: i32) -> (i32, i32) {
    %c0_i32 = arith.constant 0 : i32
    %c0_i32_0 = arith.constant 0 : i32
    return %arg0, %c0_i32 : i32, i32
  }
  func.func @transform_3(%arg0: i32) -> (i32, i32) {
    %c0_i32 = arith.constant 0 : i32
    %c0_i32_0 = arith.constant 0 : i32
    return %arg0, %c0_i32 : i32, i32
  }
  func.func @transform_4(%arg0: i32) -> (i32, i32) {
    %c0_i32 = arith.constant 0 : i32
    %c0_i32_0 = arith.constant 0 : i32
    return %arg0, %c0_i32 : i32, i32
  }
  func.func @transform_5(%arg0: i32) -> (i32, i32) {
    %c0_i32 = arith.constant 0 : i32
    %c0_i32_0 = arith.constant 0 : i32
    %c0_i32_1 = arith.constant 0 : i32
    return %c0_i32, %c0_i32_0 : i32, i32
  }
  func.func @transform_6(%arg0: i32) -> (i32, i32) {
    %c0_i32 = arith.constant 0 : i32
    %c0_i32_0 = arith.constant 0 : i32
    return %arg0, %c0_i32 : i32, i32
  }
}

</mosaic_0001>

<sc_bundles>
// kernel: sc_agg_10240_128.3.cloned.1.call-start
scs
__scs_entry_jumppad:
0x0: {  	(pc) =	sbr.rel $0x88, $3  }
0x1: {  	(tag) =	ssettag $0x0;
	lr =	simm.s32 $0x1  }
0x2: {  	[smem:$0x3F7E] =	sst lr;
	_ =	strace $0xD0000000  }
0x3: {  	_ = 	snop  }
0x4: {  	_ = 	snop  }
0x5: {  	_ = 	snop  }
0x6: {  	_ = 	snop  }
0x7: {  	_ = 	snop  }
__scs_overlays_trampoline_lowered:
0x8: {  	[smem:$0x3F8D] =	sst s0  }
0x9: {  	[smem:$0x3F8E] =	sst s1  }
0xa: {  	[smem:$0x3F8F] =	sst s2  }
0xb: {  	[smem:$0x3F90] =	sst s3  }
0xc: {  	[smem:$0x3F91] =	sst s4  }
0xd: {  	[smem:$0x3F92] =	sst s5  }
0xe: {  	[smem:$0x3F93] =	sst s6  }
0xf: {  	[smem:$0x3F94] =	sst s7  }
0x10: {  	[smem:$0x3F95] =	sst s8  }
0x11: {  	[smem:$0x3F96] =	sst s9;
	s0 =	simm.s32 @!p0 $0x0  }
0x12: {  	s1 =	sld [smem:$0x3F7C];
	s0 =	simm.s32 @p0 $0x1  }
0x13: {  	[smem:$0x3F97] =	sst s0;
	s0 =	simm.s32 @!p1 $0x0  }
0x14: {  	s2 =	sld [smem:$0x3F7B];
	s0 =	simm.s32 @p1 $0x1  }
0x15: {  	[smem:$0x3F98] =	sst s0;
	s0 =	simm.s32 @!p2 $0x0  }
0x16: {  	s3 =	sld [smem:$0x3FDB];
	s0 =	simm.s32 @p2 $0x1  }
0x17: {  	s4 =	simm.s32 $0x1BF5;
	[smem:$0x3F9A] =	sst s0  }
0x18: {  	s0 =	sld [smem:$0x3F7D];
	_ =	swait.ge [sflag:s4], $0x0  }
0x19: {  	s7 =	sld [smem:$0x3F7E]  }
0x1a: {  	s8 =	sadd.s32 $0xFFFFE003, lr  }
0x1b: {  	s9 =	sadd.s32 $0xFFFFFEF7, lr;
	s5 =	simm.s32 $0xFFFFFFFF;
	p2 =	slt.u32 s8, $0xFFFFF086  }
0x1c: {  	p1 =	slt.u32 s9, $0xF7A;
	s5 =	simm.s32 @!p2 $0x0  }
0x1d: {  	s5 =	simm.s32 @p1 $0x1;
	p0 =	seq.s32 s7, s2  }
0x1e: {  	s7 =	smul.u32 @!p0 $0xF7A, s2;
	p2 =	seq.s32 @!p0 s5, $0x0  }
0x1f: {  	s9 =	smul.u32 $0xF7A, s1;
	s8 =	simm.s32 @!p0 $0x1BF5;
	p2 =	por !p2, p0  }
0x20: {  	[sflag:s8] =	ssyncset.s32 @!p0 $0xFFFFF086;
	s6 =	sadd.s32 @!p0 s3, s7;
	s7 =	simm.s32 @!p0 $0x108  }
0x21: {  	s3 =	sadd.s32 s3, s9;
	s6 =	sadd.s32 @!p0 $0x88, s6;
	s7 =	simm.s32 @p2 $0x1082  }
0x22: {  	[simem:s7], [sflag:s8] =	dma.local @!p0 [hbm:s6], $0xF7A  }
0x23: {  	s9 =	sor.u32 $0xD0000000, s2;
	s6 =	simm.s32 $0x108;
	_ =	swait.ge @!p0 [sflag:s8], $0x0  }
0x24: {  	s3 =	sadd.s32 $0x88, s3;
	s6 =	simm.s32 @!p1 $0x1082;
	[sflag:s4] =	ssyncset.s32 $0xFFFFF086  }
0x25: {  	[simem:s6], [sflag:s4] =	dma.local [hbm:s3], $0xF7A  }
0x26: {  	[smem:$0x3F7E] =	sst s1;
	(tag) =	ssettag s2;
	_ =	strace s9  }
0x27: {  	s1 =	sld [smem:$0x3F8E]  }
0x28: {  	s2 =	sld [smem:$0x3F8F]  }
0x29: {  	s4 =	sld [smem:$0x3F91]  }
0x2a: {  	p0 =	seq.s32 s5, $0x0;
	s5 =	sld [smem:$0x3F92]  }
0x2b: {  	s6 =	sld [smem:$0x3F93]  }
0x2c: {  	s7 =	sld [smem:$0x3F94]  }
0x2d: {  	s3 =	simm.s32 $0x108;
	s8 =	sld [smem:$0x3F95]  }
0x2e: {  	s3 =	simm.s32 @!p0 $0x1082;
	s9 =	sld [smem:$0x3F96]  }
0x2f: {  	lr =	sadd.s32 s0, s3;
	s0 =	sld [smem:$0x3F8D]  }
0x30: {  	s3 =	sld [smem:$0x3F90]  }
0x31: {  	[smem:$0x3F99] =	sst s10  }
0x32: {  	s10 =	sld [smem:$0x3F97];
	_ =	sdelay $0x3  }
0x33: {  	p0 =	seq.s32 s10, $0x1;
	s10 =	sld [smem:$0x3F99];
	_ =	sdelay $0x3  }
0x34: {  	[smem:$0x3F99] =	sst s10  }
0x35: {  	s10 =	sld [smem:$0x3F98];
	_ =	sdelay $0x3  }
0x36: {  	p1 =	seq.s32 s10, $0x1;
	s10 =	sld [smem:$0x3F99];
	_ =	sdelay $0x3  }
0x37: {  	[smem:$0x3F99] =	sst s10  }
0x38: {  	s10 =	sld [smem:$0x3F9A]  }
0x39: {  	_ = 	snop;
	(pc) =	sbr.ind lr, $3  }
0x3a: {  	_ = 	snop  }
0x3b: {  	_ = 	snop  }
0x3c: {  	p2 =	seq.s32 s10, $0x1;
	s10 =	sld [smem:$0x3F99]  }
0x3d: {  	_ =	shalt  }
0x3e: {  	_ =	shalt  }
0x3f: {  	_ =	shalt  }
0x40: {  	_ =	shalt  }
0x41: {  	_ =	shalt  }
0x42: {  	_ =	shalt  }
0x43: {  	_ =	shalt  }
0x44: {  	_ =	shalt  }
0x45: {  	_ =	shalt  }
0x46: {  	_ =	shalt  }
0x47: {  	_ =	shalt  }
0x48: {  	_ =	shalt  }
0x49: {  	_ =	shalt  }
0x4a: {  	_ =	shalt  }
0x4b: {  	_ =	shalt  }
0x4c: {  	_ =	shalt  }
0x4d: {  	_ =	shalt  }
0x4e: {  	_ =	shalt  }
0x4f: {  	_ =	shalt  }
0x50: {  	_ =	shalt  }
0x51: {  	_ =	shalt  }
0x52: {  	_ =	shalt  }
0x53: {  	_ =	shalt  }
0x54: {  	_ =	shalt  }
0x55: {  	_ =	shalt  }
0x56: {  	_ =	shalt  }
0x57: {  	_ =	shalt  }
0x58: {  	_ =	shalt  }
0x59: {  	_ =	shalt  }
0x5a: {  	_ =	shalt  }
0x5b: {  	_ =	shalt  }
0x5c: {  	_ =	shalt  }
0x5d: {  	_ =	shalt  }
0x5e: {  	_ =	shalt  }
0x5f: {  	_ =	shalt  }
0x60: {  	_ =	shalt  }
0x61: {  	_ =	shalt  }
0x62: {  	_ =	shalt  }
0x63: {  	_ =	shalt  }
0x64: {  	_ =	shalt  }
0x65: {  	_ =	shalt  }
0x66: {  	_ =	shalt  }
0x67: {  	_ =	shalt  }
0x68: {  	_ =	shalt  }
0x69: {  	_ =	shalt  }
0x6a: {  	_ =	shalt  }
0x6b: {  	_ =	shalt  }
0x6c: {  	_ =	shalt  }
0x6d: {  	_ =	shalt  }
0x6e: {  	_ =	shalt  }
0x6f: {  	_ =	shalt  }
0x70: {  	_ =	shalt  }
0x71: {  	_ =	shalt  }
0x72: {  	_ =	shalt  }
0x73: {  	_ =	shalt  }
0x74: {  	_ =	shalt  }
0x75: {  	_ =	shalt  }
0x76: {  	_ =	shalt  }
0x77: {  	_ =	shalt  }
0x78: {  	_ =	shalt  }
0x79: {  	_ =	shalt  }
0x7a: {  	_ =	shalt  }
0x7b: {  	_ =	shalt  }
0x7c: {  	_ =	shalt  }
0x7d: {  	_ =	shalt  }
0x7e: {  	_ =	shalt  }
0x7f: {  	_ =	shalt  }
0x80: {  	_ =	shalt  }
0x81: {  	_ =	shalt  }
0x82: {  	_ =	shalt  }
0x83: {  	_ =	shalt  }
0x84: {  	_ =	shalt  }
0x85: {  	_ =	shalt  }
0x86: {  	_ =	shalt  }
0x87: {  	_ =	shalt  }
.Lfunc_end0:
.L_simem_size_0:
called_computation.10_lowered:
.L_overlay_start_0:
0x88: {  	s2 =	sld [smem:$0x3FD9]  }
0x89: {  	s3 =	sld [smem:$0x3FFE];
	_ =	sdelay $0x1  }
0x8a: {  	s1 =	srdreg.scid  }
0x8b: {  	s0 =	sand.u32 $0x1, s1  }
0x8c: {  	s17 =	sshll.u32 s0, $0xA;
	s2 =	sadd.s32 s3, s2  }
0x8d: {  	s2 =	sadd.s32 s2, s17  }
0x8e: {  	[smem:$0x3FA5] =	sst s2  }
0x8f: {  	_ = 	snop  }
0x90: {  	s2 =	sld [smem:$0x3FD0];
	(tm) =	ssettm $0x1  }
0x91: {  	s18 =	sld [smem:$0x3FFB];
	_ =	sdelay $0x3  }
0x92: {  	_ =	strace s18  }
0x93: {  	s3 =	sld [smem:$0x3FFC];
	_ =	sdelay $0x3  }
0x94: {  	_ =	strace s3  }
0x95: {  	s3 =	sld [smem:$0x3FFD];
	_ =	sdelay $0x3  }
0x96: {  	_ =	strace s3  }
0x97: {  	_ =	strace $0x8FFFFFFF  }
0x98: {  	s19 =	sld [smem:$0x3FDB];
	_ =	sdelay $0x1  }
0x99: {  	s4 =	simm.s32 $_scs_section_size  }
0x9a: {  	s5 =	simm.s32 $_size__tile_overlayer_lowered;
	s6 =	simm.s32 $_tile_overlayer_lowered  }
0x9b: {  	s22 =	simm.s32 $0x1BFF;
	s21 =	sshll.u32 s6, $0x1;
	s3 =	sadd.s32 s4, s19  }
0x9c: {  	s7 =	simm.s32 $0x0;
	s20 =	sshll.u32 s5, $0x1;
	s5 =	sadd.s32 s21, s3  }
0x9d: {  	[timem:s7], [sflag:s22] =	dma.local [hbm:s5], s20  }
0x9e: {  	_ =	swait.ge [sflag:s22], s20  }
0x9f: {  	s4 =	ssub.s32 $0x0, s20;
	[sflag:s22] =	ssyncset.done $0x0  }
0xa0: {  	[sflag:s22] =	ssyncadd.s32 s4;
	_ =	sdelay $0x1  }
0xa1: {  	s23 =	simm.s32 $0x1B8B  }
0xa2: {  	_ =	swait.ge [sflag:s23], $0x1  }
0xa3: {  	[sflag:s23] =	ssyncset.done $0x0  }
0xa4: {  	s25 =	simm.s32 $0x1B8E;
	s24 =	sld [smem:$0x3FFE];
	[sflag:s23] =	ssyncadd.s32 $0xFFFFFFFF  }
0xa5: {  	s26 =	simm.s32 $execute0_lowered;
	[smem:$0x3FD2] =	sst s25  }
0xa6: {  	s5 =	sshll.u32 s26, $0x1;
	_ =	strace $0x80000064;
	[dreg:$0x1] =	wrdreg $0xFFFFFFFF  }
0xa7: {  	s28 =	simm.s32 $_size_execute0_lowered;
	s3 =	sadd.s32 s3, s5;
	[dreg:$0x0] =	wrdreg $0x0  }
0xa8: {  	s5 =	sshll.u32 s28, $0x1;
	[dreg:$0x2] =	wrdreg s3  }
0xa9: {  	[dreg:$0x3] =	wrdreg s5  }
0xaa: {  	[dreg:$0x4] =	wrdreg $0xC0  }
0xab: {  	_ =	task [dreg:s7], $0x5FFFF  }
0xac: {  	[dreg:$0x1] =	wrdreg $0xFFFFFFFF  }
0xad: {  	[dreg:$0x0] =	wrdreg $0x60  }
0xae: {  	[dreg:$0x2] =	wrdreg s24  }
0xaf: {  	[dreg:$0x3] =	wrdreg s2  }
0xb0: {  	[dreg:$0x4] =	wrdreg $0x8F000  }
0xb1: {  	[dreg:$0x5] =	wrdreg $0x9  }
0xb2: {  	_ =	task.clear_ibuf [dreg:s7], $0x6FFFF;
	_ =	strace $0x90000064  }
0xb3: {  	s29 =	simm.s32 $0x9;
	_ =	strace $0x80000066  }
0xb4: {  	_ =	swait.ge [sflag:s29], $0x1  }
0xb5: {  	[sflag:s29] =	ssyncadd.s32 $0xFFFFFFFF  }
0xb6: {  	_ =	strace $0x90000066  }
0xb7: {  	_ =	sfence  }
0xb8: {  	s30 =	sld [smem:$0x0];
	_ =	sdelay $0x2  }
0xb9: {  	s31 =	sshll.u32 s1, $0xD;
	s1 =	sshrl.u32 s1, $0x2  }
0xba: {  	s3 =	sand.u32 $0x4000, s31;
	s1 =	sadd.s32 s1, s30  }
0xbb: {  	s0 =	sor.u32 s3, s0;
	s1 =	sshll.u32 s1, $0x11  }
0xbc: {  	s0 =	sor.u32 s1, s0  }
0xbd: {  	s0 =	sadd.s32 $0x8F2B, s0  }
0xbe: {  	[sflag:s0] =	ssyncadd.remote.s32 $0x1  }
0xbf: {  	_ =	sfence.sel $0xFFFF  }
0xc0: {  	[dreg:$0x0] =	wrdreg $0xFFFFFFFF;
	(pc) =	sbr.abs _section_cstart, $3  }
0xc1: {  	[dreg:$0x1] =	wrdreg $0xFFFFFFFF  }
0xc2: {  	_ =	task.clear_ibuf [dreg:s7], $0x2FFFF;
	_ =	strace $0x9FFFFFFF  }
0xc3: {  	(tm) =	ssettm $0x7FFFFFFF  }
tec
execute0_lowered:
.L_overlay_start_1:
0x0: {  	(tag) =	ssettag $0x1  }
0x1: {  	s7 =	rddreg [dreg:$0x0]  }
0x2: {  	s2 =	rddreg [dreg:$0x1]  }
0x3: {  	s0 =	srdreg.scid;
	s3 =	rddreg [dreg:$0x2];
	s4 =	simm.s32 $0x0  }
0x4: {  	s13 =	simm.s32 $0x2780;
	s14 =	simm.s32 $0x80;
	s15 =	simm.s32 $0x4F00  }
0x5: {  	s16 =	simm.s32 $0x1;
	s6 =	sand.u32 $0x1, s0;
	s0 =	stileid.u32  }
0x6: {  	s17 =	simm.s32 $0x0;
	[smem:$0x7FF] =	sst s4;
	s9 =	smul.u32 $0x2800, s0  }
0x7: {  	s5 =	sadd.s32 $0x6DC00, s7;
	s1 =	sshll.u32 s6, $0x4;
	s10 =	smul.u32 $0x28000, s6  }
0x8: {  	s11 =	smul.u32 $0x50000, s0;
	s6 =	ssub.s32 $0x2, s6;
	s1 =	sor.u32 s0, s1  }
0x9: {  	s31 =	sshll.u32 s0, $0x6;
	s28 =	sshrl.u32 s6, $0x1;
	s8 =	smul.u32 $0x4F0, s1  }
0xa: {  	s1 =	rddreg [dreg:$0x3];
	_ =	strace $0x80000065;
	s9 =	sadd.s32 s9, s10  }
0xb: {  	s29 =	sshrl.u32 s11, $0x2;
	s30 =	ssub.s32 s6, s28;
	s6 =	sor.u32 $0x1C02, s31  }
0xc: {  	s9 =	sadd.s32 s9, s7;
	s12 =	sadd.s32 s29, s3;
	s10 =	smax.u32 s30, $0x1  }
0xd: {  	s8 =	sadd.s32 s8, s7;
	s9 =	sadd.s32 $0x95C00, s9;
	s11 =	sshrl.u32 s12, $0x3  }
0xe: {  	s12 =	simm.s32 $0x2;
	s7 =	sadd.s32 $0x600, s8;
	s8 =	sadd.s32 $0x13E00, s8  }
.LBB2_1:
0xf: {  	[spmem:s11], [sflag:s6] =	dma.local [hbm:s2], $0x2800  }
0x10: {  	_ =	swait.ge [sflag:s12], $0x2800  }
0x11: {  	[sflag:s12] =	ssyncset.done $0x0  }
0x12: {  	[sflag:s12] =	ssyncadd.s32 $0xFFFFD800  }
0x13: {  	[tilespmem:s4], [sflag:$0x2] =	stream.linear.gather [hbm4b:s7+s4], $0x2780, $0x38;
	[tilespmem:$0x1CF00] =	vst v63  }
0x14: {  	_ =	swait.ge [sflag:s12], $0x2780  }
0x15: {  	[sflag:s12] =	ssyncset.done $0x0  }
0x16: {  	[sflag:s12] =	ssyncadd.s32 $0xFFFFD880  }
0x17: {  	[tilespmem:s13], [sflag:$0x2] =	stream.linear.gather [hbm4b:s8+s4], $0x2780, $0x38;
	[tilespmem:$0x1CF00] =	vst v63  }
0x18: {  	_ =	swait.ge [sflag:s12], $0x2780  }
0x19: {  	[sflag:s12] =	ssyncset.done $0x0  }
0x1a: {  	[sflag:s12] =	ssyncadd.s32 $0xFFFFD880  }
0x1b: {  	s18 =	simm.s32 $0x0;
	[bflag:$0x0] =	sbarrier.arrive $0xFFFF  }
0x1c: {  	[tilespmem:s15], [sflag:$0x1] =	stream.indirect.gather [hbm4b:s5+s14], $0x80, s18, s14, $0xb8;
	[tilespmem:$0x1CF00] =	vst v63  }
0x1d: {  	_ =	swait.ge [sflag:s16], $0x4000  }
0x1e: {  	[sflag:s16] =	ssyncset.done $0x0  }
0x1f: {  	s31 =	simm.s32 $0x2780;
	[sflag:s16] =	ssyncadd.s32 $0xFFFFC000  }
0x20: {  	[spmem:s3] =	stream.indirect.scatter.add.f32 [tilespmem:s15], [sflag:$0x2], $0x80, s31, s14, $0xb8;
	[tilespmem:$0x1CF00] =	vst v63  }
0x21: {  	_ =	swait.ge [sflag:s12], $0x4000  }
0x22: {  	s19 =	simm.s32 $0x400;
	s18 =	simm.s32 $0x200;
	[sflag:s12] =	ssyncset.done $0x0  }
.LBB2_2:
0x23: {  	s20 =	sshra.s32 s18, $0x2  }
0x24: {  	[sflag:s12] =	ssyncadd.s32 $0xFFFFC000;
	s18 =	smov.u32 s19;
	s21 =	sadd.s32 $0x200, s19  }
0x25: {  	[tilespmem:s15], [sflag:$0x1] =	stream.indirect.gather [hbm4b:s5+s14], $0x80, s20, s14, $0xb8;
	[tilespmem:$0x1CF00] =	vst v63  }
0x26: {  	p0 =	sne.s32 s19, $0x9C00;
	_ =	swait.ge [sflag:s16], $0x4000  }
.Ltmp0:
0x27: {  	[sflag:s16] =	ssyncset.done $0x0;
	(pc) =	sbr.rel @p0 .LBB2_2-.Ltmp0, $4  }
0x28: {  	s19 =	sadd.s32 $0x2780, s20;
	[sflag:s16] =	ssyncadd.s32 $0xFFFFC000  }
0x29: {  	[spmem:s3] =	stream.indirect.scatter.add.f32 [tilespmem:s15], [sflag:$0x2], $0x80, s19, s14, $0xb8;
	[tilespmem:$0x1CF00] =	vst v63  }
0x2a: {  	_ =	swait.ge [sflag:s12], $0x4000  }
0x2b: {  	s19 =	smov.u32 s21;
	[sflag:s12] =	ssyncset.done $0x0  }
0x2c: {  	s18 =	sshra.s32 s18, $0x2;
	[sflag:s12] =	ssyncadd.s32 $0xFFFFC000  }
0x2d: {  	[tilespmem:s15], [sflag:$0x1] =	stream.indirect.gather [hbm4b:s5+s14], $0x80, s18, s14, $0xb8;
	[tilespmem:$0x1CF00] =	vst v63  }
0x2e: {  	_ =	swait.ge [sflag:s16], $0x4000  }
0x2f: {  	[sflag:s16] =	ssyncset.done $0x0  }
0x30: {  	s18 =	sadd.s32 $0x2780, s18;
	[sflag:s16] =	ssyncadd.s32 $0xFFFFC000  }
0x31: {  	[spmem:s3] =	stream.indirect.scatter.add.f32 [tilespmem:s15], [sflag:$0x2], $0x80, s18, s14, $0xb8;
	[tilespmem:$0x1CF00] =	vst v63  }
0x32: {  	_ =	swait.ge [sflag:s12], $0x4000  }
0x33: {  	s17 =	sadd.s32 $0x1, s17;
	[sflag:s12] =	ssyncset.done $0x0  }
0x34: {  	p0 =	sne.s32 s17, s10;
	[sflag:s12] =	ssyncadd.s32 $0xFFFFC000  }
.Ltmp1:
0x35: {  	[bflag:$0x0] =	sbarrier.arrive $0xFFFF;
	(pc) =	sbr.rel @p0 .LBB2_1-.Ltmp1, $4  }
0x36: {  	[hbm:s9], [sflag:s6] =	dma.local [spmem:s11], $0x2800  }
0x37: {  	_ =	swait.ge [sflag:s12], $0x2800  }
0x38: {  	[sflag:s12] =	ssyncset.done $0x0  }
0x39: {  	[sflag:s12] =	ssyncadd.s32 $0xFFFFD800  }
0x3a: {  	_ =	sfence.sel $0x180000  }
0x3b: {  	[bflag:$0x0] =	sbarrier.arrive $0xFFFF  }
0x3c: {  	p0 =	sne.s32 s0, $0x0;
	_ =	strace $0x90000065  }
0x3d: {  	s0 =	sadd.s32 @!p0 $0x100000, s1;
	[bflag:$0x2] =	sbarrier.arrive $0xFFFF  }
0x3e: {  	[sflag:s0] =	ssyncadd.tile.s32 @!p0 $0x1;
	_ =	shalt  }
.Lfunc_end2:
_tile_overlayer_lowered:
.L_overlay_start_2:
0x3f: {  	(tag) =	ssettag $0x2  }
0x40: {  	s0 =	rddreg [dreg:$0x0];
	s2 =	stileid.u32  }
0x41: {  	s1 =	rddreg [dreg:$0x1];
	p0 =	sne.s32 s2, $0x0  }
0x42: {  	s3 =	rddreg [dreg:$0x2];
	[bflag:$0x3] =	sbarrier.arrive $0xFFFF;
	s2 =	simm.s32 @!p0 $0x1C02  }
0x43: {  	[timem:s3], [sflag:s2] =	dma.local @!p0 [hbm:s0], s1  }
0x44: {  	s0 =	simm.s32 @!p0 $0x2  }
0x45: {  	_ =	swait.ge @!p0 [sflag:s0], s1  }
0x46: {  	s1 =	ssub.s32 @!p0 $0x0, s1;
	[sflag:s0] =	ssyncset.done @!p0 $0x0  }
0x47: {  	[sflag:s0] =	ssyncadd.s32 @!p0 s1  }
0x48: {  	[bflag:$0x3] =	sbarrier.arrive $0xFFFF  }
0x49: {  	_ =	shalt  }

// kernel: sc_deg_10240.3.cloned.1.call-start
scs
__scs_entry_jumppad:
0x0: {  	(pc) =	sbr.rel $0x88, $3  }
0x1: {  	(tag) =	ssettag $0x0;
	lr =	simm.s32 $0x1  }
0x2: {  	[smem:$0x3F7E] =	sst lr;
	_ =	strace $0xD0000000  }
0x3: {  	_ = 	snop  }
0x4: {  	_ = 	snop  }
0x5: {  	_ = 	snop  }
0x6: {  	_ = 	snop  }
0x7: {  	_ = 	snop  }
__scs_overlays_trampoline_lowered:
0x8: {  	[smem:$0x3F8D] =	sst s0  }
0x9: {  	[smem:$0x3F8E] =	sst s1  }
0xa: {  	[smem:$0x3F8F] =	sst s2  }
0xb: {  	[smem:$0x3F90] =	sst s3  }
0xc: {  	[smem:$0x3F91] =	sst s4  }
0xd: {  	[smem:$0x3F92] =	sst s5  }
0xe: {  	[smem:$0x3F93] =	sst s6  }
0xf: {  	[smem:$0x3F94] =	sst s7  }
0x10: {  	[smem:$0x3F95] =	sst s8  }
0x11: {  	[smem:$0x3F96] =	sst s9;
	s0 =	simm.s32 @!p0 $0x0  }
0x12: {  	s1 =	sld [smem:$0x3F7C];
	s0 =	simm.s32 @p0 $0x1  }
0x13: {  	[smem:$0x3F97] =	sst s0;
	s0 =	simm.s32 @!p1 $0x0  }
0x14: {  	s2 =	sld [smem:$0x3F7B];
	s0 =	simm.s32 @p1 $0x1  }
0x15: {  	[smem:$0x3F98] =	sst s0;
	s0 =	simm.s32 @!p2 $0x0  }
0x16: {  	s3 =	sld [smem:$0x3FDB];
	s0 =	simm.s32 @p2 $0x1  }
0x17: {  	s4 =	simm.s32 $0x1BF5;
	[smem:$0x3F9A] =	sst s0  }
0x18: {  	s0 =	sld [smem:$0x3F7D];
	_ =	swait.ge [sflag:s4], $0x0  }
0x19: {  	s7 =	sld [smem:$0x3F7E]  }
0x1a: {  	s8 =	sadd.s32 $0xFFFFE003, lr  }
0x1b: {  	s9 =	sadd.s32 $0xFFFFFEF7, lr;
	s5 =	simm.s32 $0xFFFFFFFF;
	p2 =	slt.u32 s8, $0xFFFFF086  }
0x1c: {  	p1 =	slt.u32 s9, $0xF7A;
	s5 =	simm.s32 @!p2 $0x0  }
0x1d: {  	s5 =	simm.s32 @p1 $0x1;
	p0 =	seq.s32 s7, s2  }
0x1e: {  	s7 =	smul.u32 @!p0 $0xF7A, s2;
	p2 =	seq.s32 @!p0 s5, $0x0  }
0x1f: {  	s9 =	smul.u32 $0xF7A, s1;
	s8 =	simm.s32 @!p0 $0x1BF5;
	p2 =	por !p2, p0  }
0x20: {  	[sflag:s8] =	ssyncset.s32 @!p0 $0xFFFFF086;
	s6 =	sadd.s32 @!p0 s3, s7;
	s7 =	simm.s32 @!p0 $0x108  }
0x21: {  	s3 =	sadd.s32 s3, s9;
	s6 =	sadd.s32 @!p0 $0x88, s6;
	s7 =	simm.s32 @p2 $0x1082  }
0x22: {  	[simem:s7], [sflag:s8] =	dma.local @!p0 [hbm:s6], $0xF7A  }
0x23: {  	s9 =	sor.u32 $0xD0000000, s2;
	s6 =	simm.s32 $0x108;
	_ =	swait.ge @!p0 [sflag:s8], $0x0  }
0x24: {  	s3 =	sadd.s32 $0x88, s3;
	s6 =	simm.s32 @!p1 $0x1082;
	[sflag:s4] =	ssyncset.s32 $0xFFFFF086  }
0x25: {  	[simem:s6], [sflag:s4] =	dma.local [hbm:s3], $0xF7A  }
0x26: {  	[smem:$0x3F7E] =	sst s1;
	(tag) =	ssettag s2;
	_ =	strace s9  }
0x27: {  	s1 =	sld [smem:$0x3F8E]  }
0x28: {  	s2 =	sld [smem:$0x3F8F]  }
0x29: {  	s4 =	sld [smem:$0x3F91]  }
0x2a: {  	p0 =	seq.s32 s5, $0x0;
	s5 =	sld [smem:$0x3F92]  }
0x2b: {  	s6 =	sld [smem:$0x3F93]  }
0x2c: {  	s7 =	sld [smem:$0x3F94]  }
0x2d: {  	s3 =	simm.s32 $0x108;
	s8 =	sld [smem:$0x3F95]  }
0x2e: {  	s3 =	simm.s32 @!p0 $0x1082;
	s9 =	sld [smem:$0x3F96]  }
0x2f: {  	lr =	sadd.s32 s0, s3;
	s0 =	sld [smem:$0x3F8D]  }
0x30: {  	s3 =	sld [smem:$0x3F90]  }
0x31: {  	[smem:$0x3F99] =	sst s10  }
0x32: {  	s10 =	sld [smem:$0x3F97];
	_ =	sdelay $0x3  }
0x33: {  	p0 =	seq.s32 s10, $0x1;
	s10 =	sld [smem:$0x3F99];
	_ =	sdelay $0x3  }
0x34: {  	[smem:$0x3F99] =	sst s10  }
0x35: {  	s10 =	sld [smem:$0x3F98];
	_ =	sdelay $0x3  }
0x36: {  	p1 =	seq.s32 s10, $0x1;
	s10 =	sld [smem:$0x3F99];
	_ =	sdelay $0x3  }
0x37: {  	[smem:$0x3F99] =	sst s10  }
0x38: {  	s10 =	sld [smem:$0x3F9A]  }
0x39: {  	_ = 	snop;
	(pc) =	sbr.ind lr, $3  }
0x3a: {  	_ = 	snop  }
0x3b: {  	_ = 	snop  }
0x3c: {  	p2 =	seq.s32 s10, $0x1;
	s10 =	sld [smem:$0x3F99]  }
0x3d: {  	_ =	shalt  }
0x3e: {  	_ =	shalt  }
0x3f: {  	_ =	shalt  }
0x40: {  	_ =	shalt  }
0x41: {  	_ =	shalt  }
0x42: {  	_ =	shalt  }
0x43: {  	_ =	shalt  }
0x44: {  	_ =	shalt  }
0x45: {  	_ =	shalt  }
0x46: {  	_ =	shalt  }
0x47: {  	_ =	shalt  }
0x48: {  	_ =	shalt  }
0x49: {  	_ =	shalt  }
0x4a: {  	_ =	shalt  }
0x4b: {  	_ =	shalt  }
0x4c: {  	_ =	shalt  }
0x4d: {  	_ =	shalt  }
0x4e: {  	_ =	shalt  }
0x4f: {  	_ =	shalt  }
0x50: {  	_ =	shalt  }
0x51: {  	_ =	shalt  }
0x52: {  	_ =	shalt  }
0x53: {  	_ =	shalt  }
0x54: {  	_ =	shalt  }
0x55: {  	_ =	shalt  }
0x56: {  	_ =	shalt  }
0x57: {  	_ =	shalt  }
0x58: {  	_ =	shalt  }
0x59: {  	_ =	shalt  }
0x5a: {  	_ =	shalt  }
0x5b: {  	_ =	shalt  }
0x5c: {  	_ =	shalt  }
0x5d: {  	_ =	shalt  }
0x5e: {  	_ =	shalt  }
0x5f: {  	_ =	shalt  }
0x60: {  	_ =	shalt  }
0x61: {  	_ =	shalt  }
0x62: {  	_ =	shalt  }
0x63: {  	_ =	shalt  }
0x64: {  	_ =	shalt  }
0x65: {  	_ =	shalt  }
0x66: {  	_ =	shalt  }
0x67: {  	_ =	shalt  }
0x68: {  	_ =	shalt  }
0x69: {  	_ =	shalt  }
0x6a: {  	_ =	shalt  }
0x6b: {  	_ =	shalt  }
0x6c: {  	_ =	shalt  }
0x6d: {  	_ =	shalt  }
0x6e: {  	_ =	shalt  }
0x6f: {  	_ =	shalt  }
0x70: {  	_ =	shalt  }
0x71: {  	_ =	shalt  }
0x72: {  	_ =	shalt  }
0x73: {  	_ =	shalt  }
0x74: {  	_ =	shalt  }
0x75: {  	_ =	shalt  }
0x76: {  	_ =	shalt  }
0x77: {  	_ =	shalt  }
0x78: {  	_ =	shalt  }
0x79: {  	_ =	shalt  }
0x7a: {  	_ =	shalt  }
0x7b: {  	_ =	shalt  }
0x7c: {  	_ =	shalt  }
0x7d: {  	_ =	shalt  }
0x7e: {  	_ =	shalt  }
0x7f: {  	_ =	shalt  }
0x80: {  	_ =	shalt  }
0x81: {  	_ =	shalt  }
0x82: {  	_ =	shalt  }
0x83: {  	_ =	shalt  }
0x84: {  	_ =	shalt  }
0x85: {  	_ =	shalt  }
0x86: {  	_ =	shalt  }
0x87: {  	_ =	shalt  }
.Lfunc_end0:
.L_simem_size_0:
called_computation.9_lowered:
.L_overlay_start_0:
0x88: {  	s2 =	sld [smem:$0x3FD9]  }
0x89: {  	s3 =	sld [smem:$0x3FFE];
	_ =	sdelay $0x1  }
0x8a: {  	s1 =	srdreg.scid  }
0x8b: {  	s0 =	sand.u32 $0x1, s1  }
0x8c: {  	s17 =	sshll.u32 s0, $0xA;
	s2 =	sadd.s32 s3, s2  }
0x8d: {  	s2 =	sadd.s32 s2, s17  }
0x8e: {  	[smem:$0x3FA5] =	sst s2  }
0x8f: {  	_ = 	snop  }
0x90: {  	(tm) =	ssettm $0x1  }
0x91: {  	s18 =	sld [smem:$0x3FFB];
	_ =	sdelay $0x3  }
0x92: {  	_ =	strace s18  }
0x93: {  	s2 =	sld [smem:$0x3FFC];
	_ =	sdelay $0x3  }
0x94: {  	_ =	strace s2  }
0x95: {  	s2 =	sld [smem:$0x3FFD];
	_ =	sdelay $0x3  }
0x96: {  	_ =	strace s2  }
0x97: {  	_ =	strace $0x8FFFFFFF  }
0x98: {  	s19 =	sld [smem:$0x3FDB];
	_ =	sdelay $0x1  }
0x99: {  	s20 =	simm.s32 $_scs_section_size  }
0x9a: {  	s4 =	simm.s32 $_size__tile_overlayer_lowered;
	s5 =	simm.s32 $_tile_overlayer_lowered  }
0x9b: {  	s6 =	simm.s32 $0x1BFF;
	s21 =	sshll.u32 s5, $0x1;
	s3 =	sadd.s32 s20, s19  }
0x9c: {  	s22 =	simm.s32 $0x0;
	s4 =	sshll.u32 s4, $0x1;
	s5 =	sadd.s32 s21, s3  }
0x9d: {  	[timem:s22], [sflag:s6] =	dma.local [hbm:s5], s4  }
0x9e: {  	_ =	swait.ge [sflag:s6], s4  }
0x9f: {  	s4 =	ssub.s32 $0x0, s4;
	[sflag:s6] =	ssyncset.done $0x0  }
0xa0: {  	[sflag:s6] =	ssyncadd.s32 s4;
	_ =	sdelay $0x1  }
0xa1: {  	s23 =	simm.s32 $0x1B8B  }
0xa2: {  	_ =	swait.ge [sflag:s23], $0x1  }
0xa3: {  	[sflag:s23] =	ssyncset.done $0x0  }
0xa4: {  	[sflag:s23] =	ssyncadd.s32 $0xFFFFFFFF  }
0xa5: {  	s4 =	sld [smem:$0x0]  }
0xa6: {  	s5 =	sand.u32 $0xFFFFFFFE, s1  }
0xa7: {  	p0 =	sne.s32 s1, s5  }
0xa8: {  	s5 =	sshll.u32 @p0 s5, $0xE  }
0xa9: {  	s5 =	sadd.s32 @p0 $0x11B8D, s5;
	s6 =	sshll.u32 @p0 s4, $0x11  }
0xaa: {  	s5 =	sor.u32 @p0 s6, s5  }
0xab: {  	[sflag:s5] =	ssyncadd.remote.s32 @p0 $0x1;
	_ =	sdelay $0x1  }
0xac: {  	s5 =	simm.s32 @p0 $0x1B8D  }
0xad: {  	_ =	swait.eq @p0 [sflag:s5], $0x1  }
0xae: {  	[sflag:s5] =	ssyncadd.s32 @p0 $0xFFFFFFFF  }
0xaf: {  	s6 =	sshll.u32 @!p0 s1, $0xE  }
0xb0: {  	s6 =	sor.u32 @!p0 $0x4000, s6;
	s5 =	simm.s32 @!p0 $0x1B8D  }
0xb1: {  	s4 =	sshll.u32 @!p0 s4, $0x11;
	s6 =	sadd.s32 @!p0 $0x11B8D, s6;
	_ =	swait.eq @!p0 [sflag:s5], $0x1  }
0xb2: {  	s4 =	sor.u32 @!p0 s4, s6;
	[sflag:s5] =	ssyncadd.s32 @!p0 $0xFFFFFFFF  }
0xb3: {  	s25 =	simm.s32 $0x1B8E;
	s24 =	sld [smem:$0x3FFE];
	[sflag:s4] =	ssyncadd.remote.s32 @!p0 $0x1  }
0xb4: {  	s26 =	simm.s32 $execute0_lowered;
	[smem:$0x3FD2] =	sst s25  }
0xb5: {  	s5 =	sshll.u32 s26, $0x1;
	_ =	strace $0x80000061;
	[dreg:$0x1] =	wrdreg $0xFFFFFFFF  }
0xb6: {  	s28 =	simm.s32 $_size_execute0_lowered;
	s3 =	sadd.s32 s3, s5;
	[dreg:$0x0] =	wrdreg $0x0  }
0xb7: {  	s5 =	sshll.u32 s28, $0x1;
	[dreg:$0x2] =	wrdreg s3  }
0xb8: {  	[dreg:$0x3] =	wrdreg s5  }
0xb9: {  	[dreg:$0x4] =	wrdreg $0xC0  }
0xba: {  	_ =	task [dreg:s22], $0x5FFFF  }
0xbb: {  	[dreg:$0x1] =	wrdreg $0xFFFFFFFF  }
0xbc: {  	[dreg:$0x0] =	wrdreg $0x60  }
0xbd: {  	[dreg:$0x2] =	wrdreg s24  }
0xbe: {  	[dreg:$0x3] =	wrdreg $0x2F800  }
0xbf: {  	[dreg:$0x4] =	wrdreg $0xA  }
0xc0: {  	_ =	task.clear_ibuf [dreg:s22], $0x5FFFF;
	_ =	strace $0x90000061  }
0xc1: {  	s29 =	simm.s32 $0xA;
	_ =	strace $0x80000063  }
0xc2: {  	_ =	swait.ge [sflag:s29], $0x1  }
0xc3: {  	[sflag:s29] =	ssyncadd.s32 $0xFFFFFFFF  }
0xc4: {  	_ =	strace $0x90000063  }
0xc5: {  	_ =	sfence  }
0xc6: {  	s30 =	sld [smem:$0x0];
	_ =	sdelay $0x2  }
0xc7: {  	s31 =	sshll.u32 s1, $0xD;
	s1 =	sshrl.u32 s1, $0x2  }
0xc8: {  	s4 =	sand.u32 $0x4000, s31;
	s1 =	sadd.s32 s1, s30  }
0xc9: {  	s0 =	sor.u32 s4, s0;
	s1 =	sshll.u32 s1, $0x11  }
0xca: {  	s0 =	sor.u32 s1, s0  }
0xcb: {  	s0 =	sadd.s32 $0x8F2B, s0  }
0xcc: {  	[sflag:s0] =	ssyncadd.remote.s32 $0x1  }
0xcd: {  	_ =	sfence.sel $0xFFFF  }
0xce: {  	[dreg:$0x0] =	wrdreg $0xFFFFFFFF;
	(pc) =	sbr.abs _section_cstart, $3  }
0xcf: {  	[dreg:$0x1] =	wrdreg $0xFFFFFFFF  }
0xd0: {  	_ =	task.clear_ibuf [dreg:s22], $0x2FFFF;
	_ =	strace $0x9FFFFFFF  }
0xd1: {  	(tm) =	ssettm $0x7FFFFFFF  }
tec
execute0_lowered:
.L_overlay_start_1:
0x0: {  	(tag) =	ssettag $0x1  }
0x1: {  	s2 =	rddreg [dreg:$0x0]  }
0x2: {  	s0 =	srdreg.scid;
	s3 =	rddreg [dreg:$0x1];
	s4 =	simm.s32 $0x0  }
0x3: {  	s12 =	simm.s32 $0x2780;
	s6 =	sand.u32 $0x1, s0;
	s0 =	stileid.u32  }
0x4: {  	s13 =	simm.s32 $0x80;
	s14 =	simm.s32 $0x0;
	s7 =	smul.u32 $0x500, s0  }
0x5: {  	[smem:$0x7FF] =	sst s4;
	s1 =	sshll.u32 s6, $0x4;
	s8 =	smul.u32 $0x5000, s6  }
0x6: {  	s10 =	smul.u32 $0xA000, s0;
	s6 =	ssub.s32 $0x2, s6;
	s1 =	sor.u32 s0, s1  }
0x7: {  	s31 =	sshll.u32 s0, $0x6;
	s30 =	sshrl.u32 s6, $0x1;
	s5 =	smul.u32 $0x4F0, s1  }
0x8: {  	s1 =	rddreg [dreg:$0x2];
	_ =	strace $0x80000062;
	s7 =	sadd.s32 s7, s8  }
0x9: {  	s10 =	sshrl.u32 s10, $0x2;
	s11 =	ssub.s32 s6, s30;
	s6 =	sor.u32 $0x1C01, s31  }
0xa: {  	s8 =	sadd.s32 s7, s2;
	s10 =	sadd.s32 s10, s3;
	s9 =	sadd.s32 s5, s2  }
0xb: {  	s5 =	sadd.s32 $0x13C00, s2;
	s8 =	sadd.s32 $0x1DC00, s8;
	s10 =	sshrl.u32 s10, $0x3  }
0xc: {  	s7 =	sadd.s32 $0x13E00, s9;
	s9 =	smax.u32 s11, $0x1;
	s11 =	simm.s32 $0x1  }
.LBB2_1:
0xd: {  	[spmem:s10], [sflag:s6] =	dma.local [hbm:s2], $0x500  }
0xe: {  	_ =	swait.ge [sflag:s11], $0x500  }
0xf: {  	[sflag:s11] =	ssyncset.done $0x0  }
0x10: {  	[sflag:s11] =	ssyncadd.s32 $0xFFFFFB00  }
0x11: {  	[tilespmem:s4], [sflag:$0x1] =	stream.linear.gather [hbm4b:s7+s4], $0x2780, $0x38;
	[tilespmem:$0x5780] =	vst v63  }
0x12: {  	_ =	swait.ge [sflag:s11], $0x2780  }
0x13: {  	[sflag:s11] =	ssyncset.done $0x0  }
0x14: {  	[sflag:s11] =	ssyncadd.s32 $0xFFFFD880  }
0x15: {  	[tilespmem:s12], [sflag:$0x1] =	stream.linear.gather [hbm4b:s5+s4], $0x800, $0x38;
	[tilespmem:$0x5780] =	vst v63  }
0x16: {  	_ =	swait.ge [sflag:s11], $0x800  }
0x17: {  	[sflag:s11] =	ssyncset.done $0x0  }
0x18: {  	[sflag:s11] =	ssyncadd.s32 $0xFFFFF800  }
0x19: {  	s15 =	simm.s32 $0x0;
	[bflag:$0x0] =	sbarrier.arrive $0xFFFF  }
0x1a: {  	[spmem:s3] =	stream.indirect.scatter.add.f32 [tilespmem:s12], [sflag:$0x1], $0x10, s15, s13, $0xb8;
	[tilespmem:$0x5780] =	vst v63  }
0x1b: {  	_ =	swait.ge [sflag:s11], $0x800  }
0x1c: {  	s15 =	simm.s32 $0x200;
	[sflag:s11] =	ssyncset.done $0x0  }
.LBB2_2:
0x1d: {  	s16 =	sshra.s32 s15, $0x2;
	[sflag:s11] =	ssyncadd.s32 $0xFFFFF800;
	p0 =	sne.s32 s15, $0x9C00  }
0x1e: {  	[spmem:s3] =	stream.indirect.scatter.add.f32 [tilespmem:s12], [sflag:$0x1], $0x10, s16, s13, $0xb8;
	[tilespmem:$0x5780] =	vst v63  }
.Ltmp0:
0x1f: {  	_ = 	snop;
	(pc) =	sbr.rel @p0 .LBB2_2-.Ltmp0, $4  }
0x20: {  	_ = 	snop  }
0x21: {  	s15 =	sadd.s32 $0x200, s15  }
0x22: {  	_ =	swait.ge [sflag:s11], $0x800  }
0x23: {  	[sflag:s11] =	ssyncset.done $0x0  }
0x24: {  	s14 =	sadd.s32 $0x1, s14  }
0x25: {  	[sflag:s11] =	ssyncadd.s32 $0xFFFFF800;
	p0 =	sne.s32 s14, s9  }
.Ltmp1:
0x26: {  	[bflag:$0x0] =	sbarrier.arrive $0xFFFF;
	(pc) =	sbr.rel @p0 .LBB2_1-.Ltmp1, $4  }
0x27: {  	[hbm:s8], [sflag:s6] =	dma.local [spmem:s10], $0x500  }
0x28: {  	_ =	swait.ge [sflag:s11], $0x500  }
0x29: {  	[sflag:s11] =	ssyncset.done $0x0  }
0x2a: {  	[sflag:s11] =	ssyncadd.s32 $0xFFFFFB00  }
0x2b: {  	_ =	sfence.sel $0x180000  }
0x2c: {  	[bflag:$0x0] =	sbarrier.arrive $0xFFFF  }
0x2d: {  	p0 =	sne.s32 s0, $0x0;
	_ =	strace $0x90000062  }
0x2e: {  	s0 =	sadd.s32 @!p0 $0x100000, s1;
	[bflag:$0x2] =	sbarrier.arrive $0xFFFF  }
0x2f: {  	[sflag:s0] =	ssyncadd.tile.s32 @!p0 $0x1;
	_ =	shalt  }
.Lfunc_end2:
_tile_overlayer_lowered:
.L_overlay_start_2:
0x30: {  	(tag) =	ssettag $0x2  }
0x31: {  	s0 =	rddreg [dreg:$0x0];
	s2 =	stileid.u32  }
0x32: {  	s1 =	rddreg [dreg:$0x1];
	p0 =	sne.s32 s2, $0x0  }
0x33: {  	s3 =	rddreg [dreg:$0x2];
	[bflag:$0x3] =	sbarrier.arrive $0xFFFF;
	s2 =	simm.s32 @!p0 $0x1C01  }
0x34: {  	[timem:s3], [sflag:s2] =	dma.local @!p0 [hbm:s0], s1  }
0x35: {  	s0 =	simm.s32 @!p0 $0x1  }
0x36: {  	_ =	swait.ge @!p0 [sflag:s0], s1  }
0x37: {  	s1 =	ssub.s32 @!p0 $0x0, s1;
	[sflag:s0] =	ssyncset.done @!p0 $0x0  }
0x38: {  	[sflag:s0] =	ssyncadd.s32 @!p0 s1  }
0x39: {  	[bflag:$0x3] =	sbarrier.arrive $0xFFFF  }
0x3a: {  	_ =	shalt  }

// kernel: scatter_offload_async_start.1
scs
__scs_entry_jumppad:
0x0: {  	(pc) =	sbr.rel $0x88, $3  }
0x1: {  	(tag) =	ssettag $0x0;
	lr =	simm.s32 $0x1  }
0x2: {  	[smem:$0x3F7E] =	sst lr;
	_ =	strace $0xD0000000  }
0x3: {  	_ = 	snop  }
0x4: {  	_ = 	snop  }
0x5: {  	_ = 	snop  }
0x6: {  	_ = 	snop  }
0x7: {  	_ = 	snop  }
__scs_overlays_trampoline_lowered:
0x8: {  	[smem:$0x3F8D] =	sst s0  }
0x9: {  	[smem:$0x3F8E] =	sst s1  }
0xa: {  	[smem:$0x3F8F] =	sst s2  }
0xb: {  	[smem:$0x3F90] =	sst s3  }
0xc: {  	[smem:$0x3F91] =	sst s4  }
0xd: {  	[smem:$0x3F92] =	sst s5  }
0xe: {  	[smem:$0x3F93] =	sst s6  }
0xf: {  	[smem:$0x3F94] =	sst s7  }
0x10: {  	[smem:$0x3F95] =	sst s8  }
0x11: {  	[smem:$0x3F96] =	sst s9;
	s0 =	simm.s32 @!p0 $0x0  }
0x12: {  	s1 =	sld [smem:$0x3F7C];
	s0 =	simm.s32 @p0 $0x1  }
0x13: {  	[smem:$0x3F97] =	sst s0;
	s0 =	simm.s32 @!p1 $0x0  }
0x14: {  	s2 =	sld [smem:$0x3F7B];
	s0 =	simm.s32 @p1 $0x1  }
0x15: {  	[smem:$0x3F98] =	sst s0;
	s0 =	simm.s32 @!p2 $0x0  }
0x16: {  	s3 =	sld [smem:$0x3FDB];
	s0 =	simm.s32 @p2 $0x1  }
0x17: {  	s4 =	simm.s32 $0x1BF5;
	[smem:$0x3F9A] =	sst s0  }
0x18: {  	s0 =	sld [smem:$0x3F7D];
	_ =	swait.ge [sflag:s4], $0x0  }
0x19: {  	s7 =	sld [smem:$0x3F7E]  }
0x1a: {  	s8 =	sadd.s32 $0xFFFFE003, lr  }
0x1b: {  	s9 =	sadd.s32 $0xFFFFFEF7, lr;
	s5 =	simm.s32 $0xFFFFFFFF;
	p2 =	slt.u32 s8, $0xFFFFF086  }
0x1c: {  	p1 =	slt.u32 s9, $0xF7A;
	s5 =	simm.s32 @!p2 $0x0  }
0x1d: {  	s5 =	simm.s32 @p1 $0x1;
	p0 =	seq.s32 s7, s2  }
0x1e: {  	s7 =	smul.u32 @!p0 $0xF7A, s2;
	p2 =	seq.s32 @!p0 s5, $0x0  }
0x1f: {  	s9 =	smul.u32 $0xF7A, s1;
	s8 =	simm.s32 @!p0 $0x1BF5;
	p2 =	por !p2, p0  }
0x20: {  	[sflag:s8] =	ssyncset.s32 @!p0 $0xFFFFF086;
	s6 =	sadd.s32 @!p0 s3, s7;
	s7 =	simm.s32 @!p0 $0x108  }
0x21: {  	s3 =	sadd.s32 s3, s9;
	s6 =	sadd.s32 @!p0 $0x88, s6;
	s7 =	simm.s32 @p2 $0x1082  }
0x22: {  	[simem:s7], [sflag:s8] =	dma.local @!p0 [hbm:s6], $0xF7A  }
0x23: {  	s9 =	sor.u32 $0xD0000000, s2;
	s6 =	simm.s32 $0x108;
	_ =	swait.ge @!p0 [sflag:s8], $0x0  }
0x24: {  	s3 =	sadd.s32 $0x88, s3;
	s6 =	simm.s32 @!p1 $0x1082;
	[sflag:s4] =	ssyncset.s32 $0xFFFFF086  }
0x25: {  	[simem:s6], [sflag:s4] =	dma.local [hbm:s3], $0xF7A  }
0x26: {  	[smem:$0x3F7E] =	sst s1;
	(tag) =	ssettag s2;
	_ =	strace s9  }
0x27: {  	s1 =	sld [smem:$0x3F8E]  }
0x28: {  	s2 =	sld [smem:$0x3F8F]  }
0x29: {  	s4 =	sld [smem:$0x3F91]  }
0x2a: {  	p0 =	seq.s32 s5, $0x0;
	s5 =	sld [smem:$0x3F92]  }
0x2b: {  	s6 =	sld [smem:$0x3F93]  }
0x2c: {  	s7 =	sld [smem:$0x3F94]  }
0x2d: {  	s3 =	simm.s32 $0x108;
	s8 =	sld [smem:$0x3F95]  }
0x2e: {  	s3 =	simm.s32 @!p0 $0x1082;
	s9 =	sld [smem:$0x3F96]  }
0x2f: {  	lr =	sadd.s32 s0, s3;
	s0 =	sld [smem:$0x3F8D]  }
0x30: {  	s3 =	sld [smem:$0x3F90]  }
0x31: {  	[smem:$0x3F99] =	sst s10  }
0x32: {  	s10 =	sld [smem:$0x3F97];
	_ =	sdelay $0x3  }
0x33: {  	p0 =	seq.s32 s10, $0x1;
	s10 =	sld [smem:$0x3F99];
	_ =	sdelay $0x3  }
0x34: {  	[smem:$0x3F99] =	sst s10  }
0x35: {  	s10 =	sld [smem:$0x3F98];
	_ =	sdelay $0x3  }
0x36: {  	p1 =	seq.s32 s10, $0x1;
	s10 =	sld [smem:$0x3F99];
	_ =	sdelay $0x3  }
0x37: {  	[smem:$0x3F99] =	sst s10  }
0x38: {  	s10 =	sld [smem:$0x3F9A]  }
0x39: {  	_ = 	snop;
	(pc) =	sbr.ind lr, $3  }
0x3a: {  	_ = 	snop  }
0x3b: {  	_ = 	snop  }
0x3c: {  	p2 =	seq.s32 s10, $0x1;
	s10 =	sld [smem:$0x3F99]  }
0x3d: {  	_ =	shalt  }
0x3e: {  	_ =	shalt  }
0x3f: {  	_ =	shalt  }
0x40: {  	_ =	shalt  }
0x41: {  	_ =	shalt  }
0x42: {  	_ =	shalt  }
0x43: {  	_ =	shalt  }
0x44: {  	_ =	shalt  }
0x45: {  	_ =	shalt  }
0x46: {  	_ =	shalt  }
0x47: {  	_ =	shalt  }
0x48: {  	_ =	shalt  }
0x49: {  	_ =	shalt  }
0x4a: {  	_ =	shalt  }
0x4b: {  	_ =	shalt  }
0x4c: {  	_ =	shalt  }
0x4d: {  	_ =	shalt  }
0x4e: {  	_ =	shalt  }
0x4f: {  	_ =	shalt  }
0x50: {  	_ =	shalt  }
0x51: {  	_ =	shalt  }
0x52: {  	_ =	shalt  }
0x53: {  	_ =	shalt  }
0x54: {  	_ =	shalt  }
0x55: {  	_ =	shalt  }
0x56: {  	_ =	shalt  }
0x57: {  	_ =	shalt  }
0x58: {  	_ =	shalt  }
0x59: {  	_ =	shalt  }
0x5a: {  	_ =	shalt  }
0x5b: {  	_ =	shalt  }
0x5c: {  	_ =	shalt  }
0x5d: {  	_ =	shalt  }
0x5e: {  	_ =	shalt  }
0x5f: {  	_ =	shalt  }
0x60: {  	_ =	shalt  }
0x61: {  	_ =	shalt  }
0x62: {  	_ =	shalt  }
0x63: {  	_ =	shalt  }
0x64: {  	_ =	shalt  }
0x65: {  	_ =	shalt  }
0x66: {  	_ =	shalt  }
0x67: {  	_ =	shalt  }
0x68: {  	_ =	shalt  }
0x69: {  	_ =	shalt  }
0x6a: {  	_ =	shalt  }
0x6b: {  	_ =	shalt  }
0x6c: {  	_ =	shalt  }
0x6d: {  	_ =	shalt  }
0x6e: {  	_ =	shalt  }
0x6f: {  	_ =	shalt  }
0x70: {  	_ =	shalt  }
0x71: {  	_ =	shalt  }
0x72: {  	_ =	shalt  }
0x73: {  	_ =	shalt  }
0x74: {  	_ =	shalt  }
0x75: {  	_ =	shalt  }
0x76: {  	_ =	shalt  }
0x77: {  	_ =	shalt  }
0x78: {  	_ =	shalt  }
0x79: {  	_ =	shalt  }
0x7a: {  	_ =	shalt  }
0x7b: {  	_ =	shalt  }
0x7c: {  	_ =	shalt  }
0x7d: {  	_ =	shalt  }
0x7e: {  	_ =	shalt  }
0x7f: {  	_ =	shalt  }
0x80: {  	_ =	shalt  }
0x81: {  	_ =	shalt  }
0x82: {  	_ =	shalt  }
0x83: {  	_ =	shalt  }
0x84: {  	_ =	shalt  }
0x85: {  	_ =	shalt  }
0x86: {  	_ =	shalt  }
0x87: {  	_ =	shalt  }
.Lfunc_end0:
.L_simem_size_0:
called_computation.1_lowered:
.L_overlay_start_0:
0x88: {  	s0 =	sld [smem:$0x3FD9]  }
0x89: {  	s1 =	sld [smem:$0x3FFE];
	_ =	sdelay $0x3  }
0x8a: {  	s0 =	sadd.s32 s1, s0  }
0x8b: {  	[smem:$0x3FA5] =	sst s0  }
0x8c: {  	_ = 	snop  }
0x8d: {  	s0 =	sld [smem:$0x3FD0];
	(tm) =	ssettm $0x1  }
0x8e: {  	s16 =	sld [smem:$0x3FFB];
	_ =	sdelay $0x3  }
0x8f: {  	_ =	strace s16  }
0x90: {  	s1 =	sld [smem:$0x3FFC];
	_ =	sdelay $0x3  }
0x91: {  	_ =	strace s1  }
0x92: {  	s1 =	sld [smem:$0x3FFD];
	_ =	sdelay $0x3  }
0x93: {  	_ =	strace s1  }
0x94: {  	_ =	strace $0x8FFFFFFF  }
0x95: {  	s17 =	sld [smem:$0x3FDB];
	_ =	sdelay $0x1  }
0x96: {  	s2 =	simm.s32 $_scs_section_size  }
0x97: {  	s3 =	simm.s32 $_size__tile_overlayer_lowered;
	s4 =	simm.s32 $_tile_overlayer_lowered  }
0x98: {  	s20 =	simm.s32 $0x1BFF;
	s19 =	sshll.u32 s4, $0x1;
	s1 =	sadd.s32 s2, s17  }
0x99: {  	s5 =	simm.s32 $0x0;
	s18 =	sshll.u32 s3, $0x1;
	s3 =	sadd.s32 s19, s1  }
0x9a: {  	[timem:s5], [sflag:s20] =	dma.local [hbm:s3], s18  }
0x9b: {  	_ =	swait.ge [sflag:s20], s18  }
0x9c: {  	s2 =	ssub.s32 $0x0, s18;
	[sflag:s20] =	ssyncset.done $0x0  }
0x9d: {  	[sflag:s20] =	ssyncadd.s32 s2;
	_ =	sdelay $0x1  }
0x9e: {  	s21 =	simm.s32 $0x1B8B  }
0x9f: {  	_ =	swait.ge [sflag:s21], $0x1  }
0xa0: {  	[sflag:s21] =	ssyncset.done $0x0  }
0xa1: {  	s23 =	simm.s32 $0x1B8E;
	s22 =	sld [smem:$0x3FFE];
	[sflag:s21] =	ssyncadd.s32 $0xFFFFFFFF  }
0xa2: {  	s24 =	simm.s32 $execute0_lowered;
	[smem:$0x3FD2] =	sst s23  }
0xa3: {  	s3 =	sshll.u32 s24, $0x1;
	_ =	strace $0x80000049;
	[dreg:$0x1] =	wrdreg $0xFFFFFFFF  }
0xa4: {  	s25 =	simm.s32 $_size_execute0_lowered;
	s1 =	sadd.s32 s1, s3;
	[dreg:$0x0] =	wrdreg $0x0  }
0xa5: {  	s3 =	sshll.u32 s25, $0x1;
	[dreg:$0x2] =	wrdreg s1  }
0xa6: {  	[dreg:$0x3] =	wrdreg s3  }
0xa7: {  	[dreg:$0x4] =	wrdreg $0xC0  }
0xa8: {  	_ =	task [dreg:s5], $0x5FFFF  }
0xa9: {  	[dreg:$0x1] =	wrdreg $0xFFFFFFFF  }
0xaa: {  	[dreg:$0x0] =	wrdreg $0x60  }
0xab: {  	[dreg:$0x2] =	wrdreg s0  }
0xac: {  	[dreg:$0x3] =	wrdreg s22  }
0xad: {  	[dreg:$0x4] =	wrdreg $0x9  }
0xae: {  	_ =	task.clear_ibuf [dreg:s5], $0x5FFFF;
	_ =	strace $0x90000049  }
0xaf: {  	s26 =	simm.s32 $0x9;
	_ =	strace $0x8000004B  }
0xb0: {  	_ =	swait.ge [sflag:s26], $0x1  }
0xb1: {  	[sflag:s26] =	ssyncadd.s32 $0xFFFFFFFF  }
0xb2: {  	_ =	strace $0x9000004B  }
0xb3: {  	_ =	sfence  }
0xb4: {  	s28 =	sld [smem:$0x0];
	_ =	sdelay $0x1  }
0xb5: {  	s29 =	srdreg.scid  }
0xb6: {  	s30 =	sshll.u32 s29, $0xD;
	s31 =	sshrl.u32 s29, $0x2  }
0xb7: {  	s2 =	sand.u32 $0x4000, s30;
	s1 =	sand.u32 $0x1, s29;
	s0 =	sadd.s32 s31, s28  }
0xb8: {  	s1 =	sor.u32 s2, s1;
	s0 =	sshll.u32 s0, $0x11  }
0xb9: {  	s0 =	sor.u32 s0, s1  }
0xba: {  	s0 =	sadd.s32 $0x8F2B, s0  }
0xbb: {  	[sflag:s0] =	ssyncadd.remote.s32 $0x1  }
0xbc: {  	_ =	sfence.sel $0xFFFF  }
0xbd: {  	[dreg:$0x0] =	wrdreg $0xFFFFFFFF;
	(pc) =	sbr.abs _section_cstart, $3  }
0xbe: {  	[dreg:$0x1] =	wrdreg $0xFFFFFFFF  }
0xbf: {  	_ =	task.clear_ibuf [dreg:s5], $0x2FFFF;
	_ =	strace $0x9FFFFFFF  }
0xc0: {  	(tm) =	ssettm $0x7FFFFFFF  }
0xc1: {  	_ =	shalt  }
tec
execute0_lowered:
.L_overlay_start_1:
0x0: {  	(tag) =	ssettag $0x1  }
0x1: {  	s1 =	rddreg [dreg:$0x0]  }
0x2: {  	s0 =	rddreg [dreg:$0x1];
	_ =	strace $0x8000004A;
	s2 =	simm.s32 $0x1  }
0x3: {  	s8 =	simm.s32 $0x88;
	v0 =	vimm.s32 $0x0;
	[sflag:s2] =	ssyncpa.u1 $0x0  }
0x4: {  	[tilespmem:s8+$0x30] =	vst v0  }
0x5: {  	s3 =	sadd.s32 $0x3C400, s0;
	[tilespmem:s8+$0x20] =	vst v0  }
0x6: {  	s4 =	sadd.s32 $0x50E00, s0;
	s5 =	sadd.s32 $0x46600, s0;
	s0 =	simm.s32 $0x40;
	[tilespmem:s8+$0x10] =	vst v0  }
.LBB2_1:
0x7: {  	s0 =	sadd.s32 $0x40, s0  }
0x8: {  	[tilespmem:s8+$0x0] =	vst v0;
	s8 =	sadd.s32 $0x40, s8;
	p0 =	slt.u32 s0, $0x5040  }
.Ltmp0:
0x9: {  	(pc) =	sbr.rel @p0 .LBB2_1-.Ltmp0, $4  }
0xa: {  	_ = 	snop  }
0xb: {  	[tilespmem:s8+$0x30] =	vst v0  }
0xc: {  	[tilespmem:s8+$0x20] =	vst v0  }
0xd: {  	[tilespmem:s8+$0x10] =	vst v0  }
0xe: {  	s9 =	stileid.u32  }
0xf: {  	s0 =	smin.u32 s9, $0x8;
	s2 =	sshll.u32 s9, $0x6  }
0x10: {  	s0 =	sor.u32 s0, s2  }
0x11: {  	p0 =	slt.u32 s9, $0x8;
	s6 =	smul.u32 $0x140, s0;
	s0 =	simm.s32 $0x5140  }
0x12: {  	s0 =	simm.s32 @!p0 $0x5000  }
0x13: {  	s0 =	sadd.s32 s0, s6  }
0x14: {  	s7 =	smin.u32 s0, $0x50910  }
0x15: {  	s0 =	ssub.s32 s7, s6  }
0x16: {  	p0 =	sgt.s32 s0, $0x0  }
0x17: {  	s0 =	simm.s32 @!p0 $0x0  }
0x18: {  	s29 =	simm.s32 $0x2;
	s10 =	simm.s32 $0x7;
	s28 =	smulhi.u32 $0x66666667, s0  }
0x19: {  	s31 =	simm.s32 $0x8;
	s11 =	simm.s32 $0x1;
	s15 =	simm.s32 $0x0  }
0x1a: {  	p1 =	por $0x0, $0x0;
	s16 =	simm.s32 $0xA;
	s2 =	sshrl.u32 s28, $0x7  }
0x1b: {  	s20 =	simm.s32 $0x0;
	s17 =	simm.s32 $0x0;
	s30 =	smul.u32 $0x140, s2  }
.Ltmp1:
0x1c: {  	[tilespmem:s8+$0x0] =	vst v0;
	v0 =	vimm.s32 $0xFFFFFFFF;
	s19 =	simm.s32 $0x0;
	[sflag:s29] =	ssyncpa.u1 $0x0;
	(pc) =	sbr.rel .LBB2_3-.Ltmp1, $4  }
0x1d: {  	[tilespmem:$0xA108] =	vst v0;
	[sflag:s10] =	ssyncpa.u1 $0x0;
	p0 =	sne.s32 s0, s30;
	s0 =	simm.s32 $0x1  }
0x1e: {  	s10 =	simm.s32 $0x9;
	[sflag:s31] =	ssyncpa.u1 $0x0;
	s0 =	simm.s32 @!p0 $0x0  }
0x1f: {  	s13 =	sshll.u32 s9, $0x7;
	[sflag:s10] =	ssyncpa.u1 $0x0;
	s12 =	sadd.s32 s0, s2  }
0x20: {  	v0 =	vlaneseq.u32;
	s18 =	smov.u32 s6;
	p0 =	por $0x1, $0x1;
	s14 =	sadd.s32 $0x1, s12  }
.LBB2_24:
0x21: {  	s0 =	sshrl.u32 s29, $0x2  }
.LBB2_26:
0x22: {  	_ =	swait.ge [sflag:s16], s0  }
0x23: {  	s31 =	ssub.s32 $0x0, s0;
	v1 =	vmov s22;
	vm0 =	veq.s32 v0, $0x0;
	[sflag:s16] =	ssyncset.done $0x0  }
0x24: {  	vm15 =	veq.s32 v0, $0x2;
	v1 =	vsel vm0, s28, v1;
	[sflag:s16] =	ssyncadd.s32 s31  }
0x25: {  	v1 =	vsel vm15, s20, v1;
	[sflag:s16] =	ssyncpa.u1 $0x1  }
0x26: {  	[tilespmem:$0xA108] =	vst v1  }
.LBB2_27:
0x27: {  	s0 =	sadd.s32 $0x140, s18  }
0x28: {  	s2 =	smov.u32 s6;
	p2 =	slt.s32 s0, s7  }
0x29: {  	s2 =	smov.u32 @p2 s0;
	p2 =	sne.s32 s19, s14  }
.Ltmp2:
0x2a: {  	_ = 	snop;
	(pc) =	sbr.rel @!p2 .LBB2_28-.Ltmp2, $4  }
0x2b: {  	_ = 	snop  }
0x2c: {  	s20 =	smov.u32 s17  }
0x2d: {  	s31 =	sadd.s32 $0x1, s19;
	s17 =	smov.u32 s18;
	p0 =	por !p0, !p0  }
0x2e: {  	p1 =	por !p1, !p1;
	s19 =	smov.u32 s31;
	s18 =	smov.u32 s2  }
.LBB2_3:
0x2f: {  	p2 =	sge.u32 s19, s12  }
0x30: {  	s0 =	smulhi.u32 @!p2 $0xAAAAAAAB, s19  }
0x31: {  	s2 =	smov.u32 s18;
	p3 =	sgt.s32 @!p2 s18, $0x507D0  }
0x32: {  	s8 =	sshra.s32 @!p2 s18, $0x1F;
	p3 =	por !p3, p2;
	s0 =	sshrl.u32 @!p2 s0, $0x1  }
0x33: {  	s8 =	sand.u32 @!p2 s8, s18;
	s2 =	simm.s32 @p3 $0x507D0;
	s0 =	smul.u32 @!p2 $0x3, s0  }
0x34: {  	s2 =	ssub.s32 @!p2 s2, s8  }
0x35: {  	s22 =	sadd.s32 $0xFFFFFFFF, s19;
	s2 =	sadd.s32 @!p2 $0xFFFAF830, s2;
	s0 =	ssub.s32 @!p2 s19, s0  }
0x36: {  	s8 =	sshll.u32 @!p2 s2, $0x2;
	p3 =	sgt.s32 @!p2 s2, $0x13F;
	s0 =	smul.u32 @!p2 $0x500, s0  }
0x37: {  	s21 =	sand.u32 @!p2 $0x7, s18;
	s2 =	ssub.s32 @!p2 $0x500, s8;
	p3 =	por !p3, p2  }
0x38: {  	s8 =	sshrl.u32 @!p2 s18, $0x3;
	s2 =	sshrl.u32 @!p2 s2, $0x2;
	s0 =	sshrl.u32 @!p2 s0, $0x2  }
0x39: {  	s8 =	sadd.s32 @!p2 s5, s8;
	s2 =	simm.s32 @!p3 $0x0;
	s0 =	sadd.s32 @!p2 $0xA938, s0  }
0x3a: {  	[tilespmem:s0], [sflag:$0x8] =	stream.linear.gather @!p2 [hbm4b:s8+s21], s2, $0x38;
	[tilespmem:$0x1EF78] =	vst v63  }
0x3b: {  	p2 =	sge.u32 s22, s12  }
0x3c: {  	p3 =	sgt.s32 @!p2 s17, $0x507D0  }
0x3d: {  	s0 =	smov.u32 s17;
	s2 =	sshra.s32 @!p2 s17, $0x1F;
	p3 =	por !p3, p2  }
0x3e: {  	s2 =	sand.u32 @!p2 s2, s17;
	s0 =	simm.s32 @p3 $0x507D0  }
0x3f: {  	s0 =	ssub.s32 @!p2 s0, s2  }
0x40: {  	s0 =	sadd.s32 @!p2 $0xFFFAF830, s0  }
0x41: {  	s2 =	sshll.u32 @!p2 s0, $0x2  }
0x42: {  	p3 =	sgt.s32 @!p2 s0, $0x13F;
	s0 =	ssub.s32 @!p2 $0x500, s2  }
0x43: {  	p3 =	por !p3, p2;
	s0 =	sshrl.u32 @!p2 s0, $0x2  }
0x44: {  	s8 =	simm.s32 @!p2 $0x8;
	s2 =	sand.u32 @!p2 $0x1, s22;
	s0 =	simm.s32 @!p3 $0x0  }
0x45: {  	s2 =	smul.u32 @!p2 $0x500, s2;
	_ =	swait.ge @!p2 [sflag:s8], s0  }
0x46: {  	s21 =	ssub.s32 @!p2 $0x0, s0;
	[sflag:s8] =	ssyncset.done @!p2 $0x0  }
0x47: {  	s2 =	sshrl.u32 @!p2 s2, $0x2;
	[sflag:s8] =	ssyncadd.s32 @!p2 s21;
	s8 =	sshrl.u32 @!p2 s17, $0x3  }
0x48: {  	s2 =	sadd.s32 @!p2 $0xACF8, s2;
	s21 =	sand.u32 @!p2 $0x7, s17;
	s8 =	sadd.s32 @!p2 s3, s8  }
0x49: {  	[tilespmem:s2], [sflag:$0x9] =	stream.linear.gather @!p2 [hbm4b:s8+s21], s0, $0x38;
	[tilespmem:$0x1EF78] =	vst v63  }
0x4a: {  	s21 =	ssub.s32 @!p2 $0x50910, s17  }
0x4b: {  	p3 =	slt.s32 @!p2 s21, $0x1  }
0x4c: {  	p3 =	por p2, p3  }
.Ltmp3:
0x4d: {  	_ = 	snop;
	(pc) =	sbr.rel @p3 .LBB2_9-.Ltmp3, $1  }
0x4e: {  	_ =	sdelay $0x3  }
0x4f: {  	s0 =	smulhi.u32 $0xAAAAAAAB, s22;
	_ =	sdelay $0x1  }
0x50: {  	s0 =	sshrl.u32 s0, $0x1  }
0x51: {  	s0 =	smul.u32 $0x3, s0;
	_ =	sdelay $0x1  }
0x52: {  	s0 =	ssub.s32 s22, s0  }
0x53: {  	s2 =	simm.s32 $0x1;
	s0 =	smul.u32 $0x500, s0  }
.Ltmp4:
0x54: {  	s2 =	simm.s32 @!p0 $0x0;
	(pc) =	sbr.rel .LBB2_6-.Ltmp4, $4  }
0x55: {  	s2 =	smul.u32 $0x28000, s2  }
0x56: {  	p3 =	slt.s32 @!p2 s21, $0x140;
	s0 =	sshrl.u32 s0, $0x2  }
0x57: {  	p2 =	por !p3, p2;
	s2 =	sshrl.u32 s2, $0x2;
	s0 =	sadd.s32 $0xA938, s0  }
0x58: {  	s23 =	simm.s32 $0x0;
	s21 =	simm.s32 @p2 $0x140;
	s22 =	sadd.s32 $0xAF78, s2;
	v1 =	vmov s0  }
.LBB2_5:
0x59: {  	p2 =	sge.s32 s23, s21  }
.Ltmp5:
0x5a: {  	_ = 	snop;
	(pc) =	sbr.rel @p2 .LBB2_9-.Ltmp5, $2  }
0x5b: {  	_ =	sdelay $0x2  }
0x5c: {  	s22 =	sadd.s32 $0x800, s22  }
.LBB2_6:
0x5d: {  	p2 =	sle.s32 s21, s23  }
.Ltmp6:
0x5e: {  	_ = 	snop;
	(pc) =	sbr.rel @p2 .LBB2_5-.Ltmp6, $2  }
0x5f: {  	_ =	sdelay $0x2  }
0x60: {  	s24 =	smov.u32 s23;
	s23 =	sadd.s32 $0x10, s23  }
0x61: {  	s0 =	ssub.s32 s21, s24  }
0x62: {  	p2 =	slt.s32 s0, $0x10  }
0x63: {  	s0 =	simm.s32 @!p2 $0x10  }
0x64: {  	v2 =	vmov s0  }
0x65: {  	vm0 =	vgt.s32 v2, v0;
	_ =	sdelay $0x5  }
0x66: {  	v2 =	vld.idx.msk [tilespmem:v1+s24+$0x0 ss:$0x1], vm0;
	_ =	sdelay $0x2  }
0x67: {  	p2 =	slt.s32 s23, s21;
	s0 =	smov.u32 s21  }
0x68: {  	s2 =	smov.u32 s22;
	s25 =	simm.s32 $0x0;
	s0 =	smov.u32 @p2 s23  }
.LBB2_8:
0x69: {  	(v2sf) =	vpush v2, s25;
	_ =	sdelay $0xc  }
0x6a: {  	s25 =	sadd.s32 $0x1, s25  }
0x6b: {  	s31 =	sadd.s32 s25, s24  }
0x6c: {  	p2 =	slt.s32 s31, s0;
	s8 =	spop (v2sf)  }
.Ltmp7:
0x6d: {  	s8 =	sshll.u32 s8, $0x4;
	(pc) =	sbr.rel @p2 .LBB2_8-.Ltmp7, $4  }
0x6e: {  	s8 =	sand.u32 $0x1FFFFFF0, s8  }
0x6f: {  	s8 =	sadd.s32 s4, s8  }
0x70: {  	[tilespmem:s2], [sflag:$0x7] =	stream.linear.gather [hbm4b:s8+s15], $0x40, $0x38;
	[tilespmem:$0x1EF78] =	vst v63  }
0x71: {  	s2 =	sadd.s32 $0x80, s2  }
.Ltmp8:
0x72: {  	_ = 	snop;
	(pc) =	sbr.rel .LBB2_5-.Ltmp8, $1  }
0x73: {  	_ =	sdelay $0x3  }
.LBB2_9:
0x74: {  	p2 =	slt.u32 s19, $0x2  }
.Ltmp9:
0x75: {  	_ = 	snop;
	(pc) =	sbr.rel @p2 .LBB2_27-.Ltmp9, $1  }
0x76: {  	_ =	sdelay $0x3  }
0x77: {  	p2 =	sgt.s32 s20, $0x507D0;
	s0 =	smov.u32 s20  }
0x78: {  	s2 =	sshra.s32 s20, $0x1F;
	s8 =	ssub.s32 $0x50910, s20;
	s0 =	simm.s32 @!p2 $0x507D0  }
0x79: {  	s2 =	sand.u32 s2, s20;
	p2 =	slt.s32 s8, $0x140;
	s21 =	smov.u32 s8  }
0x7a: {  	s0 =	ssub.s32 s0, s2;
	s21 =	simm.s32 @!p2 $0x140  }
0x7b: {  	s0 =	sadd.s32 $0xFFFAF830, s0;
	s26 =	sshll.u32 s21, $0x6  }
0x7c: {  	s9 =	simm.s32 $0x7;
	s29 =	sshll.u32 s0, $0x2;
	s2 =	sand.u32 $0x3FFFFFC0, s26  }
0x7d: {  	p2 =	sgt.s32 s0, $0x13F;
	s30 =	ssub.s32 $0x500, s29;
	_ =	swait.ge [sflag:s9], s2  }
0x7e: {  	s2 =	ssub.s32 $0x0, s2;
	[sflag:s9] =	ssyncset.done $0x0;
	s0 =	sshrl.u32 s30, $0x2  }
0x7f: {  	[sflag:s9] =	ssyncadd.s32 s2;
	s0 =	simm.s32 @p2 $0x0  }
0x80: {  	_ =	swait.ge [sflag:s10], s0  }
0x81: {  	s0 =	ssub.s32 $0x0, s0;
	[sflag:s10] =	ssyncset.done $0x0  }
0x82: {  	[sflag:s10] =	ssyncadd.s32 s0  }
0x83: {  	v1 =	vld [tilespmem:$0xA108];
	_ =	sdelay $0x4  }
0x84: {  	(v2sf) =	vpush v1, $0x0  }
0x85: {  	(v2sf) =	vpush v1, $0x1  }
0x86: {  	(v2sf) =	vpush v1, $0x2;
	_ =	sdelay $0x3  }
0x87: {  	s0 =	sadd.s32 $0x140, s20  }
0x88: {  	p2 =	slt.s32 s7, s0  }
0x89: {  	s0 =	smov.u32 @p2 s7;
	p2 =	sgt.s32 s8, $0x0  }
0x8a: {  	s24 =	ssub.s32 s0, s20;
	s8 =	simm.s32 @!p2 $0x0  }
0x8b: {  	p2 =	slt.s32 s8, s24  }
0x8c: {  	s24 =	smov.u32 @p2 s8  }
0x8d: {  	s23 =	simm.s32 $0x1;
	p2 =	slt.s32 s24, $0x1  }
.Ltmp10:
0x8e: {  	s23 =	simm.s32 @!p1 $0x0;
	(pc) =	sbr.rel @p2 .LBB2_14-.Ltmp10, $4  }
0x8f: {  	s31 =	smul.u32 $0x500, s23  }
0x90: {  	s25 =	spop (v2sf)  }
0x91: {  	s0 =	sshrl.u32 s31, $0x2;
	s28 =	spop (v2sf)  }
0x92: {  	s21 =	sadd.s32 $0xACF8, s0;
	s20 =	spop (v2sf)  }
0x93: {  	s0 =	smin.u32 s24, $0x10  }
0x94: {  	v1 =	vmov s0  }
0x95: {  	p3 =	sgt.s32 s24, $0x10;
	vm1 =	vgt.u32 v1, v0  }
.Ltmp11:
0x96: {  	_ = 	snop;
	(pc) =	sbr.rel @!p3 .LBB2_13-.Ltmp11, $2  }
0x97: {  	_ =	sdelay $0x2  }
0x98: {  	s26 =	simm.s32 $0x10;
	s29 =	sadd.s32 $0xFFFFFFF0, s24;
	s22 =	smov.u32 s21;
	vm0 =	vmmov vm1  }
.LBB2_12:
0x99: {  	s0 =	smin.u32 s29, $0x10;
	s26 =	sadd.s32 $0x10, s26;
	v1 =	vld.msk [tilespmem:s22+$0x0 ss:$0x1], vm1  }
0x9a: {  	v2 =	vmov s0;
	p3 =	slt.s32 s26, s24  }
0x9b: {  	vm1 =	vgt.u32 v2, v0  }
.Ltmp12:
0x9c: {  	(pc) =	sbr.rel @p3 .LBB2_12-.Ltmp12, $3  }
0x9d: {  	_ =	sdelay $0x1  }
0x9e: {  	v1 =	vshll.u32 v1, $0x4  }
0x9f: {  	s29 =	sadd.s32 $0xFFFFFFF0, s29;
	[tilespmem:s22+$0x0] =	vst.msk vm0, v1;
	s22 =	sadd.s32 $0x10, s22;
	vm0 =	vmmov vm1  }
.LBB2_13:
0xa0: {  	_ =	sdelay $0x4  }
0xa1: {  	v1 =	vld.msk [tilespmem:s22+$0x0 ss:$0x1], vm1;
	_ =	sdelay $0x4  }
0xa2: {  	v1 =	vshll.u32 v1, $0x4  }
0xa3: {  	[tilespmem:s22+$0x0] =	vst.msk vm0, v1  }
.LBB2_14:
0xa4: {  	s0 =	sand.u32 $0x1, s19  }
0xa5: {  	s0 =	smul.u32 $0x140, s0  }
0xa6: {  	p3 =	sne.s32 s28, $0xFFFFFFFF  }
0xa7: {  	v1 =	vld.msk @!p3 [tilespmem:s0+$0xACF8], $0x1;
	_ =	sdelay $0x4  }
0xa8: {  	(v2sf) =	vpush @!p3 v1, $0x0;
	_ =	sdelay $0xc  }
.Ltmp13:
0xa9: {  	_ = 	snop;
	(pc) =	sbr.rel @p2 .LBB2_25-.Ltmp13, $4  }
0xaa: {  	_ = 	snop  }
0xab: {  	s26 =	spop @!p3 (v2sf)  }
0xac: {  	s20 =	simm.s32 @!p3 $0x0;
	s22 =	smov.u32 s26  }
0xad: {  	[sflag:s16] =	ssyncpa.u1 $0x0;
	s26 =	smov.u32 @p3 s25;
	s22 =	smov.u32 @p3 s28  }
0xae: {  	v1 =	vld.msk [tilespmem:s21+$0x0], $0x1;
	_ =	sdelay $0x4  }
0xaf: {  	(v2sf) =	vpush v1, $0x0;
	_ =	sdelay $0xe  }
0xb0: {  	s0 =	smul.u32 $0x28000, s23;
	s30 =	spop (v2sf)  }
0xb1: {  	s24 =	ssub.s32 $0x0, s24;
	p2 =	seq.s32 s26, s30  }
0xb2: {  	s28 =	sadd.s32 $0x1, s24;
	s0 =	sshrl.u32 s0, $0x2;
	p3 =	sgt.s32 @!p2 s26, $0x0  }
0xb3: {  	s23 =	sadd.s32 $0xAF98, s0;
	s0 =	smov.u32 s26;
	p3 =	por !p3, p2  }
0xb4: {  	s0 =	simm.s32 @p3 $0x0;
	p3 =	seq.s32 s28, $0x0  }
.Ltmp14:
0xb5: {  	_ = 	snop;
	(pc) =	sbr.rel @p3 .LBB2_17-.Ltmp14, $4  }
0xb6: {  	_ = 	snop  }
0xb7: {  	s25 =	simm.s32 $0x0;
	s31 =	simm.s32 @!p2 $0x1;
	s2 =	smin.u32 @!p2 s0, $0x270F8  }
0xb8: {  	s29 =	sadd.s32 $0x1, s21;
	s31 =	smov.u32 @p2 s25;
	s8 =	sand.u32 @!p2 $0x3FFF8, s2  }
0xb9: {  	s0 =	simm.s32 @!p2 $0x50C8;
	s2 =	sand.u32 @!p2 $0x7, s2;
	s8 =	sadd.s32 @!p2 s1, s8  }
.LBB2_16:
0xba: {  	s9 =	smov.u32 s31  }
0xbb: {  	[tilespmem:s0], [sflag:$0x2] =	stream.linear.gather @!p2 [hbm4b:s8+s2], $0x40, $0x38;
	[tilespmem:$0x1EF78] =	vst v63  }
0xbc: {  	s28 =	sadd.s32 $0x1, s28;
	s2 =	smov.u32 s30;
	v1 =	vld.msk [tilespmem:s29+$0x0], $0x1  }
0xbd: {  	p3 =	seq.s32 s28, $0x0;
	_ =	sdelay $0x3  }
0xbe: {  	(v2sf) =	vpush v1, $0x0;
	_ =	sdelay $0xe  }
0xbf: {  	s30 =	spop (v2sf)  }
0xc0: {  	p2 =	seq.s32 s2, s30  }
0xc1: {  	p4 =	sgt.s32 @!p2 s2, $0x0;
	s0 =	sshll.u32 @!p2 s31, $0x8;
	s31 =	sadd.s32 @!p2 $0x1, s31  }
.Ltmp15:
0xc2: {  	p4 =	por !p4, p2;
	s0 =	sshra.s32 @!p2 s0, $0x2;
	(pc) =	sbr.rel @!p3 .LBB2_16-.Ltmp15, $4  }
0xc3: {  	s31 =	smov.u32 @p2 s9;
	s2 =	simm.s32 @p4 $0x0;
	s0 =	sadd.s32 @!p2 $0x50C8, s0  }
0xc4: {  	s2 =	smin.u32 @!p2 s2, $0x270F8  }
0xc5: {  	s8 =	sand.u32 @!p2 $0x3FFF8, s2;
	s2 =	sand.u32 @!p2 $0x7, s2  }
0xc6: {  	s29 =	sadd.s32 $0x1, s29;
	s8 =	sadd.s32 @!p2 s1, s8  }
.LBB2_17:
0xc7: {  	[tilespmem:s0], [sflag:$0x2] =	stream.linear.gather @!p2 [hbm4b:s8+s2], $0x40, $0x38;
	[tilespmem:$0x1EF78] =	vst v63  }
.Ltmp16:
0xc8: {  	s30 =	sshll.u32 s31, $0x6;
	(pc) =	sbr.rel .LBB2_18-.Ltmp16, $4  }
0xc9: {  	s31 =	simm.s32 $0x2;
	s0 =	sand.u32 $0x3FFFFFC0, s30  }
0xca: {  	_ =	swait.ge [sflag:s31], s0  }
0xcb: {  	s0 =	ssub.s32 $0x0, s0;
	[sflag:s31] =	ssyncset.done $0x0  }
0xcc: {  	s29 =	simm.s32 $0x0;
	[sflag:s31] =	ssyncadd.s32 s0  }
.LBB2_19:
0xcd: {  	v1 =	vld [tilespmem:s23+$0xFFFFFFE0];
	_ =	sdelay $0x4  }
0xce: {  	[tilespmem:s30+$0x88] =	vst.add.f32.msk $0xffff, v1  }
0xcf: {  	v1 =	vld [tilespmem:s23+$0xFFFFFFF0];
	_ =	sdelay $0x4  }
0xd0: {  	[tilespmem:s30+$0x98] =	vst.add.f32.msk $0xffff, v1  }
0xd1: {  	v1 =	vld [tilespmem:s23+$0x0];
	_ =	sdelay $0x4  }
0xd2: {  	[tilespmem:s30+$0xA8] =	vst.add.f32.msk $0xffff, v1  }
0xd3: {  	v1 =	vld [tilespmem:s23+$0x10];
	_ =	sdelay $0x4  }
0xd4: {  	[tilespmem:s30+$0xB8] =	vst.add.f32.msk $0xffff, v1  }
.LBB2_23:
0xd5: {  	s24 =	sadd.s32 $0x1, s24  }
0xd6: {  	p2 =	seq.s32 s24, $0x0  }
.Ltmp17:
0xd7: {  	_ = 	snop;
	(pc) =	sbr.rel @p2 .LBB2_24-.Ltmp17, $2  }
0xd8: {  	_ =	sdelay $0x2  }
0xd9: {  	s23 =	sadd.s32 $0x80, s23;
	s21 =	sadd.s32 $0x1, s21;
	s26 =	smov.u32 s28  }
.LBB2_18:
0xda: {  	v1 =	vld.msk [tilespmem:s21+$0x0], $0x1;
	_ =	sdelay $0x4  }
0xdb: {  	(v2sf) =	vpush v1, $0x0;
	_ =	sdelay $0xe  }
0xdc: {  	s28 =	spop (v2sf)  }
0xdd: {  	p2 =	sne.s32 s26, s28  }
.Ltmp18:
0xde: {  	_ = 	snop;
	(pc) =	sbr.rel @!p2 .LBB2_19-.Ltmp18, $3  }
0xdf: {  	_ =	sdelay $0x1  }
0xe0: {  	s0 =	sshll.u32 s20, $0x8  }
0xe1: {  	s30 =	sshra.s32 s0, $0x2  }
0xe2: {  	p2 =	seq.s32 s26, s22  }
.Ltmp19:
0xe3: {  	_ = 	snop;
	(pc) =	sbr.rel @!p2 .LBB2_21-.Ltmp19, $1  }
0xe4: {  	_ =	sdelay $0x3  }
.Ltmp20:
0xe5: {  	s0 =	sadd.s32 $0x88, s30;
	(pc) =	sbr.rel .LBB2_22-.Ltmp20, $4  }
0xe6: {  	[spmem:s13] =	stream.linear.scatter [tilespmem:s0], [sflag:$0x1], $0x40, $0x38;
	[tilespmem:$0x1EF78] =	vst v63  }
0xe7: {  	_ =	swait.ge [sflag:s11], $0x40  }
0xe8: {  	[sflag:s11] =	ssyncset.done $0x0  }
0xe9: {  	[sflag:s11] =	ssyncadd.s32 $0xFFFFFFC0  }
.LBB2_21:
0xea: {  	s0 =	sshll.u32 s25, $0x8  }
0xeb: {  	s0 =	sshra.s32 s0, $0x2  }
0xec: {  	v1 =	vld [tilespmem:s0+$0x50C8];
	_ =	sdelay $0x4  }
0xed: {  	[tilespmem:s30+$0x88] =	vst.add.f32.msk $0xffff, v1  }
0xee: {  	v1 =	vld [tilespmem:s0+$0x50D8];
	_ =	sdelay $0x4  }
0xef: {  	[tilespmem:s30+$0x98] =	vst.add.f32.msk $0xffff, v1  }
0xf0: {  	v1 =	vld [tilespmem:s0+$0x50E8];
	_ =	sdelay $0x4  }
0xf1: {  	[tilespmem:s30+$0xA8] =	vst.add.f32.msk $0xffff, v1  }
0xf2: {  	v1 =	vld [tilespmem:s0+$0x50F8];
	_ =	sdelay $0x2  }
0xf3: {  	p2 =	sgt.u32 s26, $0x270F8  }
0xf4: {  	s0 =	sand.u32 @!p2 $0x3FFF8, s26  }
0xf5: {  	s2 =	sadd.s32 $0x88, s30;
	s8 =	sand.u32 @!p2 $0x7, s26;
	s0 =	sadd.s32 @!p2 s1, s0;
	[tilespmem:s30+$0xB8] =	vst.add.f32.msk $0xffff, v1  }
0xf6: {  	[hbm4b:s0+s8] =	stream.linear.scatter @!p2 [tilespmem:s2], [sflag:$0xA], $0x40, $0x38;
	[tilespmem:$0x1EF78] =	vst v63  }
0xf7: {  	s0 =	simm.s32 $0x0  }
0xf8: {  	s0 =	simm.s32 @!p2 $0x100  }
0xf9: {  	s29 =	sadd.s32 s0, s29  }
.LBB2_22:
0xfa: {  	s0 =	sadd.s32 $0x1, s20  }
0xfb: {  	s2 =	smulhi.u32 $0xCCCCCCCD, s0;
	_ =	sdelay $0x1  }
0xfc: {  	v1 =	vld [tilespmem:s23+$0xFFFFFFE0];
	s2 =	sshrl.u32 s2, $0x8  }
0xfd: {  	s2 =	smul.u32 $0x140, s2;
	_ =	sdelay $0x1  }
0xfe: {  	s20 =	ssub.s32 s0, s2  }
0xff: {  	s0 =	sshll.u32 s20, $0x6  }
0x100: {  	[tilespmem:s0+$0x88] =	vst v1  }
0x101: {  	v1 =	vld [tilespmem:s23+$0xFFFFFFF0];
	_ =	sdelay $0x4  }
0x102: {  	[tilespmem:s0+$0x98] =	vst v1  }
0x103: {  	v1 =	vld [tilespmem:s23+$0x0];
	_ =	sdelay $0x4  }
0x104: {  	[tilespmem:s0+$0xA8] =	vst v1  }
0x105: {  	v1 =	vld [tilespmem:s23+$0x10]  }
.Ltmp21:
0x106: {  	_ = 	snop;
	(pc) =	sbr.rel .LBB2_23-.Ltmp21, $2  }
0x107: {  	_ =	sdelay $0x2  }
0x108: {  	s25 =	sadd.s32 $0x1, s25;
	[tilespmem:s0+$0xB8] =	vst v1  }
.LBB2_25:
.Ltmp22:
0x109: {  	(pc) =	sbr.rel .LBB2_26-.Ltmp22, $4  }
0x10a: {  	_ = 	snop  }
0x10b: {  	s0 =	simm.s32 $0x2  }
0x10c: {  	_ =	swait.ge [sflag:s0], $0x0  }
0x10d: {  	s28 =	smov.u32 s26;
	[sflag:s0] =	ssyncset.done $0x0;
	s0 =	simm.s32 $0x0  }
.LBB2_28:
0x10e: {  	_ =	sfence.sel $0x180000  }
0x10f: {  	s0 =	simm.s32 $0x7;
	[bflag:$0x0] =	sbarrier.arrive $0xFFFF  }
0x110: {  	s25 =	simm.s32 $0x8;
	[sflag:s0] =	ssyncpa.u1 $0x1  }
0x111: {  	s26 =	simm.s32 $0x9;
	[sflag:s25] =	ssyncpa.u1 $0x1  }
0x112: {  	s28 =	simm.s32 $0x2;
	[sflag:s26] =	ssyncpa.u1 $0x1  }
0x113: {  	[sflag:s28] =	ssyncpa.u1 $0x1  }
0x114: {  	v0 =	vld [tilespmem:$0xA108];
	_ =	sdelay $0x4  }
0x115: {  	(v2sf) =	vpush v0, $0x0  }
0x116: {  	(v2sf) =	vpush v0, $0x1;
	_ =	sdelay $0x1  }
0x117: {  	(v2sf) =	vpush v0, $0x2;
	_ =	sdelay $0xb  }
0x118: {  	s0 =	spop (v2sf)  }
0x119: {  	s2 =	spop (v2sf)  }
0x11a: {  	s3 =	smov.u32 s0;
	p0 =	sne.s32 s0, s2  }
0x11b: {  	s4 =	spop (v2sf);
	s3 =	simm.s32 @!p0 $0xFFFFFFFF  }
0x11c: {  	v2 =	vimm.s32 $0x1;
	v3 =	vlaneseq.u32;
	p0 =	seq.s32 s4, $0xFFFFFFFF;
	v1 =	vmov s3  }
0x11d: {  	s7 =	stileid.u32;
	v0 =	vperm.xlane v0, v2;
	p1 =	sne.s32 @!p0 s0, s2;
	v1 =	vperm.xlane v1, v3  }
0x11e: {  	vm0 =	vcmask $0x3F04;
	s6 =	simm.s32 $0xA108;
	s0 =	simm.s32 @!p0 $0x1;
	p1 =	por !p1, p0  }
0x11f: {  	s3 =	sshll.u32 s7, $0x1;
	s2 =	sshll.u32 @!p0 s4, $0x8;
	s0 =	simm.s32 @p1 $0x0;
	v0 =	vsel vm0, v1, v0  }
0x120: {  	s5 =	sor.u32 $0x800, s3;
	s2 =	sshra.s32 @!p0 s2, $0x2;
	s0 =	sor.u32 @!p0 s0, s3;
	[tilespmem:$0xA108] =	vst v0  }
0x121: {  	[spmem:s5] =	stream.linear.scatter [tilespmem:s6], [sflag:$0x1], $0x2, $0x38;
	[tilespmem:$0x1EF78] =	vst v63  }
0x122: {  	s2 =	sadd.s32 @!p0 $0x88, s2;
	s0 =	sshll.u32 @!p0 s0, $0x6  }
0x123: {  	[spmem:s0] =	stream.linear.scatter @!p0 [tilespmem:s2], [sflag:$0x1], $0x40, $0x38;
	[tilespmem:$0x1EF78] =	vst v63  }
0x124: {  	s2 =	simm.s32 @!p0 $0x42  }
0x125: {  	s0 =	simm.s32 $0x1;
	s2 =	simm.s32 @p0 $0x2  }
0x126: {  	_ =	swait.ge [sflag:s0], s2  }
0x127: {  	s2 =	ssub.s32 $0x0, s2;
	[sflag:s0] =	ssyncset.done $0x0  }
0x128: {  	[sflag:s0] =	ssyncadd.s32 s2  }
0x129: {  	_ =	sfence.stream.spmem  }
0x12a: {  	s29 =	simm.s32 $0x3;
	[bflag:$0x0] =	sbarrier.arrive $0xFFFF  }
0x12b: {  	s30 =	simm.s32 $0x4;
	[sflag:s29] =	ssyncpa.u1 $0x1  }
0x12c: {  	s31 =	simm.s32 $0x3C;
	[sflag:s30] =	ssyncpa.u1 $0x1  }
0x12d: {  	p0 =	sne.s32 s7, $0x0;
	[sflag:s31] =	ssyncpa.u1 $0x1  }
0x12e: {  	_ =	sfence @p0  }
0x12f: {  	[sflag:s0] =	ssyncpa.u1 @p0 $0x1  }
0x130: {  	_ =	strace @p0 $0x9000004A  }
0x131: {  	[bflag:$0x2] =	sbarrier.arrive @p0 $0xFFFF  }
0x132: {  	_ =	shalt @p0  }
.LBB2_29:
0x133: {  	_ =	sfence.stream.spmem;
	s0 =	simm.s32 $0x5  }
0x134: {  	s2 =	simm.s32 $0x800;
	s3 =	simm.s32 $0xA118;
	[sflag:s0] =	ssyncpa.u1 $0x0  }
0x135: {  	[tilespmem:s3], [sflag:$0x5] =	stream.linear.gather [spmem:s2], $0x20, $0x38;
	[tilespmem:$0x1EF78] =	vst v63  }
0x136: {  	s30 =	simm.s32 $0xA138;
	s2 =	simm.s32 $0x0  }
0x137: {  	[tilespmem:s30], [sflag:$0x5] =	stream.linear.gather [spmem:s2], $0x800, $0x38;
	[tilespmem:$0x1EF78] =	vst v63  }
.Ltmp23:
0x138: {  	_ = 	snop;
	(pc) =	sbr.rel .LBB2_30-.Ltmp23, $4  }
0x139: {  	_ =	swait.ge [sflag:s0], $0x820  }
0x13a: {  	[sflag:s0] =	ssyncset.done $0x0  }
0x13b: {  	s31 =	simm.s32 $0x6;
	[sflag:s0] =	ssyncadd.s32 $0xFFFFF7E0  }
0x13c: {  	s3 =	simm.s32 $0x0;
	[sflag:s31] =	ssyncpa.u1 $0x0  }
.LBB2_36:
0x13d: {  	p0 =	slt.u32 s4, $0x270F9  }
0x13e: {  	s0 =	sand.u32 @p0 $0x3FFF8, s4  }
0x13f: {  	s4 =	sand.u32 @p0 $0x7, s4;
	s5 =	simm.s32 @p0 $0xA0C8;
	s0 =	sadd.s32 @p0 s1, s0  }
0x140: {  	[tilespmem:s5], [sflag:$0x6] =	stream.linear.gather @p0 [hbm4b:s0+s4], $0x40, $0x38;
	[tilespmem:$0x1EF78] =	vst v63  }
0x141: {  	s0 =	simm.s32 @p0 $0x6  }
0x142: {  	_ =	swait.ge @p0 [sflag:s0], $0x40  }
0x143: {  	[sflag:s0] =	ssyncset.done @p0 $0x0  }
0x144: {  	[sflag:s0] =	ssyncadd.s32 @p0 $0xFFFFFFC0  }
0x145: {  	v1 =	vld @p0 [tilespmem:$0xA0C8];
	_ =	sdelay $0x2  }
0x146: {  	s0 =	sshll.u32 @p0 s3, $0x8  }
0x147: {  	s4 =	sshrl.u32 @p0 s0, $0x2  }
0x148: {  	[tilespmem:s4+$0xA138] =	vst.add.f32.msk @p0 $0xffff, v1  }
0x149: {  	v1 =	vld @p0 [tilespmem:$0xA0D8];
	_ =	sdelay $0x4  }
0x14a: {  	[tilespmem:s4+$0xA148] =	vst.add.f32.msk @p0 $0xffff, v1  }
0x14b: {  	v1 =	vld @p0 [tilespmem:$0xA0E8];
	_ =	sdelay $0x4  }
0x14c: {  	[tilespmem:s4+$0xA158] =	vst.add.f32.msk @p0 $0xffff, v1  }
0x14d: {  	v1 =	vld @p0 [tilespmem:$0xA0F8];
	_ =	sdelay $0x3  }
0x14e: {  	s5 =	sshll.u32 @!p0 s3, $0x8  }
0x14f: {  	s5 =	smov.u32 @p0 s0;
	[tilespmem:s4+$0xA168] =	vst.add.f32.msk @p0 $0xffff, v1  }
0x150: {  	s0 =	sshrl.u32 s5, $0x2;
	[tilespmem:s2+$0xA118] =	vst.msk $0x1, v0  }
0x151: {  	v0 =	vld [tilespmem:s0+$0xA138];
	_ =	sdelay $0x2  }
0x152: {  	s31 =	sshll.u32 s2, $0x8  }
0x153: {  	s4 =	sshra.s32 s31, $0x2  }
0x154: {  	[tilespmem:s4+$0xA138] =	vst v0  }
0x155: {  	v0 =	vld [tilespmem:s0+$0xA148];
	_ =	sdelay $0x4  }
0x156: {  	[tilespmem:s4+$0xA148] =	vst v0  }
0x157: {  	v0 =	vld [tilespmem:s0+$0xA158];
	_ =	sdelay $0x4  }
0x158: {  	[tilespmem:s4+$0xA158] =	vst v0  }
0x159: {  	v0 =	vld [tilespmem:s0+$0xA168];
	_ =	sdelay $0x4  }
0x15a: {  	s2 =	sadd.s32 $0x1, s2;
	[tilespmem:s4+$0xA168] =	vst v0  }
.LBB2_37:
0x15b: {  	s3 =	sadd.s32 $0x1, s3  }
0x15c: {  	p0 =	sne.s32 s3, $0x20  }
.Ltmp24:
0x15d: {  	_ = 	snop;
	(pc) =	sbr.rel @!p0 .LBB2_38-.Ltmp24, $1  }
0x15e: {  	_ =	sdelay $0x3  }
.LBB2_30:
0x15f: {  	v0 =	vld.msk [tilespmem:s3+$0xA118], $0x1;
	_ =	sdelay $0x4  }
0x160: {  	(v2sf) =	vpush v0, $0x0;
	_ =	sdelay $0xe  }
0x161: {  	s4 =	spop (v2sf)  }
0x162: {  	p0 =	seq.s32 s4, $0xFFFFFFFF  }
.Ltmp25:
0x163: {  	_ = 	snop;
	(pc) =	sbr.rel @p0 .LBB2_37-.Ltmp25, $1  }
0x164: {  	_ =	sdelay $0x3  }
0x165: {  	p0 =	slt.s32 s2, $0x1  }
.Ltmp26:
0x166: {  	_ = 	snop;
	(pc) =	sbr.rel @p0 .LBB2_36-.Ltmp26, $1  }
0x167: {  	_ =	sdelay $0x3  }
0x168: {  	s5 =	simm.s32 $0xA118;
	p0 =	por $0x0, $0x0  }
0x169: {  	v1 =	vld.msk @!p0 [tilespmem:s5+$0x0], $0x1;
	_ =	sdelay $0x4  }
0x16a: {  	(v2sf) =	vpush @!p0 v1, $0x0;
	_ =	sdelay $0xd  }
0x16b: {  	p2 =	sne.s32 s2, $0x1  }
.Ltmp27:
0x16c: {  	s0 =	spop @!p0 (v2sf);
	(pc) =	sbr.rel @!p2 .LBB2_34-.Ltmp27, $4  }
0x16d: {  	p1 =	seq.s32 @!p0 s4, s0  }
0x16e: {  	s6 =	simm.s32 $0x0;
	p1 =	por !p1, p0  }
0x16f: {  	s0 =	simm.s32 $0xFFFFFFFF;
	s6 =	simm.s32 @p1 $0xFFFFFFFF  }
0x170: {  	s7 =	simm.s32 $0x1;
	s6 =	smov.u32 @p0 s0  }
.LBB2_33:
0x171: {  	s0 =	smov.u32 s6;
	p0 =	sne.s32 s6, $0xFFFFFFFF  }
0x172: {  	s5 =	sadd.s32 $0x1, s5;
	s6 =	smov.u32 s7;
	s7 =	sadd.s32 $0x1, s7  }
0x173: {  	p1 =	sne.s32 s2, s7;
	v1 =	vld.msk @!p0 [tilespmem:s5+$0x0], $0x1;
	_ =	sdelay $0x4  }
0x174: {  	(v2sf) =	vpush @!p0 v1, $0x0;
	_ =	sdelay $0xe  }
.Ltmp28:
0x175: {  	s8 =	spop @!p0 (v2sf);
	(pc) =	sbr.rel @p1 .LBB2_33-.Ltmp28, $4  }
0x176: {  	p2 =	seq.s32 @!p0 s4, s8  }
0x177: {  	p2 =	por !p2, p0  }
0x178: {  	s6 =	simm.s32 @p2 $0xFFFFFFFF  }
0x179: {  	s6 =	smov.u32 @p0 s0  }
.LBB2_34:
0x17a: {  	p0 =	seq.s32 s6, $0xFFFFFFFF  }
.Ltmp29:
0x17b: {  	_ = 	snop;
	(pc) =	sbr.rel @p0 .LBB2_36-.Ltmp29, $1  }
0x17c: {  	_ =	sdelay $0x3  }
0x17d: {  	s0 =	sshll.u32 s3, $0x6  }
0x17e: {  	s0 =	sand.u32 $0x3FFFFFC0, s0  }
0x17f: {  	v0 =	vld [tilespmem:s0+$0xA138];
	_ =	sdelay $0x2  }
0x180: {  	s4 =	sshll.u32 s6, $0x8  }
0x181: {  	s4 =	sshra.s32 s4, $0x2  }
0x182: {  	[tilespmem:s4+$0xA138] =	vst.add.f32.msk $0xffff, v0  }
0x183: {  	v0 =	vld [tilespmem:s0+$0xA148];
	_ =	sdelay $0x4  }
0x184: {  	[tilespmem:s4+$0xA148] =	vst.add.f32.msk $0xffff, v0  }
0x185: {  	v0 =	vld [tilespmem:s0+$0xA158];
	_ =	sdelay $0x4  }
0x186: {  	[tilespmem:s4+$0xA158] =	vst.add.f32.msk $0xffff, v0  }
0x187: {  	v0 =	vld [tilespmem:s0+$0xA168]  }
.Ltmp30:
0x188: {  	_ = 	snop;
	(pc) =	sbr.rel .LBB2_37-.Ltmp30, $2  }
0x189: {  	_ =	sdelay $0x2  }
0x18a: {  	[tilespmem:s4+$0xA168] =	vst.add.f32.msk $0xffff, v0  }
.LBB2_38:
0x18b: {  	p0 =	slt.s32 s2, $0x1  }
.Ltmp31:
0x18c: {  	_ = 	snop;
	(pc) =	sbr.rel @p0 .LBB2_42-.Ltmp31, $3  }
0x18d: {  	_ =	sdelay $0x1  }
0x18e: {  	s0 =	simm.s32 $0x6  }
0x18f: {  	s3 =	simm.s32 $0x0;
	[sflag:s0] =	ssyncpa.u1 $0x1  }
0x190: {  	s0 =	simm.s32 $0xA118  }
0x191: {  	v0 =	vld.msk [tilespmem:s0+$0x0], $0x1;
	_ =	sdelay $0x4  }
0x192: {  	(v2sf) =	vpush v0, $0x0;
	_ =	sdelay $0xe  }
0x193: {  	s2 =	sadd.s32 $0xFFFFFFFF, s2;
	s0 =	spop (v2sf)  }
0x194: {  	p1 =	sne.s32 s2, $0x0;
	p0 =	sgt.u32 s0, $0x270F8  }
.Ltmp32:
0x195: {  	s5 =	sand.u32 @!p0 $0x3FFF8, s0;
	(pc) =	sbr.rel @!p1 .LBB2_41-.Ltmp32, $4  }
0x196: {  	s4 =	simm.s32 $0xA138;
	s0 =	sand.u32 @!p0 $0x7, s0;
	s5 =	sadd.s32 @!p0 s1, s5  }
0x197: {  	[hbm4b:s5+s0] =	stream.linear.scatter @!p0 [tilespmem:s4], [sflag:$0x5], $0x40, $0x38;
	[tilespmem:$0x1EF78] =	vst v63  }
0x198: {  	s0 =	simm.s32 $0x0  }
0x199: {  	s5 =	simm.s32 $0xA119;
	s0 =	simm.s32 @!p0 $0x100  }
.LBB2_40:
0x19a: {  	v0 =	vld.msk [tilespmem:s5+$0x0], $0x1;
	s2 =	sadd.s32 $0xFFFFFFFF, s2;
	s3 =	sadd.s32 s3, s0  }
0x19b: {  	p0 =	sne.s32 s2, $0x0;
	_ =	sdelay $0x3  }
0x19c: {  	(v2sf) =	vpush v0, $0x0;
	_ =	sdelay $0xe  }
.Ltmp33:
0x19d: {  	s6 =	spop (v2sf);
	(pc) =	sbr.rel @p0 .LBB2_40-.Ltmp33, $4  }
0x19e: {  	s0 =	simm.s32 $0x0;
	p1 =	sgt.u32 s6, $0x270F8  }
0x19f: {  	s4 =	sadd.s32 $0x40, s4;
	s0 =	simm.s32 @!p1 $0x100;
	s7 =	sand.u32 @!p1 $0x3FFF8, s6  }
0x1a0: {  	s5 =	sadd.s32 $0x1, s5;
	s6 =	sand.u32 @!p1 $0x7, s6;
	s7 =	sadd.s32 @!p1 s1, s7  }
0x1a1: {  	[hbm4b:s7+s6] =	stream.linear.scatter @!p1 [tilespmem:s4], [sflag:$0x5], $0x40, $0x38;
	[tilespmem:$0x1EF78] =	vst v63  }
.LBB2_41:
0x1a2: {  	s0 =	sadd.s32 s3, s0  }
0x1a3: {  	s3 =	sshrl.u32 s0, $0x2  }
.LBB2_42:
0x1a4: {  	s0 =	simm.s32 $0x5  }
0x1a5: {  	_ =	swait.ge [sflag:s0], s3  }
0x1a6: {  	s1 =	ssub.s32 $0x0, s3;
	[sflag:s0] =	ssyncset.done $0x0  }
0x1a7: {  	[sflag:s0] =	ssyncadd.s32 s1  }
0x1a8: {  	[sflag:s0] =	ssyncpa.u1 $0x1  }
0x1a9: {  	s30 =	simm.s32 $0x1;
	_ =	sfence  }
0x1aa: {  	[sflag:s30] =	ssyncpa.u1 $0x1  }
0x1ab: {  	_ =	strace $0x9000004A  }
0x1ac: {  	[bflag:$0x2] =	sbarrier.arrive $0xFFFF  }
0x1ad: {  	s31 =	rddreg [dreg:$0x2]  }
0x1ae: {  	s0 =	sadd.s32 $0x100000, s31  }
0x1af: {  	[sflag:s0] =	ssyncadd.tile.s32 $0x1;
	_ =	shalt  }
.Lfunc_end2:
_tile_overlayer_lowered:
.L_overlay_start_2:
0x1b0: {  	(tag) =	ssettag $0x2  }
0x1b1: {  	s0 =	rddreg [dreg:$0x0];
	s2 =	stileid.u32  }
0x1b2: {  	s1 =	rddreg [dreg:$0x1];
	p0 =	sne.s32 s2, $0x0  }
0x1b3: {  	s3 =	rddreg [dreg:$0x2];
	[bflag:$0x3] =	sbarrier.arrive $0xFFFF;
	s2 =	simm.s32 @!p0 $0x1C01  }
0x1b4: {  	[timem:s3], [sflag:s2] =	dma.local @!p0 [hbm:s0], s1  }
0x1b5: {  	s0 =	simm.s32 @!p0 $0x1  }
0x1b6: {  	_ =	swait.ge @!p0 [sflag:s0], s1  }
0x1b7: {  	s1 =	ssub.s32 @!p0 $0x0, s1;
	[sflag:s0] =	ssyncset.done @!p0 $0x0  }
0x1b8: {  	[sflag:s0] =	ssyncadd.s32 @!p0 s1  }
0x1b9: {  	[bflag:$0x3] =	sbarrier.arrive $0xFFFF  }
0x1ba: {  	_ =	shalt  }

// kernel: scatter_offload_async_start.2
scs
__scs_entry_jumppad:
0x0: {  	(pc) =	sbr.rel $0x88, $3  }
0x1: {  	(tag) =	ssettag $0x0;
	lr =	simm.s32 $0x1  }
0x2: {  	[smem:$0x3F7E] =	sst lr;
	_ =	strace $0xD0000000  }
0x3: {  	_ = 	snop  }
0x4: {  	_ = 	snop  }
0x5: {  	_ = 	snop  }
0x6: {  	_ = 	snop  }
0x7: {  	_ = 	snop  }
__scs_overlays_trampoline_lowered:
0x8: {  	[smem:$0x3F8D] =	sst s0  }
0x9: {  	[smem:$0x3F8E] =	sst s1  }
0xa: {  	[smem:$0x3F8F] =	sst s2  }
0xb: {  	[smem:$0x3F90] =	sst s3  }
0xc: {  	[smem:$0x3F91] =	sst s4  }
0xd: {  	[smem:$0x3F92] =	sst s5  }
0xe: {  	[smem:$0x3F93] =	sst s6  }
0xf: {  	[smem:$0x3F94] =	sst s7  }
0x10: {  	[smem:$0x3F95] =	sst s8  }
0x11: {  	[smem:$0x3F96] =	sst s9;
	s0 =	simm.s32 @!p0 $0x0  }
0x12: {  	s1 =	sld [smem:$0x3F7C];
	s0 =	simm.s32 @p0 $0x1  }
0x13: {  	[smem:$0x3F97] =	sst s0;
	s0 =	simm.s32 @!p1 $0x0  }
0x14: {  	s2 =	sld [smem:$0x3F7B];
	s0 =	simm.s32 @p1 $0x1  }
0x15: {  	[smem:$0x3F98] =	sst s0;
	s0 =	simm.s32 @!p2 $0x0  }
0x16: {  	s3 =	sld [smem:$0x3FDB];
	s0 =	simm.s32 @p2 $0x1  }
0x17: {  	s4 =	simm.s32 $0x1BF5;
	[smem:$0x3F9A] =	sst s0  }
0x18: {  	s0 =	sld [smem:$0x3F7D];
	_ =	swait.ge [sflag:s4], $0x0  }
0x19: {  	s7 =	sld [smem:$0x3F7E]  }
0x1a: {  	s8 =	sadd.s32 $0xFFFFE003, lr  }
0x1b: {  	s9 =	sadd.s32 $0xFFFFFEF7, lr;
	s5 =	simm.s32 $0xFFFFFFFF;
	p2 =	slt.u32 s8, $0xFFFFF086  }
0x1c: {  	p1 =	slt.u32 s9, $0xF7A;
	s5 =	simm.s32 @!p2 $0x0  }
0x1d: {  	s5 =	simm.s32 @p1 $0x1;
	p0 =	seq.s32 s7, s2  }
0x1e: {  	s7 =	smul.u32 @!p0 $0xF7A, s2;
	p2 =	seq.s32 @!p0 s5, $0x0  }
0x1f: {  	s9 =	smul.u32 $0xF7A, s1;
	s8 =	simm.s32 @!p0 $0x1BF5;
	p2 =	por !p2, p0  }
0x20: {  	[sflag:s8] =	ssyncset.s32 @!p0 $0xFFFFF086;
	s6 =	sadd.s32 @!p0 s3, s7;
	s7 =	simm.s32 @!p0 $0x108  }
0x21: {  	s3 =	sadd.s32 s3, s9;
	s6 =	sadd.s32 @!p0 $0x88, s6;
	s7 =	simm.s32 @p2 $0x1082  }
0x22: {  	[simem:s7], [sflag:s8] =	dma.local @!p0 [hbm:s6], $0xF7A  }
0x23: {  	s9 =	sor.u32 $0xD0000000, s2;
	s6 =	simm.s32 $0x108;
	_ =	swait.ge @!p0 [sflag:s8], $0x0  }
0x24: {  	s3 =	sadd.s32 $0x88, s3;
	s6 =	simm.s32 @!p1 $0x1082;
	[sflag:s4] =	ssyncset.s32 $0xFFFFF086  }
0x25: {  	[simem:s6], [sflag:s4] =	dma.local [hbm:s3], $0xF7A  }
0x26: {  	[smem:$0x3F7E] =	sst s1;
	(tag) =	ssettag s2;
	_ =	strace s9  }
0x27: {  	s1 =	sld [smem:$0x3F8E]  }
0x28: {  	s2 =	sld [smem:$0x3F8F]  }
0x29: {  	s4 =	sld [smem:$0x3F91]  }
0x2a: {  	p0 =	seq.s32 s5, $0x0;
	s5 =	sld [smem:$0x3F92]  }
0x2b: {  	s6 =	sld [smem:$0x3F93]  }
0x2c: {  	s7 =	sld [smem:$0x3F94]  }
0x2d: {  	s3 =	simm.s32 $0x108;
	s8 =	sld [smem:$0x3F95]  }
0x2e: {  	s3 =	simm.s32 @!p0 $0x1082;
	s9 =	sld [smem:$0x3F96]  }
0x2f: {  	lr =	sadd.s32 s0, s3;
	s0 =	sld [smem:$0x3F8D]  }
0x30: {  	s3 =	sld [smem:$0x3F90]  }
0x31: {  	[smem:$0x3F99] =	sst s10  }
0x32: {  	s10 =	sld [smem:$0x3F97];
	_ =	sdelay $0x3  }
0x33: {  	p0 =	seq.s32 s10, $0x1;
	s10 =	sld [smem:$0x3F99];
	_ =	sdelay $0x3  }
0x34: {  	[smem:$0x3F99] =	sst s10  }
0x35: {  	s10 =	sld [smem:$0x3F98];
	_ =	sdelay $0x3  }
0x36: {  	p1 =	seq.s32 s10, $0x1;
	s10 =	sld [smem:$0x3F99];
	_ =	sdelay $0x3  }
0x37: {  	[smem:$0x3F99] =	sst s10  }
0x38: {  	s10 =	sld [smem:$0x3F9A]  }
0x39: {  	_ = 	snop;
	(pc) =	sbr.ind lr, $3  }
0x3a: {  	_ = 	snop  }
0x3b: {  	_ = 	snop  }
0x3c: {  	p2 =	seq.s32 s10, $0x1;
	s10 =	sld [smem:$0x3F99]  }
0x3d: {  	_ =	shalt  }
0x3e: {  	_ =	shalt  }
0x3f: {  	_ =	shalt  }
0x40: {  	_ =	shalt  }
0x41: {  	_ =	shalt  }
0x42: {  	_ =	shalt  }
0x43: {  	_ =	shalt  }
0x44: {  	_ =	shalt  }
0x45: {  	_ =	shalt  }
0x46: {  	_ =	shalt  }
0x47: {  	_ =	shalt  }
0x48: {  	_ =	shalt  }
0x49: {  	_ =	shalt  }
0x4a: {  	_ =	shalt  }
0x4b: {  	_ =	shalt  }
0x4c: {  	_ =	shalt  }
0x4d: {  	_ =	shalt  }
0x4e: {  	_ =	shalt  }
0x4f: {  	_ =	shalt  }
0x50: {  	_ =	shalt  }
0x51: {  	_ =	shalt  }
0x52: {  	_ =	shalt  }
0x53: {  	_ =	shalt  }
0x54: {  	_ =	shalt  }
0x55: {  	_ =	shalt  }
0x56: {  	_ =	shalt  }
0x57: {  	_ =	shalt  }
0x58: {  	_ =	shalt  }
0x59: {  	_ =	shalt  }
0x5a: {  	_ =	shalt  }
0x5b: {  	_ =	shalt  }
0x5c: {  	_ =	shalt  }
0x5d: {  	_ =	shalt  }
0x5e: {  	_ =	shalt  }
0x5f: {  	_ =	shalt  }
0x60: {  	_ =	shalt  }
0x61: {  	_ =	shalt  }
0x62: {  	_ =	shalt  }
0x63: {  	_ =	shalt  }
0x64: {  	_ =	shalt  }
0x65: {  	_ =	shalt  }
0x66: {  	_ =	shalt  }
0x67: {  	_ =	shalt  }
0x68: {  	_ =	shalt  }
0x69: {  	_ =	shalt  }
0x6a: {  	_ =	shalt  }
0x6b: {  	_ =	shalt  }
0x6c: {  	_ =	shalt  }
0x6d: {  	_ =	shalt  }
0x6e: {  	_ =	shalt  }
0x6f: {  	_ =	shalt  }
0x70: {  	_ =	shalt  }
0x71: {  	_ =	shalt  }
0x72: {  	_ =	shalt  }
0x73: {  	_ =	shalt  }
0x74: {  	_ =	shalt  }
0x75: {  	_ =	shalt  }
0x76: {  	_ =	shalt  }
0x77: {  	_ =	shalt  }
0x78: {  	_ =	shalt  }
0x79: {  	_ =	shalt  }
0x7a: {  	_ =	shalt  }
0x7b: {  	_ =	shalt  }
0x7c: {  	_ =	shalt  }
0x7d: {  	_ =	shalt  }
0x7e: {  	_ =	shalt  }
0x7f: {  	_ =	shalt  }
0x80: {  	_ =	shalt  }
0x81: {  	_ =	shalt  }
0x82: {  	_ =	shalt  }
0x83: {  	_ =	shalt  }
0x84: {  	_ =	shalt  }
0x85: {  	_ =	shalt  }
0x86: {  	_ =	shalt  }
0x87: {  	_ =	shalt  }
.Lfunc_end0:
.L_simem_size_0:
called_computation.2_lowered:
.L_overlay_start_0:
0x88: {  	s0 =	sld [smem:$0x3FD9]  }
0x89: {  	s1 =	sld [smem:$0x3FFE];
	_ =	sdelay $0x3  }
0x8a: {  	s0 =	sadd.s32 s1, s0  }
0x8b: {  	[smem:$0x3FA5] =	sst s0  }
0x8c: {  	_ = 	snop  }
0x8d: {  	s0 =	sld [smem:$0x3FD0];
	(tm) =	ssettm $0x1  }
0x8e: {  	s16 =	sld [smem:$0x3FFB];
	_ =	sdelay $0x3  }
0x8f: {  	_ =	strace s16  }
0x90: {  	s1 =	sld [smem:$0x3FFC];
	_ =	sdelay $0x3  }
0x91: {  	_ =	strace s1  }
0x92: {  	s1 =	sld [smem:$0x3FFD];
	_ =	sdelay $0x3  }
0x93: {  	_ =	strace s1  }
0x94: {  	_ =	strace $0x8FFFFFFF  }
0x95: {  	s17 =	sld [smem:$0x3FDB];
	_ =	sdelay $0x1  }
0x96: {  	s2 =	simm.s32 $_scs_section_size  }
0x97: {  	s3 =	simm.s32 $_size__tile_overlayer_lowered;
	s4 =	simm.s32 $_tile_overlayer_lowered  }
0x98: {  	s20 =	simm.s32 $0x1BFF;
	s19 =	sshll.u32 s4, $0x1;
	s1 =	sadd.s32 s2, s17  }
0x99: {  	s5 =	simm.s32 $0x0;
	s18 =	sshll.u32 s3, $0x1;
	s3 =	sadd.s32 s19, s1  }
0x9a: {  	[timem:s5], [sflag:s20] =	dma.local [hbm:s3], s18  }
0x9b: {  	_ =	swait.ge [sflag:s20], s18  }
0x9c: {  	s2 =	ssub.s32 $0x0, s18;
	[sflag:s20] =	ssyncset.done $0x0  }
0x9d: {  	[sflag:s20] =	ssyncadd.s32 s2;
	_ =	sdelay $0x1  }
0x9e: {  	s21 =	simm.s32 $0x1B8B  }
0x9f: {  	_ =	swait.ge [sflag:s21], $0x1  }
0xa0: {  	[sflag:s21] =	ssyncset.done $0x0  }
0xa1: {  	s23 =	simm.s32 $0x1B8E;
	s22 =	sld [smem:$0x3FFE];
	[sflag:s21] =	ssyncadd.s32 $0xFFFFFFFF  }
0xa2: {  	s24 =	simm.s32 $execute0_lowered;
	[smem:$0x3FD2] =	sst s23  }
0xa3: {  	s3 =	sshll.u32 s24, $0x1;
	_ =	strace $0x8000004C;
	[dreg:$0x1] =	wrdreg $0xFFFFFFFF  }
0xa4: {  	s25 =	simm.s32 $_size_execute0_lowered;
	s1 =	sadd.s32 s1, s3;
	[dreg:$0x0] =	wrdreg $0x0  }
0xa5: {  	s3 =	sshll.u32 s25, $0x1;
	[dreg:$0x2] =	wrdreg s1  }
0xa6: {  	[dreg:$0x3] =	wrdreg s3  }
0xa7: {  	[dreg:$0x4] =	wrdreg $0xC0  }
0xa8: {  	_ =	task [dreg:s5], $0x5FFFF  }
0xa9: {  	[dreg:$0x1] =	wrdreg $0xFFFFFFFF  }
0xaa: {  	[dreg:$0x0] =	wrdreg $0x60  }
0xab: {  	[dreg:$0x2] =	wrdreg s0  }
0xac: {  	[dreg:$0x3] =	wrdreg s22  }
0xad: {  	[dreg:$0x4] =	wrdreg $0x9  }
0xae: {  	_ =	task.clear_ibuf [dreg:s5], $0x5FFFF;
	_ =	strace $0x9000004C  }
0xaf: {  	s26 =	simm.s32 $0x9;
	_ =	strace $0x8000004E  }
0xb0: {  	_ =	swait.ge [sflag:s26], $0x1  }
0xb1: {  	[sflag:s26] =	ssyncadd.s32 $0xFFFFFFFF  }
0xb2: {  	_ =	strace $0x9000004E  }
0xb3: {  	_ =	sfence  }
0xb4: {  	s28 =	sld [smem:$0x0];
	_ =	sdelay $0x1  }
0xb5: {  	s29 =	srdreg.scid  }
0xb6: {  	s30 =	sshll.u32 s29, $0xD;
	s31 =	sshrl.u32 s29, $0x2  }
0xb7: {  	s2 =	sand.u32 $0x4000, s30;
	s1 =	sand.u32 $0x1, s29;
	s0 =	sadd.s32 s31, s28  }
0xb8: {  	s1 =	sor.u32 s2, s1;
	s0 =	sshll.u32 s0, $0x11  }
0xb9: {  	s0 =	sor.u32 s0, s1  }
0xba: {  	s0 =	sadd.s32 $0x8F2B, s0  }
0xbb: {  	[sflag:s0] =	ssyncadd.remote.s32 $0x1  }
0xbc: {  	_ =	sfence.sel $0xFFFF  }
0xbd: {  	[dreg:$0x0] =	wrdreg $0xFFFFFFFF;
	(pc) =	sbr.abs _section_cstart, $3  }
0xbe: {  	[dreg:$0x1] =	wrdreg $0xFFFFFFFF  }
0xbf: {  	_ =	task.clear_ibuf [dreg:s5], $0x2FFFF;
	_ =	strace $0x9FFFFFFF  }
0xc0: {  	(tm) =	ssettm $0x7FFFFFFF  }
0xc1: {  	_ =	shalt  }
tec
execute0_lowered:
.L_overlay_start_1:
0x0: {  	(tag) =	ssettag $0x1  }
0x1: {  	s1 =	rddreg [dreg:$0x0]  }
0x2: {  	s0 =	rddreg [dreg:$0x1];
	_ =	strace $0x8000004D;
	s2 =	simm.s32 $0x1  }
0x3: {  	s8 =	simm.s32 $0x88;
	v0 =	vimm.s32 $0x0;
	[sflag:s2] =	ssyncpa.u1 $0x0  }
0x4: {  	[tilespmem:s8+$0x30] =	vst v0  }
0x5: {  	s3 =	sadd.s32 $0x3C400, s0;
	[tilespmem:s8+$0x20] =	vst v0  }
0x6: {  	s4 =	sadd.s32 $0x50800, s0;
	s5 =	sadd.s32 $0x46600, s0;
	s0 =	simm.s32 $0x40;
	[tilespmem:s8+$0x10] =	vst v0  }
.LBB2_1:
0x7: {  	s0 =	sadd.s32 $0x40, s0  }
0x8: {  	[tilespmem:s8+$0x0] =	vst v0;
	s8 =	sadd.s32 $0x40, s8;
	p0 =	slt.u32 s0, $0x5040  }
.Ltmp0:
0x9: {  	(pc) =	sbr.rel @p0 .LBB2_1-.Ltmp0, $4  }
0xa: {  	_ = 	snop  }
0xb: {  	[tilespmem:s8+$0x30] =	vst v0  }
0xc: {  	[tilespmem:s8+$0x20] =	vst v0  }
0xd: {  	[tilespmem:s8+$0x10] =	vst v0  }
0xe: {  	s9 =	stileid.u32  }
0xf: {  	s0 =	smin.u32 s9, $0x8;
	s2 =	sshll.u32 s9, $0x6  }
0x10: {  	s0 =	sor.u32 s0, s2  }
0x11: {  	p0 =	slt.u32 s9, $0x8;
	s6 =	smul.u32 $0x140, s0;
	s0 =	simm.s32 $0x5140  }
0x12: {  	s0 =	simm.s32 @!p0 $0x5000  }
0x13: {  	s0 =	sadd.s32 s0, s6  }
0x14: {  	s7 =	smin.u32 s0, $0x50910  }
0x15: {  	s0 =	ssub.s32 s7, s6  }
0x16: {  	p0 =	sgt.s32 s0, $0x0  }
0x17: {  	s0 =	simm.s32 @!p0 $0x0  }
0x18: {  	s29 =	simm.s32 $0x2;
	s10 =	simm.s32 $0x7;
	s28 =	smulhi.u32 $0x66666667, s0  }
0x19: {  	s31 =	simm.s32 $0x8;
	s11 =	simm.s32 $0x1;
	s15 =	simm.s32 $0x0  }
0x1a: {  	p1 =	por $0x0, $0x0;
	s16 =	simm.s32 $0xA;
	s2 =	sshrl.u32 s28, $0x7  }
0x1b: {  	s20 =	simm.s32 $0x0;
	s17 =	simm.s32 $0x0;
	s30 =	smul.u32 $0x140, s2  }
.Ltmp1:
0x1c: {  	[tilespmem:s8+$0x0] =	vst v0;
	v0 =	vimm.s32 $0xFFFFFFFF;
	s19 =	simm.s32 $0x0;
	[sflag:s29] =	ssyncpa.u1 $0x0;
	(pc) =	sbr.rel .LBB2_3-.Ltmp1, $4  }
0x1d: {  	[tilespmem:$0xA108] =	vst v0;
	[sflag:s10] =	ssyncpa.u1 $0x0;
	p0 =	sne.s32 s0, s30;
	s0 =	simm.s32 $0x1  }
0x1e: {  	s10 =	simm.s32 $0x9;
	[sflag:s31] =	ssyncpa.u1 $0x0;
	s0 =	simm.s32 @!p0 $0x0  }
0x1f: {  	s13 =	sshll.u32 s9, $0x7;
	[sflag:s10] =	ssyncpa.u1 $0x0;
	s12 =	sadd.s32 s0, s2  }
0x20: {  	v0 =	vlaneseq.u32;
	s18 =	smov.u32 s6;
	p0 =	por $0x1, $0x1;
	s14 =	sadd.s32 $0x1, s12  }
.LBB2_24:
0x21: {  	s0 =	sshrl.u32 s29, $0x2  }
.LBB2_26:
0x22: {  	_ =	swait.ge [sflag:s16], s0  }
0x23: {  	s31 =	ssub.s32 $0x0, s0;
	v1 =	vmov s22;
	vm0 =	veq.s32 v0, $0x0;
	[sflag:s16] =	ssyncset.done $0x0  }
0x24: {  	vm15 =	veq.s32 v0, $0x2;
	v1 =	vsel vm0, s28, v1;
	[sflag:s16] =	ssyncadd.s32 s31  }
0x25: {  	v1 =	vsel vm15, s20, v1;
	[sflag:s16] =	ssyncpa.u1 $0x1  }
0x26: {  	[tilespmem:$0xA108] =	vst v1  }
.LBB2_27:
0x27: {  	s0 =	sadd.s32 $0x140, s18  }
0x28: {  	s2 =	smov.u32 s6;
	p2 =	slt.s32 s0, s7  }
0x29: {  	s2 =	smov.u32 @p2 s0;
	p2 =	sne.s32 s19, s14  }
.Ltmp2:
0x2a: {  	_ = 	snop;
	(pc) =	sbr.rel @!p2 .LBB2_28-.Ltmp2, $4  }
0x2b: {  	_ = 	snop  }
0x2c: {  	s20 =	smov.u32 s17  }
0x2d: {  	s31 =	sadd.s32 $0x1, s19;
	s17 =	smov.u32 s18;
	p0 =	por !p0, !p0  }
0x2e: {  	p1 =	por !p1, !p1;
	s19 =	smov.u32 s31;
	s18 =	smov.u32 s2  }
.LBB2_3:
0x2f: {  	p2 =	sge.u32 s19, s12  }
0x30: {  	s0 =	smulhi.u32 @!p2 $0xAAAAAAAB, s19  }
0x31: {  	s2 =	smov.u32 s18;
	p3 =	sgt.s32 @!p2 s18, $0x507D0  }
0x32: {  	s8 =	sshra.s32 @!p2 s18, $0x1F;
	p3 =	por !p3, p2;
	s0 =	sshrl.u32 @!p2 s0, $0x1  }
0x33: {  	s8 =	sand.u32 @!p2 s8, s18;
	s2 =	simm.s32 @p3 $0x507D0;
	s0 =	smul.u32 @!p2 $0x3, s0  }
0x34: {  	s2 =	ssub.s32 @!p2 s2, s8  }
0x35: {  	s22 =	sadd.s32 $0xFFFFFFFF, s19;
	s2 =	sadd.s32 @!p2 $0xFFFAF830, s2;
	s0 =	ssub.s32 @!p2 s19, s0  }
0x36: {  	s8 =	sshll.u32 @!p2 s2, $0x2;
	p3 =	sgt.s32 @!p2 s2, $0x13F;
	s0 =	smul.u32 @!p2 $0x500, s0  }
0x37: {  	s21 =	sand.u32 @!p2 $0x7, s18;
	s2 =	ssub.s32 @!p2 $0x500, s8;
	p3 =	por !p3, p2  }
0x38: {  	s8 =	sshrl.u32 @!p2 s18, $0x3;
	s2 =	sshrl.u32 @!p2 s2, $0x2;
	s0 =	sshrl.u32 @!p2 s0, $0x2  }
0x39: {  	s8 =	sadd.s32 @!p2 s5, s8;
	s2 =	simm.s32 @!p3 $0x0;
	s0 =	sadd.s32 @!p2 $0xA938, s0  }
0x3a: {  	[tilespmem:s0], [sflag:$0x8] =	stream.linear.gather @!p2 [hbm4b:s8+s21], s2, $0x38;
	[tilespmem:$0x1EF78] =	vst v63  }
0x3b: {  	p2 =	sge.u32 s22, s12  }
0x3c: {  	p3 =	sgt.s32 @!p2 s17, $0x507D0  }
0x3d: {  	s0 =	smov.u32 s17;
	s2 =	sshra.s32 @!p2 s17, $0x1F;
	p3 =	por !p3, p2  }
0x3e: {  	s2 =	sand.u32 @!p2 s2, s17;
	s0 =	simm.s32 @p3 $0x507D0  }
0x3f: {  	s0 =	ssub.s32 @!p2 s0, s2  }
0x40: {  	s0 =	sadd.s32 @!p2 $0xFFFAF830, s0  }
0x41: {  	s2 =	sshll.u32 @!p2 s0, $0x2  }
0x42: {  	p3 =	sgt.s32 @!p2 s0, $0x13F;
	s0 =	ssub.s32 @!p2 $0x500, s2  }
0x43: {  	p3 =	por !p3, p2;
	s0 =	sshrl.u32 @!p2 s0, $0x2  }
0x44: {  	s8 =	simm.s32 @!p2 $0x8;
	s2 =	sand.u32 @!p2 $0x1, s22;
	s0 =	simm.s32 @!p3 $0x0  }
0x45: {  	s2 =	smul.u32 @!p2 $0x500, s2;
	_ =	swait.ge @!p2 [sflag:s8], s0  }
0x46: {  	s21 =	ssub.s32 @!p2 $0x0, s0;
	[sflag:s8] =	ssyncset.done @!p2 $0x0  }
0x47: {  	s2 =	sshrl.u32 @!p2 s2, $0x2;
	[sflag:s8] =	ssyncadd.s32 @!p2 s21;
	s8 =	sshrl.u32 @!p2 s17, $0x3  }
0x48: {  	s2 =	sadd.s32 @!p2 $0xACF8, s2;
	s21 =	sand.u32 @!p2 $0x7, s17;
	s8 =	sadd.s32 @!p2 s3, s8  }
0x49: {  	[tilespmem:s2], [sflag:$0x9] =	stream.linear.gather @!p2 [hbm4b:s8+s21], s0, $0x38;
	[tilespmem:$0x1EF78] =	vst v63  }
0x4a: {  	s21 =	ssub.s32 @!p2 $0x50910, s17  }
0x4b: {  	p3 =	slt.s32 @!p2 s21, $0x1  }
0x4c: {  	p3 =	por p2, p3  }
.Ltmp3:
0x4d: {  	_ = 	snop;
	(pc) =	sbr.rel @p3 .LBB2_9-.Ltmp3, $1  }
0x4e: {  	_ =	sdelay $0x3  }
0x4f: {  	s0 =	smulhi.u32 $0xAAAAAAAB, s22;
	_ =	sdelay $0x1  }
0x50: {  	s0 =	sshrl.u32 s0, $0x1  }
0x51: {  	s0 =	smul.u32 $0x3, s0;
	_ =	sdelay $0x1  }
0x52: {  	s0 =	ssub.s32 s22, s0  }
0x53: {  	s2 =	simm.s32 $0x1;
	s0 =	smul.u32 $0x500, s0  }
.Ltmp4:
0x54: {  	s2 =	simm.s32 @!p0 $0x0;
	(pc) =	sbr.rel .LBB2_6-.Ltmp4, $4  }
0x55: {  	s2 =	smul.u32 $0x28000, s2  }
0x56: {  	p3 =	slt.s32 @!p2 s21, $0x140;
	s0 =	sshrl.u32 s0, $0x2  }
0x57: {  	p2 =	por !p3, p2;
	s2 =	sshrl.u32 s2, $0x2;
	s0 =	sadd.s32 $0xA938, s0  }
0x58: {  	s23 =	simm.s32 $0x0;
	s21 =	simm.s32 @p2 $0x140;
	s22 =	sadd.s32 $0xAF78, s2;
	v1 =	vmov s0  }
.LBB2_5:
0x59: {  	p2 =	sge.s32 s23, s21  }
.Ltmp5:
0x5a: {  	_ = 	snop;
	(pc) =	sbr.rel @p2 .LBB2_9-.Ltmp5, $2  }
0x5b: {  	_ =	sdelay $0x2  }
0x5c: {  	s22 =	sadd.s32 $0x800, s22  }
.LBB2_6:
0x5d: {  	p2 =	sle.s32 s21, s23  }
.Ltmp6:
0x5e: {  	_ = 	snop;
	(pc) =	sbr.rel @p2 .LBB2_5-.Ltmp6, $2  }
0x5f: {  	_ =	sdelay $0x2  }
0x60: {  	s24 =	smov.u32 s23;
	s23 =	sadd.s32 $0x10, s23  }
0x61: {  	s0 =	ssub.s32 s21, s24  }
0x62: {  	p2 =	slt.s32 s0, $0x10  }
0x63: {  	s0 =	simm.s32 @!p2 $0x10  }
0x64: {  	v2 =	vmov s0  }
0x65: {  	vm0 =	vgt.s32 v2, v0;
	_ =	sdelay $0x5  }
0x66: {  	v2 =	vld.idx.msk [tilespmem:v1+s24+$0x0 ss:$0x1], vm0;
	_ =	sdelay $0x2  }
0x67: {  	p2 =	slt.s32 s23, s21;
	s0 =	smov.u32 s21  }
0x68: {  	s2 =	smov.u32 s22;
	s25 =	simm.s32 $0x0;
	s0 =	smov.u32 @p2 s23  }
.LBB2_8:
0x69: {  	(v2sf) =	vpush v2, s25;
	_ =	sdelay $0xc  }
0x6a: {  	s25 =	sadd.s32 $0x1, s25  }
0x6b: {  	s31 =	sadd.s32 s25, s24  }
0x6c: {  	p2 =	slt.s32 s31, s0;
	s8 =	spop (v2sf)  }
.Ltmp7:
0x6d: {  	s8 =	sshll.u32 s8, $0x4;
	(pc) =	sbr.rel @p2 .LBB2_8-.Ltmp7, $4  }
0x6e: {  	s8 =	sand.u32 $0x1FFFFFF0, s8  }
0x6f: {  	s8 =	sadd.s32 s4, s8  }
0x70: {  	[tilespmem:s2], [sflag:$0x7] =	stream.linear.gather [hbm4b:s8+s15], $0x40, $0x38;
	[tilespmem:$0x1EF78] =	vst v63  }
0x71: {  	s2 =	sadd.s32 $0x80, s2  }
.Ltmp8:
0x72: {  	_ = 	snop;
	(pc) =	sbr.rel .LBB2_5-.Ltmp8, $1  }
0x73: {  	_ =	sdelay $0x3  }
.LBB2_9:
0x74: {  	p2 =	slt.u32 s19, $0x2  }
.Ltmp9:
0x75: {  	_ = 	snop;
	(pc) =	sbr.rel @p2 .LBB2_27-.Ltmp9, $1  }
0x76: {  	_ =	sdelay $0x3  }
0x77: {  	p2 =	sgt.s32 s20, $0x507D0;
	s0 =	smov.u32 s20  }
0x78: {  	s2 =	sshra.s32 s20, $0x1F;
	s8 =	ssub.s32 $0x50910, s20;
	s0 =	simm.s32 @!p2 $0x507D0  }
0x79: {  	s2 =	sand.u32 s2, s20;
	p2 =	slt.s32 s8, $0x140;
	s21 =	smov.u32 s8  }
0x7a: {  	s0 =	ssub.s32 s0, s2;
	s21 =	simm.s32 @!p2 $0x140  }
0x7b: {  	s0 =	sadd.s32 $0xFFFAF830, s0;
	s26 =	sshll.u32 s21, $0x6  }
0x7c: {  	s9 =	simm.s32 $0x7;
	s29 =	sshll.u32 s0, $0x2;
	s2 =	sand.u32 $0x3FFFFFC0, s26  }
0x7d: {  	p2 =	sgt.s32 s0, $0x13F;
	s30 =	ssub.s32 $0x500, s29;
	_ =	swait.ge [sflag:s9], s2  }
0x7e: {  	s2 =	ssub.s32 $0x0, s2;
	[sflag:s9] =	ssyncset.done $0x0;
	s0 =	sshrl.u32 s30, $0x2  }
0x7f: {  	[sflag:s9] =	ssyncadd.s32 s2;
	s0 =	simm.s32 @p2 $0x0  }
0x80: {  	_ =	swait.ge [sflag:s10], s0  }
0x81: {  	s0 =	ssub.s32 $0x0, s0;
	[sflag:s10] =	ssyncset.done $0x0  }
0x82: {  	[sflag:s10] =	ssyncadd.s32 s0  }
0x83: {  	v1 =	vld [tilespmem:$0xA108];
	_ =	sdelay $0x4  }
0x84: {  	(v2sf) =	vpush v1, $0x0  }
0x85: {  	(v2sf) =	vpush v1, $0x1  }
0x86: {  	(v2sf) =	vpush v1, $0x2;
	_ =	sdelay $0x3  }
0x87: {  	s0 =	sadd.s32 $0x140, s20  }
0x88: {  	p2 =	slt.s32 s7, s0  }
0x89: {  	s0 =	smov.u32 @p2 s7;
	p2 =	sgt.s32 s8, $0x0  }
0x8a: {  	s24 =	ssub.s32 s0, s20;
	s8 =	simm.s32 @!p2 $0x0  }
0x8b: {  	p2 =	slt.s32 s8, s24  }
0x8c: {  	s24 =	smov.u32 @p2 s8  }
0x8d: {  	s23 =	simm.s32 $0x1;
	p2 =	slt.s32 s24, $0x1  }
.Ltmp10:
0x8e: {  	s23 =	simm.s32 @!p1 $0x0;
	(pc) =	sbr.rel @p2 .LBB2_14-.Ltmp10, $4  }
0x8f: {  	s31 =	smul.u32 $0x500, s23  }
0x90: {  	s25 =	spop (v2sf)  }
0x91: {  	s0 =	sshrl.u32 s31, $0x2;
	s28 =	spop (v2sf)  }
0x92: {  	s21 =	sadd.s32 $0xACF8, s0;
	s20 =	spop (v2sf)  }
0x93: {  	s0 =	smin.u32 s24, $0x10  }
0x94: {  	v1 =	vmov s0  }
0x95: {  	p3 =	sgt.s32 s24, $0x10;
	vm1 =	vgt.u32 v1, v0  }
.Ltmp11:
0x96: {  	_ = 	snop;
	(pc) =	sbr.rel @!p3 .LBB2_13-.Ltmp11, $2  }
0x97: {  	_ =	sdelay $0x2  }
0x98: {  	s26 =	simm.s32 $0x10;
	s29 =	sadd.s32 $0xFFFFFFF0, s24;
	s22 =	smov.u32 s21;
	vm0 =	vmmov vm1  }
.LBB2_12:
0x99: {  	s0 =	smin.u32 s29, $0x10;
	s26 =	sadd.s32 $0x10, s26;
	v1 =	vld.msk [tilespmem:s22+$0x0 ss:$0x1], vm1  }
0x9a: {  	v2 =	vmov s0;
	p3 =	slt.s32 s26, s24  }
0x9b: {  	vm1 =	vgt.u32 v2, v0  }
.Ltmp12:
0x9c: {  	(pc) =	sbr.rel @p3 .LBB2_12-.Ltmp12, $3  }
0x9d: {  	_ =	sdelay $0x1  }
0x9e: {  	v1 =	vshll.u32 v1, $0x4  }
0x9f: {  	s29 =	sadd.s32 $0xFFFFFFF0, s29;
	[tilespmem:s22+$0x0] =	vst.msk vm0, v1;
	s22 =	sadd.s32 $0x10, s22;
	vm0 =	vmmov vm1  }
.LBB2_13:
0xa0: {  	_ =	sdelay $0x4  }
0xa1: {  	v1 =	vld.msk [tilespmem:s22+$0x0 ss:$0x1], vm1;
	_ =	sdelay $0x4  }
0xa2: {  	v1 =	vshll.u32 v1, $0x4  }
0xa3: {  	[tilespmem:s22+$0x0] =	vst.msk vm0, v1  }
.LBB2_14:
0xa4: {  	s0 =	sand.u32 $0x1, s19  }
0xa5: {  	s0 =	smul.u32 $0x140, s0  }
0xa6: {  	p3 =	sne.s32 s28, $0xFFFFFFFF  }
0xa7: {  	v1 =	vld.msk @!p3 [tilespmem:s0+$0xACF8], $0x1;
	_ =	sdelay $0x4  }
0xa8: {  	(v2sf) =	vpush @!p3 v1, $0x0;
	_ =	sdelay $0xc  }
.Ltmp13:
0xa9: {  	_ = 	snop;
	(pc) =	sbr.rel @p2 .LBB2_25-.Ltmp13, $4  }
0xaa: {  	_ = 	snop  }
0xab: {  	s26 =	spop @!p3 (v2sf)  }
0xac: {  	s20 =	simm.s32 @!p3 $0x0;
	s22 =	smov.u32 s26  }
0xad: {  	[sflag:s16] =	ssyncpa.u1 $0x0;
	s26 =	smov.u32 @p3 s25;
	s22 =	smov.u32 @p3 s28  }
0xae: {  	v1 =	vld.msk [tilespmem:s21+$0x0], $0x1;
	_ =	sdelay $0x4  }
0xaf: {  	(v2sf) =	vpush v1, $0x0;
	_ =	sdelay $0xe  }
0xb0: {  	s0 =	smul.u32 $0x28000, s23;
	s30 =	spop (v2sf)  }
0xb1: {  	s24 =	ssub.s32 $0x0, s24;
	p2 =	seq.s32 s26, s30  }
0xb2: {  	s28 =	sadd.s32 $0x1, s24;
	s0 =	sshrl.u32 s0, $0x2;
	p3 =	sgt.s32 @!p2 s26, $0x0  }
0xb3: {  	s23 =	sadd.s32 $0xAF98, s0;
	s0 =	smov.u32 s26;
	p3 =	por !p3, p2  }
0xb4: {  	s0 =	simm.s32 @p3 $0x0;
	p3 =	seq.s32 s28, $0x0  }
.Ltmp14:
0xb5: {  	_ = 	snop;
	(pc) =	sbr.rel @p3 .LBB2_17-.Ltmp14, $4  }
0xb6: {  	_ = 	snop  }
0xb7: {  	s25 =	simm.s32 $0x0;
	s31 =	simm.s32 @!p2 $0x1;
	s2 =	smin.u32 @!p2 s0, $0x270F8  }
0xb8: {  	s29 =	sadd.s32 $0x1, s21;
	s31 =	smov.u32 @p2 s25;
	s8 =	sand.u32 @!p2 $0x3FFF8, s2  }
0xb9: {  	s0 =	simm.s32 @!p2 $0x50C8;
	s2 =	sand.u32 @!p2 $0x7, s2;
	s8 =	sadd.s32 @!p2 s1, s8  }
.LBB2_16:
0xba: {  	s9 =	smov.u32 s31  }
0xbb: {  	[tilespmem:s0], [sflag:$0x2] =	stream.linear.gather @!p2 [hbm4b:s8+s2], $0x40, $0x38;
	[tilespmem:$0x1EF78] =	vst v63  }
0xbc: {  	s28 =	sadd.s32 $0x1, s28;
	s2 =	smov.u32 s30;
	v1 =	vld.msk [tilespmem:s29+$0x0], $0x1  }
0xbd: {  	p3 =	seq.s32 s28, $0x0;
	_ =	sdelay $0x3  }
0xbe: {  	(v2sf) =	vpush v1, $0x0;
	_ =	sdelay $0xe  }
0xbf: {  	s30 =	spop (v2sf)  }
0xc0: {  	p2 =	seq.s32 s2, s30  }
0xc1: {  	p4 =	sgt.s32 @!p2 s2, $0x0;
	s0 =	sshll.u32 @!p2 s31, $0x8;
	s31 =	sadd.s32 @!p2 $0x1, s31  }
.Ltmp15:
0xc2: {  	p4 =	por !p4, p2;
	s0 =	sshra.s32 @!p2 s0, $0x2;
	(pc) =	sbr.rel @!p3 .LBB2_16-.Ltmp15, $4  }
0xc3: {  	s31 =	smov.u32 @p2 s9;
	s2 =	simm.s32 @p4 $0x0;
	s0 =	sadd.s32 @!p2 $0x50C8, s0  }
0xc4: {  	s2 =	smin.u32 @!p2 s2, $0x270F8  }
0xc5: {  	s8 =	sand.u32 @!p2 $0x3FFF8, s2;
	s2 =	sand.u32 @!p2 $0x7, s2  }
0xc6: {  	s29 =	sadd.s32 $0x1, s29;
	s8 =	sadd.s32 @!p2 s1, s8  }
.LBB2_17:
0xc7: {  	[tilespmem:s0], [sflag:$0x2] =	stream.linear.gather @!p2 [hbm4b:s8+s2], $0x40, $0x38;
	[tilespmem:$0x1EF78] =	vst v63  }
.Ltmp16:
0xc8: {  	s30 =	sshll.u32 s31, $0x6;
	(pc) =	sbr.rel .LBB2_18-.Ltmp16, $4  }
0xc9: {  	s31 =	simm.s32 $0x2;
	s0 =	sand.u32 $0x3FFFFFC0, s30  }
0xca: {  	_ =	swait.ge [sflag:s31], s0  }
0xcb: {  	s0 =	ssub.s32 $0x0, s0;
	[sflag:s31] =	ssyncset.done $0x0  }
0xcc: {  	s29 =	simm.s32 $0x0;
	[sflag:s31] =	ssyncadd.s32 s0  }
.LBB2_19:
0xcd: {  	v1 =	vld [tilespmem:s23+$0xFFFFFFE0];
	_ =	sdelay $0x4  }
0xce: {  	[tilespmem:s30+$0x88] =	vst.add.f32.msk $0xffff, v1  }
0xcf: {  	v1 =	vld [tilespmem:s23+$0xFFFFFFF0];
	_ =	sdelay $0x4  }
0xd0: {  	[tilespmem:s30+$0x98] =	vst.add.f32.msk $0xffff, v1  }
0xd1: {  	v1 =	vld [tilespmem:s23+$0x0];
	_ =	sdelay $0x4  }
0xd2: {  	[tilespmem:s30+$0xA8] =	vst.add.f32.msk $0xffff, v1  }
0xd3: {  	v1 =	vld [tilespmem:s23+$0x10];
	_ =	sdelay $0x4  }
0xd4: {  	[tilespmem:s30+$0xB8] =	vst.add.f32.msk $0xffff, v1  }
.LBB2_23:
0xd5: {  	s24 =	sadd.s32 $0x1, s24  }
0xd6: {  	p2 =	seq.s32 s24, $0x0  }
.Ltmp17:
0xd7: {  	_ = 	snop;
	(pc) =	sbr.rel @p2 .LBB2_24-.Ltmp17, $2  }
0xd8: {  	_ =	sdelay $0x2  }
0xd9: {  	s23 =	sadd.s32 $0x80, s23;
	s21 =	sadd.s32 $0x1, s21;
	s26 =	smov.u32 s28  }
.LBB2_18:
0xda: {  	v1 =	vld.msk [tilespmem:s21+$0x0], $0x1;
	_ =	sdelay $0x4  }
0xdb: {  	(v2sf) =	vpush v1, $0x0;
	_ =	sdelay $0xe  }
0xdc: {  	s28 =	spop (v2sf)  }
0xdd: {  	p2 =	sne.s32 s26, s28  }
.Ltmp18:
0xde: {  	_ = 	snop;
	(pc) =	sbr.rel @!p2 .LBB2_19-.Ltmp18, $3  }
0xdf: {  	_ =	sdelay $0x1  }
0xe0: {  	s0 =	sshll.u32 s20, $0x8  }
0xe1: {  	s30 =	sshra.s32 s0, $0x2  }
0xe2: {  	p2 =	seq.s32 s26, s22  }
.Ltmp19:
0xe3: {  	_ = 	snop;
	(pc) =	sbr.rel @!p2 .LBB2_21-.Ltmp19, $1  }
0xe4: {  	_ =	sdelay $0x3  }
.Ltmp20:
0xe5: {  	s0 =	sadd.s32 $0x88, s30;
	(pc) =	sbr.rel .LBB2_22-.Ltmp20, $4  }
0xe6: {  	[spmem:s13] =	stream.linear.scatter [tilespmem:s0], [sflag:$0x1], $0x40, $0x38;
	[tilespmem:$0x1EF78] =	vst v63  }
0xe7: {  	_ =	swait.ge [sflag:s11], $0x40  }
0xe8: {  	[sflag:s11] =	ssyncset.done $0x0  }
0xe9: {  	[sflag:s11] =	ssyncadd.s32 $0xFFFFFFC0  }
.LBB2_21:
0xea: {  	s0 =	sshll.u32 s25, $0x8  }
0xeb: {  	s0 =	sshra.s32 s0, $0x2  }
0xec: {  	v1 =	vld [tilespmem:s0+$0x50C8];
	_ =	sdelay $0x4  }
0xed: {  	[tilespmem:s30+$0x88] =	vst.add.f32.msk $0xffff, v1  }
0xee: {  	v1 =	vld [tilespmem:s0+$0x50D8];
	_ =	sdelay $0x4  }
0xef: {  	[tilespmem:s30+$0x98] =	vst.add.f32.msk $0xffff, v1  }
0xf0: {  	v1 =	vld [tilespmem:s0+$0x50E8];
	_ =	sdelay $0x4  }
0xf1: {  	[tilespmem:s30+$0xA8] =	vst.add.f32.msk $0xffff, v1  }
0xf2: {  	v1 =	vld [tilespmem:s0+$0x50F8];
	_ =	sdelay $0x2  }
0xf3: {  	p2 =	sgt.u32 s26, $0x270F8  }
0xf4: {  	s0 =	sand.u32 @!p2 $0x3FFF8, s26  }
0xf5: {  	s2 =	sadd.s32 $0x88, s30;
	s8 =	sand.u32 @!p2 $0x7, s26;
	s0 =	sadd.s32 @!p2 s1, s0;
	[tilespmem:s30+$0xB8] =	vst.add.f32.msk $0xffff, v1  }
0xf6: {  	[hbm4b:s0+s8] =	stream.linear.scatter @!p2 [tilespmem:s2], [sflag:$0xA], $0x40, $0x38;
	[tilespmem:$0x1EF78] =	vst v63  }
0xf7: {  	s0 =	simm.s32 $0x0  }
0xf8: {  	s0 =	simm.s32 @!p2 $0x100  }
0xf9: {  	s29 =	sadd.s32 s0, s29  }
.LBB2_22:
0xfa: {  	s0 =	sadd.s32 $0x1, s20  }
0xfb: {  	s2 =	smulhi.u32 $0xCCCCCCCD, s0;
	_ =	sdelay $0x1  }
0xfc: {  	v1 =	vld [tilespmem:s23+$0xFFFFFFE0];
	s2 =	sshrl.u32 s2, $0x8  }
0xfd: {  	s2 =	smul.u32 $0x140, s2;
	_ =	sdelay $0x1  }
0xfe: {  	s20 =	ssub.s32 s0, s2  }
0xff: {  	s0 =	sshll.u32 s20, $0x6  }
0x100: {  	[tilespmem:s0+$0x88] =	vst v1  }
0x101: {  	v1 =	vld [tilespmem:s23+$0xFFFFFFF0];
	_ =	sdelay $0x4  }
0x102: {  	[tilespmem:s0+$0x98] =	vst v1  }
0x103: {  	v1 =	vld [tilespmem:s23+$0x0];
	_ =	sdelay $0x4  }
0x104: {  	[tilespmem:s0+$0xA8] =	vst v1  }
0x105: {  	v1 =	vld [tilespmem:s23+$0x10]  }
.Ltmp21:
0x106: {  	_ = 	snop;
	(pc) =	sbr.rel .LBB2_23-.Ltmp21, $2  }
0x107: {  	_ =	sdelay $0x2  }
0x108: {  	s25 =	sadd.s32 $0x1, s25;
	[tilespmem:s0+$0xB8] =	vst v1  }
.LBB2_25:
.Ltmp22:
0x109: {  	(pc) =	sbr.rel .LBB2_26-.Ltmp22, $4  }
0x10a: {  	_ = 	snop  }
0x10b: {  	s0 =	simm.s32 $0x2  }
0x10c: {  	_ =	swait.ge [sflag:s0], $0x0  }
0x10d: {  	s28 =	smov.u32 s26;
	[sflag:s0] =	ssyncset.done $0x0;
	s0 =	simm.s32 $0x0  }
.LBB2_28:
0x10e: {  	_ =	sfence.sel $0x180000  }
0x10f: {  	s0 =	simm.s32 $0x7;
	[bflag:$0x0] =	sbarrier.arrive $0xFFFF  }
0x110: {  	s25 =	simm.s32 $0x8;
	[sflag:s0] =	ssyncpa.u1 $0x1  }
0x111: {  	s26 =	simm.s32 $0x9;
	[sflag:s25] =	ssyncpa.u1 $0x1  }
0x112: {  	s28 =	simm.s32 $0x2;
	[sflag:s26] =	ssyncpa.u1 $0x1  }
0x113: {  	[sflag:s28] =	ssyncpa.u1 $0x1  }
0x114: {  	v0 =	vld [tilespmem:$0xA108];
	_ =	sdelay $0x4  }
0x115: {  	(v2sf) =	vpush v0, $0x0  }
0x116: {  	(v2sf) =	vpush v0, $0x1;
	_ =	sdelay $0x1  }
0x117: {  	(v2sf) =	vpush v0, $0x2;
	_ =	sdelay $0xb  }
0x118: {  	s0 =	spop (v2sf)  }
0x119: {  	s2 =	spop (v2sf)  }
0x11a: {  	s3 =	smov.u32 s0;
	p0 =	sne.s32 s0, s2  }
0x11b: {  	s4 =	spop (v2sf);
	s3 =	simm.s32 @!p0 $0xFFFFFFFF  }
0x11c: {  	v2 =	vimm.s32 $0x1;
	v3 =	vlaneseq.u32;
	p0 =	seq.s32 s4, $0xFFFFFFFF;
	v1 =	vmov s3  }
0x11d: {  	s7 =	stileid.u32;
	v0 =	vperm.xlane v0, v2;
	p1 =	sne.s32 @!p0 s0, s2;
	v1 =	vperm.xlane v1, v3  }
0x11e: {  	vm0 =	vcmask $0x3F04;
	s6 =	simm.s32 $0xA108;
	s0 =	simm.s32 @!p0 $0x1;
	p1 =	por !p1, p0  }
0x11f: {  	s3 =	sshll.u32 s7, $0x1;
	s2 =	sshll.u32 @!p0 s4, $0x8;
	s0 =	simm.s32 @p1 $0x0;
	v0 =	vsel vm0, v1, v0  }
0x120: {  	s5 =	sor.u32 $0x800, s3;
	s2 =	sshra.s32 @!p0 s2, $0x2;
	s0 =	sor.u32 @!p0 s0, s3;
	[tilespmem:$0xA108] =	vst v0  }
0x121: {  	[spmem:s5] =	stream.linear.scatter [tilespmem:s6], [sflag:$0x1], $0x2, $0x38;
	[tilespmem:$0x1EF78] =	vst v63  }
0x122: {  	s2 =	sadd.s32 @!p0 $0x88, s2;
	s0 =	sshll.u32 @!p0 s0, $0x6  }
0x123: {  	[spmem:s0] =	stream.linear.scatter @!p0 [tilespmem:s2], [sflag:$0x1], $0x40, $0x38;
	[tilespmem:$0x1EF78] =	vst v63  }
0x124: {  	s2 =	simm.s32 @!p0 $0x42  }
0x125: {  	s0 =	simm.s32 $0x1;
	s2 =	simm.s32 @p0 $0x2  }
0x126: {  	_ =	swait.ge [sflag:s0], s2  }
0x127: {  	s2 =	ssub.s32 $0x0, s2;
	[sflag:s0] =	ssyncset.done $0x0  }
0x128: {  	[sflag:s0] =	ssyncadd.s32 s2  }
0x129: {  	_ =	sfence.stream.spmem  }
0x12a: {  	s29 =	simm.s32 $0x3;
	[bflag:$0x0] =	sbarrier.arrive $0xFFFF  }
0x12b: {  	s30 =	simm.s32 $0x4;
	[sflag:s29] =	ssyncpa.u1 $0x1  }
0x12c: {  	s31 =	simm.s32 $0x3C;
	[sflag:s30] =	ssyncpa.u1 $0x1  }
0x12d: {  	p0 =	sne.s32 s7, $0x0;
	[sflag:s31] =	ssyncpa.u1 $0x1  }
0x12e: {  	_ =	sfence @p0  }
0x12f: {  	[sflag:s0] =	ssyncpa.u1 @p0 $0x1  }
0x130: {  	_ =	strace @p0 $0x9000004D  }
0x131: {  	[bflag:$0x2] =	sbarrier.arrive @p0 $0xFFFF  }
0x132: {  	_ =	shalt @p0  }
.LBB2_29:
0x133: {  	_ =	sfence.stream.spmem;
	s0 =	simm.s32 $0x5  }
0x134: {  	s2 =	simm.s32 $0x800;
	s3 =	simm.s32 $0xA118;
	[sflag:s0] =	ssyncpa.u1 $0x0  }
0x135: {  	[tilespmem:s3], [sflag:$0x5] =	stream.linear.gather [spmem:s2], $0x20, $0x38;
	[tilespmem:$0x1EF78] =	vst v63  }
0x136: {  	s30 =	simm.s32 $0xA138;
	s2 =	simm.s32 $0x0  }
0x137: {  	[tilespmem:s30], [sflag:$0x5] =	stream.linear.gather [spmem:s2], $0x800, $0x38;
	[tilespmem:$0x1EF78] =	vst v63  }
.Ltmp23:
0x138: {  	_ = 	snop;
	(pc) =	sbr.rel .LBB2_30-.Ltmp23, $4  }
0x139: {  	_ =	swait.ge [sflag:s0], $0x820  }
0x13a: {  	[sflag:s0] =	ssyncset.done $0x0  }
0x13b: {  	s31 =	simm.s32 $0x6;
	[sflag:s0] =	ssyncadd.s32 $0xFFFFF7E0  }
0x13c: {  	s3 =	simm.s32 $0x0;
	[sflag:s31] =	ssyncpa.u1 $0x0  }
.LBB2_36:
0x13d: {  	p0 =	slt.u32 s4, $0x270F9  }
0x13e: {  	s0 =	sand.u32 @p0 $0x3FFF8, s4  }
0x13f: {  	s4 =	sand.u32 @p0 $0x7, s4;
	s5 =	simm.s32 @p0 $0xA0C8;
	s0 =	sadd.s32 @p0 s1, s0  }
0x140: {  	[tilespmem:s5], [sflag:$0x6] =	stream.linear.gather @p0 [hbm4b:s0+s4], $0x40, $0x38;
	[tilespmem:$0x1EF78] =	vst v63  }
0x141: {  	s0 =	simm.s32 @p0 $0x6  }
0x142: {  	_ =	swait.ge @p0 [sflag:s0], $0x40  }
0x143: {  	[sflag:s0] =	ssyncset.done @p0 $0x0  }
0x144: {  	[sflag:s0] =	ssyncadd.s32 @p0 $0xFFFFFFC0  }
0x145: {  	v1 =	vld @p0 [tilespmem:$0xA0C8];
	_ =	sdelay $0x2  }
0x146: {  	s0 =	sshll.u32 @p0 s3, $0x8  }
0x147: {  	s4 =	sshrl.u32 @p0 s0, $0x2  }
0x148: {  	[tilespmem:s4+$0xA138] =	vst.add.f32.msk @p0 $0xffff, v1  }
0x149: {  	v1 =	vld @p0 [tilespmem:$0xA0D8];
	_ =	sdelay $0x4  }
0x14a: {  	[tilespmem:s4+$0xA148] =	vst.add.f32.msk @p0 $0xffff, v1  }
0x14b: {  	v1 =	vld @p0 [tilespmem:$0xA0E8];
	_ =	sdelay $0x4  }
0x14c: {  	[tilespmem:s4+$0xA158] =	vst.add.f32.msk @p0 $0xffff, v1  }
0x14d: {  	v1 =	vld @p0 [tilespmem:$0xA0F8];
	_ =	sdelay $0x3  }
0x14e: {  	s5 =	sshll.u32 @!p0 s3, $0x8  }
0x14f: {  	s5 =	smov.u32 @p0 s0;
	[tilespmem:s4+$0xA168] =	vst.add.f32.msk @p0 $0xffff, v1  }
0x150: {  	s0 =	sshrl.u32 s5, $0x2;
	[tilespmem:s2+$0xA118] =	vst.msk $0x1, v0  }
0x151: {  	v0 =	vld [tilespmem:s0+$0xA138];
	_ =	sdelay $0x2  }
0x152: {  	s31 =	sshll.u32 s2, $0x8  }
0x153: {  	s4 =	sshra.s32 s31, $0x2  }
0x154: {  	[tilespmem:s4+$0xA138] =	vst v0  }
0x155: {  	v0 =	vld [tilespmem:s0+$0xA148];
	_ =	sdelay $0x4  }
0x156: {  	[tilespmem:s4+$0xA148] =	vst v0  }
0x157: {  	v0 =	vld [tilespmem:s0+$0xA158];
	_ =	sdelay $0x4  }
0x158: {  	[tilespmem:s4+$0xA158] =	vst v0  }
0x159: {  	v0 =	vld [tilespmem:s0+$0xA168];
	_ =	sdelay $0x4  }
0x15a: {  	s2 =	sadd.s32 $0x1, s2;
	[tilespmem:s4+$0xA168] =	vst v0  }
.LBB2_37:
0x15b: {  	s3 =	sadd.s32 $0x1, s3  }
0x15c: {  	p0 =	sne.s32 s3, $0x20  }
.Ltmp24:
0x15d: {  	_ = 	snop;
	(pc) =	sbr.rel @!p0 .LBB2_38-.Ltmp24, $1  }
0x15e: {  	_ =	sdelay $0x3  }
.LBB2_30:
0x15f: {  	v0 =	vld.msk [tilespmem:s3+$0xA118], $0x1;
	_ =	sdelay $0x4  }
0x160: {  	(v2sf) =	vpush v0, $0x0;
	_ =	sdelay $0xe  }
0x161: {  	s4 =	spop (v2sf)  }
0x162: {  	p0 =	seq.s32 s4, $0xFFFFFFFF  }
.Ltmp25:
0x163: {  	_ = 	snop;
	(pc) =	sbr.rel @p0 .LBB2_37-.Ltmp25, $1  }
0x164: {  	_ =	sdelay $0x3  }
0x165: {  	p0 =	slt.s32 s2, $0x1  }
.Ltmp26:
0x166: {  	_ = 	snop;
	(pc) =	sbr.rel @p0 .LBB2_36-.Ltmp26, $1  }
0x167: {  	_ =	sdelay $0x3  }
0x168: {  	s5 =	simm.s32 $0xA118;
	p0 =	por $0x0, $0x0  }
0x169: {  	v1 =	vld.msk @!p0 [tilespmem:s5+$0x0], $0x1;
	_ =	sdelay $0x4  }
0x16a: {  	(v2sf) =	vpush @!p0 v1, $0x0;
	_ =	sdelay $0xd  }
0x16b: {  	p2 =	sne.s32 s2, $0x1  }
.Ltmp27:
0x16c: {  	s0 =	spop @!p0 (v2sf);
	(pc) =	sbr.rel @!p2 .LBB2_34-.Ltmp27, $4  }
0x16d: {  	p1 =	seq.s32 @!p0 s4, s0  }
0x16e: {  	s6 =	simm.s32 $0x0;
	p1 =	por !p1, p0  }
0x16f: {  	s0 =	simm.s32 $0xFFFFFFFF;
	s6 =	simm.s32 @p1 $0xFFFFFFFF  }
0x170: {  	s7 =	simm.s32 $0x1;
	s6 =	smov.u32 @p0 s0  }
.LBB2_33:
0x171: {  	s0 =	smov.u32 s6;
	p0 =	sne.s32 s6, $0xFFFFFFFF  }
0x172: {  	s5 =	sadd.s32 $0x1, s5;
	s6 =	smov.u32 s7;
	s7 =	sadd.s32 $0x1, s7  }
0x173: {  	p1 =	sne.s32 s2, s7;
	v1 =	vld.msk @!p0 [tilespmem:s5+$0x0], $0x1;
	_ =	sdelay $0x4  }
0x174: {  	(v2sf) =	vpush @!p0 v1, $0x0;
	_ =	sdelay $0xe  }
.Ltmp28:
0x175: {  	s8 =	spop @!p0 (v2sf);
	(pc) =	sbr.rel @p1 .LBB2_33-.Ltmp28, $4  }
0x176: {  	p2 =	seq.s32 @!p0 s4, s8  }
0x177: {  	p2 =	por !p2, p0  }
0x178: {  	s6 =	simm.s32 @p2 $0xFFFFFFFF  }
0x179: {  	s6 =	smov.u32 @p0 s0  }
.LBB2_34:
0x17a: {  	p0 =	seq.s32 s6, $0xFFFFFFFF  }
.Ltmp29:
0x17b: {  	_ = 	snop;
	(pc) =	sbr.rel @p0 .LBB2_36-.Ltmp29, $1  }
0x17c: {  	_ =	sdelay $0x3  }
0x17d: {  	s0 =	sshll.u32 s3, $0x6  }
0x17e: {  	s0 =	sand.u32 $0x3FFFFFC0, s0  }
0x17f: {  	v0 =	vld [tilespmem:s0+$0xA138];
	_ =	sdelay $0x2  }
0x180: {  	s4 =	sshll.u32 s6, $0x8  }
0x181: {  	s4 =	sshra.s32 s4, $0x2  }
0x182: {  	[tilespmem:s4+$0xA138] =	vst.add.f32.msk $0xffff, v0  }
0x183: {  	v0 =	vld [tilespmem:s0+$0xA148];
	_ =	sdelay $0x4  }
0x184: {  	[tilespmem:s4+$0xA148] =	vst.add.f32.msk $0xffff, v0  }
0x185: {  	v0 =	vld [tilespmem:s0+$0xA158];
	_ =	sdelay $0x4  }
0x186: {  	[tilespmem:s4+$0xA158] =	vst.add.f32.msk $0xffff, v0  }
0x187: {  	v0 =	vld [tilespmem:s0+$0xA168]  }
.Ltmp30:
0x188: {  	_ = 	snop;
	(pc) =	sbr.rel .LBB2_37-.Ltmp30, $2  }
0x189: {  	_ =	sdelay $0x2  }
0x18a: {  	[tilespmem:s4+$0xA168] =	vst.add.f32.msk $0xffff, v0  }
.LBB2_38:
0x18b: {  	p0 =	slt.s32 s2, $0x1  }
.Ltmp31:
0x18c: {  	_ = 	snop;
	(pc) =	sbr.rel @p0 .LBB2_42-.Ltmp31, $3  }
0x18d: {  	_ =	sdelay $0x1  }
0x18e: {  	s0 =	simm.s32 $0x6  }
0x18f: {  	s3 =	simm.s32 $0x0;
	[sflag:s0] =	ssyncpa.u1 $0x1  }
0x190: {  	s0 =	simm.s32 $0xA118  }
0x191: {  	v0 =	vld.msk [tilespmem:s0+$0x0], $0x1;
	_ =	sdelay $0x4  }
0x192: {  	(v2sf) =	vpush v0, $0x0;
	_ =	sdelay $0xe  }
0x193: {  	s2 =	sadd.s32 $0xFFFFFFFF, s2;
	s0 =	spop (v2sf)  }
0x194: {  	p1 =	sne.s32 s2, $0x0;
	p0 =	sgt.u32 s0, $0x270F8  }
.Ltmp32:
0x195: {  	s5 =	sand.u32 @!p0 $0x3FFF8, s0;
	(pc) =	sbr.rel @!p1 .LBB2_41-.Ltmp32, $4  }
0x196: {  	s4 =	simm.s32 $0xA138;
	s0 =	sand.u32 @!p0 $0x7, s0;
	s5 =	sadd.s32 @!p0 s1, s5  }
0x197: {  	[hbm4b:s5+s0] =	stream.linear.scatter @!p0 [tilespmem:s4], [sflag:$0x5], $0x40, $0x38;
	[tilespmem:$0x1EF78] =	vst v63  }
0x198: {  	s0 =	simm.s32 $0x0  }
0x199: {  	s5 =	simm.s32 $0xA119;
	s0 =	simm.s32 @!p0 $0x100  }
.LBB2_40:
0x19a: {  	v0 =	vld.msk [tilespmem:s5+$0x0], $0x1;
	s2 =	sadd.s32 $0xFFFFFFFF, s2;
	s3 =	sadd.s32 s3, s0  }
0x19b: {  	p0 =	sne.s32 s2, $0x0;
	_ =	sdelay $0x3  }
0x19c: {  	(v2sf) =	vpush v0, $0x0;
	_ =	sdelay $0xe  }
.Ltmp33:
0x19d: {  	s6 =	spop (v2sf);
	(pc) =	sbr.rel @p0 .LBB2_40-.Ltmp33, $4  }
0x19e: {  	s0 =	simm.s32 $0x0;
	p1 =	sgt.u32 s6, $0x270F8  }
0x19f: {  	s4 =	sadd.s32 $0x40, s4;
	s0 =	simm.s32 @!p1 $0x100;
	s7 =	sand.u32 @!p1 $0x3FFF8, s6  }
0x1a0: {  	s5 =	sadd.s32 $0x1, s5;
	s6 =	sand.u32 @!p1 $0x7, s6;
	s7 =	sadd.s32 @!p1 s1, s7  }
0x1a1: {  	[hbm4b:s7+s6] =	stream.linear.scatter @!p1 [tilespmem:s4], [sflag:$0x5], $0x40, $0x38;
	[tilespmem:$0x1EF78] =	vst v63  }
.LBB2_41:
0x1a2: {  	s0 =	sadd.s32 s3, s0  }
0x1a3: {  	s3 =	sshrl.u32 s0, $0x2  }
.LBB2_42:
0x1a4: {  	s0 =	simm.s32 $0x5  }
0x1a5: {  	_ =	swait.ge [sflag:s0], s3  }
0x1a6: {  	s1 =	ssub.s32 $0x0, s3;
	[sflag:s0] =	ssyncset.done $0x0  }
0x1a7: {  	[sflag:s0] =	ssyncadd.s32 s1  }
0x1a8: {  	[sflag:s0] =	ssyncpa.u1 $0x1  }
0x1a9: {  	s30 =	simm.s32 $0x1;
	_ =	sfence  }
0x1aa: {  	[sflag:s30] =	ssyncpa.u1 $0x1  }
0x1ab: {  	_ =	strace $0x9000004D  }
0x1ac: {  	[bflag:$0x2] =	sbarrier.arrive $0xFFFF  }
0x1ad: {  	s31 =	rddreg [dreg:$0x2]  }
0x1ae: {  	s0 =	sadd.s32 $0x100000, s31  }
0x1af: {  	[sflag:s0] =	ssyncadd.tile.s32 $0x1;
	_ =	shalt  }
.Lfunc_end2:
_tile_overlayer_lowered:
.L_overlay_start_2:
0x1b0: {  	(tag) =	ssettag $0x2  }
0x1b1: {  	s0 =	rddreg [dreg:$0x0];
	s2 =	stileid.u32  }
0x1b2: {  	s1 =	rddreg [dreg:$0x1];
	p0 =	sne.s32 s2, $0x0  }
0x1b3: {  	s3 =	rddreg [dreg:$0x2];
	[bflag:$0x3] =	sbarrier.arrive $0xFFFF;
	s2 =	simm.s32 @!p0 $0x1C01  }
0x1b4: {  	[timem:s3], [sflag:s2] =	dma.local @!p0 [hbm:s0], s1  }
0x1b5: {  	s0 =	simm.s32 @!p0 $0x1  }
0x1b6: {  	_ =	swait.ge @!p0 [sflag:s0], s1  }
0x1b7: {  	s1 =	ssub.s32 @!p0 $0x0, s1;
	[sflag:s0] =	ssyncset.done @!p0 $0x0  }
0x1b8: {  	[sflag:s0] =	ssyncadd.s32 @!p0 s1  }
0x1b9: {  	[bflag:$0x3] =	sbarrier.arrive $0xFFFF  }
0x1ba: {  	_ =	shalt  }

// kernel: scatter_offload_async_start.3
scs
__scs_entry_jumppad:
0x0: {  	(pc) =	sbr.rel $0x88, $3  }
0x1: {  	(tag) =	ssettag $0x0;
	lr =	simm.s32 $0x1  }
0x2: {  	[smem:$0x3F7E] =	sst lr;
	_ =	strace $0xD0000000  }
0x3: {  	_ = 	snop  }
0x4: {  	_ = 	snop  }
0x5: {  	_ = 	snop  }
0x6: {  	_ = 	snop  }
0x7: {  	_ = 	snop  }
__scs_overlays_trampoline_lowered:
0x8: {  	[smem:$0x3F8D] =	sst s0  }
0x9: {  	[smem:$0x3F8E] =	sst s1  }
0xa: {  	[smem:$0x3F8F] =	sst s2  }
0xb: {  	[smem:$0x3F90] =	sst s3  }
0xc: {  	[smem:$0x3F91] =	sst s4  }
0xd: {  	[smem:$0x3F92] =	sst s5  }
0xe: {  	[smem:$0x3F93] =	sst s6  }
0xf: {  	[smem:$0x3F94] =	sst s7  }
0x10: {  	[smem:$0x3F95] =	sst s8  }
0x11: {  	[smem:$0x3F96] =	sst s9;
	s0 =	simm.s32 @!p0 $0x0  }
0x12: {  	s1 =	sld [smem:$0x3F7C];
	s0 =	simm.s32 @p0 $0x1  }
0x13: {  	[smem:$0x3F97] =	sst s0;
	s0 =	simm.s32 @!p1 $0x0  }
0x14: {  	s2 =	sld [smem:$0x3F7B];
	s0 =	simm.s32 @p1 $0x1  }
0x15: {  	[smem:$0x3F98] =	sst s0;
	s0 =	simm.s32 @!p2 $0x0  }
0x16: {  	s3 =	sld [smem:$0x3FDB];
	s0 =	simm.s32 @p2 $0x1  }
0x17: {  	s4 =	simm.s32 $0x1BF5;
	[smem:$0x3F9A] =	sst s0  }
0x18: {  	s0 =	sld [smem:$0x3F7D];
	_ =	swait.ge [sflag:s4], $0x0  }
0x19: {  	s7 =	sld [smem:$0x3F7E]  }
0x1a: {  	s8 =	sadd.s32 $0xFFFFE003, lr  }
0x1b: {  	s9 =	sadd.s32 $0xFFFFFEF7, lr;
	s5 =	simm.s32 $0xFFFFFFFF;
	p2 =	slt.u32 s8, $0xFFFFF086  }
0x1c: {  	p1 =	slt.u32 s9, $0xF7A;
	s5 =	simm.s32 @!p2 $0x0  }
0x1d: {  	s5 =	simm.s32 @p1 $0x1;
	p0 =	seq.s32 s7, s2  }
0x1e: {  	s7 =	smul.u32 @!p0 $0xF7A, s2;
	p2 =	seq.s32 @!p0 s5, $0x0  }
0x1f: {  	s9 =	smul.u32 $0xF7A, s1;
	s8 =	simm.s32 @!p0 $0x1BF5;
	p2 =	por !p2, p0  }
0x20: {  	[sflag:s8] =	ssyncset.s32 @!p0 $0xFFFFF086;
	s6 =	sadd.s32 @!p0 s3, s7;
	s7 =	simm.s32 @!p0 $0x108  }
0x21: {  	s3 =	sadd.s32 s3, s9;
	s6 =	sadd.s32 @!p0 $0x88, s6;
	s7 =	simm.s32 @p2 $0x1082  }
0x22: {  	[simem:s7], [sflag:s8] =	dma.local @!p0 [hbm:s6], $0xF7A  }
0x23: {  	s9 =	sor.u32 $0xD0000000, s2;
	s6 =	simm.s32 $0x108;
	_ =	swait.ge @!p0 [sflag:s8], $0x0  }
0x24: {  	s3 =	sadd.s32 $0x88, s3;
	s6 =	simm.s32 @!p1 $0x1082;
	[sflag:s4] =	ssyncset.s32 $0xFFFFF086  }
0x25: {  	[simem:s6], [sflag:s4] =	dma.local [hbm:s3], $0xF7A  }
0x26: {  	[smem:$0x3F7E] =	sst s1;
	(tag) =	ssettag s2;
	_ =	strace s9  }
0x27: {  	s1 =	sld [smem:$0x3F8E]  }
0x28: {  	s2 =	sld [smem:$0x3F8F]  }
0x29: {  	s4 =	sld [smem:$0x3F91]  }
0x2a: {  	p0 =	seq.s32 s5, $0x0;
	s5 =	sld [smem:$0x3F92]  }
0x2b: {  	s6 =	sld [smem:$0x3F93]  }
0x2c: {  	s7 =	sld [smem:$0x3F94]  }
0x2d: {  	s3 =	simm.s32 $0x108;
	s8 =	sld [smem:$0x3F95]  }
0x2e: {  	s3 =	simm.s32 @!p0 $0x1082;
	s9 =	sld [smem:$0x3F96]  }
0x2f: {  	lr =	sadd.s32 s0, s3;
	s0 =	sld [smem:$0x3F8D]  }
0x30: {  	s3 =	sld [smem:$0x3F90]  }
0x31: {  	[smem:$0x3F99] =	sst s10  }
0x32: {  	s10 =	sld [smem:$0x3F97];
	_ =	sdelay $0x3  }
0x33: {  	p0 =	seq.s32 s10, $0x1;
	s10 =	sld [smem:$0x3F99];
	_ =	sdelay $0x3  }
0x34: {  	[smem:$0x3F99] =	sst s10  }
0x35: {  	s10 =	sld [smem:$0x3F98];
	_ =	sdelay $0x3  }
0x36: {  	p1 =	seq.s32 s10, $0x1;
	s10 =	sld [smem:$0x3F99];
	_ =	sdelay $0x3  }
0x37: {  	[smem:$0x3F99] =	sst s10  }
0x38: {  	s10 =	sld [smem:$0x3F9A]  }
0x39: {  	_ = 	snop;
	(pc) =	sbr.ind lr, $3  }
0x3a: {  	_ = 	snop  }
0x3b: {  	_ = 	snop  }
0x3c: {  	p2 =	seq.s32 s10, $0x1;
	s10 =	sld [smem:$0x3F99]  }
0x3d: {  	_ =	shalt  }
0x3e: {  	_ =	shalt  }
0x3f: {  	_ =	shalt  }
0x40: {  	_ =	shalt  }
0x41: {  	_ =	shalt  }
0x42: {  	_ =	shalt  }
0x43: {  	_ =	shalt  }
0x44: {  	_ =	shalt  }
0x45: {  	_ =	shalt  }
0x46: {  	_ =	shalt  }
0x47: {  	_ =	shalt  }
0x48: {  	_ =	shalt  }
0x49: {  	_ =	shalt  }
0x4a: {  	_ =	shalt  }
0x4b: {  	_ =	shalt  }
0x4c: {  	_ =	shalt  }
0x4d: {  	_ =	shalt  }
0x4e: {  	_ =	shalt  }
0x4f: {  	_ =	shalt  }
0x50: {  	_ =	shalt  }
0x51: {  	_ =	shalt  }
0x52: {  	_ =	shalt  }
0x53: {  	_ =	shalt  }
0x54: {  	_ =	shalt  }
0x55: {  	_ =	shalt  }
0x56: {  	_ =	shalt  }
0x57: {  	_ =	shalt  }
0x58: {  	_ =	shalt  }
0x59: {  	_ =	shalt  }
0x5a: {  	_ =	shalt  }
0x5b: {  	_ =	shalt  }
0x5c: {  	_ =	shalt  }
0x5d: {  	_ =	shalt  }
0x5e: {  	_ =	shalt  }
0x5f: {  	_ =	shalt  }
0x60: {  	_ =	shalt  }
0x61: {  	_ =	shalt  }
0x62: {  	_ =	shalt  }
0x63: {  	_ =	shalt  }
0x64: {  	_ =	shalt  }
0x65: {  	_ =	shalt  }
0x66: {  	_ =	shalt  }
0x67: {  	_ =	shalt  }
0x68: {  	_ =	shalt  }
0x69: {  	_ =	shalt  }
0x6a: {  	_ =	shalt  }
0x6b: {  	_ =	shalt  }
0x6c: {  	_ =	shalt  }
0x6d: {  	_ =	shalt  }
0x6e: {  	_ =	shalt  }
0x6f: {  	_ =	shalt  }
0x70: {  	_ =	shalt  }
0x71: {  	_ =	shalt  }
0x72: {  	_ =	shalt  }
0x73: {  	_ =	shalt  }
0x74: {  	_ =	shalt  }
0x75: {  	_ =	shalt  }
0x76: {  	_ =	shalt  }
0x77: {  	_ =	shalt  }
0x78: {  	_ =	shalt  }
0x79: {  	_ =	shalt  }
0x7a: {  	_ =	shalt  }
0x7b: {  	_ =	shalt  }
0x7c: {  	_ =	shalt  }
0x7d: {  	_ =	shalt  }
0x7e: {  	_ =	shalt  }
0x7f: {  	_ =	shalt  }
0x80: {  	_ =	shalt  }
0x81: {  	_ =	shalt  }
0x82: {  	_ =	shalt  }
0x83: {  	_ =	shalt  }
0x84: {  	_ =	shalt  }
0x85: {  	_ =	shalt  }
0x86: {  	_ =	shalt  }
0x87: {  	_ =	shalt  }
.Lfunc_end0:
.L_simem_size_0:
called_computation.3_lowered:
.L_overlay_start_0:
0x88: {  	s0 =	sld [smem:$0x3FD9]  }
0x89: {  	s1 =	sld [smem:$0x3FFE];
	_ =	sdelay $0x3  }
0x8a: {  	s0 =	sadd.s32 s1, s0  }
0x8b: {  	[smem:$0x3FA5] =	sst s0  }
0x8c: {  	_ = 	snop  }
0x8d: {  	(tm) =	ssettm $0x1  }
0x8e: {  	s15 =	sld [smem:$0x3FFB];
	_ =	sdelay $0x3  }
0x8f: {  	_ =	strace s15  }
0x90: {  	s0 =	sld [smem:$0x3FFC];
	_ =	sdelay $0x3  }
0x91: {  	_ =	strace s0  }
0x92: {  	s0 =	sld [smem:$0x3FFD];
	_ =	sdelay $0x3  }
0x93: {  	_ =	strace s0  }
0x94: {  	_ =	strace $0x8FFFFFFF  }
0x95: {  	s16 =	sld [smem:$0x3FDB];
	_ =	sdelay $0x1  }
0x96: {  	s17 =	simm.s32 $_scs_section_size  }
0x97: {  	s2 =	simm.s32 $_size__tile_overlayer_lowered;
	s3 =	simm.s32 $_tile_overlayer_lowered  }
0x98: {  	s20 =	simm.s32 $0x1BFF;
	s19 =	sshll.u32 s3, $0x1;
	s0 =	sadd.s32 s17, s16  }
0x99: {  	s4 =	simm.s32 $0x0;
	s18 =	sshll.u32 s2, $0x1;
	s2 =	sadd.s32 s19, s0  }
0x9a: {  	[timem:s4], [sflag:s20] =	dma.local [hbm:s2], s18  }
0x9b: {  	_ =	swait.ge [sflag:s20], s18  }
0x9c: {  	s1 =	ssub.s32 $0x0, s18;
	[sflag:s20] =	ssyncset.done $0x0  }
0x9d: {  	[sflag:s20] =	ssyncadd.s32 s1;
	_ =	sdelay $0x1  }
0x9e: {  	s21 =	simm.s32 $0x1B8B  }
0x9f: {  	_ =	swait.ge [sflag:s21], $0x1  }
0xa0: {  	[sflag:s21] =	ssyncset.done $0x0  }
0xa1: {  	s23 =	simm.s32 $0x1B8E;
	s22 =	sld [smem:$0x3FFE];
	[sflag:s21] =	ssyncadd.s32 $0xFFFFFFFF  }
0xa2: {  	s24 =	simm.s32 $execute0_lowered;
	[smem:$0x3FD2] =	sst s23  }
0xa3: {  	s2 =	sshll.u32 s24, $0x1;
	_ =	strace $0x8000004F;
	[dreg:$0x1] =	wrdreg $0xFFFFFFFF  }
0xa4: {  	s25 =	simm.s32 $_size_execute0_lowered;
	s0 =	sadd.s32 s0, s2;
	[dreg:$0x0] =	wrdreg $0x0  }
0xa5: {  	s2 =	sshll.u32 s25, $0x1;
	[dreg:$0x2] =	wrdreg s0  }
0xa6: {  	[dreg:$0x3] =	wrdreg s2  }
0xa7: {  	[dreg:$0x4] =	wrdreg $0xC0  }
0xa8: {  	_ =	task [dreg:s4], $0x5FFFF  }
0xa9: {  	[dreg:$0x1] =	wrdreg $0xFFFFFFFF  }
0xaa: {  	[dreg:$0x0] =	wrdreg $0x60  }
0xab: {  	[dreg:$0x2] =	wrdreg s22  }
0xac: {  	[dreg:$0x3] =	wrdreg $0x9  }
0xad: {  	_ =	task.clear_ibuf [dreg:s4], $0x4FFFF;
	_ =	strace $0x9000004F  }
0xae: {  	s26 =	simm.s32 $0x9;
	_ =	strace $0x80000051  }
0xaf: {  	_ =	swait.ge [sflag:s26], $0x1  }
0xb0: {  	[sflag:s26] =	ssyncadd.s32 $0xFFFFFFFF  }
0xb1: {  	_ =	strace $0x90000051  }
0xb2: {  	_ =	sfence  }
0xb3: {  	s28 =	sld [smem:$0x0];
	_ =	sdelay $0x1  }
0xb4: {  	s29 =	srdreg.scid  }
0xb5: {  	s30 =	sshll.u32 s29, $0xD;
	s31 =	sshrl.u32 s29, $0x2  }
0xb6: {  	s1 =	sand.u32 $0x1, s29;
	s2 =	sand.u32 $0x4000, s30;
	s0 =	sadd.s32 s31, s28  }
0xb7: {  	s1 =	sor.u32 s2, s1;
	s0 =	sshll.u32 s0, $0x11  }
0xb8: {  	s0 =	sor.u32 s0, s1  }
0xb9: {  	s0 =	sadd.s32 $0x8F2B, s0  }
0xba: {  	[sflag:s0] =	ssyncadd.remote.s32 $0x1  }
0xbb: {  	_ =	sfence.sel $0xFFFF  }
0xbc: {  	[dreg:$0x0] =	wrdreg $0xFFFFFFFF;
	(pc) =	sbr.abs _section_cstart, $3  }
0xbd: {  	[dreg:$0x1] =	wrdreg $0xFFFFFFFF  }
0xbe: {  	_ =	task.clear_ibuf [dreg:s4], $0x2FFFF;
	_ =	strace $0x9FFFFFFF  }
0xbf: {  	(tm) =	ssettm $0x7FFFFFFF  }
tec
execute0_lowered:
.L_overlay_start_1:
0x0: {  	(tag) =	ssettag $0x1  }
0x1: {  	s0 =	rddreg [dreg:$0x0];
	_ =	strace $0x80000050;
	s1 =	simm.s32 $0x1  }
0x2: {  	s8 =	simm.s32 $0x88;
	v0 =	vimm.s32 $0x0;
	[sflag:s1] =	ssyncpa.u1 $0x0  }
0x3: {  	[tilespmem:s8+$0x30] =	vst v0  }
0x4: {  	s1 =	sadd.s32 $0x57AA00, s0;
	s3 =	sadd.s32 $0x53000, s0;
	[tilespmem:s8+$0x20] =	vst v0  }
0x5: {  	s4 =	sadd.s32 $0x7B000, s0;
	s5 =	sadd.s32 $0x570A00, s0;
	s0 =	simm.s32 $0x40;
	[tilespmem:s8+$0x10] =	vst v0  }
.LBB2_1:
0x6: {  	s0 =	sadd.s32 $0x40, s0  }
0x7: {  	[tilespmem:s8+$0x0] =	vst v0;
	s8 =	sadd.s32 $0x40, s8;
	p0 =	slt.u32 s0, $0x5040  }
.Ltmp0:
0x8: {  	(pc) =	sbr.rel @p0 .LBB2_1-.Ltmp0, $4  }
0x9: {  	_ = 	snop  }
0xa: {  	[tilespmem:s8+$0x30] =	vst v0  }
0xb: {  	[tilespmem:s8+$0x20] =	vst v0  }
0xc: {  	[tilespmem:s8+$0x10] =	vst v0  }
0xd: {  	s9 =	stileid.u32  }
0xe: {  	s0 =	smul.u32 $0x3F, s9  }
0xf: {  	s2 =	smin.u32 s9, $0x8  }
0x10: {  	s0 =	sadd.s32 s2, s0  }
0x11: {  	p0 =	slt.u32 s9, $0x8;
	s6 =	smul.u32 $0x140, s0;
	s0 =	simm.s32 $0x5000  }
0x12: {  	s0 =	simm.s32 @!p0 $0x4EC0  }
0x13: {  	s0 =	sadd.s32 s0, s6  }
0x14: {  	s7 =	smin.u32 s0, $0x4F588  }
0x15: {  	s0 =	ssub.s32 s7, s6  }
0x16: {  	p0 =	sgt.s32 s0, $0x0  }
0x17: {  	s0 =	simm.s32 @!p0 $0x0  }
0x18: {  	s29 =	simm.s32 $0x2;
	s10 =	simm.s32 $0x7;
	s28 =	smulhi.u32 $0x66666667, s0  }
0x19: {  	s31 =	simm.s32 $0x8;
	s11 =	simm.s32 $0x1;
	s15 =	simm.s32 $0x0  }
0x1a: {  	p1 =	por $0x0, $0x0;
	s16 =	simm.s32 $0xA;
	s2 =	sshrl.u32 s28, $0x7  }
0x1b: {  	s20 =	simm.s32 $0x0;
	s17 =	simm.s32 $0x0;
	s30 =	smul.u32 $0x140, s2  }
.Ltmp1:
0x1c: {  	[tilespmem:s8+$0x0] =	vst v0;
	v0 =	vimm.s32 $0xFFFFFFFF;
	s19 =	simm.s32 $0x0;
	[sflag:s29] =	ssyncpa.u1 $0x0;
	(pc) =	sbr.rel .LBB2_3-.Ltmp1, $4  }
0x1d: {  	[tilespmem:$0xA108] =	vst v0;
	[sflag:s10] =	ssyncpa.u1 $0x0;
	p0 =	sne.s32 s0, s30;
	s0 =	simm.s32 $0x1  }
0x1e: {  	s10 =	simm.s32 $0x9;
	[sflag:s31] =	ssyncpa.u1 $0x0;
	s0 =	simm.s32 @!p0 $0x0  }
0x1f: {  	s13 =	sshll.u32 s9, $0x7;
	[sflag:s10] =	ssyncpa.u1 $0x0;
	s12 =	sadd.s32 s0, s2  }
0x20: {  	v0 =	vlaneseq.u32;
	s18 =	smov.u32 s6;
	p0 =	por $0x1, $0x1;
	s14 =	sadd.s32 $0x1, s12  }
.LBB2_24:
0x21: {  	s0 =	sshrl.u32 s29, $0x2  }
.LBB2_26:
0x22: {  	_ =	swait.ge [sflag:s16], s0  }
0x23: {  	s31 =	ssub.s32 $0x0, s0;
	v1 =	vmov s22;
	vm0 =	veq.s32 v0, $0x0;
	[sflag:s16] =	ssyncset.done $0x0  }
0x24: {  	vm15 =	veq.s32 v0, $0x2;
	v1 =	vsel vm0, s28, v1;
	[sflag:s16] =	ssyncadd.s32 s31  }
0x25: {  	v1 =	vsel vm15, s20, v1;
	[sflag:s16] =	ssyncpa.u1 $0x1  }
0x26: {  	[tilespmem:$0xA108] =	vst v1  }
.LBB2_27:
0x27: {  	s0 =	sadd.s32 $0x140, s18  }
0x28: {  	s2 =	smov.u32 s6;
	p2 =	slt.s32 s0, s7  }
0x29: {  	s2 =	smov.u32 @p2 s0;
	p2 =	sne.s32 s19, s14  }
.Ltmp2:
0x2a: {  	_ = 	snop;
	(pc) =	sbr.rel @!p2 .LBB2_28-.Ltmp2, $4  }
0x2b: {  	_ = 	snop  }
0x2c: {  	s20 =	smov.u32 s17  }
0x2d: {  	s31 =	sadd.s32 $0x1, s19;
	s17 =	smov.u32 s18;
	p0 =	por !p0, !p0  }
0x2e: {  	p1 =	por !p1, !p1;
	s19 =	smov.u32 s31;
	s18 =	smov.u32 s2  }
.LBB2_3:
0x2f: {  	p2 =	sge.u32 s19, s12  }
0x30: {  	s0 =	smulhi.u32 @!p2 $0xAAAAAAAB, s19  }
0x31: {  	s2 =	smov.u32 s18;
	p3 =	sgt.s32 @!p2 s18, $0x4F448  }
0x32: {  	s8 =	sshra.s32 @!p2 s18, $0x1F;
	p3 =	por !p3, p2;
	s0 =	sshrl.u32 @!p2 s0, $0x1  }
0x33: {  	s8 =	sand.u32 @!p2 s8, s18;
	s2 =	simm.s32 @p3 $0x4F448;
	s0 =	smul.u32 @!p2 $0x3, s0  }
0x34: {  	s2 =	ssub.s32 @!p2 s2, s8  }
0x35: {  	s22 =	sadd.s32 $0xFFFFFFFF, s19;
	s2 =	sadd.s32 @!p2 $0xFFFB0BB8, s2;
	s0 =	ssub.s32 @!p2 s19, s0  }
0x36: {  	s8 =	sshll.u32 @!p2 s2, $0x2;
	p3 =	sgt.s32 @!p2 s2, $0x13F;
	s0 =	smul.u32 @!p2 $0x500, s0  }
0x37: {  	s21 =	sand.u32 @!p2 $0x7, s18;
	s2 =	ssub.s32 @!p2 $0x500, s8;
	p3 =	por !p3, p2  }
0x38: {  	s8 =	sshrl.u32 @!p2 s18, $0x3;
	s2 =	sshrl.u32 @!p2 s2, $0x2;
	s0 =	sshrl.u32 @!p2 s0, $0x2  }
0x39: {  	s8 =	sadd.s32 @!p2 s5, s8;
	s2 =	simm.s32 @!p3 $0x0;
	s0 =	sadd.s32 @!p2 $0xA938, s0  }
0x3a: {  	[tilespmem:s0], [sflag:$0x8] =	stream.linear.gather @!p2 [hbm4b:s8+s21], s2, $0x38;
	[tilespmem:$0x1EF78] =	vst v63  }
0x3b: {  	p2 =	sge.u32 s22, s12  }
0x3c: {  	p3 =	sgt.s32 @!p2 s17, $0x4F448  }
0x3d: {  	s0 =	smov.u32 s17;
	s2 =	sshra.s32 @!p2 s17, $0x1F;
	p3 =	por !p3, p2  }
0x3e: {  	s2 =	sand.u32 @!p2 s2, s17;
	s0 =	simm.s32 @p3 $0x4F448  }
0x3f: {  	s0 =	ssub.s32 @!p2 s0, s2  }
0x40: {  	s0 =	sadd.s32 @!p2 $0xFFFB0BB8, s0  }
0x41: {  	s2 =	sshll.u32 @!p2 s0, $0x2  }
0x42: {  	p3 =	sgt.s32 @!p2 s0, $0x13F;
	s0 =	ssub.s32 @!p2 $0x500, s2  }
0x43: {  	p3 =	por !p3, p2;
	s0 =	sshrl.u32 @!p2 s0, $0x2  }
0x44: {  	s8 =	simm.s32 @!p2 $0x8;
	s2 =	sand.u32 @!p2 $0x1, s22;
	s0 =	simm.s32 @!p3 $0x0  }
0x45: {  	s2 =	smul.u32 @!p2 $0x500, s2;
	_ =	swait.ge @!p2 [sflag:s8], s0  }
0x46: {  	s21 =	ssub.s32 @!p2 $0x0, s0;
	[sflag:s8] =	ssyncset.done @!p2 $0x0  }
0x47: {  	s2 =	sshrl.u32 @!p2 s2, $0x2;
	[sflag:s8] =	ssyncadd.s32 @!p2 s21;
	s8 =	sshrl.u32 @!p2 s17, $0x3  }
0x48: {  	s2 =	sadd.s32 @!p2 $0xACF8, s2;
	s21 =	sand.u32 @!p2 $0x7, s17;
	s8 =	sadd.s32 @!p2 s3, s8  }
0x49: {  	[tilespmem:s2], [sflag:$0x9] =	stream.linear.gather @!p2 [hbm4b:s8+s21], s0, $0x38;
	[tilespmem:$0x1EF78] =	vst v63  }
0x4a: {  	s21 =	ssub.s32 @!p2 $0x4F588, s17  }
0x4b: {  	p3 =	slt.s32 @!p2 s21, $0x1  }
0x4c: {  	p3 =	por p2, p3  }
.Ltmp3:
0x4d: {  	_ = 	snop;
	(pc) =	sbr.rel @p3 .LBB2_9-.Ltmp3, $1  }
0x4e: {  	_ =	sdelay $0x3  }
0x4f: {  	s0 =	smulhi.u32 $0xAAAAAAAB, s22;
	_ =	sdelay $0x1  }
0x50: {  	s0 =	sshrl.u32 s0, $0x1  }
0x51: {  	s0 =	smul.u32 $0x3, s0;
	_ =	sdelay $0x1  }
0x52: {  	s0 =	ssub.s32 s22, s0  }
0x53: {  	s2 =	simm.s32 $0x1;
	s0 =	smul.u32 $0x500, s0  }
.Ltmp4:
0x54: {  	s2 =	simm.s32 @!p0 $0x0;
	(pc) =	sbr.rel .LBB2_6-.Ltmp4, $4  }
0x55: {  	s2 =	smul.u32 $0x28000, s2  }
0x56: {  	p3 =	slt.s32 @!p2 s21, $0x140;
	s0 =	sshrl.u32 s0, $0x2  }
0x57: {  	p2 =	por !p3, p2;
	s2 =	sshrl.u32 s2, $0x2;
	s0 =	sadd.s32 $0xA938, s0  }
0x58: {  	s23 =	simm.s32 $0x0;
	s21 =	simm.s32 @p2 $0x140;
	s22 =	sadd.s32 $0xAF78, s2;
	v1 =	vmov s0  }
.LBB2_5:
0x59: {  	p2 =	sge.s32 s23, s21  }
.Ltmp5:
0x5a: {  	_ = 	snop;
	(pc) =	sbr.rel @p2 .LBB2_9-.Ltmp5, $2  }
0x5b: {  	_ =	sdelay $0x2  }
0x5c: {  	s22 =	sadd.s32 $0x800, s22  }
.LBB2_6:
0x5d: {  	p2 =	sle.s32 s21, s23  }
.Ltmp6:
0x5e: {  	_ = 	snop;
	(pc) =	sbr.rel @p2 .LBB2_5-.Ltmp6, $2  }
0x5f: {  	_ =	sdelay $0x2  }
0x60: {  	s24 =	smov.u32 s23;
	s23 =	sadd.s32 $0x10, s23  }
0x61: {  	s0 =	ssub.s32 s21, s24  }
0x62: {  	p2 =	slt.s32 s0, $0x10  }
0x63: {  	s0 =	simm.s32 @!p2 $0x10  }
0x64: {  	v2 =	vmov s0  }
0x65: {  	vm0 =	vgt.s32 v2, v0;
	_ =	sdelay $0x5  }
0x66: {  	v2 =	vld.idx.msk [tilespmem:v1+s24+$0x0 ss:$0x1], vm0;
	_ =	sdelay $0x2  }
0x67: {  	p2 =	slt.s32 s23, s21;
	s0 =	smov.u32 s21  }
0x68: {  	s2 =	smov.u32 s22;
	s25 =	simm.s32 $0x0;
	s0 =	smov.u32 @p2 s23  }
.LBB2_8:
0x69: {  	(v2sf) =	vpush v2, s25;
	_ =	sdelay $0xc  }
0x6a: {  	s25 =	sadd.s32 $0x1, s25  }
0x6b: {  	s31 =	sadd.s32 s25, s24  }
0x6c: {  	p2 =	slt.s32 s31, s0;
	s8 =	spop (v2sf)  }
.Ltmp7:
0x6d: {  	s8 =	sshll.u32 s8, $0x4;
	(pc) =	sbr.rel @p2 .LBB2_8-.Ltmp7, $4  }
0x6e: {  	s8 =	sand.u32 $0x1FFFFFF0, s8  }
0x6f: {  	s8 =	sadd.s32 s4, s8  }
0x70: {  	[tilespmem:s2], [sflag:$0x7] =	stream.linear.gather [hbm4b:s8+s15], $0x40, $0x38;
	[tilespmem:$0x1EF78] =	vst v63  }
0x71: {  	s2 =	sadd.s32 $0x80, s2  }
.Ltmp8:
0x72: {  	_ = 	snop;
	(pc) =	sbr.rel .LBB2_5-.Ltmp8, $1  }
0x73: {  	_ =	sdelay $0x3  }
.LBB2_9:
0x74: {  	p2 =	slt.u32 s19, $0x2  }
.Ltmp9:
0x75: {  	_ = 	snop;
	(pc) =	sbr.rel @p2 .LBB2_27-.Ltmp9, $1  }
0x76: {  	_ =	sdelay $0x3  }
0x77: {  	p2 =	sgt.s32 s20, $0x4F448;
	s0 =	smov.u32 s20  }
0x78: {  	s2 =	sshra.s32 s20, $0x1F;
	s8 =	ssub.s32 $0x4F588, s20;
	s0 =	simm.s32 @!p2 $0x4F448  }
0x79: {  	s2 =	sand.u32 s2, s20;
	p2 =	slt.s32 s8, $0x140;
	s21 =	smov.u32 s8  }
0x7a: {  	s0 =	ssub.s32 s0, s2;
	s21 =	simm.s32 @!p2 $0x140  }
0x7b: {  	s0 =	sadd.s32 $0xFFFB0BB8, s0;
	s26 =	sshll.u32 s21, $0x6  }
0x7c: {  	s9 =	simm.s32 $0x7;
	s29 =	sshll.u32 s0, $0x2;
	s2 =	sand.u32 $0x3FFFFFC0, s26  }
0x7d: {  	p2 =	sgt.s32 s0, $0x13F;
	s30 =	ssub.s32 $0x500, s29;
	_ =	swait.ge [sflag:s9], s2  }
0x7e: {  	s2 =	ssub.s32 $0x0, s2;
	[sflag:s9] =	ssyncset.done $0x0;
	s0 =	sshrl.u32 s30, $0x2  }
0x7f: {  	[sflag:s9] =	ssyncadd.s32 s2;
	s0 =	simm.s32 @p2 $0x0  }
0x80: {  	_ =	swait.ge [sflag:s10], s0  }
0x81: {  	s0 =	ssub.s32 $0x0, s0;
	[sflag:s10] =	ssyncset.done $0x0  }
0x82: {  	[sflag:s10] =	ssyncadd.s32 s0  }
0x83: {  	v1 =	vld [tilespmem:$0xA108];
	_ =	sdelay $0x4  }
0x84: {  	(v2sf) =	vpush v1, $0x0  }
0x85: {  	(v2sf) =	vpush v1, $0x1  }
0x86: {  	(v2sf) =	vpush v1, $0x2;
	_ =	sdelay $0x3  }
0x87: {  	s0 =	sadd.s32 $0x140, s20  }
0x88: {  	p2 =	slt.s32 s7, s0  }
0x89: {  	s0 =	smov.u32 @p2 s7;
	p2 =	sgt.s32 s8, $0x0  }
0x8a: {  	s24 =	ssub.s32 s0, s20;
	s8 =	simm.s32 @!p2 $0x0  }
0x8b: {  	p2 =	slt.s32 s8, s24  }
0x8c: {  	s24 =	smov.u32 @p2 s8  }
0x8d: {  	s23 =	simm.s32 $0x1;
	p2 =	slt.s32 s24, $0x1  }
.Ltmp10:
0x8e: {  	s23 =	simm.s32 @!p1 $0x0;
	(pc) =	sbr.rel @p2 .LBB2_14-.Ltmp10, $4  }
0x8f: {  	s31 =	smul.u32 $0x500, s23  }
0x90: {  	s25 =	spop (v2sf)  }
0x91: {  	s0 =	sshrl.u32 s31, $0x2;
	s28 =	spop (v2sf)  }
0x92: {  	s21 =	sadd.s32 $0xACF8, s0;
	s20 =	spop (v2sf)  }
0x93: {  	s0 =	smin.u32 s24, $0x10  }
0x94: {  	v1 =	vmov s0  }
0x95: {  	p3 =	sgt.s32 s24, $0x10;
	vm1 =	vgt.u32 v1, v0  }
.Ltmp11:
0x96: {  	_ = 	snop;
	(pc) =	sbr.rel @!p3 .LBB2_13-.Ltmp11, $2  }
0x97: {  	_ =	sdelay $0x2  }
0x98: {  	s26 =	simm.s32 $0x10;
	s29 =	sadd.s32 $0xFFFFFFF0, s24;
	s22 =	smov.u32 s21;
	vm0 =	vmmov vm1  }
.LBB2_12:
0x99: {  	s0 =	smin.u32 s29, $0x10;
	s26 =	sadd.s32 $0x10, s26;
	v1 =	vld.msk [tilespmem:s22+$0x0 ss:$0x1], vm1  }
0x9a: {  	v2 =	vmov s0;
	p3 =	slt.s32 s26, s24  }
0x9b: {  	vm1 =	vgt.u32 v2, v0  }
.Ltmp12:
0x9c: {  	(pc) =	sbr.rel @p3 .LBB2_12-.Ltmp12, $3  }
0x9d: {  	_ =	sdelay $0x1  }
0x9e: {  	v1 =	vshll.u32 v1, $0x4  }
0x9f: {  	s29 =	sadd.s32 $0xFFFFFFF0, s29;
	[tilespmem:s22+$0x0] =	vst.msk vm0, v1;
	s22 =	sadd.s32 $0x10, s22;
	vm0 =	vmmov vm1  }
.LBB2_13:
0xa0: {  	_ =	sdelay $0x4  }
0xa1: {  	v1 =	vld.msk [tilespmem:s22+$0x0 ss:$0x1], vm1;
	_ =	sdelay $0x4  }
0xa2: {  	v1 =	vshll.u32 v1, $0x4  }
0xa3: {  	[tilespmem:s22+$0x0] =	vst.msk vm0, v1  }
.LBB2_14:
0xa4: {  	s0 =	sand.u32 $0x1, s19  }
0xa5: {  	s0 =	smul.u32 $0x140, s0  }
0xa6: {  	p3 =	sne.s32 s28, $0xFFFFFFFF  }
0xa7: {  	v1 =	vld.msk @!p3 [tilespmem:s0+$0xACF8], $0x1;
	_ =	sdelay $0x4  }
0xa8: {  	(v2sf) =	vpush @!p3 v1, $0x0;
	_ =	sdelay $0xc  }
.Ltmp13:
0xa9: {  	_ = 	snop;
	(pc) =	sbr.rel @p2 .LBB2_25-.Ltmp13, $4  }
0xaa: {  	_ = 	snop  }
0xab: {  	s26 =	spop @!p3 (v2sf)  }
0xac: {  	s20 =	simm.s32 @!p3 $0x0;
	s22 =	smov.u32 s26  }
0xad: {  	[sflag:s16] =	ssyncpa.u1 $0x0;
	s26 =	smov.u32 @p3 s25;
	s22 =	smov.u32 @p3 s28  }
0xae: {  	v1 =	vld.msk [tilespmem:s21+$0x0], $0x1;
	_ =	sdelay $0x4  }
0xaf: {  	(v2sf) =	vpush v1, $0x0;
	_ =	sdelay $0xe  }
0xb0: {  	s0 =	smul.u32 $0x28000, s23;
	s30 =	spop (v2sf)  }
0xb1: {  	s24 =	ssub.s32 $0x0, s24;
	p2 =	seq.s32 s26, s30  }
0xb2: {  	s28 =	sadd.s32 $0x1, s24;
	s0 =	sshrl.u32 s0, $0x2;
	p3 =	sgt.s32 @!p2 s26, $0x0  }
0xb3: {  	s23 =	sadd.s32 $0xAF98, s0;
	s0 =	smov.u32 s26;
	p3 =	por !p3, p2  }
0xb4: {  	s0 =	simm.s32 @p3 $0x0;
	p3 =	seq.s32 s28, $0x0  }
.Ltmp14:
0xb5: {  	_ = 	snop;
	(pc) =	sbr.rel @p3 .LBB2_17-.Ltmp14, $4  }
0xb6: {  	_ = 	snop  }
0xb7: {  	s25 =	simm.s32 $0x0;
	s31 =	simm.s32 @!p2 $0x1;
	s2 =	smin.u32 @!p2 s0, $0x13878  }
0xb8: {  	s29 =	sadd.s32 $0x1, s21;
	s31 =	smov.u32 @p2 s25;
	s8 =	sand.u32 @!p2 $0x1FFF8, s2  }
0xb9: {  	s0 =	simm.s32 @!p2 $0x50C8;
	s2 =	sand.u32 @!p2 $0x7, s2;
	s8 =	sadd.s32 @!p2 s1, s8  }
.LBB2_16:
0xba: {  	s9 =	smov.u32 s31  }
0xbb: {  	[tilespmem:s0], [sflag:$0x2] =	stream.linear.gather @!p2 [hbm4b:s8+s2], $0x40, $0x38;
	[tilespmem:$0x1EF78] =	vst v63  }
0xbc: {  	s28 =	sadd.s32 $0x1, s28;
	s2 =	smov.u32 s30;
	v1 =	vld.msk [tilespmem:s29+$0x0], $0x1  }
0xbd: {  	p3 =	seq.s32 s28, $0x0;
	_ =	sdelay $0x3  }
0xbe: {  	(v2sf) =	vpush v1, $0x0;
	_ =	sdelay $0xe  }
0xbf: {  	s30 =	spop (v2sf)  }
0xc0: {  	p2 =	seq.s32 s2, s30  }
0xc1: {  	p4 =	sgt.s32 @!p2 s2, $0x0;
	s0 =	sshll.u32 @!p2 s31, $0x8;
	s31 =	sadd.s32 @!p2 $0x1, s31  }
.Ltmp15:
0xc2: {  	p4 =	por !p4, p2;
	s0 =	sshra.s32 @!p2 s0, $0x2;
	(pc) =	sbr.rel @!p3 .LBB2_16-.Ltmp15, $4  }
0xc3: {  	s31 =	smov.u32 @p2 s9;
	s2 =	simm.s32 @p4 $0x0;
	s0 =	sadd.s32 @!p2 $0x50C8, s0  }
0xc4: {  	s2 =	smin.u32 @!p2 s2, $0x13878  }
0xc5: {  	s8 =	sand.u32 @!p2 $0x1FFF8, s2;
	s2 =	sand.u32 @!p2 $0x7, s2  }
0xc6: {  	s29 =	sadd.s32 $0x1, s29;
	s8 =	sadd.s32 @!p2 s1, s8  }
.LBB2_17:
0xc7: {  	[tilespmem:s0], [sflag:$0x2] =	stream.linear.gather @!p2 [hbm4b:s8+s2], $0x40, $0x38;
	[tilespmem:$0x1EF78] =	vst v63  }
.Ltmp16:
0xc8: {  	s30 =	sshll.u32 s31, $0x6;
	(pc) =	sbr.rel .LBB2_18-.Ltmp16, $4  }
0xc9: {  	s31 =	simm.s32 $0x2;
	s0 =	sand.u32 $0x3FFFFFC0, s30  }
0xca: {  	_ =	swait.ge [sflag:s31], s0  }
0xcb: {  	s0 =	ssub.s32 $0x0, s0;
	[sflag:s31] =	ssyncset.done $0x0  }
0xcc: {  	s29 =	simm.s32 $0x0;
	[sflag:s31] =	ssyncadd.s32 s0  }
.LBB2_19:
0xcd: {  	v1 =	vld [tilespmem:s23+$0xFFFFFFE0];
	_ =	sdelay $0x4  }
0xce: {  	[tilespmem:s30+$0x88] =	vst.add.f32.msk $0xffff, v1  }
0xcf: {  	v1 =	vld [tilespmem:s23+$0xFFFFFFF0];
	_ =	sdelay $0x4  }
0xd0: {  	[tilespmem:s30+$0x98] =	vst.add.f32.msk $0xffff, v1  }
0xd1: {  	v1 =	vld [tilespmem:s23+$0x0];
	_ =	sdelay $0x4  }
0xd2: {  	[tilespmem:s30+$0xA8] =	vst.add.f32.msk $0xffff, v1  }
0xd3: {  	v1 =	vld [tilespmem:s23+$0x10];
	_ =	sdelay $0x4  }
0xd4: {  	[tilespmem:s30+$0xB8] =	vst.add.f32.msk $0xffff, v1  }
.LBB2_23:
0xd5: {  	s24 =	sadd.s32 $0x1, s24  }
0xd6: {  	p2 =	seq.s32 s24, $0x0  }
.Ltmp17:
0xd7: {  	_ = 	snop;
	(pc) =	sbr.rel @p2 .LBB2_24-.Ltmp17, $2  }
0xd8: {  	_ =	sdelay $0x2  }
0xd9: {  	s23 =	sadd.s32 $0x80, s23;
	s21 =	sadd.s32 $0x1, s21;
	s26 =	smov.u32 s28  }
.LBB2_18:
0xda: {  	v1 =	vld.msk [tilespmem:s21+$0x0], $0x1;
	_ =	sdelay $0x4  }
0xdb: {  	(v2sf) =	vpush v1, $0x0;
	_ =	sdelay $0xe  }
0xdc: {  	s28 =	spop (v2sf)  }
0xdd: {  	p2 =	sne.s32 s26, s28  }
.Ltmp18:
0xde: {  	_ = 	snop;
	(pc) =	sbr.rel @!p2 .LBB2_19-.Ltmp18, $3  }
0xdf: {  	_ =	sdelay $0x1  }
0xe0: {  	s0 =	sshll.u32 s20, $0x8  }
0xe1: {  	s30 =	sshra.s32 s0, $0x2  }
0xe2: {  	p2 =	seq.s32 s26, s22  }
.Ltmp19:
0xe3: {  	_ = 	snop;
	(pc) =	sbr.rel @!p2 .LBB2_21-.Ltmp19, $1  }
0xe4: {  	_ =	sdelay $0x3  }
.Ltmp20:
0xe5: {  	s0 =	sadd.s32 $0x88, s30;
	(pc) =	sbr.rel .LBB2_22-.Ltmp20, $4  }
0xe6: {  	[spmem:s13] =	stream.linear.scatter [tilespmem:s0], [sflag:$0x1], $0x40, $0x38;
	[tilespmem:$0x1EF78] =	vst v63  }
0xe7: {  	_ =	swait.ge [sflag:s11], $0x40  }
0xe8: {  	[sflag:s11] =	ssyncset.done $0x0  }
0xe9: {  	[sflag:s11] =	ssyncadd.s32 $0xFFFFFFC0  }
.LBB2_21:
0xea: {  	s0 =	sshll.u32 s25, $0x8  }
0xeb: {  	s0 =	sshra.s32 s0, $0x2  }
0xec: {  	v1 =	vld [tilespmem:s0+$0x50C8];
	_ =	sdelay $0x4  }
0xed: {  	[tilespmem:s30+$0x88] =	vst.add.f32.msk $0xffff, v1  }
0xee: {  	v1 =	vld [tilespmem:s0+$0x50D8];
	_ =	sdelay $0x4  }
0xef: {  	[tilespmem:s30+$0x98] =	vst.add.f32.msk $0xffff, v1  }
0xf0: {  	v1 =	vld [tilespmem:s0+$0x50E8];
	_ =	sdelay $0x4  }
0xf1: {  	[tilespmem:s30+$0xA8] =	vst.add.f32.msk $0xffff, v1  }
0xf2: {  	v1 =	vld [tilespmem:s0+$0x50F8];
	_ =	sdelay $0x2  }
0xf3: {  	p2 =	sgt.u32 s26, $0x13878  }
0xf4: {  	s0 =	sand.u32 @!p2 $0x1FFF8, s26  }
0xf5: {  	s2 =	sadd.s32 $0x88, s30;
	s8 =	sand.u32 @!p2 $0x7, s26;
	s0 =	sadd.s32 @!p2 s1, s0;
	[tilespmem:s30+$0xB8] =	vst.add.f32.msk $0xffff, v1  }
0xf6: {  	[hbm4b:s0+s8] =	stream.linear.scatter @!p2 [tilespmem:s2], [sflag:$0xA], $0x40, $0x38;
	[tilespmem:$0x1EF78] =	vst v63  }
0xf7: {  	s0 =	simm.s32 $0x0  }
0xf8: {  	s0 =	simm.s32 @!p2 $0x100  }
0xf9: {  	s29 =	sadd.s32 s0, s29  }
.LBB2_22:
0xfa: {  	s0 =	sadd.s32 $0x1, s20  }
0xfb: {  	s2 =	smulhi.u32 $0xCCCCCCCD, s0;
	_ =	sdelay $0x1  }
0xfc: {  	v1 =	vld [tilespmem:s23+$0xFFFFFFE0];
	s2 =	sshrl.u32 s2, $0x8  }
0xfd: {  	s2 =	smul.u32 $0x140, s2;
	_ =	sdelay $0x1  }
0xfe: {  	s20 =	ssub.s32 s0, s2  }
0xff: {  	s0 =	sshll.u32 s20, $0x6  }
0x100: {  	[tilespmem:s0+$0x88] =	vst v1  }
0x101: {  	v1 =	vld [tilespmem:s23+$0xFFFFFFF0];
	_ =	sdelay $0x4  }
0x102: {  	[tilespmem:s0+$0x98] =	vst v1  }
0x103: {  	v1 =	vld [tilespmem:s23+$0x0];
	_ =	sdelay $0x4  }
0x104: {  	[tilespmem:s0+$0xA8] =	vst v1  }
0x105: {  	v1 =	vld [tilespmem:s23+$0x10]  }
.Ltmp21:
0x106: {  	_ = 	snop;
	(pc) =	sbr.rel .LBB2_23-.Ltmp21, $2  }
0x107: {  	_ =	sdelay $0x2  }
0x108: {  	s25 =	sadd.s32 $0x1, s25;
	[tilespmem:s0+$0xB8] =	vst v1  }
.LBB2_25:
.Ltmp22:
0x109: {  	(pc) =	sbr.rel .LBB2_26-.Ltmp22, $4  }
0x10a: {  	_ = 	snop  }
0x10b: {  	s0 =	simm.s32 $0x2  }
0x10c: {  	_ =	swait.ge [sflag:s0], $0x0  }
0x10d: {  	s28 =	smov.u32 s26;
	[sflag:s0] =	ssyncset.done $0x0;
	s0 =	simm.s32 $0x0  }
.LBB2_28:
0x10e: {  	_ =	sfence.sel $0x180000  }
0x10f: {  	s0 =	simm.s32 $0x7;
	[bflag:$0x0] =	sbarrier.arrive $0xFFFF  }
0x110: {  	s25 =	simm.s32 $0x8;
	[sflag:s0] =	ssyncpa.u1 $0x1  }
0x111: {  	s26 =	simm.s32 $0x9;
	[sflag:s25] =	ssyncpa.u1 $0x1  }
0x112: {  	s28 =	simm.s32 $0x2;
	[sflag:s26] =	ssyncpa.u1 $0x1  }
0x113: {  	[sflag:s28] =	ssyncpa.u1 $0x1  }
0x114: {  	v0 =	vld [tilespmem:$0xA108];
	_ =	sdelay $0x4  }
0x115: {  	(v2sf) =	vpush v0, $0x0  }
0x116: {  	(v2sf) =	vpush v0, $0x1;
	_ =	sdelay $0x1  }
0x117: {  	(v2sf) =	vpush v0, $0x2;
	_ =	sdelay $0xb  }
0x118: {  	s0 =	spop (v2sf)  }
0x119: {  	s2 =	spop (v2sf)  }
0x11a: {  	s3 =	smov.u32 s0;
	p0 =	sne.s32 s0, s2  }
0x11b: {  	s4 =	spop (v2sf);
	s3 =	simm.s32 @!p0 $0xFFFFFFFF  }
0x11c: {  	v2 =	vimm.s32 $0x1;
	v3 =	vlaneseq.u32;
	p0 =	seq.s32 s4, $0xFFFFFFFF;
	v1 =	vmov s3  }
0x11d: {  	s7 =	stileid.u32;
	v0 =	vperm.xlane v0, v2;
	p1 =	sne.s32 @!p0 s0, s2;
	v1 =	vperm.xlane v1, v3  }
0x11e: {  	vm0 =	vcmask $0x3F04;
	s6 =	simm.s32 $0xA108;
	s0 =	simm.s32 @!p0 $0x1;
	p1 =	por !p1, p0  }
0x11f: {  	s3 =	sshll.u32 s7, $0x1;
	s2 =	sshll.u32 @!p0 s4, $0x8;
	s0 =	simm.s32 @p1 $0x0;
	v0 =	vsel vm0, v1, v0  }
0x120: {  	s5 =	sor.u32 $0x800, s3;
	s2 =	sshra.s32 @!p0 s2, $0x2;
	s0 =	sor.u32 @!p0 s0, s3;
	[tilespmem:$0xA108] =	vst v0  }
0x121: {  	[spmem:s5] =	stream.linear.scatter [tilespmem:s6], [sflag:$0x1], $0x2, $0x38;
	[tilespmem:$0x1EF78] =	vst v63  }
0x122: {  	s2 =	sadd.s32 @!p0 $0x88, s2;
	s0 =	sshll.u32 @!p0 s0, $0x6  }
0x123: {  	[spmem:s0] =	stream.linear.scatter @!p0 [tilespmem:s2], [sflag:$0x1], $0x40, $0x38;
	[tilespmem:$0x1EF78] =	vst v63  }
0x124: {  	s2 =	simm.s32 @!p0 $0x42  }
0x125: {  	s0 =	simm.s32 $0x1;
	s2 =	simm.s32 @p0 $0x2  }
0x126: {  	_ =	swait.ge [sflag:s0], s2  }
0x127: {  	s2 =	ssub.s32 $0x0, s2;
	[sflag:s0] =	ssyncset.done $0x0  }
0x128: {  	[sflag:s0] =	ssyncadd.s32 s2  }
0x129: {  	_ =	sfence.stream.spmem  }
0x12a: {  	s29 =	simm.s32 $0x3;
	[bflag:$0x0] =	sbarrier.arrive $0xFFFF  }
0x12b: {  	s30 =	simm.s32 $0x4;
	[sflag:s29] =	ssyncpa.u1 $0x1  }
0x12c: {  	s31 =	simm.s32 $0x3C;
	[sflag:s30] =	ssyncpa.u1 $0x1  }
0x12d: {  	p0 =	sne.s32 s7, $0x0;
	[sflag:s31] =	ssyncpa.u1 $0x1  }
0x12e: {  	_ =	sfence @p0  }
0x12f: {  	[sflag:s0] =	ssyncpa.u1 @p0 $0x1  }
0x130: {  	_ =	strace @p0 $0x90000050  }
0x131: {  	[bflag:$0x2] =	sbarrier.arrive @p0 $0xFFFF  }
0x132: {  	_ =	shalt @p0  }
.LBB2_29:
0x133: {  	_ =	sfence.stream.spmem;
	s0 =	simm.s32 $0x5  }
0x134: {  	s2 =	simm.s32 $0x800;
	s3 =	simm.s32 $0xA118;
	[sflag:s0] =	ssyncpa.u1 $0x0  }
0x135: {  	[tilespmem:s3], [sflag:$0x5] =	stream.linear.gather [spmem:s2], $0x20, $0x38;
	[tilespmem:$0x1EF78] =	vst v63  }
0x136: {  	s30 =	simm.s32 $0xA138;
	s2 =	simm.s32 $0x0  }
0x137: {  	[tilespmem:s30], [sflag:$0x5] =	stream.linear.gather [spmem:s2], $0x800, $0x38;
	[tilespmem:$0x1EF78] =	vst v63  }
.Ltmp23:
0x138: {  	_ = 	snop;
	(pc) =	sbr.rel .LBB2_30-.Ltmp23, $4  }
0x139: {  	_ =	swait.ge [sflag:s0], $0x820  }
0x13a: {  	[sflag:s0] =	ssyncset.done $0x0  }
0x13b: {  	s31 =	simm.s32 $0x6;
	[sflag:s0] =	ssyncadd.s32 $0xFFFFF7E0  }
0x13c: {  	s3 =	simm.s32 $0x0;
	[sflag:s31] =	ssyncpa.u1 $0x0  }
.LBB2_36:
0x13d: {  	p0 =	slt.u32 s4, $0x13879  }
0x13e: {  	s0 =	sand.u32 @p0 $0x1FFF8, s4  }
0x13f: {  	s4 =	sand.u32 @p0 $0x7, s4;
	s5 =	simm.s32 @p0 $0xA0C8;
	s0 =	sadd.s32 @p0 s1, s0  }
0x140: {  	[tilespmem:s5], [sflag:$0x6] =	stream.linear.gather @p0 [hbm4b:s0+s4], $0x40, $0x38;
	[tilespmem:$0x1EF78] =	vst v63  }
0x141: {  	s0 =	simm.s32 @p0 $0x6  }
0x142: {  	_ =	swait.ge @p0 [sflag:s0], $0x40  }
0x143: {  	[sflag:s0] =	ssyncset.done @p0 $0x0  }
0x144: {  	[sflag:s0] =	ssyncadd.s32 @p0 $0xFFFFFFC0  }
0x145: {  	v1 =	vld @p0 [tilespmem:$0xA0C8];
	_ =	sdelay $0x2  }
0x146: {  	s0 =	sshll.u32 @p0 s3, $0x8  }
0x147: {  	s4 =	sshrl.u32 @p0 s0, $0x2  }
0x148: {  	[tilespmem:s4+$0xA138] =	vst.add.f32.msk @p0 $0xffff, v1  }
0x149: {  	v1 =	vld @p0 [tilespmem:$0xA0D8];
	_ =	sdelay $0x4  }
0x14a: {  	[tilespmem:s4+$0xA148] =	vst.add.f32.msk @p0 $0xffff, v1  }
0x14b: {  	v1 =	vld @p0 [tilespmem:$0xA0E8];
	_ =	sdelay $0x4  }
0x14c: {  	[tilespmem:s4+$0xA158] =	vst.add.f32.msk @p0 $0xffff, v1  }
0x14d: {  	v1 =	vld @p0 [tilespmem:$0xA0F8];
	_ =	sdelay $0x3  }
0x14e: {  	s5 =	sshll.u32 @!p0 s3, $0x8  }
0x14f: {  	s5 =	smov.u32 @p0 s0;
	[tilespmem:s4+$0xA168] =	vst.add.f32.msk @p0 $0xffff, v1  }
0x150: {  	s0 =	sshrl.u32 s5, $0x2;
	[tilespmem:s2+$0xA118] =	vst.msk $0x1, v0  }
0x151: {  	v0 =	vld [tilespmem:s0+$0xA138];
	_ =	sdelay $0x2  }
0x152: {  	s31 =	sshll.u32 s2, $0x8  }
0x153: {  	s4 =	sshra.s32 s31, $0x2  }
0x154: {  	[tilespmem:s4+$0xA138] =	vst v0  }
0x155: {  	v0 =	vld [tilespmem:s0+$0xA148];
	_ =	sdelay $0x4  }
0x156: {  	[tilespmem:s4+$0xA148] =	vst v0  }
0x157: {  	v0 =	vld [tilespmem:s0+$0xA158];
	_ =	sdelay $0x4  }
0x158: {  	[tilespmem:s4+$0xA158] =	vst v0  }
0x159: {  	v0 =	vld [tilespmem:s0+$0xA168];
	_ =	sdelay $0x4  }
0x15a: {  	s2 =	sadd.s32 $0x1, s2;
	[tilespmem:s4+$0xA168] =	vst v0  }
.LBB2_37:
0x15b: {  	s3 =	sadd.s32 $0x1, s3  }
0x15c: {  	p0 =	sne.s32 s3, $0x20  }
.Ltmp24:
0x15d: {  	_ = 	snop;
	(pc) =	sbr.rel @!p0 .LBB2_38-.Ltmp24, $1  }
0x15e: {  	_ =	sdelay $0x3  }
.LBB2_30:
0x15f: {  	v0 =	vld.msk [tilespmem:s3+$0xA118], $0x1;
	_ =	sdelay $0x4  }
0x160: {  	(v2sf) =	vpush v0, $0x0;
	_ =	sdelay $0xe  }
0x161: {  	s4 =	spop (v2sf)  }
0x162: {  	p0 =	seq.s32 s4, $0xFFFFFFFF  }
.Ltmp25:
0x163: {  	_ = 	snop;
	(pc) =	sbr.rel @p0 .LBB2_37-.Ltmp25, $1  }
0x164: {  	_ =	sdelay $0x3  }
0x165: {  	p0 =	slt.s32 s2, $0x1  }
.Ltmp26:
0x166: {  	_ = 	snop;
	(pc) =	sbr.rel @p0 .LBB2_36-.Ltmp26, $1  }
0x167: {  	_ =	sdelay $0x3  }
0x168: {  	s5 =	simm.s32 $0xA118;
	p0 =	por $0x0, $0x0  }
0x169: {  	v1 =	vld.msk @!p0 [tilespmem:s5+$0x0], $0x1;
	_ =	sdelay $0x4  }
0x16a: {  	(v2sf) =	vpush @!p0 v1, $0x0;
	_ =	sdelay $0xd  }
0x16b: {  	p2 =	sne.s32 s2, $0x1  }
.Ltmp27:
0x16c: {  	s0 =	spop @!p0 (v2sf);
	(pc) =	sbr.rel @!p2 .LBB2_34-.Ltmp27, $4  }
0x16d: {  	p1 =	seq.s32 @!p0 s4, s0  }
0x16e: {  	s6 =	simm.s32 $0x0;
	p1 =	por !p1, p0  }
0x16f: {  	s0 =	simm.s32 $0xFFFFFFFF;
	s6 =	simm.s32 @p1 $0xFFFFFFFF  }
0x170: {  	s7 =	simm.s32 $0x1;
	s6 =	smov.u32 @p0 s0  }
.LBB2_33:
0x171: {  	s0 =	smov.u32 s6;
	p0 =	sne.s32 s6, $0xFFFFFFFF  }
0x172: {  	s5 =	sadd.s32 $0x1, s5;
	s6 =	smov.u32 s7;
	s7 =	sadd.s32 $0x1, s7  }
0x173: {  	p1 =	sne.s32 s2, s7;
	v1 =	vld.msk @!p0 [tilespmem:s5+$0x0], $0x1;
	_ =	sdelay $0x4  }
0x174: {  	(v2sf) =	vpush @!p0 v1, $0x0;
	_ =	sdelay $0xe  }
.Ltmp28:
0x175: {  	s8 =	spop @!p0 (v2sf);
	(pc) =	sbr.rel @p1 .LBB2_33-.Ltmp28, $4  }
0x176: {  	p2 =	seq.s32 @!p0 s4, s8  }
0x177: {  	p2 =	por !p2, p0  }
0x178: {  	s6 =	simm.s32 @p2 $0xFFFFFFFF  }
0x179: {  	s6 =	smov.u32 @p0 s0  }
.LBB2_34:
0x17a: {  	p0 =	seq.s32 s6, $0xFFFFFFFF  }
.Ltmp29:
0x17b: {  	_ = 	snop;
	(pc) =	sbr.rel @p0 .LBB2_36-.Ltmp29, $1  }
0x17c: {  	_ =	sdelay $0x3  }
0x17d: {  	s0 =	sshll.u32 s3, $0x6  }
0x17e: {  	s0 =	sand.u32 $0x3FFFFFC0, s0  }
0x17f: {  	v0 =	vld [tilespmem:s0+$0xA138];
	_ =	sdelay $0x2  }
0x180: {  	s4 =	sshll.u32 s6, $0x8  }
0x181: {  	s4 =	sshra.s32 s4, $0x2  }
0x182: {  	[tilespmem:s4+$0xA138] =	vst.add.f32.msk $0xffff, v0  }
0x183: {  	v0 =	vld [tilespmem:s0+$0xA148];
	_ =	sdelay $0x4  }
0x184: {  	[tilespmem:s4+$0xA148] =	vst.add.f32.msk $0xffff, v0  }
0x185: {  	v0 =	vld [tilespmem:s0+$0xA158];
	_ =	sdelay $0x4  }
0x186: {  	[tilespmem:s4+$0xA158] =	vst.add.f32.msk $0xffff, v0  }
0x187: {  	v0 =	vld [tilespmem:s0+$0xA168]  }
.Ltmp30:
0x188: {  	_ = 	snop;
	(pc) =	sbr.rel .LBB2_37-.Ltmp30, $2  }
0x189: {  	_ =	sdelay $0x2  }
0x18a: {  	[tilespmem:s4+$0xA168] =	vst.add.f32.msk $0xffff, v0  }
.LBB2_38:
0x18b: {  	p0 =	slt.s32 s2, $0x1  }
.Ltmp31:
0x18c: {  	_ = 	snop;
	(pc) =	sbr.rel @p0 .LBB2_42-.Ltmp31, $3  }
0x18d: {  	_ =	sdelay $0x1  }
0x18e: {  	s0 =	simm.s32 $0x6  }
0x18f: {  	s3 =	simm.s32 $0x0;
	[sflag:s0] =	ssyncpa.u1 $0x1  }
0x190: {  	s0 =	simm.s32 $0xA118  }
0x191: {  	v0 =	vld.msk [tilespmem:s0+$0x0], $0x1;
	_ =	sdelay $0x4  }
0x192: {  	(v2sf) =	vpush v0, $0x0;
	_ =	sdelay $0xe  }
0x193: {  	s2 =	sadd.s32 $0xFFFFFFFF, s2;
	s0 =	spop (v2sf)  }
0x194: {  	p1 =	sne.s32 s2, $0x0;
	p0 =	sgt.u32 s0, $0x13878  }
.Ltmp32:
0x195: {  	s5 =	sand.u32 @!p0 $0x1FFF8, s0;
	(pc) =	sbr.rel @!p1 .LBB2_41-.Ltmp32, $4  }
0x196: {  	s4 =	simm.s32 $0xA138;
	s0 =	sand.u32 @!p0 $0x7, s0;
	s5 =	sadd.s32 @!p0 s1, s5  }
0x197: {  	[hbm4b:s5+s0] =	stream.linear.scatter @!p0 [tilespmem:s4], [sflag:$0x5], $0x40, $0x38;
	[tilespmem:$0x1EF78] =	vst v63  }
0x198: {  	s0 =	simm.s32 $0x0  }
0x199: {  	s5 =	simm.s32 $0xA119;
	s0 =	simm.s32 @!p0 $0x100  }
.LBB2_40:
0x19a: {  	v0 =	vld.msk [tilespmem:s5+$0x0], $0x1;
	s2 =	sadd.s32 $0xFFFFFFFF, s2;
	s3 =	sadd.s32 s3, s0  }
0x19b: {  	p0 =	sne.s32 s2, $0x0;
	_ =	sdelay $0x3  }
0x19c: {  	(v2sf) =	vpush v0, $0x0;
	_ =	sdelay $0xe  }
.Ltmp33:
0x19d: {  	s6 =	spop (v2sf);
	(pc) =	sbr.rel @p0 .LBB2_40-.Ltmp33, $4  }
0x19e: {  	s0 =	simm.s32 $0x0;
	p1 =	sgt.u32 s6, $0x13878  }
0x19f: {  	s4 =	sadd.s32 $0x40, s4;
	s0 =	simm.s32 @!p1 $0x100;
	s7 =	sand.u32 @!p1 $0x1FFF8, s6  }
0x1a0: {  	s5 =	sadd.s32 $0x1, s5;
	s6 =	sand.u32 @!p1 $0x7, s6;
	s7 =	sadd.s32 @!p1 s1, s7  }
0x1a1: {  	[hbm4b:s7+s6] =	stream.linear.scatter @!p1 [tilespmem:s4], [sflag:$0x5], $0x40, $0x38;
	[tilespmem:$0x1EF78] =	vst v63  }
.LBB2_41:
0x1a2: {  	s0 =	sadd.s32 s3, s0  }
0x1a3: {  	s3 =	sshrl.u32 s0, $0x2  }
.LBB2_42:
0x1a4: {  	s0 =	simm.s32 $0x5  }
0x1a5: {  	_ =	swait.ge [sflag:s0], s3  }
0x1a6: {  	s1 =	ssub.s32 $0x0, s3;
	[sflag:s0] =	ssyncset.done $0x0  }
0x1a7: {  	[sflag:s0] =	ssyncadd.s32 s1  }
0x1a8: {  	[sflag:s0] =	ssyncpa.u1 $0x1  }
0x1a9: {  	s30 =	simm.s32 $0x1;
	_ =	sfence  }
0x1aa: {  	[sflag:s30] =	ssyncpa.u1 $0x1  }
0x1ab: {  	_ =	strace $0x90000050  }
0x1ac: {  	[bflag:$0x2] =	sbarrier.arrive $0xFFFF  }
0x1ad: {  	s31 =	rddreg [dreg:$0x1]  }
0x1ae: {  	s0 =	sadd.s32 $0x100000, s31  }
0x1af: {  	[sflag:s0] =	ssyncadd.tile.s32 $0x1;
	_ =	shalt  }
.Lfunc_end2:
_tile_overlayer_lowered:
.L_overlay_start_2:
0x1b0: {  	(tag) =	ssettag $0x2  }
0x1b1: {  	s0 =	rddreg [dreg:$0x0];
	s2 =	stileid.u32  }
0x1b2: {  	s1 =	rddreg [dreg:$0x1];
	p0 =	sne.s32 s2, $0x0  }
0x1b3: {  	s3 =	rddreg [dreg:$0x2];
	[bflag:$0x3] =	sbarrier.arrive $0xFFFF;
	s2 =	simm.s32 @!p0 $0x1C01  }
0x1b4: {  	[timem:s3], [sflag:s2] =	dma.local @!p0 [hbm:s0], s1  }
0x1b5: {  	s0 =	simm.s32 @!p0 $0x1  }
0x1b6: {  	_ =	swait.ge @!p0 [sflag:s0], s1  }
0x1b7: {  	s1 =	ssub.s32 @!p0 $0x0, s1;
	[sflag:s0] =	ssyncset.done @!p0 $0x0  }
0x1b8: {  	[sflag:s0] =	ssyncadd.s32 @!p0 s1  }
0x1b9: {  	[bflag:$0x3] =	sbarrier.arrive $0xFFFF  }
0x1ba: {  	_ =	shalt  }

// kernel: scatter_offload_async_start.4
scs
__scs_entry_jumppad:
0x0: {  	(pc) =	sbr.rel $0x88, $3  }
0x1: {  	(tag) =	ssettag $0x0;
	lr =	simm.s32 $0x1  }
0x2: {  	[smem:$0x3F7E] =	sst lr;
	_ =	strace $0xD0000000  }
0x3: {  	_ = 	snop  }
0x4: {  	_ = 	snop  }
0x5: {  	_ = 	snop  }
0x6: {  	_ = 	snop  }
0x7: {  	_ = 	snop  }
__scs_overlays_trampoline_lowered:
0x8: {  	[smem:$0x3F8D] =	sst s0  }
0x9: {  	[smem:$0x3F8E] =	sst s1  }
0xa: {  	[smem:$0x3F8F] =	sst s2  }
0xb: {  	[smem:$0x3F90] =	sst s3  }
0xc: {  	[smem:$0x3F91] =	sst s4  }
0xd: {  	[smem:$0x3F92] =	sst s5  }
0xe: {  	[smem:$0x3F93] =	sst s6  }
0xf: {  	[smem:$0x3F94] =	sst s7  }
0x10: {  	[smem:$0x3F95] =	sst s8  }
0x11: {  	[smem:$0x3F96] =	sst s9;
	s0 =	simm.s32 @!p0 $0x0  }
0x12: {  	s1 =	sld [smem:$0x3F7C];
	s0 =	simm.s32 @p0 $0x1  }
0x13: {  	[smem:$0x3F97] =	sst s0;
	s0 =	simm.s32 @!p1 $0x0  }
0x14: {  	s2 =	sld [smem:$0x3F7B];
	s0 =	simm.s32 @p1 $0x1  }
0x15: {  	[smem:$0x3F98] =	sst s0;
	s0 =	simm.s32 @!p2 $0x0  }
0x16: {  	s3 =	sld [smem:$0x3FDB];
	s0 =	simm.s32 @p2 $0x1  }
0x17: {  	s4 =	simm.s32 $0x1BF5;
	[smem:$0x3F9A] =	sst s0  }
0x18: {  	s0 =	sld [smem:$0x3F7D];
	_ =	swait.ge [sflag:s4], $0x0  }
0x19: {  	s7 =	sld [smem:$0x3F7E]  }
0x1a: {  	s8 =	sadd.s32 $0xFFFFE003, lr  }
0x1b: {  	s9 =	sadd.s32 $0xFFFFFEF7, lr;
	s5 =	simm.s32 $0xFFFFFFFF;
	p2 =	slt.u32 s8, $0xFFFFF086  }
0x1c: {  	p1 =	slt.u32 s9, $0xF7A;
	s5 =	simm.s32 @!p2 $0x0  }
0x1d: {  	s5 =	simm.s32 @p1 $0x1;
	p0 =	seq.s32 s7, s2  }
0x1e: {  	s7 =	smul.u32 @!p0 $0xF7A, s2;
	p2 =	seq.s32 @!p0 s5, $0x0  }
0x1f: {  	s9 =	smul.u32 $0xF7A, s1;
	s8 =	simm.s32 @!p0 $0x1BF5;
	p2 =	por !p2, p0  }
0x20: {  	[sflag:s8] =	ssyncset.s32 @!p0 $0xFFFFF086;
	s6 =	sadd.s32 @!p0 s3, s7;
	s7 =	simm.s32 @!p0 $0x108  }
0x21: {  	s3 =	sadd.s32 s3, s9;
	s6 =	sadd.s32 @!p0 $0x88, s6;
	s7 =	simm.s32 @p2 $0x1082  }
0x22: {  	[simem:s7], [sflag:s8] =	dma.local @!p0 [hbm:s6], $0xF7A  }
0x23: {  	s9 =	sor.u32 $0xD0000000, s2;
	s6 =	simm.s32 $0x108;
	_ =	swait.ge @!p0 [sflag:s8], $0x0  }
0x24: {  	s3 =	sadd.s32 $0x88, s3;
	s6 =	simm.s32 @!p1 $0x1082;
	[sflag:s4] =	ssyncset.s32 $0xFFFFF086  }
0x25: {  	[simem:s6], [sflag:s4] =	dma.local [hbm:s3], $0xF7A  }
0x26: {  	[smem:$0x3F7E] =	sst s1;
	(tag) =	ssettag s2;
	_ =	strace s9  }
0x27: {  	s1 =	sld [smem:$0x3F8E]  }
0x28: {  	s2 =	sld [smem:$0x3F8F]  }
0x29: {  	s4 =	sld [smem:$0x3F91]  }
0x2a: {  	p0 =	seq.s32 s5, $0x0;
	s5 =	sld [smem:$0x3F92]  }
0x2b: {  	s6 =	sld [smem:$0x3F93]  }
0x2c: {  	s7 =	sld [smem:$0x3F94]  }
0x2d: {  	s3 =	simm.s32 $0x108;
	s8 =	sld [smem:$0x3F95]  }
0x2e: {  	s3 =	simm.s32 @!p0 $0x1082;
	s9 =	sld [smem:$0x3F96]  }
0x2f: {  	lr =	sadd.s32 s0, s3;
	s0 =	sld [smem:$0x3F8D]  }
0x30: {  	s3 =	sld [smem:$0x3F90]  }
0x31: {  	[smem:$0x3F99] =	sst s10  }
0x32: {  	s10 =	sld [smem:$0x3F97];
	_ =	sdelay $0x3  }
0x33: {  	p0 =	seq.s32 s10, $0x1;
	s10 =	sld [smem:$0x3F99];
	_ =	sdelay $0x3  }
0x34: {  	[smem:$0x3F99] =	sst s10  }
0x35: {  	s10 =	sld [smem:$0x3F98];
	_ =	sdelay $0x3  }
0x36: {  	p1 =	seq.s32 s10, $0x1;
	s10 =	sld [smem:$0x3F99];
	_ =	sdelay $0x3  }
0x37: {  	[smem:$0x3F99] =	sst s10  }
0x38: {  	s10 =	sld [smem:$0x3F9A]  }
0x39: {  	_ = 	snop;
	(pc) =	sbr.ind lr, $3  }
0x3a: {  	_ = 	snop  }
0x3b: {  	_ = 	snop  }
0x3c: {  	p2 =	seq.s32 s10, $0x1;
	s10 =	sld [smem:$0x3F99]  }
0x3d: {  	_ =	shalt  }
0x3e: {  	_ =	shalt  }
0x3f: {  	_ =	shalt  }
0x40: {  	_ =	shalt  }
0x41: {  	_ =	shalt  }
0x42: {  	_ =	shalt  }
0x43: {  	_ =	shalt  }
0x44: {  	_ =	shalt  }
0x45: {  	_ =	shalt  }
0x46: {  	_ =	shalt  }
0x47: {  	_ =	shalt  }
0x48: {  	_ =	shalt  }
0x49: {  	_ =	shalt  }
0x4a: {  	_ =	shalt  }
0x4b: {  	_ =	shalt  }
0x4c: {  	_ =	shalt  }
0x4d: {  	_ =	shalt  }
0x4e: {  	_ =	shalt  }
0x4f: {  	_ =	shalt  }
0x50: {  	_ =	shalt  }
0x51: {  	_ =	shalt  }
0x52: {  	_ =	shalt  }
0x53: {  	_ =	shalt  }
0x54: {  	_ =	shalt  }
0x55: {  	_ =	shalt  }
0x56: {  	_ =	shalt  }
0x57: {  	_ =	shalt  }
0x58: {  	_ =	shalt  }
0x59: {  	_ =	shalt  }
0x5a: {  	_ =	shalt  }
0x5b: {  	_ =	shalt  }
0x5c: {  	_ =	shalt  }
0x5d: {  	_ =	shalt  }
0x5e: {  	_ =	shalt  }
0x5f: {  	_ =	shalt  }
0x60: {  	_ =	shalt  }
0x61: {  	_ =	shalt  }
0x62: {  	_ =	shalt  }
0x63: {  	_ =	shalt  }
0x64: {  	_ =	shalt  }
0x65: {  	_ =	shalt  }
0x66: {  	_ =	shalt  }
0x67: {  	_ =	shalt  }
0x68: {  	_ =	shalt  }
0x69: {  	_ =	shalt  }
0x6a: {  	_ =	shalt  }
0x6b: {  	_ =	shalt  }
0x6c: {  	_ =	shalt  }
0x6d: {  	_ =	shalt  }
0x6e: {  	_ =	shalt  }
0x6f: {  	_ =	shalt  }
0x70: {  	_ =	shalt  }
0x71: {  	_ =	shalt  }
0x72: {  	_ =	shalt  }
0x73: {  	_ =	shalt  }
0x74: {  	_ =	shalt  }
0x75: {  	_ =	shalt  }
0x76: {  	_ =	shalt  }
0x77: {  	_ =	shalt  }
0x78: {  	_ =	shalt  }
0x79: {  	_ =	shalt  }
0x7a: {  	_ =	shalt  }
0x7b: {  	_ =	shalt  }
0x7c: {  	_ =	shalt  }
0x7d: {  	_ =	shalt  }
0x7e: {  	_ =	shalt  }
0x7f: {  	_ =	shalt  }
0x80: {  	_ =	shalt  }
0x81: {  	_ =	shalt  }
0x82: {  	_ =	shalt  }
0x83: {  	_ =	shalt  }
0x84: {  	_ =	shalt  }
0x85: {  	_ =	shalt  }
0x86: {  	_ =	shalt  }
0x87: {  	_ =	shalt  }
.Lfunc_end0:
.L_simem_size_0:
called_computation.4_lowered:
.L_overlay_start_0:
0x88: {  	s0 =	sld [smem:$0x3FD9]  }
0x89: {  	s1 =	sld [smem:$0x3FFE];
	_ =	sdelay $0x3  }
0x8a: {  	s0 =	sadd.s32 s1, s0  }
0x8b: {  	[smem:$0x3FA5] =	sst s0  }
0x8c: {  	_ = 	snop  }
0x8d: {  	(tm) =	ssettm $0x1  }
0x8e: {  	s15 =	sld [smem:$0x3FFB];
	_ =	sdelay $0x3  }
0x8f: {  	_ =	strace s15  }
0x90: {  	s0 =	sld [smem:$0x3FFC];
	_ =	sdelay $0x3  }
0x91: {  	_ =	strace s0  }
0x92: {  	s0 =	sld [smem:$0x3FFD];
	_ =	sdelay $0x3  }
0x93: {  	_ =	strace s0  }
0x94: {  	_ =	strace $0x8FFFFFFF  }
0x95: {  	s16 =	sld [smem:$0x3FDB];
	_ =	sdelay $0x1  }
0x96: {  	s17 =	simm.s32 $_scs_section_size  }
0x97: {  	s2 =	simm.s32 $_size__tile_overlayer_lowered;
	s3 =	simm.s32 $_tile_overlayer_lowered  }
0x98: {  	s20 =	simm.s32 $0x1BFF;
	s19 =	sshll.u32 s3, $0x1;
	s0 =	sadd.s32 s17, s16  }
0x99: {  	s4 =	simm.s32 $0x0;
	s18 =	sshll.u32 s2, $0x1;
	s2 =	sadd.s32 s19, s0  }
0x9a: {  	[timem:s4], [sflag:s20] =	dma.local [hbm:s2], s18  }
0x9b: {  	_ =	swait.ge [sflag:s20], s18  }
0x9c: {  	s1 =	ssub.s32 $0x0, s18;
	[sflag:s20] =	ssyncset.done $0x0  }
0x9d: {  	[sflag:s20] =	ssyncadd.s32 s1;
	_ =	sdelay $0x1  }
0x9e: {  	s21 =	simm.s32 $0x1B8B  }
0x9f: {  	_ =	swait.ge [sflag:s21], $0x1  }
0xa0: {  	[sflag:s21] =	ssyncset.done $0x0  }
0xa1: {  	s23 =	simm.s32 $0x1B8E;
	s22 =	sld [smem:$0x3FFE];
	[sflag:s21] =	ssyncadd.s32 $0xFFFFFFFF  }
0xa2: {  	s24 =	simm.s32 $execute0_lowered;
	[smem:$0x3FD2] =	sst s23  }
0xa3: {  	s2 =	sshll.u32 s24, $0x1;
	_ =	strace $0x80000052;
	[dreg:$0x1] =	wrdreg $0xFFFFFFFF  }
0xa4: {  	s25 =	simm.s32 $_size_execute0_lowered;
	s0 =	sadd.s32 s0, s2;
	[dreg:$0x0] =	wrdreg $0x0  }
0xa5: {  	s2 =	sshll.u32 s25, $0x1;
	[dreg:$0x2] =	wrdreg s0  }
0xa6: {  	[dreg:$0x3] =	wrdreg s2  }
0xa7: {  	[dreg:$0x4] =	wrdreg $0xC0  }
0xa8: {  	_ =	task [dreg:s4], $0x5FFFF  }
0xa9: {  	[dreg:$0x1] =	wrdreg $0xFFFFFFFF  }
0xaa: {  	[dreg:$0x0] =	wrdreg $0x60  }
0xab: {  	[dreg:$0x2] =	wrdreg s22  }
0xac: {  	[dreg:$0x3] =	wrdreg $0x9  }
0xad: {  	_ =	task.clear_ibuf [dreg:s4], $0x4FFFF;
	_ =	strace $0x90000052  }
0xae: {  	s26 =	simm.s32 $0x9;
	_ =	strace $0x80000054  }
0xaf: {  	_ =	swait.ge [sflag:s26], $0x1  }
0xb0: {  	[sflag:s26] =	ssyncadd.s32 $0xFFFFFFFF  }
0xb1: {  	_ =	strace $0x90000054  }
0xb2: {  	_ =	sfence  }
0xb3: {  	s28 =	sld [smem:$0x0];
	_ =	sdelay $0x1  }
0xb4: {  	s29 =	srdreg.scid  }
0xb5: {  	s30 =	sshll.u32 s29, $0xD;
	s31 =	sshrl.u32 s29, $0x2  }
0xb6: {  	s1 =	sand.u32 $0x1, s29;
	s2 =	sand.u32 $0x4000, s30;
	s0 =	sadd.s32 s31, s28  }
0xb7: {  	s1 =	sor.u32 s2, s1;
	s0 =	sshll.u32 s0, $0x11  }
0xb8: {  	s0 =	sor.u32 s0, s1  }
0xb9: {  	s0 =	sadd.s32 $0x8F2B, s0  }
0xba: {  	[sflag:s0] =	ssyncadd.remote.s32 $0x1  }
0xbb: {  	_ =	sfence.sel $0xFFFF  }
0xbc: {  	[dreg:$0x0] =	wrdreg $0xFFFFFFFF;
	(pc) =	sbr.abs _section_cstart, $3  }
0xbd: {  	[dreg:$0x1] =	wrdreg $0xFFFFFFFF  }
0xbe: {  	_ =	task.clear_ibuf [dreg:s4], $0x2FFFF;
	_ =	strace $0x9FFFFFFF  }
0xbf: {  	(tm) =	ssettm $0x7FFFFFFF  }
tec
execute0_lowered:
.L_overlay_start_1:
0x0: {  	(tag) =	ssettag $0x1  }
0x1: {  	s0 =	rddreg [dreg:$0x0];
	_ =	strace $0x80000053;
	s1 =	simm.s32 $0x1  }
0x2: {  	s8 =	simm.s32 $0x88;
	v0 =	vimm.s32 $0x0;
	[sflag:s1] =	ssyncpa.u1 $0x0  }
0x3: {  	[tilespmem:s8+$0x30] =	vst v0  }
0x4: {  	s1 =	sadd.s32 $0xA2400, s0;
	s3 =	sadd.s32 $0x84A00, s0;
	[tilespmem:s8+$0x20] =	vst v0  }
0x5: {  	s4 =	sadd.s32 $0x57AA00, s0;
	s5 =	sadd.s32 $0xAC200, s0;
	s0 =	simm.s32 $0x40;
	[tilespmem:s8+$0x10] =	vst v0  }
.LBB2_1:
0x6: {  	s0 =	sadd.s32 $0x40, s0  }
0x7: {  	[tilespmem:s8+$0x0] =	vst v0;
	s8 =	sadd.s32 $0x40, s8;
	p0 =	slt.u32 s0, $0x5040  }
.Ltmp0:
0x8: {  	(pc) =	sbr.rel @p0 .LBB2_1-.Ltmp0, $4  }
0x9: {  	_ = 	snop  }
0xa: {  	[tilespmem:s8+$0x30] =	vst v0  }
0xb: {  	[tilespmem:s8+$0x20] =	vst v0  }
0xc: {  	[tilespmem:s8+$0x10] =	vst v0  }
0xd: {  	s9 =	stileid.u32  }
0xe: {  	s6 =	smul.u32 $0x4EC0, s9;
	_ =	sdelay $0x1  }
0xf: {  	s0 =	smin.u32 s6, $0x49D04  }
0x10: {  	s7 =	sadd.s32 $0x4EC0, s0  }
0x11: {  	s0 =	ssub.s32 s7, s6  }
0x12: {  	p0 =	sgt.s32 s0, $0x0  }
0x13: {  	s29 =	simm.s32 $0x2;
	s10 =	simm.s32 $0x7;
	s0 =	simm.s32 @!p0 $0x0  }
0x14: {  	s31 =	simm.s32 $0x8;
	s11 =	simm.s32 $0x1;
	s2 =	smulhi.u32 $0xCCCCCD, s0  }
0x15: {  	s15 =	simm.s32 $0x0;
	p1 =	por $0x0, $0x0;
	s16 =	simm.s32 $0xA  }
0x16: {  	s20 =	simm.s32 $0x0;
	s17 =	simm.s32 $0x0;
	s30 =	smul.u32 $0x140, s2  }
.Ltmp1:
0x17: {  	[tilespmem:s8+$0x0] =	vst v0;
	s19 =	simm.s32 $0x0;
	[sflag:s29] =	ssyncpa.u1 $0x0;
	(pc) =	sbr.rel .LBB2_3-.Ltmp1, $4  }
0x18: {  	v0 =	vimm.s32 $0xFFFFFFFF;
	s13 =	sshll.u32 s9, $0x7;
	p0 =	sne.s32 s0, s30;
	s0 =	simm.s32 $0x1  }
0x19: {  	[tilespmem:$0xA108] =	vst v0;
	[sflag:s10] =	ssyncpa.u1 $0x0;
	s10 =	simm.s32 $0x9;
	s0 =	simm.s32 @!p0 $0x0  }
0x1a: {  	[sflag:s31] =	ssyncpa.u1 $0x0;
	s18 =	smov.u32 s6;
	s12 =	sadd.s32 s0, s2  }
0x1b: {  	v0 =	vlaneseq.u32;
	[sflag:s10] =	ssyncpa.u1 $0x0;
	p0 =	por $0x1, $0x1;
	s14 =	sadd.s32 $0x1, s12  }
.LBB2_24:
0x1c: {  	s0 =	sshrl.u32 s29, $0x2  }
.LBB2_26:
0x1d: {  	_ =	swait.ge [sflag:s16], s0  }
0x1e: {  	s31 =	ssub.s32 $0x0, s0;
	v1 =	vmov s22;
	vm0 =	veq.s32 v0, $0x0;
	[sflag:s16] =	ssyncset.done $0x0  }
0x1f: {  	vm15 =	veq.s32 v0, $0x2;
	v1 =	vsel vm0, s28, v1;
	[sflag:s16] =	ssyncadd.s32 s31  }
0x20: {  	v1 =	vsel vm15, s20, v1;
	[sflag:s16] =	ssyncpa.u1 $0x1  }
0x21: {  	[tilespmem:$0xA108] =	vst v1  }
.LBB2_27:
0x22: {  	s0 =	sadd.s32 $0x140, s18  }
0x23: {  	s2 =	smov.u32 s6;
	p2 =	slt.s32 s0, s7  }
0x24: {  	s2 =	smov.u32 @p2 s0;
	p2 =	sne.s32 s19, s14  }
.Ltmp2:
0x25: {  	_ = 	snop;
	(pc) =	sbr.rel @!p2 .LBB2_28-.Ltmp2, $4  }
0x26: {  	_ = 	snop  }
0x27: {  	s20 =	smov.u32 s17  }
0x28: {  	s31 =	sadd.s32 $0x1, s19;
	s17 =	smov.u32 s18;
	p0 =	por !p0, !p0  }
0x29: {  	p1 =	por !p1, !p1;
	s19 =	smov.u32 s31;
	s18 =	smov.u32 s2  }
.LBB2_3:
0x2a: {  	p2 =	sge.u32 s19, s12  }
0x2b: {  	s0 =	smulhi.u32 @!p2 $0xAAAAAAAB, s19  }
0x2c: {  	s2 =	smov.u32 s18;
	p3 =	sgt.s32 @!p2 s18, $0x4EA84  }
0x2d: {  	s8 =	sshra.s32 @!p2 s18, $0x1F;
	p3 =	por !p3, p2;
	s0 =	sshrl.u32 @!p2 s0, $0x1  }
0x2e: {  	s8 =	sand.u32 @!p2 s8, s18;
	s2 =	simm.s32 @p3 $0x4EA84;
	s0 =	smul.u32 @!p2 $0x3, s0  }
0x2f: {  	s2 =	ssub.s32 @!p2 s2, s8  }
0x30: {  	s22 =	sadd.s32 $0xFFFFFFFF, s19;
	s2 =	sadd.s32 @!p2 $0xFFFB157C, s2;
	s0 =	ssub.s32 @!p2 s19, s0  }
0x31: {  	s8 =	sshll.u32 @!p2 s2, $0x2;
	p3 =	sgt.s32 @!p2 s2, $0x13F;
	s0 =	smul.u32 @!p2 $0x500, s0  }
0x32: {  	s21 =	sand.u32 @!p2 $0x7, s18;
	s2 =	ssub.s32 @!p2 $0x500, s8;
	p3 =	por !p3, p2  }
0x33: {  	s8 =	sshrl.u32 @!p2 s18, $0x3;
	s2 =	sshrl.u32 @!p2 s2, $0x2;
	s0 =	sshrl.u32 @!p2 s0, $0x2  }
0x34: {  	s8 =	sadd.s32 @!p2 s5, s8;
	s2 =	simm.s32 @!p3 $0x0;
	s0 =	sadd.s32 @!p2 $0xA938, s0  }
0x35: {  	[tilespmem:s0], [sflag:$0x8] =	stream.linear.gather @!p2 [hbm4b:s8+s21], s2, $0x38;
	[tilespmem:$0x1EF78] =	vst v63  }
0x36: {  	p2 =	sge.u32 s22, s12  }
0x37: {  	p3 =	sgt.s32 @!p2 s17, $0x4EA84  }
0x38: {  	s0 =	smov.u32 s17;
	s2 =	sshra.s32 @!p2 s17, $0x1F;
	p3 =	por !p3, p2  }
0x39: {  	s2 =	sand.u32 @!p2 s2, s17;
	s0 =	simm.s32 @p3 $0x4EA84  }
0x3a: {  	s0 =	ssub.s32 @!p2 s0, s2  }
0x3b: {  	s0 =	sadd.s32 @!p2 $0xFFFB157C, s0  }
0x3c: {  	s2 =	sshll.u32 @!p2 s0, $0x2  }
0x3d: {  	p3 =	sgt.s32 @!p2 s0, $0x13F;
	s0 =	ssub.s32 @!p2 $0x500, s2  }
0x3e: {  	p3 =	por !p3, p2;
	s0 =	sshrl.u32 @!p2 s0, $0x2  }
0x3f: {  	s8 =	simm.s32 @!p2 $0x8;
	s2 =	sand.u32 @!p2 $0x1, s22;
	s0 =	simm.s32 @!p3 $0x0  }
0x40: {  	s2 =	smul.u32 @!p2 $0x500, s2;
	_ =	swait.ge @!p2 [sflag:s8], s0  }
0x41: {  	s21 =	ssub.s32 @!p2 $0x0, s0;
	[sflag:s8] =	ssyncset.done @!p2 $0x0  }
0x42: {  	s2 =	sshrl.u32 @!p2 s2, $0x2;
	[sflag:s8] =	ssyncadd.s32 @!p2 s21;
	s8 =	sshrl.u32 @!p2 s17, $0x3  }
0x43: {  	s2 =	sadd.s32 @!p2 $0xACF8, s2;
	s21 =	sand.u32 @!p2 $0x7, s17;
	s8 =	sadd.s32 @!p2 s3, s8  }
0x44: {  	[tilespmem:s2], [sflag:$0x9] =	stream.linear.gather @!p2 [hbm4b:s8+s21], s0, $0x38;
	[tilespmem:$0x1EF78] =	vst v63  }
0x45: {  	s21 =	ssub.s32 @!p2 $0x4EBC4, s17  }
0x46: {  	p3 =	slt.s32 @!p2 s21, $0x1  }
0x47: {  	p3 =	por p2, p3  }
.Ltmp3:
0x48: {  	_ = 	snop;
	(pc) =	sbr.rel @p3 .LBB2_9-.Ltmp3, $1  }
0x49: {  	_ =	sdelay $0x3  }
0x4a: {  	s0 =	smulhi.u32 $0xAAAAAAAB, s22;
	_ =	sdelay $0x1  }
0x4b: {  	s0 =	sshrl.u32 s0, $0x1  }
0x4c: {  	s0 =	smul.u32 $0x3, s0;
	_ =	sdelay $0x1  }
0x4d: {  	s0 =	ssub.s32 s22, s0  }
0x4e: {  	s2 =	simm.s32 $0x1;
	s0 =	smul.u32 $0x500, s0  }
.Ltmp4:
0x4f: {  	s2 =	simm.s32 @!p0 $0x0;
	(pc) =	sbr.rel .LBB2_6-.Ltmp4, $4  }
0x50: {  	s2 =	smul.u32 $0x28000, s2  }
0x51: {  	p3 =	slt.s32 @!p2 s21, $0x140;
	s0 =	sshrl.u32 s0, $0x2  }
0x52: {  	p2 =	por !p3, p2;
	s2 =	sshrl.u32 s2, $0x2;
	s0 =	sadd.s32 $0xA938, s0  }
0x53: {  	s23 =	simm.s32 $0x0;
	s21 =	simm.s32 @p2 $0x140;
	s22 =	sadd.s32 $0xAF78, s2;
	v1 =	vmov s0  }
.LBB2_5:
0x54: {  	p2 =	sge.s32 s23, s21  }
.Ltmp5:
0x55: {  	_ = 	snop;
	(pc) =	sbr.rel @p2 .LBB2_9-.Ltmp5, $2  }
0x56: {  	_ =	sdelay $0x2  }
0x57: {  	s22 =	sadd.s32 $0x800, s22  }
.LBB2_6:
0x58: {  	p2 =	sle.s32 s21, s23  }
.Ltmp6:
0x59: {  	_ = 	snop;
	(pc) =	sbr.rel @p2 .LBB2_5-.Ltmp6, $2  }
0x5a: {  	_ =	sdelay $0x2  }
0x5b: {  	s24 =	smov.u32 s23;
	s23 =	sadd.s32 $0x10, s23  }
0x5c: {  	s0 =	ssub.s32 s21, s24  }
0x5d: {  	p2 =	slt.s32 s0, $0x10  }
0x5e: {  	s0 =	simm.s32 @!p2 $0x10  }
0x5f: {  	v2 =	vmov s0  }
0x60: {  	vm0 =	vgt.s32 v2, v0;
	_ =	sdelay $0x5  }
0x61: {  	v2 =	vld.idx.msk [tilespmem:v1+s24+$0x0 ss:$0x1], vm0;
	_ =	sdelay $0x2  }
0x62: {  	p2 =	slt.s32 s23, s21;
	s0 =	smov.u32 s21  }
0x63: {  	s2 =	smov.u32 s22;
	s25 =	simm.s32 $0x0;
	s0 =	smov.u32 @p2 s23  }
.LBB2_8:
0x64: {  	(v2sf) =	vpush v2, s25;
	_ =	sdelay $0xc  }
0x65: {  	s25 =	sadd.s32 $0x1, s25  }
0x66: {  	s31 =	sadd.s32 s25, s24  }
0x67: {  	p2 =	slt.s32 s31, s0;
	s8 =	spop (v2sf)  }
.Ltmp7:
0x68: {  	s8 =	sshll.u32 s8, $0x4;
	(pc) =	sbr.rel @p2 .LBB2_8-.Ltmp7, $4  }
0x69: {  	s8 =	sand.u32 $0x1FFFFFF0, s8  }
0x6a: {  	s8 =	sadd.s32 s4, s8  }
0x6b: {  	[tilespmem:s2], [sflag:$0x7] =	stream.linear.gather [hbm4b:s8+s15], $0x40, $0x38;
	[tilespmem:$0x1EF78] =	vst v63  }
0x6c: {  	s2 =	sadd.s32 $0x80, s2  }
.Ltmp8:
0x6d: {  	_ = 	snop;
	(pc) =	sbr.rel .LBB2_5-.Ltmp8, $1  }
0x6e: {  	_ =	sdelay $0x3  }
.LBB2_9:
0x6f: {  	p2 =	slt.u32 s19, $0x2  }
.Ltmp9:
0x70: {  	_ = 	snop;
	(pc) =	sbr.rel @p2 .LBB2_27-.Ltmp9, $1  }
0x71: {  	_ =	sdelay $0x3  }
0x72: {  	p2 =	sgt.s32 s20, $0x4EA84;
	s0 =	smov.u32 s20  }
0x73: {  	s2 =	sshra.s32 s20, $0x1F;
	s8 =	ssub.s32 $0x4EBC4, s20;
	s0 =	simm.s32 @!p2 $0x4EA84  }
0x74: {  	s2 =	sand.u32 s2, s20;
	p2 =	slt.s32 s8, $0x140;
	s21 =	smov.u32 s8  }
0x75: {  	s0 =	ssub.s32 s0, s2;
	s21 =	simm.s32 @!p2 $0x140  }
0x76: {  	s0 =	sadd.s32 $0xFFFB157C, s0;
	s26 =	sshll.u32 s21, $0x6  }
0x77: {  	s9 =	simm.s32 $0x7;
	s29 =	sshll.u32 s0, $0x2;
	s2 =	sand.u32 $0x3FFFFFC0, s26  }
0x78: {  	p2 =	sgt.s32 s0, $0x13F;
	s30 =	ssub.s32 $0x500, s29;
	_ =	swait.ge [sflag:s9], s2  }
0x79: {  	s2 =	ssub.s32 $0x0, s2;
	[sflag:s9] =	ssyncset.done $0x0;
	s0 =	sshrl.u32 s30, $0x2  }
0x7a: {  	[sflag:s9] =	ssyncadd.s32 s2;
	s0 =	simm.s32 @p2 $0x0  }
0x7b: {  	_ =	swait.ge [sflag:s10], s0  }
0x7c: {  	s0 =	ssub.s32 $0x0, s0;
	[sflag:s10] =	ssyncset.done $0x0  }
0x7d: {  	[sflag:s10] =	ssyncadd.s32 s0  }
0x7e: {  	v1 =	vld [tilespmem:$0xA108];
	_ =	sdelay $0x4  }
0x7f: {  	(v2sf) =	vpush v1, $0x0  }
0x80: {  	(v2sf) =	vpush v1, $0x1  }
0x81: {  	(v2sf) =	vpush v1, $0x2;
	_ =	sdelay $0x3  }
0x82: {  	s0 =	sadd.s32 $0x140, s20  }
0x83: {  	p2 =	slt.s32 s7, s0  }
0x84: {  	s0 =	smov.u32 @p2 s7;
	p2 =	sgt.s32 s8, $0x0  }
0x85: {  	s24 =	ssub.s32 s0, s20;
	s8 =	simm.s32 @!p2 $0x0  }
0x86: {  	p2 =	slt.s32 s8, s24  }
0x87: {  	s24 =	smov.u32 @p2 s8  }
0x88: {  	s23 =	simm.s32 $0x1;
	p2 =	slt.s32 s24, $0x1  }
.Ltmp10:
0x89: {  	s23 =	simm.s32 @!p1 $0x0;
	(pc) =	sbr.rel @p2 .LBB2_14-.Ltmp10, $4  }
0x8a: {  	s31 =	smul.u32 $0x500, s23  }
0x8b: {  	s25 =	spop (v2sf)  }
0x8c: {  	s0 =	sshrl.u32 s31, $0x2;
	s28 =	spop (v2sf)  }
0x8d: {  	s21 =	sadd.s32 $0xACF8, s0;
	s20 =	spop (v2sf)  }
0x8e: {  	s0 =	smin.u32 s24, $0x10  }
0x8f: {  	v1 =	vmov s0  }
0x90: {  	p3 =	sgt.s32 s24, $0x10;
	vm1 =	vgt.u32 v1, v0  }
.Ltmp11:
0x91: {  	_ = 	snop;
	(pc) =	sbr.rel @!p3 .LBB2_13-.Ltmp11, $2  }
0x92: {  	_ =	sdelay $0x2  }
0x93: {  	s26 =	simm.s32 $0x10;
	s29 =	sadd.s32 $0xFFFFFFF0, s24;
	s22 =	smov.u32 s21;
	vm0 =	vmmov vm1  }
.LBB2_12:
0x94: {  	s0 =	smin.u32 s29, $0x10;
	s26 =	sadd.s32 $0x10, s26;
	v1 =	vld.msk [tilespmem:s22+$0x0 ss:$0x1], vm1  }
0x95: {  	v2 =	vmov s0;
	p3 =	slt.s32 s26, s24  }
0x96: {  	vm1 =	vgt.u32 v2, v0  }
.Ltmp12:
0x97: {  	(pc) =	sbr.rel @p3 .LBB2_12-.Ltmp12, $3  }
0x98: {  	_ =	sdelay $0x1  }
0x99: {  	v1 =	vshll.u32 v1, $0x4  }
0x9a: {  	s29 =	sadd.s32 $0xFFFFFFF0, s29;
	[tilespmem:s22+$0x0] =	vst.msk vm0, v1;
	s22 =	sadd.s32 $0x10, s22;
	vm0 =	vmmov vm1  }
.LBB2_13:
0x9b: {  	_ =	sdelay $0x4  }
0x9c: {  	v1 =	vld.msk [tilespmem:s22+$0x0 ss:$0x1], vm1;
	_ =	sdelay $0x4  }
0x9d: {  	v1 =	vshll.u32 v1, $0x4  }
0x9e: {  	[tilespmem:s22+$0x0] =	vst.msk vm0, v1  }
.LBB2_14:
0x9f: {  	s0 =	sand.u32 $0x1, s19  }
0xa0: {  	s0 =	smul.u32 $0x140, s0  }
0xa1: {  	p3 =	sne.s32 s28, $0xFFFFFFFF  }
0xa2: {  	v1 =	vld.msk @!p3 [tilespmem:s0+$0xACF8], $0x1;
	_ =	sdelay $0x4  }
0xa3: {  	(v2sf) =	vpush @!p3 v1, $0x0;
	_ =	sdelay $0xc  }
.Ltmp13:
0xa4: {  	_ = 	snop;
	(pc) =	sbr.rel @p2 .LBB2_25-.Ltmp13, $4  }
0xa5: {  	_ = 	snop  }
0xa6: {  	s26 =	spop @!p3 (v2sf)  }
0xa7: {  	s20 =	simm.s32 @!p3 $0x0;
	s22 =	smov.u32 s26  }
0xa8: {  	[sflag:s16] =	ssyncpa.u1 $0x0;
	s26 =	smov.u32 @p3 s25;
	s22 =	smov.u32 @p3 s28  }
0xa9: {  	v1 =	vld.msk [tilespmem:s21+$0x0], $0x1;
	_ =	sdelay $0x4  }
0xaa: {  	(v2sf) =	vpush v1, $0x0;
	_ =	sdelay $0xe  }
0xab: {  	s0 =	smul.u32 $0x28000, s23;
	s30 =	spop (v2sf)  }
0xac: {  	s24 =	ssub.s32 $0x0, s24;
	p2 =	seq.s32 s26, s30  }
0xad: {  	s28 =	sadd.s32 $0x1, s24;
	s0 =	sshrl.u32 s0, $0x2;
	p3 =	sgt.s32 @!p2 s26, $0x0  }
0xae: {  	s23 =	sadd.s32 $0xAF98, s0;
	s0 =	smov.u32 s26;
	p3 =	por !p3, p2  }
0xaf: {  	s0 =	simm.s32 @p3 $0x0;
	p3 =	seq.s32 s28, $0x0  }
.Ltmp14:
0xb0: {  	_ = 	snop;
	(pc) =	sbr.rel @p3 .LBB2_17-.Ltmp14, $4  }
0xb1: {  	_ = 	snop  }
0xb2: {  	s25 =	simm.s32 $0x0;
	s31 =	simm.s32 @!p2 $0x1;
	s2 =	smin.u32 @!p2 s0, $0x9C78  }
0xb3: {  	s29 =	sadd.s32 $0x1, s21;
	s31 =	smov.u32 @p2 s25;
	s8 =	sand.u32 @!p2 $0xFFF8, s2  }
0xb4: {  	s0 =	simm.s32 @!p2 $0x50C8;
	s2 =	sand.u32 @!p2 $0x7, s2;
	s8 =	sadd.s32 @!p2 s1, s8  }
.LBB2_16:
0xb5: {  	s9 =	smov.u32 s31  }
0xb6: {  	[tilespmem:s0], [sflag:$0x2] =	stream.linear.gather @!p2 [hbm4b:s8+s2], $0x40, $0x38;
	[tilespmem:$0x1EF78] =	vst v63  }
0xb7: {  	s28 =	sadd.s32 $0x1, s28;
	s2 =	smov.u32 s30;
	v1 =	vld.msk [tilespmem:s29+$0x0], $0x1  }
0xb8: {  	p3 =	seq.s32 s28, $0x0;
	_ =	sdelay $0x3  }
0xb9: {  	(v2sf) =	vpush v1, $0x0;
	_ =	sdelay $0xe  }
0xba: {  	s30 =	spop (v2sf)  }
0xbb: {  	p2 =	seq.s32 s2, s30  }
0xbc: {  	p4 =	sgt.s32 @!p2 s2, $0x0;
	s0 =	sshll.u32 @!p2 s31, $0x8;
	s31 =	sadd.s32 @!p2 $0x1, s31  }
.Ltmp15:
0xbd: {  	p4 =	por !p4, p2;
	s0 =	sshra.s32 @!p2 s0, $0x2;
	(pc) =	sbr.rel @!p3 .LBB2_16-.Ltmp15, $4  }
0xbe: {  	s31 =	smov.u32 @p2 s9;
	s2 =	simm.s32 @p4 $0x0;
	s0 =	sadd.s32 @!p2 $0x50C8, s0  }
0xbf: {  	s2 =	smin.u32 @!p2 s2, $0x9C78  }
0xc0: {  	s8 =	sand.u32 @!p2 $0xFFF8, s2;
	s2 =	sand.u32 @!p2 $0x7, s2  }
0xc1: {  	s29 =	sadd.s32 $0x1, s29;
	s8 =	sadd.s32 @!p2 s1, s8  }
.LBB2_17:
0xc2: {  	[tilespmem:s0], [sflag:$0x2] =	stream.linear.gather @!p2 [hbm4b:s8+s2], $0x40, $0x38;
	[tilespmem:$0x1EF78] =	vst v63  }
.Ltmp16:
0xc3: {  	s30 =	sshll.u32 s31, $0x6;
	(pc) =	sbr.rel .LBB2_18-.Ltmp16, $4  }
0xc4: {  	s31 =	simm.s32 $0x2;
	s0 =	sand.u32 $0x3FFFFFC0, s30  }
0xc5: {  	_ =	swait.ge [sflag:s31], s0  }
0xc6: {  	s0 =	ssub.s32 $0x0, s0;
	[sflag:s31] =	ssyncset.done $0x0  }
0xc7: {  	s29 =	simm.s32 $0x0;
	[sflag:s31] =	ssyncadd.s32 s0  }
.LBB2_19:
0xc8: {  	v1 =	vld [tilespmem:s23+$0xFFFFFFE0];
	_ =	sdelay $0x4  }
0xc9: {  	[tilespmem:s30+$0x88] =	vst.add.f32.msk $0xffff, v1  }
0xca: {  	v1 =	vld [tilespmem:s23+$0xFFFFFFF0];
	_ =	sdelay $0x4  }
0xcb: {  	[tilespmem:s30+$0x98] =	vst.add.f32.msk $0xffff, v1  }
0xcc: {  	v1 =	vld [tilespmem:s23+$0x0];
	_ =	sdelay $0x4  }
0xcd: {  	[tilespmem:s30+$0xA8] =	vst.add.f32.msk $0xffff, v1  }
0xce: {  	v1 =	vld [tilespmem:s23+$0x10];
	_ =	sdelay $0x4  }
0xcf: {  	[tilespmem:s30+$0xB8] =	vst.add.f32.msk $0xffff, v1  }
.LBB2_23:
0xd0: {  	s24 =	sadd.s32 $0x1, s24  }
0xd1: {  	p2 =	seq.s32 s24, $0x0  }
.Ltmp17:
0xd2: {  	_ = 	snop;
	(pc) =	sbr.rel @p2 .LBB2_24-.Ltmp17, $2  }
0xd3: {  	_ =	sdelay $0x2  }
0xd4: {  	s23 =	sadd.s32 $0x80, s23;
	s21 =	sadd.s32 $0x1, s21;
	s26 =	smov.u32 s28  }
.LBB2_18:
0xd5: {  	v1 =	vld.msk [tilespmem:s21+$0x0], $0x1;
	_ =	sdelay $0x4  }
0xd6: {  	(v2sf) =	vpush v1, $0x0;
	_ =	sdelay $0xe  }
0xd7: {  	s28 =	spop (v2sf)  }
0xd8: {  	p2 =	sne.s32 s26, s28  }
.Ltmp18:
0xd9: {  	_ = 	snop;
	(pc) =	sbr.rel @!p2 .LBB2_19-.Ltmp18, $3  }
0xda: {  	_ =	sdelay $0x1  }
0xdb: {  	s0 =	sshll.u32 s20, $0x8  }
0xdc: {  	s30 =	sshra.s32 s0, $0x2  }
0xdd: {  	p2 =	seq.s32 s26, s22  }
.Ltmp19:
0xde: {  	_ = 	snop;
	(pc) =	sbr.rel @!p2 .LBB2_21-.Ltmp19, $1  }
0xdf: {  	_ =	sdelay $0x3  }
.Ltmp20:
0xe0: {  	s0 =	sadd.s32 $0x88, s30;
	(pc) =	sbr.rel .LBB2_22-.Ltmp20, $4  }
0xe1: {  	[spmem:s13] =	stream.linear.scatter [tilespmem:s0], [sflag:$0x1], $0x40, $0x38;
	[tilespmem:$0x1EF78] =	vst v63  }
0xe2: {  	_ =	swait.ge [sflag:s11], $0x40  }
0xe3: {  	[sflag:s11] =	ssyncset.done $0x0  }
0xe4: {  	[sflag:s11] =	ssyncadd.s32 $0xFFFFFFC0  }
.LBB2_21:
0xe5: {  	s0 =	sshll.u32 s25, $0x8  }
0xe6: {  	s0 =	sshra.s32 s0, $0x2  }
0xe7: {  	v1 =	vld [tilespmem:s0+$0x50C8];
	_ =	sdelay $0x4  }
0xe8: {  	[tilespmem:s30+$0x88] =	vst.add.f32.msk $0xffff, v1  }
0xe9: {  	v1 =	vld [tilespmem:s0+$0x50D8];
	_ =	sdelay $0x4  }
0xea: {  	[tilespmem:s30+$0x98] =	vst.add.f32.msk $0xffff, v1  }
0xeb: {  	v1 =	vld [tilespmem:s0+$0x50E8];
	_ =	sdelay $0x4  }
0xec: {  	[tilespmem:s30+$0xA8] =	vst.add.f32.msk $0xffff, v1  }
0xed: {  	v1 =	vld [tilespmem:s0+$0x50F8];
	_ =	sdelay $0x2  }
0xee: {  	p2 =	sgt.u32 s26, $0x9C78  }
0xef: {  	s0 =	sand.u32 @!p2 $0xFFF8, s26  }
0xf0: {  	s2 =	sadd.s32 $0x88, s30;
	s8 =	sand.u32 @!p2 $0x7, s26;
	s0 =	sadd.s32 @!p2 s1, s0;
	[tilespmem:s30+$0xB8] =	vst.add.f32.msk $0xffff, v1  }
0xf1: {  	[hbm4b:s0+s8] =	stream.linear.scatter @!p2 [tilespmem:s2], [sflag:$0xA], $0x40, $0x38;
	[tilespmem:$0x1EF78] =	vst v63  }
0xf2: {  	s0 =	simm.s32 $0x0  }
0xf3: {  	s0 =	simm.s32 @!p2 $0x100  }
0xf4: {  	s29 =	sadd.s32 s0, s29  }
.LBB2_22:
0xf5: {  	s0 =	sadd.s32 $0x1, s20  }
0xf6: {  	s2 =	smulhi.u32 $0xCCCCCCCD, s0;
	_ =	sdelay $0x1  }
0xf7: {  	v1 =	vld [tilespmem:s23+$0xFFFFFFE0];
	s2 =	sshrl.u32 s2, $0x8  }
0xf8: {  	s2 =	smul.u32 $0x140, s2;
	_ =	sdelay $0x1  }
0xf9: {  	s20 =	ssub.s32 s0, s2  }
0xfa: {  	s0 =	sshll.u32 s20, $0x6  }
0xfb: {  	[tilespmem:s0+$0x88] =	vst v1  }
0xfc: {  	v1 =	vld [tilespmem:s23+$0xFFFFFFF0];
	_ =	sdelay $0x4  }
0xfd: {  	[tilespmem:s0+$0x98] =	vst v1  }
0xfe: {  	v1 =	vld [tilespmem:s23+$0x0];
	_ =	sdelay $0x4  }
0xff: {  	[tilespmem:s0+$0xA8] =	vst v1  }
0x100: {  	v1 =	vld [tilespmem:s23+$0x10]  }
.Ltmp21:
0x101: {  	_ = 	snop;
	(pc) =	sbr.rel .LBB2_23-.Ltmp21, $2  }
0x102: {  	_ =	sdelay $0x2  }
0x103: {  	s25 =	sadd.s32 $0x1, s25;
	[tilespmem:s0+$0xB8] =	vst v1  }
.LBB2_25:
.Ltmp22:
0x104: {  	(pc) =	sbr.rel .LBB2_26-.Ltmp22, $4  }
0x105: {  	_ = 	snop  }
0x106: {  	s0 =	simm.s32 $0x2  }
0x107: {  	_ =	swait.ge [sflag:s0], $0x0  }
0x108: {  	s28 =	smov.u32 s26;
	[sflag:s0] =	ssyncset.done $0x0;
	s0 =	simm.s32 $0x0  }
.LBB2_28:
0x109: {  	_ =	sfence.sel $0x180000  }
0x10a: {  	s0 =	simm.s32 $0x7;
	[bflag:$0x0] =	sbarrier.arrive $0xFFFF  }
0x10b: {  	s25 =	simm.s32 $0x8;
	[sflag:s0] =	ssyncpa.u1 $0x1  }
0x10c: {  	s26 =	simm.s32 $0x9;
	[sflag:s25] =	ssyncpa.u1 $0x1  }
0x10d: {  	s28 =	simm.s32 $0x2;
	[sflag:s26] =	ssyncpa.u1 $0x1  }
0x10e: {  	[sflag:s28] =	ssyncpa.u1 $0x1  }
0x10f: {  	v0 =	vld [tilespmem:$0xA108];
	_ =	sdelay $0x4  }
0x110: {  	(v2sf) =	vpush v0, $0x0  }
0x111: {  	(v2sf) =	vpush v0, $0x1;
	_ =	sdelay $0x1  }
0x112: {  	(v2sf) =	vpush v0, $0x2;
	_ =	sdelay $0xb  }
0x113: {  	s0 =	spop (v2sf)  }
0x114: {  	s2 =	spop (v2sf)  }
0x115: {  	s3 =	smov.u32 s0;
	p0 =	sne.s32 s0, s2  }
0x116: {  	s4 =	spop (v2sf);
	s3 =	simm.s32 @!p0 $0xFFFFFFFF  }
0x117: {  	v2 =	vimm.s32 $0x1;
	v3 =	vlaneseq.u32;
	p0 =	seq.s32 s4, $0xFFFFFFFF;
	v1 =	vmov s3  }
0x118: {  	s7 =	stileid.u32;
	v0 =	vperm.xlane v0, v2;
	p1 =	sne.s32 @!p0 s0, s2;
	v1 =	vperm.xlane v1, v3  }
0x119: {  	vm0 =	vcmask $0x3F04;
	s6 =	simm.s32 $0xA108;
	s0 =	simm.s32 @!p0 $0x1;
	p1 =	por !p1, p0  }
0x11a: {  	s3 =	sshll.u32 s7, $0x1;
	s2 =	sshll.u32 @!p0 s4, $0x8;
	s0 =	simm.s32 @p1 $0x0;
	v0 =	vsel vm0, v1, v0  }
0x11b: {  	s5 =	sor.u32 $0x800, s3;
	s2 =	sshra.s32 @!p0 s2, $0x2;
	s0 =	sor.u32 @!p0 s0, s3;
	[tilespmem:$0xA108] =	vst v0  }
0x11c: {  	[spmem:s5] =	stream.linear.scatter [tilespmem:s6], [sflag:$0x1], $0x2, $0x38;
	[tilespmem:$0x1EF78] =	vst v63  }
0x11d: {  	s2 =	sadd.s32 @!p0 $0x88, s2;
	s0 =	sshll.u32 @!p0 s0, $0x6  }
0x11e: {  	[spmem:s0] =	stream.linear.scatter @!p0 [tilespmem:s2], [sflag:$0x1], $0x40, $0x38;
	[tilespmem:$0x1EF78] =	vst v63  }
0x11f: {  	s2 =	simm.s32 @!p0 $0x42  }
0x120: {  	s0 =	simm.s32 $0x1;
	s2 =	simm.s32 @p0 $0x2  }
0x121: {  	_ =	swait.ge [sflag:s0], s2  }
0x122: {  	s2 =	ssub.s32 $0x0, s2;
	[sflag:s0] =	ssyncset.done $0x0  }
0x123: {  	[sflag:s0] =	ssyncadd.s32 s2  }
0x124: {  	_ =	sfence.stream.spmem  }
0x125: {  	s29 =	simm.s32 $0x3;
	[bflag:$0x0] =	sbarrier.arrive $0xFFFF  }
0x126: {  	s30 =	simm.s32 $0x4;
	[sflag:s29] =	ssyncpa.u1 $0x1  }
0x127: {  	s31 =	simm.s32 $0x3C;
	[sflag:s30] =	ssyncpa.u1 $0x1  }
0x128: {  	p0 =	sne.s32 s7, $0x0;
	[sflag:s31] =	ssyncpa.u1 $0x1  }
0x129: {  	_ =	sfence @p0  }
0x12a: {  	[sflag:s0] =	ssyncpa.u1 @p0 $0x1  }
0x12b: {  	_ =	strace @p0 $0x90000053  }
0x12c: {  	[bflag:$0x2] =	sbarrier.arrive @p0 $0xFFFF  }
0x12d: {  	_ =	shalt @p0  }
.LBB2_29:
0x12e: {  	_ =	sfence.stream.spmem;
	s0 =	simm.s32 $0x5  }
0x12f: {  	s2 =	simm.s32 $0x800;
	s3 =	simm.s32 $0xA118;
	[sflag:s0] =	ssyncpa.u1 $0x0  }
0x130: {  	[tilespmem:s3], [sflag:$0x5] =	stream.linear.gather [spmem:s2], $0x20, $0x38;
	[tilespmem:$0x1EF78] =	vst v63  }
0x131: {  	s30 =	simm.s32 $0xA138;
	s2 =	simm.s32 $0x0  }
0x132: {  	[tilespmem:s30], [sflag:$0x5] =	stream.linear.gather [spmem:s2], $0x800, $0x38;
	[tilespmem:$0x1EF78] =	vst v63  }
.Ltmp23:
0x133: {  	_ = 	snop;
	(pc) =	sbr.rel .LBB2_30-.Ltmp23, $4  }
0x134: {  	_ =	swait.ge [sflag:s0], $0x820  }
0x135: {  	[sflag:s0] =	ssyncset.done $0x0  }
0x136: {  	s31 =	simm.s32 $0x6;
	[sflag:s0] =	ssyncadd.s32 $0xFFFFF7E0  }
0x137: {  	s3 =	simm.s32 $0x0;
	[sflag:s31] =	ssyncpa.u1 $0x0  }
.LBB2_36:
0x138: {  	p0 =	slt.u32 s4, $0x9C79  }
0x139: {  	s0 =	sand.u32 @p0 $0xFFF8, s4  }
0x13a: {  	s4 =	sand.u32 @p0 $0x7, s4;
	s5 =	simm.s32 @p0 $0xA0C8;
	s0 =	sadd.s32 @p0 s1, s0  }
0x13b: {  	[tilespmem:s5], [sflag:$0x6] =	stream.linear.gather @p0 [hbm4b:s0+s4], $0x40, $0x38;
	[tilespmem:$0x1EF78] =	vst v63  }
0x13c: {  	s0 =	simm.s32 @p0 $0x6  }
0x13d: {  	_ =	swait.ge @p0 [sflag:s0], $0x40  }
0x13e: {  	[sflag:s0] =	ssyncset.done @p0 $0x0  }
0x13f: {  	[sflag:s0] =	ssyncadd.s32 @p0 $0xFFFFFFC0  }
0x140: {  	v1 =	vld @p0 [tilespmem:$0xA0C8];
	_ =	sdelay $0x2  }
0x141: {  	s0 =	sshll.u32 @p0 s3, $0x8  }
0x142: {  	s4 =	sshrl.u32 @p0 s0, $0x2  }
0x143: {  	[tilespmem:s4+$0xA138] =	vst.add.f32.msk @p0 $0xffff, v1  }
0x144: {  	v1 =	vld @p0 [tilespmem:$0xA0D8];
	_ =	sdelay $0x4  }
0x145: {  	[tilespmem:s4+$0xA148] =	vst.add.f32.msk @p0 $0xffff, v1  }
0x146: {  	v1 =	vld @p0 [tilespmem:$0xA0E8];
	_ =	sdelay $0x4  }
0x147: {  	[tilespmem:s4+$0xA158] =	vst.add.f32.msk @p0 $0xffff, v1  }
0x148: {  	v1 =	vld @p0 [tilespmem:$0xA0F8];
	_ =	sdelay $0x3  }
0x149: {  	s5 =	sshll.u32 @!p0 s3, $0x8  }
0x14a: {  	s5 =	smov.u32 @p0 s0;
	[tilespmem:s4+$0xA168] =	vst.add.f32.msk @p0 $0xffff, v1  }
0x14b: {  	s0 =	sshrl.u32 s5, $0x2;
	[tilespmem:s2+$0xA118] =	vst.msk $0x1, v0  }
0x14c: {  	v0 =	vld [tilespmem:s0+$0xA138];
	_ =	sdelay $0x2  }
0x14d: {  	s31 =	sshll.u32 s2, $0x8  }
0x14e: {  	s4 =	sshra.s32 s31, $0x2  }
0x14f: {  	[tilespmem:s4+$0xA138] =	vst v0  }
0x150: {  	v0 =	vld [tilespmem:s0+$0xA148];
	_ =	sdelay $0x4  }
0x151: {  	[tilespmem:s4+$0xA148] =	vst v0  }
0x152: {  	v0 =	vld [tilespmem:s0+$0xA158];
	_ =	sdelay $0x4  }
0x153: {  	[tilespmem:s4+$0xA158] =	vst v0  }
0x154: {  	v0 =	vld [tilespmem:s0+$0xA168];
	_ =	sdelay $0x4  }
0x155: {  	s2 =	sadd.s32 $0x1, s2;
	[tilespmem:s4+$0xA168] =	vst v0  }
.LBB2_37:
0x156: {  	s3 =	sadd.s32 $0x1, s3  }
0x157: {  	p0 =	sne.s32 s3, $0x20  }
.Ltmp24:
0x158: {  	_ = 	snop;
	(pc) =	sbr.rel @!p0 .LBB2_38-.Ltmp24, $1  }
0x159: {  	_ =	sdelay $0x3  }
.LBB2_30:
0x15a: {  	v0 =	vld.msk [tilespmem:s3+$0xA118], $0x1;
	_ =	sdelay $0x4  }
0x15b: {  	(v2sf) =	vpush v0, $0x0;
	_ =	sdelay $0xe  }
0x15c: {  	s4 =	spop (v2sf)  }
0x15d: {  	p0 =	seq.s32 s4, $0xFFFFFFFF  }
.Ltmp25:
0x15e: {  	_ = 	snop;
	(pc) =	sbr.rel @p0 .LBB2_37-.Ltmp25, $1  }
0x15f: {  	_ =	sdelay $0x3  }
0x160: {  	p0 =	slt.s32 s2, $0x1  }
.Ltmp26:
0x161: {  	_ = 	snop;
	(pc) =	sbr.rel @p0 .LBB2_36-.Ltmp26, $1  }
0x162: {  	_ =	sdelay $0x3  }
0x163: {  	s5 =	simm.s32 $0xA118;
	p0 =	por $0x0, $0x0  }
0x164: {  	v1 =	vld.msk @!p0 [tilespmem:s5+$0x0], $0x1;
	_ =	sdelay $0x4  }
0x165: {  	(v2sf) =	vpush @!p0 v1, $0x0;
	_ =	sdelay $0xd  }
0x166: {  	p2 =	sne.s32 s2, $0x1  }
.Ltmp27:
0x167: {  	s0 =	spop @!p0 (v2sf);
	(pc) =	sbr.rel @!p2 .LBB2_34-.Ltmp27, $4  }
0x168: {  	p1 =	seq.s32 @!p0 s4, s0  }
0x169: {  	s6 =	simm.s32 $0x0;
	p1 =	por !p1, p0  }
0x16a: {  	s0 =	simm.s32 $0xFFFFFFFF;
	s6 =	simm.s32 @p1 $0xFFFFFFFF  }
0x16b: {  	s7 =	simm.s32 $0x1;
	s6 =	smov.u32 @p0 s0  }
.LBB2_33:
0x16c: {  	s0 =	smov.u32 s6;
	p0 =	sne.s32 s6, $0xFFFFFFFF  }
0x16d: {  	s5 =	sadd.s32 $0x1, s5;
	s6 =	smov.u32 s7;
	s7 =	sadd.s32 $0x1, s7  }
0x16e: {  	p1 =	sne.s32 s2, s7;
	v1 =	vld.msk @!p0 [tilespmem:s5+$0x0], $0x1;
	_ =	sdelay $0x4  }
0x16f: {  	(v2sf) =	vpush @!p0 v1, $0x0;
	_ =	sdelay $0xe  }
.Ltmp28:
0x170: {  	s8 =	spop @!p0 (v2sf);
	(pc) =	sbr.rel @p1 .LBB2_33-.Ltmp28, $4  }
0x171: {  	p2 =	seq.s32 @!p0 s4, s8  }
0x172: {  	p2 =	por !p2, p0  }
0x173: {  	s6 =	simm.s32 @p2 $0xFFFFFFFF  }
0x174: {  	s6 =	smov.u32 @p0 s0  }
.LBB2_34:
0x175: {  	p0 =	seq.s32 s6, $0xFFFFFFFF  }
.Ltmp29:
0x176: {  	_ = 	snop;
	(pc) =	sbr.rel @p0 .LBB2_36-.Ltmp29, $1  }
0x177: {  	_ =	sdelay $0x3  }
0x178: {  	s0 =	sshll.u32 s3, $0x6  }
0x179: {  	s0 =	sand.u32 $0x3FFFFFC0, s0  }
0x17a: {  	v0 =	vld [tilespmem:s0+$0xA138];
	_ =	sdelay $0x2  }
0x17b: {  	s4 =	sshll.u32 s6, $0x8  }
0x17c: {  	s4 =	sshra.s32 s4, $0x2  }
0x17d: {  	[tilespmem:s4+$0xA138] =	vst.add.f32.msk $0xffff, v0  }
0x17e: {  	v0 =	vld [tilespmem:s0+$0xA148];
	_ =	sdelay $0x4  }
0x17f: {  	[tilespmem:s4+$0xA148] =	vst.add.f32.msk $0xffff, v0  }
0x180: {  	v0 =	vld [tilespmem:s0+$0xA158];
	_ =	sdelay $0x4  }
0x181: {  	[tilespmem:s4+$0xA158] =	vst.add.f32.msk $0xffff, v0  }
0x182: {  	v0 =	vld [tilespmem:s0+$0xA168]  }
.Ltmp30:
0x183: {  	_ = 	snop;
	(pc) =	sbr.rel .LBB2_37-.Ltmp30, $2  }
0x184: {  	_ =	sdelay $0x2  }
0x185: {  	[tilespmem:s4+$0xA168] =	vst.add.f32.msk $0xffff, v0  }
.LBB2_38:
0x186: {  	p0 =	slt.s32 s2, $0x1  }
.Ltmp31:
0x187: {  	_ = 	snop;
	(pc) =	sbr.rel @p0 .LBB2_42-.Ltmp31, $3  }
0x188: {  	_ =	sdelay $0x1  }
0x189: {  	s0 =	simm.s32 $0x6  }
0x18a: {  	s3 =	simm.s32 $0x0;
	[sflag:s0] =	ssyncpa.u1 $0x1  }
0x18b: {  	s0 =	simm.s32 $0xA118  }
0x18c: {  	v0 =	vld.msk [tilespmem:s0+$0x0], $0x1;
	_ =	sdelay $0x4  }
0x18d: {  	(v2sf) =	vpush v0, $0x0;
	_ =	sdelay $0xe  }
0x18e: {  	s2 =	sadd.s32 $0xFFFFFFFF, s2;
	s0 =	spop (v2sf)  }
0x18f: {  	p1 =	sne.s32 s2, $0x0;
	p0 =	sgt.u32 s0, $0x9C78  }
.Ltmp32:
0x190: {  	s5 =	sand.u32 @!p0 $0xFFF8, s0;
	(pc) =	sbr.rel @!p1 .LBB2_41-.Ltmp32, $4  }
0x191: {  	s4 =	simm.s32 $0xA138;
	s0 =	sand.u32 @!p0 $0x7, s0;
	s5 =	sadd.s32 @!p0 s1, s5  }
0x192: {  	[hbm4b:s5+s0] =	stream.linear.scatter @!p0 [tilespmem:s4], [sflag:$0x5], $0x40, $0x38;
	[tilespmem:$0x1EF78] =	vst v63  }
0x193: {  	s0 =	simm.s32 $0x0  }
0x194: {  	s5 =	simm.s32 $0xA119;
	s0 =	simm.s32 @!p0 $0x100  }
.LBB2_40:
0x195: {  	v0 =	vld.msk [tilespmem:s5+$0x0], $0x1;
	s2 =	sadd.s32 $0xFFFFFFFF, s2;
	s3 =	sadd.s32 s3, s0  }
0x196: {  	p0 =	sne.s32 s2, $0x0;
	_ =	sdelay $0x3  }
0x197: {  	(v2sf) =	vpush v0, $0x0;
	_ =	sdelay $0xe  }
.Ltmp33:
0x198: {  	s6 =	spop (v2sf);
	(pc) =	sbr.rel @p0 .LBB2_40-.Ltmp33, $4  }
0x199: {  	s0 =	simm.s32 $0x0;
	p1 =	sgt.u32 s6, $0x9C78  }
0x19a: {  	s4 =	sadd.s32 $0x40, s4;
	s0 =	simm.s32 @!p1 $0x100;
	s7 =	sand.u32 @!p1 $0xFFF8, s6  }
0x19b: {  	s5 =	sadd.s32 $0x1, s5;
	s6 =	sand.u32 @!p1 $0x7, s6;
	s7 =	sadd.s32 @!p1 s1, s7  }
0x19c: {  	[hbm4b:s7+s6] =	stream.linear.scatter @!p1 [tilespmem:s4], [sflag:$0x5], $0x40, $0x38;
	[tilespmem:$0x1EF78] =	vst v63  }
.LBB2_41:
0x19d: {  	s0 =	sadd.s32 s3, s0  }
0x19e: {  	s3 =	sshrl.u32 s0, $0x2  }
.LBB2_42:
0x19f: {  	s0 =	simm.s32 $0x5  }
0x1a0: {  	_ =	swait.ge [sflag:s0], s3  }
0x1a1: {  	s1 =	ssub.s32 $0x0, s3;
	[sflag:s0] =	ssyncset.done $0x0  }
0x1a2: {  	[sflag:s0] =	ssyncadd.s32 s1  }
0x1a3: {  	[sflag:s0] =	ssyncpa.u1 $0x1  }
0x1a4: {  	s30 =	simm.s32 $0x1;
	_ =	sfence  }
0x1a5: {  	[sflag:s30] =	ssyncpa.u1 $0x1  }
0x1a6: {  	_ =	strace $0x90000053  }
0x1a7: {  	[bflag:$0x2] =	sbarrier.arrive $0xFFFF  }
0x1a8: {  	s31 =	rddreg [dreg:$0x1]  }
0x1a9: {  	s0 =	sadd.s32 $0x100000, s31  }
0x1aa: {  	[sflag:s0] =	ssyncadd.tile.s32 $0x1;
	_ =	shalt  }
.Lfunc_end2:
_tile_overlayer_lowered:
.L_overlay_start_2:
0x1ab: {  	(tag) =	ssettag $0x2  }
0x1ac: {  	s0 =	rddreg [dreg:$0x0];
	s2 =	stileid.u32  }
0x1ad: {  	s1 =	rddreg [dreg:$0x1];
	p0 =	sne.s32 s2, $0x0  }
0x1ae: {  	s3 =	rddreg [dreg:$0x2];
	[bflag:$0x3] =	sbarrier.arrive $0xFFFF;
	s2 =	simm.s32 @!p0 $0x1C01  }
0x1af: {  	[timem:s3], [sflag:s2] =	dma.local @!p0 [hbm:s0], s1  }
0x1b0: {  	s0 =	simm.s32 @!p0 $0x1  }
0x1b1: {  	_ =	swait.ge @!p0 [sflag:s0], s1  }
0x1b2: {  	s1 =	ssub.s32 @!p0 $0x0, s1;
	[sflag:s0] =	ssyncset.done @!p0 $0x0  }
0x1b3: {  	[sflag:s0] =	ssyncadd.s32 @!p0 s1  }
0x1b4: {  	[bflag:$0x3] =	sbarrier.arrive $0xFFFF  }
0x1b5: {  	_ =	shalt  }

// kernel: scatter_offload_async_start.5
scs
__scs_entry_jumppad:
0x0: {  	(pc) =	sbr.rel $0x88, $3  }
0x1: {  	(tag) =	ssettag $0x0;
	lr =	simm.s32 $0x1  }
0x2: {  	[smem:$0x3F7E] =	sst lr;
	_ =	strace $0xD0000000  }
0x3: {  	_ = 	snop  }
0x4: {  	_ = 	snop  }
0x5: {  	_ = 	snop  }
0x6: {  	_ = 	snop  }
0x7: {  	_ = 	snop  }
__scs_overlays_trampoline_lowered:
0x8: {  	[smem:$0x3F8D] =	sst s0  }
0x9: {  	[smem:$0x3F8E] =	sst s1  }
0xa: {  	[smem:$0x3F8F] =	sst s2  }
0xb: {  	[smem:$0x3F90] =	sst s3  }
0xc: {  	[smem:$0x3F91] =	sst s4  }
0xd: {  	[smem:$0x3F92] =	sst s5  }
0xe: {  	[smem:$0x3F93] =	sst s6  }
0xf: {  	[smem:$0x3F94] =	sst s7  }
0x10: {  	[smem:$0x3F95] =	sst s8  }
0x11: {  	[smem:$0x3F96] =	sst s9;
	s0 =	simm.s32 @!p0 $0x0  }
0x12: {  	s1 =	sld [smem:$0x3F7C];
	s0 =	simm.s32 @p0 $0x1  }
0x13: {  	[smem:$0x3F97] =	sst s0;
	s0 =	simm.s32 @!p1 $0x0  }
0x14: {  	s2 =	sld [smem:$0x3F7B];
	s0 =	simm.s32 @p1 $0x1  }
0x15: {  	[smem:$0x3F98] =	sst s0;
	s0 =	simm.s32 @!p2 $0x0  }
0x16: {  	s3 =	sld [smem:$0x3FDB];
	s0 =	simm.s32 @p2 $0x1  }
0x17: {  	s4 =	simm.s32 $0x1BF5;
	[smem:$0x3F9A] =	sst s0  }
0x18: {  	s0 =	sld [smem:$0x3F7D];
	_ =	swait.ge [sflag:s4], $0x0  }
0x19: {  	s7 =	sld [smem:$0x3F7E]  }
0x1a: {  	s8 =	sadd.s32 $0xFFFFE003, lr  }
0x1b: {  	s9 =	sadd.s32 $0xFFFFFEF7, lr;
	s5 =	simm.s32 $0xFFFFFFFF;
	p2 =	slt.u32 s8, $0xFFFFF086  }
0x1c: {  	p1 =	slt.u32 s9, $0xF7A;
	s5 =	simm.s32 @!p2 $0x0  }
0x1d: {  	s5 =	simm.s32 @p1 $0x1;
	p0 =	seq.s32 s7, s2  }
0x1e: {  	s7 =	smul.u32 @!p0 $0xF7A, s2;
	p2 =	seq.s32 @!p0 s5, $0x0  }
0x1f: {  	s9 =	smul.u32 $0xF7A, s1;
	s8 =	simm.s32 @!p0 $0x1BF5;
	p2 =	por !p2, p0  }
0x20: {  	[sflag:s8] =	ssyncset.s32 @!p0 $0xFFFFF086;
	s6 =	sadd.s32 @!p0 s3, s7;
	s7 =	simm.s32 @!p0 $0x108  }
0x21: {  	s3 =	sadd.s32 s3, s9;
	s6 =	sadd.s32 @!p0 $0x88, s6;
	s7 =	simm.s32 @p2 $0x1082  }
0x22: {  	[simem:s7], [sflag:s8] =	dma.local @!p0 [hbm:s6], $0xF7A  }
0x23: {  	s9 =	sor.u32 $0xD0000000, s2;
	s6 =	simm.s32 $0x108;
	_ =	swait.ge @!p0 [sflag:s8], $0x0  }
0x24: {  	s3 =	sadd.s32 $0x88, s3;
	s6 =	simm.s32 @!p1 $0x1082;
	[sflag:s4] =	ssyncset.s32 $0xFFFFF086  }
0x25: {  	[simem:s6], [sflag:s4] =	dma.local [hbm:s3], $0xF7A  }
0x26: {  	[smem:$0x3F7E] =	sst s1;
	(tag) =	ssettag s2;
	_ =	strace s9  }
0x27: {  	s1 =	sld [smem:$0x3F8E]  }
0x28: {  	s2 =	sld [smem:$0x3F8F]  }
0x29: {  	s4 =	sld [smem:$0x3F91]  }
0x2a: {  	p0 =	seq.s32 s5, $0x0;
	s5 =	sld [smem:$0x3F92]  }
0x2b: {  	s6 =	sld [smem:$0x3F93]  }
0x2c: {  	s7 =	sld [smem:$0x3F94]  }
0x2d: {  	s3 =	simm.s32 $0x108;
	s8 =	sld [smem:$0x3F95]  }
0x2e: {  	s3 =	simm.s32 @!p0 $0x1082;
	s9 =	sld [smem:$0x3F96]  }
0x2f: {  	lr =	sadd.s32 s0, s3;
	s0 =	sld [smem:$0x3F8D]  }
0x30: {  	s3 =	sld [smem:$0x3F90]  }
0x31: {  	[smem:$0x3F99] =	sst s10  }
0x32: {  	s10 =	sld [smem:$0x3F97];
	_ =	sdelay $0x3  }
0x33: {  	p0 =	seq.s32 s10, $0x1;
	s10 =	sld [smem:$0x3F99];
	_ =	sdelay $0x3  }
0x34: {  	[smem:$0x3F99] =	sst s10  }
0x35: {  	s10 =	sld [smem:$0x3F98];
	_ =	sdelay $0x3  }
0x36: {  	p1 =	seq.s32 s10, $0x1;
	s10 =	sld [smem:$0x3F99];
	_ =	sdelay $0x3  }
0x37: {  	[smem:$0x3F99] =	sst s10  }
0x38: {  	s10 =	sld [smem:$0x3F9A]  }
0x39: {  	_ = 	snop;
	(pc) =	sbr.ind lr, $3  }
0x3a: {  	_ = 	snop  }
0x3b: {  	_ = 	snop  }
0x3c: {  	p2 =	seq.s32 s10, $0x1;
	s10 =	sld [smem:$0x3F99]  }
0x3d: {  	_ =	shalt  }
0x3e: {  	_ =	shalt  }
0x3f: {  	_ =	shalt  }
0x40: {  	_ =	shalt  }
0x41: {  	_ =	shalt  }
0x42: {  	_ =	shalt  }
0x43: {  	_ =	shalt  }
0x44: {  	_ =	shalt  }
0x45: {  	_ =	shalt  }
0x46: {  	_ =	shalt  }
0x47: {  	_ =	shalt  }
0x48: {  	_ =	shalt  }
0x49: {  	_ =	shalt  }
0x4a: {  	_ =	shalt  }
0x4b: {  	_ =	shalt  }
0x4c: {  	_ =	shalt  }
0x4d: {  	_ =	shalt  }
0x4e: {  	_ =	shalt  }
0x4f: {  	_ =	shalt  }
0x50: {  	_ =	shalt  }
0x51: {  	_ =	shalt  }
0x52: {  	_ =	shalt  }
0x53: {  	_ =	shalt  }
0x54: {  	_ =	shalt  }
0x55: {  	_ =	shalt  }
0x56: {  	_ =	shalt  }
0x57: {  	_ =	shalt  }
0x58: {  	_ =	shalt  }
0x59: {  	_ =	shalt  }
0x5a: {  	_ =	shalt  }
0x5b: {  	_ =	shalt  }
0x5c: {  	_ =	shalt  }
0x5d: {  	_ =	shalt  }
0x5e: {  	_ =	shalt  }
0x5f: {  	_ =	shalt  }
0x60: {  	_ =	shalt  }
0x61: {  	_ =	shalt  }
0x62: {  	_ =	shalt  }
0x63: {  	_ =	shalt  }
0x64: {  	_ =	shalt  }
0x65: {  	_ =	shalt  }
0x66: {  	_ =	shalt  }
0x67: {  	_ =	shalt  }
0x68: {  	_ =	shalt  }
0x69: {  	_ =	shalt  }
0x6a: {  	_ =	shalt  }
0x6b: {  	_ =	shalt  }
0x6c: {  	_ =	shalt  }
0x6d: {  	_ =	shalt  }
0x6e: {  	_ =	shalt  }
0x6f: {  	_ =	shalt  }
0x70: {  	_ =	shalt  }
0x71: {  	_ =	shalt  }
0x72: {  	_ =	shalt  }
0x73: {  	_ =	shalt  }
0x74: {  	_ =	shalt  }
0x75: {  	_ =	shalt  }
0x76: {  	_ =	shalt  }
0x77: {  	_ =	shalt  }
0x78: {  	_ =	shalt  }
0x79: {  	_ =	shalt  }
0x7a: {  	_ =	shalt  }
0x7b: {  	_ =	shalt  }
0x7c: {  	_ =	shalt  }
0x7d: {  	_ =	shalt  }
0x7e: {  	_ =	shalt  }
0x7f: {  	_ =	shalt  }
0x80: {  	_ =	shalt  }
0x81: {  	_ =	shalt  }
0x82: {  	_ =	shalt  }
0x83: {  	_ =	shalt  }
0x84: {  	_ =	shalt  }
0x85: {  	_ =	shalt  }
0x86: {  	_ =	shalt  }
0x87: {  	_ =	shalt  }
.Lfunc_end0:
.L_simem_size_0:
called_computation.5_lowered:
.L_overlay_start_0:
0x88: {  	s0 =	sld [smem:$0x3FD9]  }
0x89: {  	s1 =	sld [smem:$0x3FFE];
	_ =	sdelay $0x3  }
0x8a: {  	s0 =	sadd.s32 s1, s0  }
0x8b: {  	[smem:$0x3FA5] =	sst s0  }
0x8c: {  	_ = 	snop  }
0x8d: {  	(tm) =	ssettm $0x1  }
0x8e: {  	s15 =	sld [smem:$0x3FFB];
	_ =	sdelay $0x3  }
0x8f: {  	_ =	strace s15  }
0x90: {  	s0 =	sld [smem:$0x3FFC];
	_ =	sdelay $0x3  }
0x91: {  	_ =	strace s0  }
0x92: {  	s0 =	sld [smem:$0x3FFD];
	_ =	sdelay $0x3  }
0x93: {  	_ =	strace s0  }
0x94: {  	_ =	strace $0x8FFFFFFF  }
0x95: {  	s16 =	sld [smem:$0x3FDB];
	_ =	sdelay $0x1  }
0x96: {  	s17 =	simm.s32 $_scs_section_size  }
0x97: {  	s2 =	simm.s32 $_size__tile_overlayer_lowered;
	s3 =	simm.s32 $_tile_overlayer_lowered  }
0x98: {  	s20 =	simm.s32 $0x1BFF;
	s19 =	sshll.u32 s3, $0x1;
	s0 =	sadd.s32 s17, s16  }
0x99: {  	s4 =	simm.s32 $0x0;
	s18 =	sshll.u32 s2, $0x1;
	s2 =	sadd.s32 s19, s0  }
0x9a: {  	[timem:s4], [sflag:s20] =	dma.local [hbm:s2], s18  }
0x9b: {  	_ =	swait.ge [sflag:s20], s18  }
0x9c: {  	s1 =	ssub.s32 $0x0, s18;
	[sflag:s20] =	ssyncset.done $0x0  }
0x9d: {  	[sflag:s20] =	ssyncadd.s32 s1;
	_ =	sdelay $0x1  }
0x9e: {  	s21 =	simm.s32 $0x1B8B  }
0x9f: {  	_ =	swait.ge [sflag:s21], $0x1  }
0xa0: {  	[sflag:s21] =	ssyncset.done $0x0  }
0xa1: {  	s23 =	simm.s32 $0x1B8E;
	s22 =	sld [smem:$0x3FFE];
	[sflag:s21] =	ssyncadd.s32 $0xFFFFFFFF  }
0xa2: {  	s24 =	simm.s32 $execute0_lowered;
	[smem:$0x3FD2] =	sst s23  }
0xa3: {  	s2 =	sshll.u32 s24, $0x1;
	_ =	strace $0x80000055;
	[dreg:$0x1] =	wrdreg $0xFFFFFFFF  }
0xa4: {  	s25 =	simm.s32 $_size_execute0_lowered;
	s0 =	sadd.s32 s0, s2;
	[dreg:$0x0] =	wrdreg $0x0  }
0xa5: {  	s2 =	sshll.u32 s25, $0x1;
	[dreg:$0x2] =	wrdreg s0  }
0xa6: {  	[dreg:$0x3] =	wrdreg s2  }
0xa7: {  	[dreg:$0x4] =	wrdreg $0xC0  }
0xa8: {  	_ =	task [dreg:s4], $0x5FFFF  }
0xa9: {  	[dreg:$0x1] =	wrdreg $0xFFFFFFFF  }
0xaa: {  	[dreg:$0x0] =	wrdreg $0x60  }
0xab: {  	[dreg:$0x2] =	wrdreg s22  }
0xac: {  	[dreg:$0x3] =	wrdreg $0x9  }
0xad: {  	_ =	task.clear_ibuf [dreg:s4], $0x4FFFF;
	_ =	strace $0x90000055  }
0xae: {  	s26 =	simm.s32 $0x9;
	_ =	strace $0x80000057  }
0xaf: {  	_ =	swait.ge [sflag:s26], $0x1  }
0xb0: {  	[sflag:s26] =	ssyncadd.s32 $0xFFFFFFFF  }
0xb1: {  	_ =	strace $0x90000057  }
0xb2: {  	_ =	sfence  }
0xb3: {  	s28 =	sld [smem:$0x0];
	_ =	sdelay $0x1  }
0xb4: {  	s29 =	srdreg.scid  }
0xb5: {  	s30 =	sshll.u32 s29, $0xD;
	s31 =	sshrl.u32 s29, $0x2  }
0xb6: {  	s1 =	sand.u32 $0x1, s29;
	s2 =	sand.u32 $0x4000, s30;
	s0 =	sadd.s32 s31, s28  }
0xb7: {  	s1 =	sor.u32 s2, s1;
	s0 =	sshll.u32 s0, $0x11  }
0xb8: {  	s0 =	sor.u32 s0, s1  }
0xb9: {  	s0 =	sadd.s32 $0x8F2B, s0  }
0xba: {  	[sflag:s0] =	ssyncadd.remote.s32 $0x1  }
0xbb: {  	_ =	sfence.sel $0xFFFF  }
0xbc: {  	[dreg:$0x0] =	wrdreg $0xFFFFFFFF;
	(pc) =	sbr.abs _section_cstart, $3  }
0xbd: {  	[dreg:$0x1] =	wrdreg $0xFFFFFFFF  }
0xbe: {  	_ =	task.clear_ibuf [dreg:s4], $0x2FFFF;
	_ =	strace $0x9FFFFFFF  }
0xbf: {  	(tm) =	ssettm $0x7FFFFFFF  }
tec
execute0_lowered:
.L_overlay_start_1:
0x0: {  	(tag) =	ssettag $0x1  }
0x1: {  	s0 =	rddreg [dreg:$0x0];
	_ =	strace $0x80000056;
	s1 =	simm.s32 $0x1  }
0x2: {  	s8 =	simm.s32 $0x88;
	v0 =	vimm.s32 $0x0;
	[sflag:s1] =	ssyncpa.u1 $0x0  }
0x3: {  	[tilespmem:s8+$0x30] =	vst v0  }
0x4: {  	s1 =	sadd.s32 $0xB6000, s0;
	s3 =	sadd.s32 $0x28000, s0;
	[tilespmem:s8+$0x20] =	vst v0  }
0x5: {  	s4 =	sadd.s32 $0x57AA00, s0;
	s5 =	sadd.s32 $0xBFE00, s0;
	s0 =	simm.s32 $0x40;
	[tilespmem:s8+$0x10] =	vst v0  }
.LBB2_1:
0x6: {  	s0 =	sadd.s32 $0x40, s0  }
0x7: {  	[tilespmem:s8+$0x0] =	vst v0;
	s8 =	sadd.s32 $0x40, s8;
	p0 =	slt.u32 s0, $0x5040  }
.Ltmp0:
0x8: {  	(pc) =	sbr.rel @p0 .LBB2_1-.Ltmp0, $4  }
0x9: {  	_ = 	snop  }
0xa: {  	[tilespmem:s8+$0x30] =	vst v0  }
0xb: {  	[tilespmem:s8+$0x20] =	vst v0  }
0xc: {  	[tilespmem:s8+$0x10] =	vst v0  }
0xd: {  	s9 =	stileid.u32  }
0xe: {  	s0 =	smul.u32 $0x3E, s9  }
0xf: {  	s2 =	smin.u32 s9, $0xC  }
0x10: {  	s0 =	sadd.s32 s2, s0  }
0x11: {  	p0 =	slt.u32 s9, $0xC;
	s6 =	smul.u32 $0x140, s0;
	s0 =	simm.s32 $0x4EC0  }
0x12: {  	s0 =	simm.s32 @!p0 $0x4D80  }
0x13: {  	s0 =	sadd.s32 s0, s6  }
0x14: {  	s7 =	smin.u32 s0, $0x4E6E2  }
0x15: {  	s0 =	ssub.s32 s7, s6  }
0x16: {  	p0 =	sgt.s32 s0, $0x0  }
0x17: {  	s0 =	simm.s32 @!p0 $0x0  }
0x18: {  	s29 =	simm.s32 $0x2;
	s10 =	simm.s32 $0x7;
	s28 =	smulhi.u32 $0x66666667, s0  }
0x19: {  	s31 =	simm.s32 $0x8;
	s11 =	simm.s32 $0x1;
	s15 =	simm.s32 $0x0  }
0x1a: {  	p1 =	por $0x0, $0x0;
	s16 =	simm.s32 $0xA;
	s2 =	sshrl.u32 s28, $0x7  }
0x1b: {  	s20 =	simm.s32 $0x0;
	s17 =	simm.s32 $0x0;
	s30 =	smul.u32 $0x140, s2  }
.Ltmp1:
0x1c: {  	[tilespmem:s8+$0x0] =	vst v0;
	v0 =	vimm.s32 $0xFFFFFFFF;
	s19 =	simm.s32 $0x0;
	[sflag:s29] =	ssyncpa.u1 $0x0;
	(pc) =	sbr.rel .LBB2_3-.Ltmp1, $4  }
0x1d: {  	[tilespmem:$0xA108] =	vst v0;
	[sflag:s10] =	ssyncpa.u1 $0x0;
	p0 =	sne.s32 s0, s30;
	s0 =	simm.s32 $0x1  }
0x1e: {  	s10 =	simm.s32 $0x9;
	[sflag:s31] =	ssyncpa.u1 $0x0;
	s0 =	simm.s32 @!p0 $0x0  }
0x1f: {  	s13 =	sshll.u32 s9, $0x7;
	[sflag:s10] =	ssyncpa.u1 $0x0;
	s12 =	sadd.s32 s0, s2  }
0x20: {  	v0 =	vlaneseq.u32;
	s18 =	smov.u32 s6;
	p0 =	por $0x1, $0x1;
	s14 =	sadd.s32 $0x1, s12  }
.LBB2_24:
0x21: {  	s0 =	sshrl.u32 s29, $0x2  }
.LBB2_26:
0x22: {  	_ =	swait.ge [sflag:s16], s0  }
0x23: {  	s31 =	ssub.s32 $0x0, s0;
	v1 =	vmov s22;
	vm0 =	veq.s32 v0, $0x0;
	[sflag:s16] =	ssyncset.done $0x0  }
0x24: {  	vm15 =	veq.s32 v0, $0x2;
	v1 =	vsel vm0, s28, v1;
	[sflag:s16] =	ssyncadd.s32 s31  }
0x25: {  	v1 =	vsel vm15, s20, v1;
	[sflag:s16] =	ssyncpa.u1 $0x1  }
0x26: {  	[tilespmem:$0xA108] =	vst v1  }
.LBB2_27:
0x27: {  	s0 =	sadd.s32 $0x140, s18  }
0x28: {  	s2 =	smov.u32 s6;
	p2 =	slt.s32 s0, s7  }
0x29: {  	s2 =	smov.u32 @p2 s0;
	p2 =	sne.s32 s19, s14  }
.Ltmp2:
0x2a: {  	_ = 	snop;
	(pc) =	sbr.rel @!p2 .LBB2_28-.Ltmp2, $4  }
0x2b: {  	_ = 	snop  }
0x2c: {  	s20 =	smov.u32 s17  }
0x2d: {  	s31 =	sadd.s32 $0x1, s19;
	s17 =	smov.u32 s18;
	p0 =	por !p0, !p0  }
0x2e: {  	p1 =	por !p1, !p1;
	s19 =	smov.u32 s31;
	s18 =	smov.u32 s2  }
.LBB2_3:
0x2f: {  	p2 =	sge.u32 s19, s12  }
0x30: {  	s0 =	smulhi.u32 @!p2 $0xAAAAAAAB, s19  }
0x31: {  	s2 =	smov.u32 s18;
	p3 =	sgt.s32 @!p2 s18, $0x4E5A2  }
0x32: {  	s8 =	sshra.s32 @!p2 s18, $0x1F;
	p3 =	por !p3, p2;
	s0 =	sshrl.u32 @!p2 s0, $0x1  }
0x33: {  	s8 =	sand.u32 @!p2 s8, s18;
	s2 =	simm.s32 @p3 $0x4E5A2;
	s0 =	smul.u32 @!p2 $0x3, s0  }
0x34: {  	s2 =	ssub.s32 @!p2 s2, s8  }
0x35: {  	s22 =	sadd.s32 $0xFFFFFFFF, s19;
	s2 =	sadd.s32 @!p2 $0xFFFB1A5E, s2;
	s0 =	ssub.s32 @!p2 s19, s0  }
0x36: {  	s8 =	sshll.u32 @!p2 s2, $0x2;
	p3 =	sgt.s32 @!p2 s2, $0x13F;
	s0 =	smul.u32 @!p2 $0x500, s0  }
0x37: {  	s21 =	sand.u32 @!p2 $0x7, s18;
	s2 =	ssub.s32 @!p2 $0x500, s8;
	p3 =	por !p3, p2  }
0x38: {  	s8 =	sshrl.u32 @!p2 s18, $0x3;
	s2 =	sshrl.u32 @!p2 s2, $0x2;
	s0 =	sshrl.u32 @!p2 s0, $0x2  }
0x39: {  	s8 =	sadd.s32 @!p2 s5, s8;
	s2 =	simm.s32 @!p3 $0x0;
	s0 =	sadd.s32 @!p2 $0xA938, s0  }
0x3a: {  	[tilespmem:s0], [sflag:$0x8] =	stream.linear.gather @!p2 [hbm4b:s8+s21], s2, $0x38;
	[tilespmem:$0x1EF78] =	vst v63  }
0x3b: {  	p2 =	sge.u32 s22, s12  }
0x3c: {  	p3 =	sgt.s32 @!p2 s17, $0x4E5A2  }
0x3d: {  	s0 =	smov.u32 s17;
	s2 =	sshra.s32 @!p2 s17, $0x1F;
	p3 =	por !p3, p2  }
0x3e: {  	s2 =	sand.u32 @!p2 s2, s17;
	s0 =	simm.s32 @p3 $0x4E5A2  }
0x3f: {  	s0 =	ssub.s32 @!p2 s0, s2  }
0x40: {  	s0 =	sadd.s32 @!p2 $0xFFFB1A5E, s0  }
0x41: {  	s2 =	sshll.u32 @!p2 s0, $0x2  }
0x42: {  	p3 =	sgt.s32 @!p2 s0, $0x13F;
	s0 =	ssub.s32 @!p2 $0x500, s2  }
0x43: {  	p3 =	por !p3, p2;
	s0 =	sshrl.u32 @!p2 s0, $0x2  }
0x44: {  	s8 =	simm.s32 @!p2 $0x8;
	s2 =	sand.u32 @!p2 $0x1, s22;
	s0 =	simm.s32 @!p3 $0x0  }
0x45: {  	s2 =	smul.u32 @!p2 $0x500, s2;
	_ =	swait.ge @!p2 [sflag:s8], s0  }
0x46: {  	s21 =	ssub.s32 @!p2 $0x0, s0;
	[sflag:s8] =	ssyncset.done @!p2 $0x0  }
0x47: {  	s2 =	sshrl.u32 @!p2 s2, $0x2;
	[sflag:s8] =	ssyncadd.s32 @!p2 s21;
	s8 =	sshrl.u32 @!p2 s17, $0x3  }
0x48: {  	s2 =	sadd.s32 @!p2 $0xACF8, s2;
	s21 =	sand.u32 @!p2 $0x7, s17;
	s8 =	sadd.s32 @!p2 s3, s8  }
0x49: {  	[tilespmem:s2], [sflag:$0x9] =	stream.linear.gather @!p2 [hbm4b:s8+s21], s0, $0x38;
	[tilespmem:$0x1EF78] =	vst v63  }
0x4a: {  	s21 =	ssub.s32 @!p2 $0x4E6E2, s17  }
0x4b: {  	p3 =	slt.s32 @!p2 s21, $0x1  }
0x4c: {  	p3 =	por p2, p3  }
.Ltmp3:
0x4d: {  	_ = 	snop;
	(pc) =	sbr.rel @p3 .LBB2_9-.Ltmp3, $1  }
0x4e: {  	_ =	sdelay $0x3  }
0x4f: {  	s0 =	smulhi.u32 $0xAAAAAAAB, s22;
	_ =	sdelay $0x1  }
0x50: {  	s0 =	sshrl.u32 s0, $0x1  }
0x51: {  	s0 =	smul.u32 $0x3, s0;
	_ =	sdelay $0x1  }
0x52: {  	s0 =	ssub.s32 s22, s0  }
0x53: {  	s2 =	simm.s32 $0x1;
	s0 =	smul.u32 $0x500, s0  }
.Ltmp4:
0x54: {  	s2 =	simm.s32 @!p0 $0x0;
	(pc) =	sbr.rel .LBB2_6-.Ltmp4, $4  }
0x55: {  	s2 =	smul.u32 $0x28000, s2  }
0x56: {  	p3 =	slt.s32 @!p2 s21, $0x140;
	s0 =	sshrl.u32 s0, $0x2  }
0x57: {  	p2 =	por !p3, p2;
	s2 =	sshrl.u32 s2, $0x2;
	s0 =	sadd.s32 $0xA938, s0  }
0x58: {  	s23 =	simm.s32 $0x0;
	s21 =	simm.s32 @p2 $0x140;
	s22 =	sadd.s32 $0xAF78, s2;
	v1 =	vmov s0  }
.LBB2_5:
0x59: {  	p2 =	sge.s32 s23, s21  }
.Ltmp5:
0x5a: {  	_ = 	snop;
	(pc) =	sbr.rel @p2 .LBB2_9-.Ltmp5, $2  }
0x5b: {  	_ =	sdelay $0x2  }
0x5c: {  	s22 =	sadd.s32 $0x800, s22  }
.LBB2_6:
0x5d: {  	p2 =	sle.s32 s21, s23  }
.Ltmp6:
0x5e: {  	_ = 	snop;
	(pc) =	sbr.rel @p2 .LBB2_5-.Ltmp6, $2  }
0x5f: {  	_ =	sdelay $0x2  }
0x60: {  	s24 =	smov.u32 s23;
	s23 =	sadd.s32 $0x10, s23  }
0x61: {  	s0 =	ssub.s32 s21, s24  }
0x62: {  	p2 =	slt.s32 s0, $0x10  }
0x63: {  	s0 =	simm.s32 @!p2 $0x10  }
0x64: {  	v2 =	vmov s0  }
0x65: {  	vm0 =	vgt.s32 v2, v0;
	_ =	sdelay $0x5  }
0x66: {  	v2 =	vld.idx.msk [tilespmem:v1+s24+$0x0 ss:$0x1], vm0;
	_ =	sdelay $0x2  }
0x67: {  	p2 =	slt.s32 s23, s21;
	s0 =	smov.u32 s21  }
0x68: {  	s2 =	smov.u32 s22;
	s25 =	simm.s32 $0x0;
	s0 =	smov.u32 @p2 s23  }
.LBB2_8:
0x69: {  	(v2sf) =	vpush v2, s25;
	_ =	sdelay $0xc  }
0x6a: {  	s25 =	sadd.s32 $0x1, s25  }
0x6b: {  	s31 =	sadd.s32 s25, s24  }
0x6c: {  	p2 =	slt.s32 s31, s0;
	s8 =	spop (v2sf)  }
.Ltmp7:
0x6d: {  	s8 =	sshll.u32 s8, $0x4;
	(pc) =	sbr.rel @p2 .LBB2_8-.Ltmp7, $4  }
0x6e: {  	s8 =	sand.u32 $0x1FFFFFF0, s8  }
0x6f: {  	s8 =	sadd.s32 s4, s8  }
0x70: {  	[tilespmem:s2], [sflag:$0x7] =	stream.linear.gather [hbm4b:s8+s15], $0x40, $0x38;
	[tilespmem:$0x1EF78] =	vst v63  }
0x71: {  	s2 =	sadd.s32 $0x80, s2  }
.Ltmp8:
0x72: {  	_ = 	snop;
	(pc) =	sbr.rel .LBB2_5-.Ltmp8, $1  }
0x73: {  	_ =	sdelay $0x3  }
.LBB2_9:
0x74: {  	p2 =	slt.u32 s19, $0x2  }
.Ltmp9:
0x75: {  	_ = 	snop;
	(pc) =	sbr.rel @p2 .LBB2_27-.Ltmp9, $1  }
0x76: {  	_ =	sdelay $0x3  }
0x77: {  	p2 =	sgt.s32 s20, $0x4E5A2;
	s0 =	smov.u32 s20  }
0x78: {  	s2 =	sshra.s32 s20, $0x1F;
	s8 =	ssub.s32 $0x4E6E2, s20;
	s0 =	simm.s32 @!p2 $0x4E5A2  }
0x79: {  	s2 =	sand.u32 s2, s20;
	p2 =	slt.s32 s8, $0x140;
	s21 =	smov.u32 s8  }
0x7a: {  	s0 =	ssub.s32 s0, s2;
	s21 =	simm.s32 @!p2 $0x140  }
0x7b: {  	s0 =	sadd.s32 $0xFFFB1A5E, s0;
	s26 =	sshll.u32 s21, $0x6  }
0x7c: {  	s9 =	simm.s32 $0x7;
	s29 =	sshll.u32 s0, $0x2;
	s2 =	sand.u32 $0x3FFFFFC0, s26  }
0x7d: {  	p2 =	sgt.s32 s0, $0x13F;
	s30 =	ssub.s32 $0x500, s29;
	_ =	swait.ge [sflag:s9], s2  }
0x7e: {  	s2 =	ssub.s32 $0x0, s2;
	[sflag:s9] =	ssyncset.done $0x0;
	s0 =	sshrl.u32 s30, $0x2  }
0x7f: {  	[sflag:s9] =	ssyncadd.s32 s2;
	s0 =	simm.s32 @p2 $0x0  }
0x80: {  	_ =	swait.ge [sflag:s10], s0  }
0x81: {  	s0 =	ssub.s32 $0x0, s0;
	[sflag:s10] =	ssyncset.done $0x0  }
0x82: {  	[sflag:s10] =	ssyncadd.s32 s0  }
0x83: {  	v1 =	vld [tilespmem:$0xA108];
	_ =	sdelay $0x4  }
0x84: {  	(v2sf) =	vpush v1, $0x0  }
0x85: {  	(v2sf) =	vpush v1, $0x1  }
0x86: {  	(v2sf) =	vpush v1, $0x2;
	_ =	sdelay $0x3  }
0x87: {  	s0 =	sadd.s32 $0x140, s20  }
0x88: {  	p2 =	slt.s32 s7, s0  }
0x89: {  	s0 =	smov.u32 @p2 s7;
	p2 =	sgt.s32 s8, $0x0  }
0x8a: {  	s24 =	ssub.s32 s0, s20;
	s8 =	simm.s32 @!p2 $0x0  }
0x8b: {  	p2 =	slt.s32 s8, s24  }
0x8c: {  	s24 =	smov.u32 @p2 s8  }
0x8d: {  	s23 =	simm.s32 $0x1;
	p2 =	slt.s32 s24, $0x1  }
.Ltmp10:
0x8e: {  	s23 =	simm.s32 @!p1 $0x0;
	(pc) =	sbr.rel @p2 .LBB2_14-.Ltmp10, $4  }
0x8f: {  	s31 =	smul.u32 $0x500, s23  }
0x90: {  	s25 =	spop (v2sf)  }
0x91: {  	s0 =	sshrl.u32 s31, $0x2;
	s28 =	spop (v2sf)  }
0x92: {  	s21 =	sadd.s32 $0xACF8, s0;
	s20 =	spop (v2sf)  }
0x93: {  	s0 =	smin.u32 s24, $0x10  }
0x94: {  	v1 =	vmov s0  }
0x95: {  	p3 =	sgt.s32 s24, $0x10;
	vm1 =	vgt.u32 v1, v0  }
.Ltmp11:
0x96: {  	_ = 	snop;
	(pc) =	sbr.rel @!p3 .LBB2_13-.Ltmp11, $2  }
0x97: {  	_ =	sdelay $0x2  }
0x98: {  	s26 =	simm.s32 $0x10;
	s29 =	sadd.s32 $0xFFFFFFF0, s24;
	s22 =	smov.u32 s21;
	vm0 =	vmmov vm1  }
.LBB2_12:
0x99: {  	s0 =	smin.u32 s29, $0x10;
	s26 =	sadd.s32 $0x10, s26;
	v1 =	vld.msk [tilespmem:s22+$0x0 ss:$0x1], vm1  }
0x9a: {  	v2 =	vmov s0;
	p3 =	slt.s32 s26, s24  }
0x9b: {  	vm1 =	vgt.u32 v2, v0  }
.Ltmp12:
0x9c: {  	(pc) =	sbr.rel @p3 .LBB2_12-.Ltmp12, $3  }
0x9d: {  	_ =	sdelay $0x1  }
0x9e: {  	v1 =	vshll.u32 v1, $0x4  }
0x9f: {  	s29 =	sadd.s32 $0xFFFFFFF0, s29;
	[tilespmem:s22+$0x0] =	vst.msk vm0, v1;
	s22 =	sadd.s32 $0x10, s22;
	vm0 =	vmmov vm1  }
.LBB2_13:
0xa0: {  	_ =	sdelay $0x4  }
0xa1: {  	v1 =	vld.msk [tilespmem:s22+$0x0 ss:$0x1], vm1;
	_ =	sdelay $0x4  }
0xa2: {  	v1 =	vshll.u32 v1, $0x4  }
0xa3: {  	[tilespmem:s22+$0x0] =	vst.msk vm0, v1  }
.LBB2_14:
0xa4: {  	s0 =	sand.u32 $0x1, s19  }
0xa5: {  	s0 =	smul.u32 $0x140, s0  }
0xa6: {  	p3 =	sne.s32 s28, $0xFFFFFFFF  }
0xa7: {  	v1 =	vld.msk @!p3 [tilespmem:s0+$0xACF8], $0x1;
	_ =	sdelay $0x4  }
0xa8: {  	(v2sf) =	vpush @!p3 v1, $0x0;
	_ =	sdelay $0xc  }
.Ltmp13:
0xa9: {  	_ = 	snop;
	(pc) =	sbr.rel @p2 .LBB2_25-.Ltmp13, $4  }
0xaa: {  	_ = 	snop  }
0xab: {  	s26 =	spop @!p3 (v2sf)  }
0xac: {  	s20 =	simm.s32 @!p3 $0x0;
	s22 =	smov.u32 s26  }
0xad: {  	[sflag:s16] =	ssyncpa.u1 $0x0;
	s26 =	smov.u32 @p3 s25;
	s22 =	smov.u32 @p3 s28  }
0xae: {  	v1 =	vld.msk [tilespmem:s21+$0x0], $0x1;
	_ =	sdelay $0x4  }
0xaf: {  	(v2sf) =	vpush v1, $0x0;
	_ =	sdelay $0xe  }
0xb0: {  	s0 =	smul.u32 $0x28000, s23;
	s30 =	spop (v2sf)  }
0xb1: {  	s24 =	ssub.s32 $0x0, s24;
	p2 =	seq.s32 s26, s30  }
0xb2: {  	s28 =	sadd.s32 $0x1, s24;
	s0 =	sshrl.u32 s0, $0x2;
	p3 =	sgt.s32 @!p2 s26, $0x0  }
0xb3: {  	s23 =	sadd.s32 $0xAF98, s0;
	s0 =	smov.u32 s26;
	p3 =	por !p3, p2  }
0xb4: {  	s0 =	simm.s32 @p3 $0x0;
	p3 =	seq.s32 s28, $0x0  }
.Ltmp14:
0xb5: {  	_ = 	snop;
	(pc) =	sbr.rel @p3 .LBB2_17-.Ltmp14, $4  }
0xb6: {  	_ = 	snop  }
0xb7: {  	s25 =	simm.s32 $0x0;
	s31 =	simm.s32 @!p2 $0x1;
	s2 =	smin.u32 @!p2 s0, $0x4E78  }
0xb8: {  	s29 =	sadd.s32 $0x1, s21;
	s31 =	smov.u32 @p2 s25;
	s8 =	sand.u32 @!p2 $0x7FF8, s2  }
0xb9: {  	s0 =	simm.s32 @!p2 $0x50C8;
	s2 =	sand.u32 @!p2 $0x7, s2;
	s8 =	sadd.s32 @!p2 s1, s8  }
.LBB2_16:
0xba: {  	s9 =	smov.u32 s31  }
0xbb: {  	[tilespmem:s0], [sflag:$0x2] =	stream.linear.gather @!p2 [hbm4b:s8+s2], $0x40, $0x38;
	[tilespmem:$0x1EF78] =	vst v63  }
0xbc: {  	s28 =	sadd.s32 $0x1, s28;
	s2 =	smov.u32 s30;
	v1 =	vld.msk [tilespmem:s29+$0x0], $0x1  }
0xbd: {  	p3 =	seq.s32 s28, $0x0;
	_ =	sdelay $0x3  }
0xbe: {  	(v2sf) =	vpush v1, $0x0;
	_ =	sdelay $0xe  }
0xbf: {  	s30 =	spop (v2sf)  }
0xc0: {  	p2 =	seq.s32 s2, s30  }
0xc1: {  	p4 =	sgt.s32 @!p2 s2, $0x0;
	s0 =	sshll.u32 @!p2 s31, $0x8;
	s31 =	sadd.s32 @!p2 $0x1, s31  }
.Ltmp15:
0xc2: {  	p4 =	por !p4, p2;
	s0 =	sshra.s32 @!p2 s0, $0x2;
	(pc) =	sbr.rel @!p3 .LBB2_16-.Ltmp15, $4  }
0xc3: {  	s31 =	smov.u32 @p2 s9;
	s2 =	simm.s32 @p4 $0x0;
	s0 =	sadd.s32 @!p2 $0x50C8, s0  }
0xc4: {  	s2 =	smin.u32 @!p2 s2, $0x4E78  }
0xc5: {  	s8 =	sand.u32 @!p2 $0x7FF8, s2;
	s2 =	sand.u32 @!p2 $0x7, s2  }
0xc6: {  	s29 =	sadd.s32 $0x1, s29;
	s8 =	sadd.s32 @!p2 s1, s8  }
.LBB2_17:
0xc7: {  	[tilespmem:s0], [sflag:$0x2] =	stream.linear.gather @!p2 [hbm4b:s8+s2], $0x40, $0x38;
	[tilespmem:$0x1EF78] =	vst v63  }
.Ltmp16:
0xc8: {  	s30 =	sshll.u32 s31, $0x6;
	(pc) =	sbr.rel .LBB2_18-.Ltmp16, $4  }
0xc9: {  	s31 =	simm.s32 $0x2;
	s0 =	sand.u32 $0x3FFFFFC0, s30  }
0xca: {  	_ =	swait.ge [sflag:s31], s0  }
0xcb: {  	s0 =	ssub.s32 $0x0, s0;
	[sflag:s31] =	ssyncset.done $0x0  }
0xcc: {  	s29 =	simm.s32 $0x0;
	[sflag:s31] =	ssyncadd.s32 s0  }
.LBB2_19:
0xcd: {  	v1 =	vld [tilespmem:s23+$0xFFFFFFE0];
	_ =	sdelay $0x4  }
0xce: {  	[tilespmem:s30+$0x88] =	vst.add.f32.msk $0xffff, v1  }
0xcf: {  	v1 =	vld [tilespmem:s23+$0xFFFFFFF0];
	_ =	sdelay $0x4  }
0xd0: {  	[tilespmem:s30+$0x98] =	vst.add.f32.msk $0xffff, v1  }
0xd1: {  	v1 =	vld [tilespmem:s23+$0x0];
	_ =	sdelay $0x4  }
0xd2: {  	[tilespmem:s30+$0xA8] =	vst.add.f32.msk $0xffff, v1  }
0xd3: {  	v1 =	vld [tilespmem:s23+$0x10];
	_ =	sdelay $0x4  }
0xd4: {  	[tilespmem:s30+$0xB8] =	vst.add.f32.msk $0xffff, v1  }
.LBB2_23:
0xd5: {  	s24 =	sadd.s32 $0x1, s24  }
0xd6: {  	p2 =	seq.s32 s24, $0x0  }
.Ltmp17:
0xd7: {  	_ = 	snop;
	(pc) =	sbr.rel @p2 .LBB2_24-.Ltmp17, $2  }
0xd8: {  	_ =	sdelay $0x2  }
0xd9: {  	s23 =	sadd.s32 $0x80, s23;
	s21 =	sadd.s32 $0x1, s21;
	s26 =	smov.u32 s28  }
.LBB2_18:
0xda: {  	v1 =	vld.msk [tilespmem:s21+$0x0], $0x1;
	_ =	sdelay $0x4  }
0xdb: {  	(v2sf) =	vpush v1, $0x0;
	_ =	sdelay $0xe  }
0xdc: {  	s28 =	spop (v2sf)  }
0xdd: {  	p2 =	sne.s32 s26, s28  }
.Ltmp18:
0xde: {  	_ = 	snop;
	(pc) =	sbr.rel @!p2 .LBB2_19-.Ltmp18, $3  }
0xdf: {  	_ =	sdelay $0x1  }
0xe0: {  	s0 =	sshll.u32 s20, $0x8  }
0xe1: {  	s30 =	sshra.s32 s0, $0x2  }
0xe2: {  	p2 =	seq.s32 s26, s22  }
.Ltmp19:
0xe3: {  	_ = 	snop;
	(pc) =	sbr.rel @!p2 .LBB2_21-.Ltmp19, $1  }
0xe4: {  	_ =	sdelay $0x3  }
.Ltmp20:
0xe5: {  	s0 =	sadd.s32 $0x88, s30;
	(pc) =	sbr.rel .LBB2_22-.Ltmp20, $4  }
0xe6: {  	[spmem:s13] =	stream.linear.scatter [tilespmem:s0], [sflag:$0x1], $0x40, $0x38;
	[tilespmem:$0x1EF78] =	vst v63  }
0xe7: {  	_ =	swait.ge [sflag:s11], $0x40  }
0xe8: {  	[sflag:s11] =	ssyncset.done $0x0  }
0xe9: {  	[sflag:s11] =	ssyncadd.s32 $0xFFFFFFC0  }
.LBB2_21:
0xea: {  	s0 =	sshll.u32 s25, $0x8  }
0xeb: {  	s0 =	sshra.s32 s0, $0x2  }
0xec: {  	v1 =	vld [tilespmem:s0+$0x50C8];
	_ =	sdelay $0x4  }
0xed: {  	[tilespmem:s30+$0x88] =	vst.add.f32.msk $0xffff, v1  }
0xee: {  	v1 =	vld [tilespmem:s0+$0x50D8];
	_ =	sdelay $0x4  }
0xef: {  	[tilespmem:s30+$0x98] =	vst.add.f32.msk $0xffff, v1  }
0xf0: {  	v1 =	vld [tilespmem:s0+$0x50E8];
	_ =	sdelay $0x4  }
0xf1: {  	[tilespmem:s30+$0xA8] =	vst.add.f32.msk $0xffff, v1  }
0xf2: {  	v1 =	vld [tilespmem:s0+$0x50F8];
	_ =	sdelay $0x2  }
0xf3: {  	p2 =	sgt.u32 s26, $0x4E78  }
0xf4: {  	s0 =	sand.u32 @!p2 $0x7FF8, s26  }
0xf5: {  	s2 =	sadd.s32 $0x88, s30;
	s8 =	sand.u32 @!p2 $0x7, s26;
	s0 =	sadd.s32 @!p2 s1, s0;
	[tilespmem:s30+$0xB8] =	vst.add.f32.msk $0xffff, v1  }
0xf6: {  	[hbm4b:s0+s8] =	stream.linear.scatter @!p2 [tilespmem:s2], [sflag:$0xA], $0x40, $0x38;
	[tilespmem:$0x1EF78] =	vst v63  }
0xf7: {  	s0 =	simm.s32 $0x0  }
0xf8: {  	s0 =	simm.s32 @!p2 $0x100  }
0xf9: {  	s29 =	sadd.s32 s0, s29  }
.LBB2_22:
0xfa: {  	s0 =	sadd.s32 $0x1, s20  }
0xfb: {  	s2 =	smulhi.u32 $0xCCCCCCCD, s0;
	_ =	sdelay $0x1  }
0xfc: {  	v1 =	vld [tilespmem:s23+$0xFFFFFFE0];
	s2 =	sshrl.u32 s2, $0x8  }
0xfd: {  	s2 =	smul.u32 $0x140, s2;
	_ =	sdelay $0x1  }
0xfe: {  	s20 =	ssub.s32 s0, s2  }
0xff: {  	s0 =	sshll.u32 s20, $0x6  }
0x100: {  	[tilespmem:s0+$0x88] =	vst v1  }
0x101: {  	v1 =	vld [tilespmem:s23+$0xFFFFFFF0];
	_ =	sdelay $0x4  }
0x102: {  	[tilespmem:s0+$0x98] =	vst v1  }
0x103: {  	v1 =	vld [tilespmem:s23+$0x0];
	_ =	sdelay $0x4  }
0x104: {  	[tilespmem:s0+$0xA8] =	vst v1  }
0x105: {  	v1 =	vld [tilespmem:s23+$0x10]  }
.Ltmp21:
0x106: {  	_ = 	snop;
	(pc) =	sbr.rel .LBB2_23-.Ltmp21, $2  }
0x107: {  	_ =	sdelay $0x2  }
0x108: {  	s25 =	sadd.s32 $0x1, s25;
	[tilespmem:s0+$0xB8] =	vst v1  }
.LBB2_25:
.Ltmp22:
0x109: {  	(pc) =	sbr.rel .LBB2_26-.Ltmp22, $4  }
0x10a: {  	_ = 	snop  }
0x10b: {  	s0 =	simm.s32 $0x2  }
0x10c: {  	_ =	swait.ge [sflag:s0], $0x0  }
0x10d: {  	s28 =	smov.u32 s26;
	[sflag:s0] =	ssyncset.done $0x0;
	s0 =	simm.s32 $0x0  }
.LBB2_28:
0x10e: {  	_ =	sfence.sel $0x180000  }
0x10f: {  	s0 =	simm.s32 $0x7;
	[bflag:$0x0] =	sbarrier.arrive $0xFFFF  }
0x110: {  	s25 =	simm.s32 $0x8;
	[sflag:s0] =	ssyncpa.u1 $0x1  }
0x111: {  	s26 =	simm.s32 $0x9;
	[sflag:s25] =	ssyncpa.u1 $0x1  }
0x112: {  	s28 =	simm.s32 $0x2;
	[sflag:s26] =	ssyncpa.u1 $0x1  }
0x113: {  	[sflag:s28] =	ssyncpa.u1 $0x1  }
0x114: {  	v0 =	vld [tilespmem:$0xA108];
	_ =	sdelay $0x4  }
0x115: {  	(v2sf) =	vpush v0, $0x0  }
0x116: {  	(v2sf) =	vpush v0, $0x1;
	_ =	sdelay $0x1  }
0x117: {  	(v2sf) =	vpush v0, $0x2;
	_ =	sdelay $0xb  }
0x118: {  	s0 =	spop (v2sf)  }
0x119: {  	s2 =	spop (v2sf)  }
0x11a: {  	s3 =	smov.u32 s0;
	p0 =	sne.s32 s0, s2  }
0x11b: {  	s4 =	spop (v2sf);
	s3 =	simm.s32 @!p0 $0xFFFFFFFF  }
0x11c: {  	v2 =	vimm.s32 $0x1;
	v3 =	vlaneseq.u32;
	p0 =	seq.s32 s4, $0xFFFFFFFF;
	v1 =	vmov s3  }
0x11d: {  	s7 =	stileid.u32;
	v0 =	vperm.xlane v0, v2;
	p1 =	sne.s32 @!p0 s0, s2;
	v1 =	vperm.xlane v1, v3  }
0x11e: {  	vm0 =	vcmask $0x3F04;
	s6 =	simm.s32 $0xA108;
	s0 =	simm.s32 @!p0 $0x1;
	p1 =	por !p1, p0  }
0x11f: {  	s3 =	sshll.u32 s7, $0x1;
	s2 =	sshll.u32 @!p0 s4, $0x8;
	s0 =	simm.s32 @p1 $0x0;
	v0 =	vsel vm0, v1, v0  }
0x120: {  	s5 =	sor.u32 $0x800, s3;
	s2 =	sshra.s32 @!p0 s2, $0x2;
	s0 =	sor.u32 @!p0 s0, s3;
	[tilespmem:$0xA108] =	vst v0  }
0x121: {  	[spmem:s5] =	stream.linear.scatter [tilespmem:s6], [sflag:$0x1], $0x2, $0x38;
	[tilespmem:$0x1EF78] =	vst v63  }
0x122: {  	s2 =	sadd.s32 @!p0 $0x88, s2;
	s0 =	sshll.u32 @!p0 s0, $0x6  }
0x123: {  	[spmem:s0] =	stream.linear.scatter @!p0 [tilespmem:s2], [sflag:$0x1], $0x40, $0x38;
	[tilespmem:$0x1EF78] =	vst v63  }
0x124: {  	s2 =	simm.s32 @!p0 $0x42  }
0x125: {  	s0 =	simm.s32 $0x1;
	s2 =	simm.s32 @p0 $0x2  }
0x126: {  	_ =	swait.ge [sflag:s0], s2  }
0x127: {  	s2 =	ssub.s32 $0x0, s2;
	[sflag:s0] =	ssyncset.done $0x0  }
0x128: {  	[sflag:s0] =	ssyncadd.s32 s2  }
0x129: {  	_ =	sfence.stream.spmem  }
0x12a: {  	s29 =	simm.s32 $0x3;
	[bflag:$0x0] =	sbarrier.arrive $0xFFFF  }
0x12b: {  	s30 =	simm.s32 $0x4;
	[sflag:s29] =	ssyncpa.u1 $0x1  }
0x12c: {  	s31 =	simm.s32 $0x3C;
	[sflag:s30] =	ssyncpa.u1 $0x1  }
0x12d: {  	p0 =	sne.s32 s7, $0x0;
	[sflag:s31] =	ssyncpa.u1 $0x1  }
0x12e: {  	_ =	sfence @p0  }
0x12f: {  	[sflag:s0] =	ssyncpa.u1 @p0 $0x1  }
0x130: {  	_ =	strace @p0 $0x90000056  }
0x131: {  	[bflag:$0x2] =	sbarrier.arrive @p0 $0xFFFF  }
0x132: {  	_ =	shalt @p0  }
.LBB2_29:
0x133: {  	_ =	sfence.stream.spmem;
	s0 =	simm.s32 $0x5  }
0x134: {  	s2 =	simm.s32 $0x800;
	s3 =	simm.s32 $0xA118;
	[sflag:s0] =	ssyncpa.u1 $0x0  }
0x135: {  	[tilespmem:s3], [sflag:$0x5] =	stream.linear.gather [spmem:s2], $0x20, $0x38;
	[tilespmem:$0x1EF78] =	vst v63  }
0x136: {  	s30 =	simm.s32 $0xA138;
	s2 =	simm.s32 $0x0  }
0x137: {  	[tilespmem:s30], [sflag:$0x5] =	stream.linear.gather [spmem:s2], $0x800, $0x38;
	[tilespmem:$0x1EF78] =	vst v63  }
.Ltmp23:
0x138: {  	_ = 	snop;
	(pc) =	sbr.rel .LBB2_30-.Ltmp23, $4  }
0x139: {  	_ =	swait.ge [sflag:s0], $0x820  }
0x13a: {  	[sflag:s0] =	ssyncset.done $0x0  }
0x13b: {  	s31 =	simm.s32 $0x6;
	[sflag:s0] =	ssyncadd.s32 $0xFFFFF7E0  }
0x13c: {  	s3 =	simm.s32 $0x0;
	[sflag:s31] =	ssyncpa.u1 $0x0  }
.LBB2_36:
0x13d: {  	p0 =	slt.u32 s4, $0x4E79  }
0x13e: {  	s0 =	sand.u32 @p0 $0x7FF8, s4  }
0x13f: {  	s4 =	sand.u32 @p0 $0x7, s4;
	s5 =	simm.s32 @p0 $0xA0C8;
	s0 =	sadd.s32 @p0 s1, s0  }
0x140: {  	[tilespmem:s5], [sflag:$0x6] =	stream.linear.gather @p0 [hbm4b:s0+s4], $0x40, $0x38;
	[tilespmem:$0x1EF78] =	vst v63  }
0x141: {  	s0 =	simm.s32 @p0 $0x6  }
0x142: {  	_ =	swait.ge @p0 [sflag:s0], $0x40  }
0x143: {  	[sflag:s0] =	ssyncset.done @p0 $0x0  }
0x144: {  	[sflag:s0] =	ssyncadd.s32 @p0 $0xFFFFFFC0  }
0x145: {  	v1 =	vld @p0 [tilespmem:$0xA0C8];
	_ =	sdelay $0x2  }
0x146: {  	s0 =	sshll.u32 @p0 s3, $0x8  }
0x147: {  	s4 =	sshrl.u32 @p0 s0, $0x2  }
0x148: {  	[tilespmem:s4+$0xA138] =	vst.add.f32.msk @p0 $0xffff, v1  }
0x149: {  	v1 =	vld @p0 [tilespmem:$0xA0D8];
	_ =	sdelay $0x4  }
0x14a: {  	[tilespmem:s4+$0xA148] =	vst.add.f32.msk @p0 $0xffff, v1  }
0x14b: {  	v1 =	vld @p0 [tilespmem:$0xA0E8];
	_ =	sdelay $0x4  }
0x14c: {  	[tilespmem:s4+$0xA158] =	vst.add.f32.msk @p0 $0xffff, v1  }
0x14d: {  	v1 =	vld @p0 [tilespmem:$0xA0F8];
	_ =	sdelay $0x3  }
0x14e: {  	s5 =	sshll.u32 @!p0 s3, $0x8  }
0x14f: {  	s5 =	smov.u32 @p0 s0;
	[tilespmem:s4+$0xA168] =	vst.add.f32.msk @p0 $0xffff, v1  }
0x150: {  	s0 =	sshrl.u32 s5, $0x2;
	[tilespmem:s2+$0xA118] =	vst.msk $0x1, v0  }
0x151: {  	v0 =	vld [tilespmem:s0+$0xA138];
	_ =	sdelay $0x2  }
0x152: {  	s31 =	sshll.u32 s2, $0x8  }
0x153: {  	s4 =	sshra.s32 s31, $0x2  }
0x154: {  	[tilespmem:s4+$0xA138] =	vst v0  }
0x155: {  	v0 =	vld [tilespmem:s0+$0xA148];
	_ =	sdelay $0x4  }
0x156: {  	[tilespmem:s4+$0xA148] =	vst v0  }
0x157: {  	v0 =	vld [tilespmem:s0+$0xA158];
	_ =	sdelay $0x4  }
0x158: {  	[tilespmem:s4+$0xA158] =	vst v0  }
0x159: {  	v0 =	vld [tilespmem:s0+$0xA168];
	_ =	sdelay $0x4  }
0x15a: {  	s2 =	sadd.s32 $0x1, s2;
	[tilespmem:s4+$0xA168] =	vst v0  }
.LBB2_37:
0x15b: {  	s3 =	sadd.s32 $0x1, s3  }
0x15c: {  	p0 =	sne.s32 s3, $0x20  }
.Ltmp24:
0x15d: {  	_ = 	snop;
	(pc) =	sbr.rel @!p0 .LBB2_38-.Ltmp24, $1  }
0x15e: {  	_ =	sdelay $0x3  }
.LBB2_30:
0x15f: {  	v0 =	vld.msk [tilespmem:s3+$0xA118], $0x1;
	_ =	sdelay $0x4  }
0x160: {  	(v2sf) =	vpush v0, $0x0;
	_ =	sdelay $0xe  }
0x161: {  	s4 =	spop (v2sf)  }
0x162: {  	p0 =	seq.s32 s4, $0xFFFFFFFF  }
.Ltmp25:
0x163: {  	_ = 	snop;
	(pc) =	sbr.rel @p0 .LBB2_37-.Ltmp25, $1  }
0x164: {  	_ =	sdelay $0x3  }
0x165: {  	p0 =	slt.s32 s2, $0x1  }
.Ltmp26:
0x166: {  	_ = 	snop;
	(pc) =	sbr.rel @p0 .LBB2_36-.Ltmp26, $1  }
0x167: {  	_ =	sdelay $0x3  }
0x168: {  	s5 =	simm.s32 $0xA118;
	p0 =	por $0x0, $0x0  }
0x169: {  	v1 =	vld.msk @!p0 [tilespmem:s5+$0x0], $0x1;
	_ =	sdelay $0x4  }
0x16a: {  	(v2sf) =	vpush @!p0 v1, $0x0;
	_ =	sdelay $0xd  }
0x16b: {  	p2 =	sne.s32 s2, $0x1  }
.Ltmp27:
0x16c: {  	s0 =	spop @!p0 (v2sf);
	(pc) =	sbr.rel @!p2 .LBB2_34-.Ltmp27, $4  }
0x16d: {  	p1 =	seq.s32 @!p0 s4, s0  }
0x16e: {  	s6 =	simm.s32 $0x0;
	p1 =	por !p1, p0  }
0x16f: {  	s0 =	simm.s32 $0xFFFFFFFF;
	s6 =	simm.s32 @p1 $0xFFFFFFFF  }
0x170: {  	s7 =	simm.s32 $0x1;
	s6 =	smov.u32 @p0 s0  }
.LBB2_33:
0x171: {  	s0 =	smov.u32 s6;
	p0 =	sne.s32 s6, $0xFFFFFFFF  }
0x172: {  	s5 =	sadd.s32 $0x1, s5;
	s6 =	smov.u32 s7;
	s7 =	sadd.s32 $0x1, s7  }
0x173: {  	p1 =	sne.s32 s2, s7;
	v1 =	vld.msk @!p0 [tilespmem:s5+$0x0], $0x1;
	_ =	sdelay $0x4  }
0x174: {  	(v2sf) =	vpush @!p0 v1, $0x0;
	_ =	sdelay $0xe  }
.Ltmp28:
0x175: {  	s8 =	spop @!p0 (v2sf);
	(pc) =	sbr.rel @p1 .LBB2_33-.Ltmp28, $4  }
0x176: {  	p2 =	seq.s32 @!p0 s4, s8  }
0x177: {  	p2 =	por !p2, p0  }
0x178: {  	s6 =	simm.s32 @p2 $0xFFFFFFFF  }
0x179: {  	s6 =	smov.u32 @p0 s0  }
.LBB2_34:
0x17a: {  	p0 =	seq.s32 s6, $0xFFFFFFFF  }
.Ltmp29:
0x17b: {  	_ = 	snop;
	(pc) =	sbr.rel @p0 .LBB2_36-.Ltmp29, $1  }
0x17c: {  	_ =	sdelay $0x3  }
0x17d: {  	s0 =	sshll.u32 s3, $0x6  }
0x17e: {  	s0 =	sand.u32 $0x3FFFFFC0, s0  }
0x17f: {  	v0 =	vld [tilespmem:s0+$0xA138];
	_ =	sdelay $0x2  }
0x180: {  	s4 =	sshll.u32 s6, $0x8  }
0x181: {  	s4 =	sshra.s32 s4, $0x2  }
0x182: {  	[tilespmem:s4+$0xA138] =	vst.add.f32.msk $0xffff, v0  }
0x183: {  	v0 =	vld [tilespmem:s0+$0xA148];
	_ =	sdelay $0x4  }
0x184: {  	[tilespmem:s4+$0xA148] =	vst.add.f32.msk $0xffff, v0  }
0x185: {  	v0 =	vld [tilespmem:s0+$0xA158];
	_ =	sdelay $0x4  }
0x186: {  	[tilespmem:s4+$0xA158] =	vst.add.f32.msk $0xffff, v0  }
0x187: {  	v0 =	vld [tilespmem:s0+$0xA168]  }
.Ltmp30:
0x188: {  	_ = 	snop;
	(pc) =	sbr.rel .LBB2_37-.Ltmp30, $2  }
0x189: {  	_ =	sdelay $0x2  }
0x18a: {  	[tilespmem:s4+$0xA168] =	vst.add.f32.msk $0xffff, v0  }
.LBB2_38:
0x18b: {  	p0 =	slt.s32 s2, $0x1  }
.Ltmp31:
0x18c: {  	_ = 	snop;
	(pc) =	sbr.rel @p0 .LBB2_42-.Ltmp31, $3  }
0x18d: {  	_ =	sdelay $0x1  }
0x18e: {  	s0 =	simm.s32 $0x6  }
0x18f: {  	s3 =	simm.s32 $0x0;
	[sflag:s0] =	ssyncpa.u1 $0x1  }
0x190: {  	s0 =	simm.s32 $0xA118  }
0x191: {  	v0 =	vld.msk [tilespmem:s0+$0x0], $0x1;
	_ =	sdelay $0x4  }
0x192: {  	(v2sf) =	vpush v0, $0x0;
	_ =	sdelay $0xe  }
0x193: {  	s2 =	sadd.s32 $0xFFFFFFFF, s2;
	s0 =	spop (v2sf)  }
0x194: {  	p1 =	sne.s32 s2, $0x0;
	p0 =	sgt.u32 s0, $0x4E78  }
.Ltmp32:
0x195: {  	s5 =	sand.u32 @!p0 $0x7FF8, s0;
	(pc) =	sbr.rel @!p1 .LBB2_41-.Ltmp32, $4  }
0x196: {  	s4 =	simm.s32 $0xA138;
	s0 =	sand.u32 @!p0 $0x7, s0;
	s5 =	sadd.s32 @!p0 s1, s5  }
0x197: {  	[hbm4b:s5+s0] =	stream.linear.scatter @!p0 [tilespmem:s4], [sflag:$0x5], $0x40, $0x38;
	[tilespmem:$0x1EF78] =	vst v63  }
0x198: {  	s0 =	simm.s32 $0x0  }
0x199: {  	s5 =	simm.s32 $0xA119;
	s0 =	simm.s32 @!p0 $0x100  }
.LBB2_40:
0x19a: {  	v0 =	vld.msk [tilespmem:s5+$0x0], $0x1;
	s2 =	sadd.s32 $0xFFFFFFFF, s2;
	s3 =	sadd.s32 s3, s0  }
0x19b: {  	p0 =	sne.s32 s2, $0x0;
	_ =	sdelay $0x3  }
0x19c: {  	(v2sf) =	vpush v0, $0x0;
	_ =	sdelay $0xe  }
.Ltmp33:
0x19d: {  	s6 =	spop (v2sf);
	(pc) =	sbr.rel @p0 .LBB2_40-.Ltmp33, $4  }
0x19e: {  	s0 =	simm.s32 $0x0;
	p1 =	sgt.u32 s6, $0x4E78  }
0x19f: {  	s4 =	sadd.s32 $0x40, s4;
	s0 =	simm.s32 @!p1 $0x100;
	s7 =	sand.u32 @!p1 $0x7FF8, s6  }
0x1a0: {  	s5 =	sadd.s32 $0x1, s5;
	s6 =	sand.u32 @!p1 $0x7, s6;
	s7 =	sadd.s32 @!p1 s1, s7  }
0x1a1: {  	[hbm4b:s7+s6] =	stream.linear.scatter @!p1 [tilespmem:s4], [sflag:$0x5], $0x40, $0x38;
	[tilespmem:$0x1EF78] =	vst v63  }
.LBB2_41:
0x1a2: {  	s0 =	sadd.s32 s3, s0  }
0x1a3: {  	s3 =	sshrl.u32 s0, $0x2  }
.LBB2_42:
0x1a4: {  	s0 =	simm.s32 $0x5  }
0x1a5: {  	_ =	swait.ge [sflag:s0], s3  }
0x1a6: {  	s1 =	ssub.s32 $0x0, s3;
	[sflag:s0] =	ssyncset.done $0x0  }
0x1a7: {  	[sflag:s0] =	ssyncadd.s32 s1  }
0x1a8: {  	[sflag:s0] =	ssyncpa.u1 $0x1  }
0x1a9: {  	s30 =	simm.s32 $0x1;
	_ =	sfence  }
0x1aa: {  	[sflag:s30] =	ssyncpa.u1 $0x1  }
0x1ab: {  	_ =	strace $0x90000056  }
0x1ac: {  	[bflag:$0x2] =	sbarrier.arrive $0xFFFF  }
0x1ad: {  	s31 =	rddreg [dreg:$0x1]  }
0x1ae: {  	s0 =	sadd.s32 $0x100000, s31  }
0x1af: {  	[sflag:s0] =	ssyncadd.tile.s32 $0x1;
	_ =	shalt  }
.Lfunc_end2:
_tile_overlayer_lowered:
.L_overlay_start_2:
0x1b0: {  	(tag) =	ssettag $0x2  }
0x1b1: {  	s0 =	rddreg [dreg:$0x0];
	s2 =	stileid.u32  }
0x1b2: {  	s1 =	rddreg [dreg:$0x1];
	p0 =	sne.s32 s2, $0x0  }
0x1b3: {  	s3 =	rddreg [dreg:$0x2];
	[bflag:$0x3] =	sbarrier.arrive $0xFFFF;
	s2 =	simm.s32 @!p0 $0x1C01  }
0x1b4: {  	[timem:s3], [sflag:s2] =	dma.local @!p0 [hbm:s0], s1  }
0x1b5: {  	s0 =	simm.s32 @!p0 $0x1  }
0x1b6: {  	_ =	swait.ge @!p0 [sflag:s0], s1  }
0x1b7: {  	s1 =	ssub.s32 @!p0 $0x0, s1;
	[sflag:s0] =	ssyncset.done @!p0 $0x0  }
0x1b8: {  	[sflag:s0] =	ssyncadd.s32 @!p0 s1  }
0x1b9: {  	[bflag:$0x3] =	sbarrier.arrive $0xFFFF  }
0x1ba: {  	_ =	shalt  }

// kernel: scatter_offload_async_start.6
scs
__scs_entry_jumppad:
0x0: {  	(pc) =	sbr.rel $0x88, $3  }
0x1: {  	(tag) =	ssettag $0x0;
	lr =	simm.s32 $0x1  }
0x2: {  	[smem:$0x3F7E] =	sst lr;
	_ =	strace $0xD0000000  }
0x3: {  	_ = 	snop  }
0x4: {  	_ = 	snop  }
0x5: {  	_ = 	snop  }
0x6: {  	_ = 	snop  }
0x7: {  	_ = 	snop  }
__scs_overlays_trampoline_lowered:
0x8: {  	[smem:$0x3F8D] =	sst s0  }
0x9: {  	[smem:$0x3F8E] =	sst s1  }
0xa: {  	[smem:$0x3F8F] =	sst s2  }
0xb: {  	[smem:$0x3F90] =	sst s3  }
0xc: {  	[smem:$0x3F91] =	sst s4  }
0xd: {  	[smem:$0x3F92] =	sst s5  }
0xe: {  	[smem:$0x3F93] =	sst s6  }
0xf: {  	[smem:$0x3F94] =	sst s7  }
0x10: {  	[smem:$0x3F95] =	sst s8  }
0x11: {  	[smem:$0x3F96] =	sst s9;
	s0 =	simm.s32 @!p0 $0x0  }
0x12: {  	s1 =	sld [smem:$0x3F7C];
	s0 =	simm.s32 @p0 $0x1  }
0x13: {  	[smem:$0x3F97] =	sst s0;
	s0 =	simm.s32 @!p1 $0x0  }
0x14: {  	s2 =	sld [smem:$0x3F7B];
	s0 =	simm.s32 @p1 $0x1  }
0x15: {  	[smem:$0x3F98] =	sst s0;
	s0 =	simm.s32 @!p2 $0x0  }
0x16: {  	s3 =	sld [smem:$0x3FDB];
	s0 =	simm.s32 @p2 $0x1  }
0x17: {  	s4 =	simm.s32 $0x1BF5;
	[smem:$0x3F9A] =	sst s0  }
0x18: {  	s0 =	sld [smem:$0x3F7D];
	_ =	swait.ge [sflag:s4], $0x0  }
0x19: {  	s7 =	sld [smem:$0x3F7E]  }
0x1a: {  	s8 =	sadd.s32 $0xFFFFE003, lr  }
0x1b: {  	s9 =	sadd.s32 $0xFFFFFEF7, lr;
	s5 =	simm.s32 $0xFFFFFFFF;
	p2 =	slt.u32 s8, $0xFFFFF086  }
0x1c: {  	p1 =	slt.u32 s9, $0xF7A;
	s5 =	simm.s32 @!p2 $0x0  }
0x1d: {  	s5 =	simm.s32 @p1 $0x1;
	p0 =	seq.s32 s7, s2  }
0x1e: {  	s7 =	smul.u32 @!p0 $0xF7A, s2;
	p2 =	seq.s32 @!p0 s5, $0x0  }
0x1f: {  	s9 =	smul.u32 $0xF7A, s1;
	s8 =	simm.s32 @!p0 $0x1BF5;
	p2 =	por !p2, p0  }
0x20: {  	[sflag:s8] =	ssyncset.s32 @!p0 $0xFFFFF086;
	s6 =	sadd.s32 @!p0 s3, s7;
	s7 =	simm.s32 @!p0 $0x108  }
0x21: {  	s3 =	sadd.s32 s3, s9;
	s6 =	sadd.s32 @!p0 $0x88, s6;
	s7 =	simm.s32 @p2 $0x1082  }
0x22: {  	[simem:s7], [sflag:s8] =	dma.local @!p0 [hbm:s6], $0xF7A  }
0x23: {  	s9 =	sor.u32 $0xD0000000, s2;
	s6 =	simm.s32 $0x108;
	_ =	swait.ge @!p0 [sflag:s8], $0x0  }
0x24: {  	s3 =	sadd.s32 $0x88, s3;
	s6 =	simm.s32 @!p1 $0x1082;
	[sflag:s4] =	ssyncset.s32 $0xFFFFF086  }
0x25: {  	[simem:s6], [sflag:s4] =	dma.local [hbm:s3], $0xF7A  }
0x26: {  	[smem:$0x3F7E] =	sst s1;
	(tag) =	ssettag s2;
	_ =	strace s9  }
0x27: {  	s1 =	sld [smem:$0x3F8E]  }
0x28: {  	s2 =	sld [smem:$0x3F8F]  }
0x29: {  	s4 =	sld [smem:$0x3F91]  }
0x2a: {  	p0 =	seq.s32 s5, $0x0;
	s5 =	sld [smem:$0x3F92]  }
0x2b: {  	s6 =	sld [smem:$0x3F93]  }
0x2c: {  	s7 =	sld [smem:$0x3F94]  }
0x2d: {  	s3 =	simm.s32 $0x108;
	s8 =	sld [smem:$0x3F95]  }
0x2e: {  	s3 =	simm.s32 @!p0 $0x1082;
	s9 =	sld [smem:$0x3F96]  }
0x2f: {  	lr =	sadd.s32 s0, s3;
	s0 =	sld [smem:$0x3F8D]  }
0x30: {  	s3 =	sld [smem:$0x3F90]  }
0x31: {  	[smem:$0x3F99] =	sst s10  }
0x32: {  	s10 =	sld [smem:$0x3F97];
	_ =	sdelay $0x3  }
0x33: {  	p0 =	seq.s32 s10, $0x1;
	s10 =	sld [smem:$0x3F99];
	_ =	sdelay $0x3  }
0x34: {  	[smem:$0x3F99] =	sst s10  }
0x35: {  	s10 =	sld [smem:$0x3F98];
	_ =	sdelay $0x3  }
0x36: {  	p1 =	seq.s32 s10, $0x1;
	s10 =	sld [smem:$0x3F99];
	_ =	sdelay $0x3  }
0x37: {  	[smem:$0x3F99] =	sst s10  }
0x38: {  	s10 =	sld [smem:$0x3F9A]  }
0x39: {  	_ = 	snop;
	(pc) =	sbr.ind lr, $3  }
0x3a: {  	_ = 	snop  }
0x3b: {  	_ = 	snop  }
0x3c: {  	p2 =	seq.s32 s10, $0x1;
	s10 =	sld [smem:$0x3F99]  }
0x3d: {  	_ =	shalt  }
0x3e: {  	_ =	shalt  }
0x3f: {  	_ =	shalt  }
0x40: {  	_ =	shalt  }
0x41: {  	_ =	shalt  }
0x42: {  	_ =	shalt  }
0x43: {  	_ =	shalt  }
0x44: {  	_ =	shalt  }
0x45: {  	_ =	shalt  }
0x46: {  	_ =	shalt  }
0x47: {  	_ =	shalt  }
0x48: {  	_ =	shalt  }
0x49: {  	_ =	shalt  }
0x4a: {  	_ =	shalt  }
0x4b: {  	_ =	shalt  }
0x4c: {  	_ =	shalt  }
0x4d: {  	_ =	shalt  }
0x4e: {  	_ =	shalt  }
0x4f: {  	_ =	shalt  }
0x50: {  	_ =	shalt  }
0x51: {  	_ =	shalt  }
0x52: {  	_ =	shalt  }
0x53: {  	_ =	shalt  }
0x54: {  	_ =	shalt  }
0x55: {  	_ =	shalt  }
0x56: {  	_ =	shalt  }
0x57: {  	_ =	shalt  }
0x58: {  	_ =	shalt  }
0x59: {  	_ =	shalt  }
0x5a: {  	_ =	shalt  }
0x5b: {  	_ =	shalt  }
0x5c: {  	_ =	shalt  }
0x5d: {  	_ =	shalt  }
0x5e: {  	_ =	shalt  }
0x5f: {  	_ =	shalt  }
0x60: {  	_ =	shalt  }
0x61: {  	_ =	shalt  }
0x62: {  	_ =	shalt  }
0x63: {  	_ =	shalt  }
0x64: {  	_ =	shalt  }
0x65: {  	_ =	shalt  }
0x66: {  	_ =	shalt  }
0x67: {  	_ =	shalt  }
0x68: {  	_ =	shalt  }
0x69: {  	_ =	shalt  }
0x6a: {  	_ =	shalt  }
0x6b: {  	_ =	shalt  }
0x6c: {  	_ =	shalt  }
0x6d: {  	_ =	shalt  }
0x6e: {  	_ =	shalt  }
0x6f: {  	_ =	shalt  }
0x70: {  	_ =	shalt  }
0x71: {  	_ =	shalt  }
0x72: {  	_ =	shalt  }
0x73: {  	_ =	shalt  }
0x74: {  	_ =	shalt  }
0x75: {  	_ =	shalt  }
0x76: {  	_ =	shalt  }
0x77: {  	_ =	shalt  }
0x78: {  	_ =	shalt  }
0x79: {  	_ =	shalt  }
0x7a: {  	_ =	shalt  }
0x7b: {  	_ =	shalt  }
0x7c: {  	_ =	shalt  }
0x7d: {  	_ =	shalt  }
0x7e: {  	_ =	shalt  }
0x7f: {  	_ =	shalt  }
0x80: {  	_ =	shalt  }
0x81: {  	_ =	shalt  }
0x82: {  	_ =	shalt  }
0x83: {  	_ =	shalt  }
0x84: {  	_ =	shalt  }
0x85: {  	_ =	shalt  }
0x86: {  	_ =	shalt  }
0x87: {  	_ =	shalt  }
.Lfunc_end0:
.L_simem_size_0:
called_computation.6_lowered:
.L_overlay_start_0:
0x88: {  	s0 =	sld [smem:$0x3FD9]  }
0x89: {  	s1 =	sld [smem:$0x3FFE];
	_ =	sdelay $0x3  }
0x8a: {  	s0 =	sadd.s32 s1, s0  }
0x8b: {  	[smem:$0x3FA5] =	sst s0  }
0x8c: {  	_ = 	snop  }
0x8d: {  	(tm) =	ssettm $0x1  }
0x8e: {  	s15 =	sld [smem:$0x3FFB];
	_ =	sdelay $0x3  }
0x8f: {  	_ =	strace s15  }
0x90: {  	s0 =	sld [smem:$0x3FFC];
	_ =	sdelay $0x3  }
0x91: {  	_ =	strace s0  }
0x92: {  	s0 =	sld [smem:$0x3FFD];
	_ =	sdelay $0x3  }
0x93: {  	_ =	strace s0  }
0x94: {  	_ =	strace $0x8FFFFFFF  }
0x95: {  	s16 =	sld [smem:$0x3FDB];
	_ =	sdelay $0x1  }
0x96: {  	s17 =	simm.s32 $_scs_section_size  }
0x97: {  	s2 =	simm.s32 $_size__tile_overlayer_lowered;
	s3 =	simm.s32 $_tile_overlayer_lowered  }
0x98: {  	s20 =	simm.s32 $0x1BFF;
	s19 =	sshll.u32 s3, $0x1;
	s0 =	sadd.s32 s17, s16  }
0x99: {  	s4 =	simm.s32 $0x0;
	s18 =	sshll.u32 s2, $0x1;
	s2 =	sadd.s32 s19, s0  }
0x9a: {  	[timem:s4], [sflag:s20] =	dma.local [hbm:s2], s18  }
0x9b: {  	_ =	swait.ge [sflag:s20], s18  }
0x9c: {  	s1 =	ssub.s32 $0x0, s18;
	[sflag:s20] =	ssyncset.done $0x0  }
0x9d: {  	[sflag:s20] =	ssyncadd.s32 s1;
	_ =	sdelay $0x1  }
0x9e: {  	s21 =	simm.s32 $0x1B8B  }
0x9f: {  	_ =	swait.ge [sflag:s21], $0x1  }
0xa0: {  	[sflag:s21] =	ssyncset.done $0x0  }
0xa1: {  	s23 =	simm.s32 $0x1B8E;
	s22 =	sld [smem:$0x3FFE];
	[sflag:s21] =	ssyncadd.s32 $0xFFFFFFFF  }
0xa2: {  	s24 =	simm.s32 $execute0_lowered;
	[smem:$0x3FD2] =	sst s23  }
0xa3: {  	s2 =	sshll.u32 s24, $0x1;
	_ =	strace $0x80000058;
	[dreg:$0x1] =	wrdreg $0xFFFFFFFF  }
0xa4: {  	s25 =	simm.s32 $_size_execute0_lowered;
	s0 =	sadd.s32 s0, s2;
	[dreg:$0x0] =	wrdreg $0x0  }
0xa5: {  	s2 =	sshll.u32 s25, $0x1;
	[dreg:$0x2] =	wrdreg s0  }
0xa6: {  	[dreg:$0x3] =	wrdreg s2  }
0xa7: {  	[dreg:$0x4] =	wrdreg $0xC0  }
0xa8: {  	_ =	task [dreg:s4], $0x5FFFF  }
0xa9: {  	[dreg:$0x1] =	wrdreg $0xFFFFFFFF  }
0xaa: {  	[dreg:$0x0] =	wrdreg $0x60  }
0xab: {  	[dreg:$0x2] =	wrdreg s22  }
0xac: {  	[dreg:$0x3] =	wrdreg $0x9  }
0xad: {  	_ =	task.clear_ibuf [dreg:s4], $0x4FFFF;
	_ =	strace $0x90000058  }
0xae: {  	s26 =	simm.s32 $0x9;
	_ =	strace $0x8000005A  }
0xaf: {  	_ =	swait.ge [sflag:s26], $0x1  }
0xb0: {  	[sflag:s26] =	ssyncadd.s32 $0xFFFFFFFF  }
0xb1: {  	_ =	strace $0x9000005A  }
0xb2: {  	_ =	sfence  }
0xb3: {  	s28 =	sld [smem:$0x0];
	_ =	sdelay $0x1  }
0xb4: {  	s29 =	srdreg.scid  }
0xb5: {  	s30 =	sshll.u32 s29, $0xD;
	s31 =	sshrl.u32 s29, $0x2  }
0xb6: {  	s1 =	sand.u32 $0x1, s29;
	s2 =	sand.u32 $0x4000, s30;
	s0 =	sadd.s32 s31, s28  }
0xb7: {  	s1 =	sor.u32 s2, s1;
	s0 =	sshll.u32 s0, $0x11  }
0xb8: {  	s0 =	sor.u32 s0, s1  }
0xb9: {  	s0 =	sadd.s32 $0x8F2B, s0  }
0xba: {  	[sflag:s0] =	ssyncadd.remote.s32 $0x1  }
0xbb: {  	_ =	sfence.sel $0xFFFF  }
0xbc: {  	[dreg:$0x0] =	wrdreg $0xFFFFFFFF;
	(pc) =	sbr.abs _section_cstart, $3  }
0xbd: {  	[dreg:$0x1] =	wrdreg $0xFFFFFFFF  }
0xbe: {  	_ =	task.clear_ibuf [dreg:s4], $0x2FFFF;
	_ =	strace $0x9FFFFFFF  }
0xbf: {  	(tm) =	ssettm $0x7FFFFFFF  }
tec
execute0_lowered:
.L_overlay_start_1:
0x0: {  	(tag) =	ssettag $0x1  }
0x1: {  	s0 =	rddreg [dreg:$0x0];
	_ =	strace $0x80000059;
	s1 =	simm.s32 $0x1  }
0x2: {  	s8 =	simm.s32 $0x88;
	v0 =	vimm.s32 $0x0;
	[sflag:s1] =	ssyncpa.u1 $0x0  }
0x3: {  	[tilespmem:s8+$0x30] =	vst v0  }
0x4: {  	s1 =	sadd.s32 $0x28000, s0;
	s3 =	sadd.s32 $0x84A00, s0;
	[tilespmem:s8+$0x20] =	vst v0  }
0x5: {  	s4 =	sadd.s32 $0x57AA00, s0;
	s5 =	sadd.s32 $0xAC200, s0;
	s0 =	simm.s32 $0x40;
	[tilespmem:s8+$0x10] =	vst v0  }
.LBB2_1:
0x6: {  	s0 =	sadd.s32 $0x40, s0  }
0x7: {  	[tilespmem:s8+$0x0] =	vst v0;
	s8 =	sadd.s32 $0x40, s8;
	p0 =	slt.u32 s0, $0x5040  }
.Ltmp0:
0x8: {  	(pc) =	sbr.rel @p0 .LBB2_1-.Ltmp0, $4  }
0x9: {  	_ = 	snop  }
0xa: {  	[tilespmem:s8+$0x30] =	vst v0  }
0xb: {  	[tilespmem:s8+$0x20] =	vst v0  }
0xc: {  	[tilespmem:s8+$0x10] =	vst v0  }
0xd: {  	s9 =	stileid.u32  }
0xe: {  	s6 =	smul.u32 $0x4EC0, s9;
	_ =	sdelay $0x1  }
0xf: {  	s0 =	smin.u32 s6, $0x49D04  }
0x10: {  	s7 =	sadd.s32 $0x4EC0, s0  }
0x11: {  	s0 =	ssub.s32 s7, s6  }
0x12: {  	p0 =	sgt.s32 s0, $0x0  }
0x13: {  	s29 =	simm.s32 $0x2;
	s10 =	simm.s32 $0x7;
	s0 =	simm.s32 @!p0 $0x0  }
0x14: {  	s31 =	simm.s32 $0x8;
	s11 =	simm.s32 $0x1;
	s2 =	smulhi.u32 $0xCCCCCD, s0  }
0x15: {  	s15 =	simm.s32 $0x0;
	p1 =	por $0x0, $0x0;
	s16 =	simm.s32 $0xA  }
0x16: {  	s20 =	simm.s32 $0x0;
	s17 =	simm.s32 $0x0;
	s30 =	smul.u32 $0x140, s2  }
.Ltmp1:
0x17: {  	[tilespmem:s8+$0x0] =	vst v0;
	s19 =	simm.s32 $0x0;
	[sflag:s29] =	ssyncpa.u1 $0x0;
	(pc) =	sbr.rel .LBB2_3-.Ltmp1, $4  }
0x18: {  	v0 =	vimm.s32 $0xFFFFFFFF;
	s13 =	sshll.u32 s9, $0x7;
	p0 =	sne.s32 s0, s30;
	s0 =	simm.s32 $0x1  }
0x19: {  	[tilespmem:$0xA108] =	vst v0;
	[sflag:s10] =	ssyncpa.u1 $0x0;
	s10 =	simm.s32 $0x9;
	s0 =	simm.s32 @!p0 $0x0  }
0x1a: {  	[sflag:s31] =	ssyncpa.u1 $0x0;
	s18 =	smov.u32 s6;
	s12 =	sadd.s32 s0, s2  }
0x1b: {  	v0 =	vlaneseq.u32;
	[sflag:s10] =	ssyncpa.u1 $0x0;
	p0 =	por $0x1, $0x1;
	s14 =	sadd.s32 $0x1, s12  }
.LBB2_24:
0x1c: {  	s0 =	sshrl.u32 s29, $0x2  }
.LBB2_26:
0x1d: {  	_ =	swait.ge [sflag:s16], s0  }
0x1e: {  	s31 =	ssub.s32 $0x0, s0;
	v1 =	vmov s22;
	vm0 =	veq.s32 v0, $0x0;
	[sflag:s16] =	ssyncset.done $0x0  }
0x1f: {  	vm15 =	veq.s32 v0, $0x2;
	v1 =	vsel vm0, s28, v1;
	[sflag:s16] =	ssyncadd.s32 s31  }
0x20: {  	v1 =	vsel vm15, s20, v1;
	[sflag:s16] =	ssyncpa.u1 $0x1  }
0x21: {  	[tilespmem:$0xA108] =	vst v1  }
.LBB2_27:
0x22: {  	s0 =	sadd.s32 $0x140, s18  }
0x23: {  	s2 =	smov.u32 s6;
	p2 =	slt.s32 s0, s7  }
0x24: {  	s2 =	smov.u32 @p2 s0;
	p2 =	sne.s32 s19, s14  }
.Ltmp2:
0x25: {  	_ = 	snop;
	(pc) =	sbr.rel @!p2 .LBB2_28-.Ltmp2, $4  }
0x26: {  	_ = 	snop  }
0x27: {  	s20 =	smov.u32 s17  }
0x28: {  	s31 =	sadd.s32 $0x1, s19;
	s17 =	smov.u32 s18;
	p0 =	por !p0, !p0  }
0x29: {  	p1 =	por !p1, !p1;
	s19 =	smov.u32 s31;
	s18 =	smov.u32 s2  }
.LBB2_3:
0x2a: {  	p2 =	sge.u32 s19, s12  }
0x2b: {  	s0 =	smulhi.u32 @!p2 $0xAAAAAAAB, s19  }
0x2c: {  	s2 =	smov.u32 s18;
	p3 =	sgt.s32 @!p2 s18, $0x4EA84  }
0x2d: {  	s8 =	sshra.s32 @!p2 s18, $0x1F;
	p3 =	por !p3, p2;
	s0 =	sshrl.u32 @!p2 s0, $0x1  }
0x2e: {  	s8 =	sand.u32 @!p2 s8, s18;
	s2 =	simm.s32 @p3 $0x4EA84;
	s0 =	smul.u32 @!p2 $0x3, s0  }
0x2f: {  	s2 =	ssub.s32 @!p2 s2, s8  }
0x30: {  	s22 =	sadd.s32 $0xFFFFFFFF, s19;
	s2 =	sadd.s32 @!p2 $0xFFFB157C, s2;
	s0 =	ssub.s32 @!p2 s19, s0  }
0x31: {  	s8 =	sshll.u32 @!p2 s2, $0x2;
	p3 =	sgt.s32 @!p2 s2, $0x13F;
	s0 =	smul.u32 @!p2 $0x500, s0  }
0x32: {  	s21 =	sand.u32 @!p2 $0x7, s18;
	s2 =	ssub.s32 @!p2 $0x500, s8;
	p3 =	por !p3, p2  }
0x33: {  	s8 =	sshrl.u32 @!p2 s18, $0x3;
	s2 =	sshrl.u32 @!p2 s2, $0x2;
	s0 =	sshrl.u32 @!p2 s0, $0x2  }
0x34: {  	s8 =	sadd.s32 @!p2 s5, s8;
	s2 =	simm.s32 @!p3 $0x0;
	s0 =	sadd.s32 @!p2 $0xA938, s0  }
0x35: {  	[tilespmem:s0], [sflag:$0x8] =	stream.linear.gather @!p2 [hbm4b:s8+s21], s2, $0x38;
	[tilespmem:$0x1EF78] =	vst v63  }
0x36: {  	p2 =	sge.u32 s22, s12  }
0x37: {  	p3 =	sgt.s32 @!p2 s17, $0x4EA84  }
0x38: {  	s0 =	smov.u32 s17;
	s2 =	sshra.s32 @!p2 s17, $0x1F;
	p3 =	por !p3, p2  }
0x39: {  	s2 =	sand.u32 @!p2 s2, s17;
	s0 =	simm.s32 @p3 $0x4EA84  }
0x3a: {  	s0 =	ssub.s32 @!p2 s0, s2  }
0x3b: {  	s0 =	sadd.s32 @!p2 $0xFFFB157C, s0  }
0x3c: {  	s2 =	sshll.u32 @!p2 s0, $0x2  }
0x3d: {  	p3 =	sgt.s32 @!p2 s0, $0x13F;
	s0 =	ssub.s32 @!p2 $0x500, s2  }
0x3e: {  	p3 =	por !p3, p2;
	s0 =	sshrl.u32 @!p2 s0, $0x2  }
0x3f: {  	s8 =	simm.s32 @!p2 $0x8;
	s2 =	sand.u32 @!p2 $0x1, s22;
	s0 =	simm.s32 @!p3 $0x0  }
0x40: {  	s2 =	smul.u32 @!p2 $0x500, s2;
	_ =	swait.ge @!p2 [sflag:s8], s0  }
0x41: {  	s21 =	ssub.s32 @!p2 $0x0, s0;
	[sflag:s8] =	ssyncset.done @!p2 $0x0  }
0x42: {  	s2 =	sshrl.u32 @!p2 s2, $0x2;
	[sflag:s8] =	ssyncadd.s32 @!p2 s21;
	s8 =	sshrl.u32 @!p2 s17, $0x3  }
0x43: {  	s2 =	sadd.s32 @!p2 $0xACF8, s2;
	s21 =	sand.u32 @!p2 $0x7, s17;
	s8 =	sadd.s32 @!p2 s3, s8  }
0x44: {  	[tilespmem:s2], [sflag:$0x9] =	stream.linear.gather @!p2 [hbm4b:s8+s21], s0, $0x38;
	[tilespmem:$0x1EF78] =	vst v63  }
0x45: {  	s21 =	ssub.s32 @!p2 $0x4EBC4, s17  }
0x46: {  	p3 =	slt.s32 @!p2 s21, $0x1  }
0x47: {  	p3 =	por p2, p3  }
.Ltmp3:
0x48: {  	_ = 	snop;
	(pc) =	sbr.rel @p3 .LBB2_9-.Ltmp3, $1  }
0x49: {  	_ =	sdelay $0x3  }
0x4a: {  	s0 =	smulhi.u32 $0xAAAAAAAB, s22;
	_ =	sdelay $0x1  }
0x4b: {  	s0 =	sshrl.u32 s0, $0x1  }
0x4c: {  	s0 =	smul.u32 $0x3, s0;
	_ =	sdelay $0x1  }
0x4d: {  	s0 =	ssub.s32 s22, s0  }
0x4e: {  	s2 =	simm.s32 $0x1;
	s0 =	smul.u32 $0x500, s0  }
.Ltmp4:
0x4f: {  	s2 =	simm.s32 @!p0 $0x0;
	(pc) =	sbr.rel .LBB2_6-.Ltmp4, $4  }
0x50: {  	s2 =	smul.u32 $0x28000, s2  }
0x51: {  	p3 =	slt.s32 @!p2 s21, $0x140;
	s0 =	sshrl.u32 s0, $0x2  }
0x52: {  	p2 =	por !p3, p2;
	s2 =	sshrl.u32 s2, $0x2;
	s0 =	sadd.s32 $0xA938, s0  }
0x53: {  	s23 =	simm.s32 $0x0;
	s21 =	simm.s32 @p2 $0x140;
	s22 =	sadd.s32 $0xAF78, s2;
	v1 =	vmov s0  }
.LBB2_5:
0x54: {  	p2 =	sge.s32 s23, s21  }
.Ltmp5:
0x55: {  	_ = 	snop;
	(pc) =	sbr.rel @p2 .LBB2_9-.Ltmp5, $2  }
0x56: {  	_ =	sdelay $0x2  }
0x57: {  	s22 =	sadd.s32 $0x800, s22  }
.LBB2_6:
0x58: {  	p2 =	sle.s32 s21, s23  }
.Ltmp6:
0x59: {  	_ = 	snop;
	(pc) =	sbr.rel @p2 .LBB2_5-.Ltmp6, $2  }
0x5a: {  	_ =	sdelay $0x2  }
0x5b: {  	s24 =	smov.u32 s23;
	s23 =	sadd.s32 $0x10, s23  }
0x5c: {  	s0 =	ssub.s32 s21, s24  }
0x5d: {  	p2 =	slt.s32 s0, $0x10  }
0x5e: {  	s0 =	simm.s32 @!p2 $0x10  }
0x5f: {  	v2 =	vmov s0  }
0x60: {  	vm0 =	vgt.s32 v2, v0;
	_ =	sdelay $0x5  }
0x61: {  	v2 =	vld.idx.msk [tilespmem:v1+s24+$0x0 ss:$0x1], vm0;
	_ =	sdelay $0x2  }
0x62: {  	p2 =	slt.s32 s23, s21;
	s0 =	smov.u32 s21  }
0x63: {  	s2 =	smov.u32 s22;
	s25 =	simm.s32 $0x0;
	s0 =	smov.u32 @p2 s23  }
.LBB2_8:
0x64: {  	(v2sf) =	vpush v2, s25;
	_ =	sdelay $0xc  }
0x65: {  	s25 =	sadd.s32 $0x1, s25  }
0x66: {  	s31 =	sadd.s32 s25, s24  }
0x67: {  	p2 =	slt.s32 s31, s0;
	s8 =	spop (v2sf)  }
.Ltmp7:
0x68: {  	s8 =	sshll.u32 s8, $0x4;
	(pc) =	sbr.rel @p2 .LBB2_8-.Ltmp7, $4  }
0x69: {  	s8 =	sand.u32 $0x1FFFFFF0, s8  }
0x6a: {  	s8 =	sadd.s32 s4, s8  }
0x6b: {  	[tilespmem:s2], [sflag:$0x7] =	stream.linear.gather [hbm4b:s8+s15], $0x40, $0x38;
	[tilespmem:$0x1EF78] =	vst v63  }
0x6c: {  	s2 =	sadd.s32 $0x80, s2  }
.Ltmp8:
0x6d: {  	_ = 	snop;
	(pc) =	sbr.rel .LBB2_5-.Ltmp8, $1  }
0x6e: {  	_ =	sdelay $0x3  }
.LBB2_9:
0x6f: {  	p2 =	slt.u32 s19, $0x2  }
.Ltmp9:
0x70: {  	_ = 	snop;
	(pc) =	sbr.rel @p2 .LBB2_27-.Ltmp9, $1  }
0x71: {  	_ =	sdelay $0x3  }
0x72: {  	p2 =	sgt.s32 s20, $0x4EA84;
	s0 =	smov.u32 s20  }
0x73: {  	s2 =	sshra.s32 s20, $0x1F;
	s8 =	ssub.s32 $0x4EBC4, s20;
	s0 =	simm.s32 @!p2 $0x4EA84  }
0x74: {  	s2 =	sand.u32 s2, s20;
	p2 =	slt.s32 s8, $0x140;
	s21 =	smov.u32 s8  }
0x75: {  	s0 =	ssub.s32 s0, s2;
	s21 =	simm.s32 @!p2 $0x140  }
0x76: {  	s0 =	sadd.s32 $0xFFFB157C, s0;
	s26 =	sshll.u32 s21, $0x6  }
0x77: {  	s9 =	simm.s32 $0x7;
	s29 =	sshll.u32 s0, $0x2;
	s2 =	sand.u32 $0x3FFFFFC0, s26  }
0x78: {  	p2 =	sgt.s32 s0, $0x13F;
	s30 =	ssub.s32 $0x500, s29;
	_ =	swait.ge [sflag:s9], s2  }
0x79: {  	s2 =	ssub.s32 $0x0, s2;
	[sflag:s9] =	ssyncset.done $0x0;
	s0 =	sshrl.u32 s30, $0x2  }
0x7a: {  	[sflag:s9] =	ssyncadd.s32 s2;
	s0 =	simm.s32 @p2 $0x0  }
0x7b: {  	_ =	swait.ge [sflag:s10], s0  }
0x7c: {  	s0 =	ssub.s32 $0x0, s0;
	[sflag:s10] =	ssyncset.done $0x0  }
0x7d: {  	[sflag:s10] =	ssyncadd.s32 s0  }
0x7e: {  	v1 =	vld [tilespmem:$0xA108];
	_ =	sdelay $0x4  }
0x7f: {  	(v2sf) =	vpush v1, $0x0  }
0x80: {  	(v2sf) =	vpush v1, $0x1  }
0x81: {  	(v2sf) =	vpush v1, $0x2;
	_ =	sdelay $0x3  }
0x82: {  	s0 =	sadd.s32 $0x140, s20  }
0x83: {  	p2 =	slt.s32 s7, s0  }
0x84: {  	s0 =	smov.u32 @p2 s7;
	p2 =	sgt.s32 s8, $0x0  }
0x85: {  	s24 =	ssub.s32 s0, s20;
	s8 =	simm.s32 @!p2 $0x0  }
0x86: {  	p2 =	slt.s32 s8, s24  }
0x87: {  	s24 =	smov.u32 @p2 s8  }
0x88: {  	s23 =	simm.s32 $0x1;
	p2 =	slt.s32 s24, $0x1  }
.Ltmp10:
0x89: {  	s23 =	simm.s32 @!p1 $0x0;
	(pc) =	sbr.rel @p2 .LBB2_14-.Ltmp10, $4  }
0x8a: {  	s31 =	smul.u32 $0x500, s23  }
0x8b: {  	s25 =	spop (v2sf)  }
0x8c: {  	s0 =	sshrl.u32 s31, $0x2;
	s28 =	spop (v2sf)  }
0x8d: {  	s21 =	sadd.s32 $0xACF8, s0;
	s20 =	spop (v2sf)  }
0x8e: {  	s0 =	smin.u32 s24, $0x10  }
0x8f: {  	v1 =	vmov s0  }
0x90: {  	p3 =	sgt.s32 s24, $0x10;
	vm1 =	vgt.u32 v1, v0  }
.Ltmp11:
0x91: {  	_ = 	snop;
	(pc) =	sbr.rel @!p3 .LBB2_13-.Ltmp11, $2  }
0x92: {  	_ =	sdelay $0x2  }
0x93: {  	s26 =	simm.s32 $0x10;
	s29 =	sadd.s32 $0xFFFFFFF0, s24;
	s22 =	smov.u32 s21;
	vm0 =	vmmov vm1  }
.LBB2_12:
0x94: {  	s0 =	smin.u32 s29, $0x10;
	s26 =	sadd.s32 $0x10, s26;
	v1 =	vld.msk [tilespmem:s22+$0x0 ss:$0x1], vm1  }
0x95: {  	v2 =	vmov s0;
	p3 =	slt.s32 s26, s24  }
0x96: {  	vm1 =	vgt.u32 v2, v0  }
.Ltmp12:
0x97: {  	(pc) =	sbr.rel @p3 .LBB2_12-.Ltmp12, $3  }
0x98: {  	_ =	sdelay $0x1  }
0x99: {  	v1 =	vshll.u32 v1, $0x4  }
0x9a: {  	s29 =	sadd.s32 $0xFFFFFFF0, s29;
	[tilespmem:s22+$0x0] =	vst.msk vm0, v1;
	s22 =	sadd.s32 $0x10, s22;
	vm0 =	vmmov vm1  }
.LBB2_13:
0x9b: {  	_ =	sdelay $0x4  }
0x9c: {  	v1 =	vld.msk [tilespmem:s22+$0x0 ss:$0x1], vm1;
	_ =	sdelay $0x4  }
0x9d: {  	v1 =	vshll.u32 v1, $0x4  }
0x9e: {  	[tilespmem:s22+$0x0] =	vst.msk vm0, v1  }
.LBB2_14:
0x9f: {  	s0 =	sand.u32 $0x1, s19  }
0xa0: {  	s0 =	smul.u32 $0x140, s0  }
0xa1: {  	p3 =	sne.s32 s28, $0xFFFFFFFF  }
0xa2: {  	v1 =	vld.msk @!p3 [tilespmem:s0+$0xACF8], $0x1;
	_ =	sdelay $0x4  }
0xa3: {  	(v2sf) =	vpush @!p3 v1, $0x0;
	_ =	sdelay $0xc  }
.Ltmp13:
0xa4: {  	_ = 	snop;
	(pc) =	sbr.rel @p2 .LBB2_25-.Ltmp13, $4  }
0xa5: {  	_ = 	snop  }
0xa6: {  	s26 =	spop @!p3 (v2sf)  }
0xa7: {  	s20 =	simm.s32 @!p3 $0x0;
	s22 =	smov.u32 s26  }
0xa8: {  	[sflag:s16] =	ssyncpa.u1 $0x0;
	s26 =	smov.u32 @p3 s25;
	s22 =	smov.u32 @p3 s28  }
0xa9: {  	v1 =	vld.msk [tilespmem:s21+$0x0], $0x1;
	_ =	sdelay $0x4  }
0xaa: {  	(v2sf) =	vpush v1, $0x0;
	_ =	sdelay $0xe  }
0xab: {  	s0 =	smul.u32 $0x28000, s23;
	s30 =	spop (v2sf)  }
0xac: {  	s24 =	ssub.s32 $0x0, s24;
	p2 =	seq.s32 s26, s30  }
0xad: {  	s28 =	sadd.s32 $0x1, s24;
	s0 =	sshrl.u32 s0, $0x2;
	p3 =	sgt.s32 @!p2 s26, $0x0  }
0xae: {  	s23 =	sadd.s32 $0xAF98, s0;
	s0 =	smov.u32 s26;
	p3 =	por !p3, p2  }
0xaf: {  	s0 =	simm.s32 @p3 $0x0;
	p3 =	seq.s32 s28, $0x0  }
.Ltmp14:
0xb0: {  	_ = 	snop;
	(pc) =	sbr.rel @p3 .LBB2_17-.Ltmp14, $4  }
0xb1: {  	_ = 	snop  }
0xb2: {  	s25 =	simm.s32 $0x0;
	s31 =	simm.s32 @!p2 $0x1;
	s2 =	smin.u32 @!p2 s0, $0x9C78  }
0xb3: {  	s29 =	sadd.s32 $0x1, s21;
	s31 =	smov.u32 @p2 s25;
	s8 =	sand.u32 @!p2 $0xFFF8, s2  }
0xb4: {  	s0 =	simm.s32 @!p2 $0x50C8;
	s2 =	sand.u32 @!p2 $0x7, s2;
	s8 =	sadd.s32 @!p2 s1, s8  }
.LBB2_16:
0xb5: {  	s9 =	smov.u32 s31  }
0xb6: {  	[tilespmem:s0], [sflag:$0x2] =	stream.linear.gather @!p2 [hbm4b:s8+s2], $0x40, $0x38;
	[tilespmem:$0x1EF78] =	vst v63  }
0xb7: {  	s28 =	sadd.s32 $0x1, s28;
	s2 =	smov.u32 s30;
	v1 =	vld.msk [tilespmem:s29+$0x0], $0x1  }
0xb8: {  	p3 =	seq.s32 s28, $0x0;
	_ =	sdelay $0x3  }
0xb9: {  	(v2sf) =	vpush v1, $0x0;
	_ =	sdelay $0xe  }
0xba: {  	s30 =	spop (v2sf)  }
0xbb: {  	p2 =	seq.s32 s2, s30  }
0xbc: {  	p4 =	sgt.s32 @!p2 s2, $0x0;
	s0 =	sshll.u32 @!p2 s31, $0x8;
	s31 =	sadd.s32 @!p2 $0x1, s31  }
.Ltmp15:
0xbd: {  	p4 =	por !p4, p2;
	s0 =	sshra.s32 @!p2 s0, $0x2;
	(pc) =	sbr.rel @!p3 .LBB2_16-.Ltmp15, $4  }
0xbe: {  	s31 =	smov.u32 @p2 s9;
	s2 =	simm.s32 @p4 $0x0;
	s0 =	sadd.s32 @!p2 $0x50C8, s0  }
0xbf: {  	s2 =	smin.u32 @!p2 s2, $0x9C78  }
0xc0: {  	s8 =	sand.u32 @!p2 $0xFFF8, s2;
	s2 =	sand.u32 @!p2 $0x7, s2  }
0xc1: {  	s29 =	sadd.s32 $0x1, s29;
	s8 =	sadd.s32 @!p2 s1, s8  }
.LBB2_17:
0xc2: {  	[tilespmem:s0], [sflag:$0x2] =	stream.linear.gather @!p2 [hbm4b:s8+s2], $0x40, $0x38;
	[tilespmem:$0x1EF78] =	vst v63  }
.Ltmp16:
0xc3: {  	s30 =	sshll.u32 s31, $0x6;
	(pc) =	sbr.rel .LBB2_18-.Ltmp16, $4  }
0xc4: {  	s31 =	simm.s32 $0x2;
	s0 =	sand.u32 $0x3FFFFFC0, s30  }
0xc5: {  	_ =	swait.ge [sflag:s31], s0  }
0xc6: {  	s0 =	ssub.s32 $0x0, s0;
	[sflag:s31] =	ssyncset.done $0x0  }
0xc7: {  	s29 =	simm.s32 $0x0;
	[sflag:s31] =	ssyncadd.s32 s0  }
.LBB2_19:
0xc8: {  	v1 =	vld [tilespmem:s23+$0xFFFFFFE0];
	_ =	sdelay $0x4  }
0xc9: {  	[tilespmem:s30+$0x88] =	vst.add.f32.msk $0xffff, v1  }
0xca: {  	v1 =	vld [tilespmem:s23+$0xFFFFFFF0];
	_ =	sdelay $0x4  }
0xcb: {  	[tilespmem:s30+$0x98] =	vst.add.f32.msk $0xffff, v1  }
0xcc: {  	v1 =	vld [tilespmem:s23+$0x0];
	_ =	sdelay $0x4  }
0xcd: {  	[tilespmem:s30+$0xA8] =	vst.add.f32.msk $0xffff, v1  }
0xce: {  	v1 =	vld [tilespmem:s23+$0x10];
	_ =	sdelay $0x4  }
0xcf: {  	[tilespmem:s30+$0xB8] =	vst.add.f32.msk $0xffff, v1  }
.LBB2_23:
0xd0: {  	s24 =	sadd.s32 $0x1, s24  }
0xd1: {  	p2 =	seq.s32 s24, $0x0  }
.Ltmp17:
0xd2: {  	_ = 	snop;
	(pc) =	sbr.rel @p2 .LBB2_24-.Ltmp17, $2  }
0xd3: {  	_ =	sdelay $0x2  }
0xd4: {  	s23 =	sadd.s32 $0x80, s23;
	s21 =	sadd.s32 $0x1, s21;
	s26 =	smov.u32 s28  }
.LBB2_18:
0xd5: {  	v1 =	vld.msk [tilespmem:s21+$0x0], $0x1;
	_ =	sdelay $0x4  }
0xd6: {  	(v2sf) =	vpush v1, $0x0;
	_ =	sdelay $0xe  }
0xd7: {  	s28 =	spop (v2sf)  }
0xd8: {  	p2 =	sne.s32 s26, s28  }
.Ltmp18:
0xd9: {  	_ = 	snop;
	(pc) =	sbr.rel @!p2 .LBB2_19-.Ltmp18, $3  }
0xda: {  	_ =	sdelay $0x1  }
0xdb: {  	s0 =	sshll.u32 s20, $0x8  }
0xdc: {  	s30 =	sshra.s32 s0, $0x2  }
0xdd: {  	p2 =	seq.s32 s26, s22  }
.Ltmp19:
0xde: {  	_ = 	snop;
	(pc) =	sbr.rel @!p2 .LBB2_21-.Ltmp19, $1  }
0xdf: {  	_ =	sdelay $0x3  }
.Ltmp20:
0xe0: {  	s0 =	sadd.s32 $0x88, s30;
	(pc) =	sbr.rel .LBB2_22-.Ltmp20, $4  }
0xe1: {  	[spmem:s13] =	stream.linear.scatter [tilespmem:s0], [sflag:$0x1], $0x40, $0x38;
	[tilespmem:$0x1EF78] =	vst v63  }
0xe2: {  	_ =	swait.ge [sflag:s11], $0x40  }
0xe3: {  	[sflag:s11] =	ssyncset.done $0x0  }
0xe4: {  	[sflag:s11] =	ssyncadd.s32 $0xFFFFFFC0  }
.LBB2_21:
0xe5: {  	s0 =	sshll.u32 s25, $0x8  }
0xe6: {  	s0 =	sshra.s32 s0, $0x2  }
0xe7: {  	v1 =	vld [tilespmem:s0+$0x50C8];
	_ =	sdelay $0x4  }
0xe8: {  	[tilespmem:s30+$0x88] =	vst.add.f32.msk $0xffff, v1  }
0xe9: {  	v1 =	vld [tilespmem:s0+$0x50D8];
	_ =	sdelay $0x4  }
0xea: {  	[tilespmem:s30+$0x98] =	vst.add.f32.msk $0xffff, v1  }
0xeb: {  	v1 =	vld [tilespmem:s0+$0x50E8];
	_ =	sdelay $0x4  }
0xec: {  	[tilespmem:s30+$0xA8] =	vst.add.f32.msk $0xffff, v1  }
0xed: {  	v1 =	vld [tilespmem:s0+$0x50F8];
	_ =	sdelay $0x2  }
0xee: {  	p2 =	sgt.u32 s26, $0x9C78  }
0xef: {  	s0 =	sand.u32 @!p2 $0xFFF8, s26  }
0xf0: {  	s2 =	sadd.s32 $0x88, s30;
	s8 =	sand.u32 @!p2 $0x7, s26;
	s0 =	sadd.s32 @!p2 s1, s0;
	[tilespmem:s30+$0xB8] =	vst.add.f32.msk $0xffff, v1  }
0xf1: {  	[hbm4b:s0+s8] =	stream.linear.scatter @!p2 [tilespmem:s2], [sflag:$0xA], $0x40, $0x38;
	[tilespmem:$0x1EF78] =	vst v63  }
0xf2: {  	s0 =	simm.s32 $0x0  }
0xf3: {  	s0 =	simm.s32 @!p2 $0x100  }
0xf4: {  	s29 =	sadd.s32 s0, s29  }
.LBB2_22:
0xf5: {  	s0 =	sadd.s32 $0x1, s20  }
0xf6: {  	s2 =	smulhi.u32 $0xCCCCCCCD, s0;
	_ =	sdelay $0x1  }
0xf7: {  	v1 =	vld [tilespmem:s23+$0xFFFFFFE0];
	s2 =	sshrl.u32 s2, $0x8  }
0xf8: {  	s2 =	smul.u32 $0x140, s2;
	_ =	sdelay $0x1  }
0xf9: {  	s20 =	ssub.s32 s0, s2  }
0xfa: {  	s0 =	sshll.u32 s20, $0x6  }
0xfb: {  	[tilespmem:s0+$0x88] =	vst v1  }
0xfc: {  	v1 =	vld [tilespmem:s23+$0xFFFFFFF0];
	_ =	sdelay $0x4  }
0xfd: {  	[tilespmem:s0+$0x98] =	vst v1  }
0xfe: {  	v1 =	vld [tilespmem:s23+$0x0];
	_ =	sdelay $0x4  }
0xff: {  	[tilespmem:s0+$0xA8] =	vst v1  }
0x100: {  	v1 =	vld [tilespmem:s23+$0x10]  }
.Ltmp21:
0x101: {  	_ = 	snop;
	(pc) =	sbr.rel .LBB2_23-.Ltmp21, $2  }
0x102: {  	_ =	sdelay $0x2  }
0x103: {  	s25 =	sadd.s32 $0x1, s25;
	[tilespmem:s0+$0xB8] =	vst v1  }
.LBB2_25:
.Ltmp22:
0x104: {  	(pc) =	sbr.rel .LBB2_26-.Ltmp22, $4  }
0x105: {  	_ = 	snop  }
0x106: {  	s0 =	simm.s32 $0x2  }
0x107: {  	_ =	swait.ge [sflag:s0], $0x0  }
0x108: {  	s28 =	smov.u32 s26;
	[sflag:s0] =	ssyncset.done $0x0;
	s0 =	simm.s32 $0x0  }
.LBB2_28:
0x109: {  	_ =	sfence.sel $0x180000  }
0x10a: {  	s0 =	simm.s32 $0x7;
	[bflag:$0x0] =	sbarrier.arrive $0xFFFF  }
0x10b: {  	s25 =	simm.s32 $0x8;
	[sflag:s0] =	ssyncpa.u1 $0x1  }
0x10c: {  	s26 =	simm.s32 $0x9;
	[sflag:s25] =	ssyncpa.u1 $0x1  }
0x10d: {  	s28 =	simm.s32 $0x2;
	[sflag:s26] =	ssyncpa.u1 $0x1  }
0x10e: {  	[sflag:s28] =	ssyncpa.u1 $0x1  }
0x10f: {  	v0 =	vld [tilespmem:$0xA108];
	_ =	sdelay $0x4  }
0x110: {  	(v2sf) =	vpush v0, $0x0  }
0x111: {  	(v2sf) =	vpush v0, $0x1;
	_ =	sdelay $0x1  }
0x112: {  	(v2sf) =	vpush v0, $0x2;
	_ =	sdelay $0xb  }
0x113: {  	s0 =	spop (v2sf)  }
0x114: {  	s2 =	spop (v2sf)  }
0x115: {  	s3 =	smov.u32 s0;
	p0 =	sne.s32 s0, s2  }
0x116: {  	s4 =	spop (v2sf);
	s3 =	simm.s32 @!p0 $0xFFFFFFFF  }
0x117: {  	v2 =	vimm.s32 $0x1;
	v3 =	vlaneseq.u32;
	p0 =	seq.s32 s4, $0xFFFFFFFF;
	v1 =	vmov s3  }
0x118: {  	s7 =	stileid.u32;
	v0 =	vperm.xlane v0, v2;
	p1 =	sne.s32 @!p0 s0, s2;
	v1 =	vperm.xlane v1, v3  }
0x119: {  	vm0 =	vcmask $0x3F04;
	s6 =	simm.s32 $0xA108;
	s0 =	simm.s32 @!p0 $0x1;
	p1 =	por !p1, p0  }
0x11a: {  	s3 =	sshll.u32 s7, $0x1;
	s2 =	sshll.u32 @!p0 s4, $0x8;
	s0 =	simm.s32 @p1 $0x0;
	v0 =	vsel vm0, v1, v0  }
0x11b: {  	s5 =	sor.u32 $0x800, s3;
	s2 =	sshra.s32 @!p0 s2, $0x2;
	s0 =	sor.u32 @!p0 s0, s3;
	[tilespmem:$0xA108] =	vst v0  }
0x11c: {  	[spmem:s5] =	stream.linear.scatter [tilespmem:s6], [sflag:$0x1], $0x2, $0x38;
	[tilespmem:$0x1EF78] =	vst v63  }
0x11d: {  	s2 =	sadd.s32 @!p0 $0x88, s2;
	s0 =	sshll.u32 @!p0 s0, $0x6  }
0x11e: {  	[spmem:s0] =	stream.linear.scatter @!p0 [tilespmem:s2], [sflag:$0x1], $0x40, $0x38;
	[tilespmem:$0x1EF78] =	vst v63  }
0x11f: {  	s2 =	simm.s32 @!p0 $0x42  }
0x120: {  	s0 =	simm.s32 $0x1;
	s2 =	simm.s32 @p0 $0x2  }
0x121: {  	_ =	swait.ge [sflag:s0], s2  }
0x122: {  	s2 =	ssub.s32 $0x0, s2;
	[sflag:s0] =	ssyncset.done $0x0  }
0x123: {  	[sflag:s0] =	ssyncadd.s32 s2  }
0x124: {  	_ =	sfence.stream.spmem  }
0x125: {  	s29 =	simm.s32 $0x3;
	[bflag:$0x0] =	sbarrier.arrive $0xFFFF  }
0x126: {  	s30 =	simm.s32 $0x4;
	[sflag:s29] =	ssyncpa.u1 $0x1  }
0x127: {  	s31 =	simm.s32 $0x3C;
	[sflag:s30] =	ssyncpa.u1 $0x1  }
0x128: {  	p0 =	sne.s32 s7, $0x0;
	[sflag:s31] =	ssyncpa.u1 $0x1  }
0x129: {  	_ =	sfence @p0  }
0x12a: {  	[sflag:s0] =	ssyncpa.u1 @p0 $0x1  }
0x12b: {  	_ =	strace @p0 $0x90000059  }
0x12c: {  	[bflag:$0x2] =	sbarrier.arrive @p0 $0xFFFF  }
0x12d: {  	_ =	shalt @p0  }
.LBB2_29:
0x12e: {  	_ =	sfence.stream.spmem;
	s0 =	simm.s32 $0x5  }
0x12f: {  	s2 =	simm.s32 $0x800;
	s3 =	simm.s32 $0xA118;
	[sflag:s0] =	ssyncpa.u1 $0x0  }
0x130: {  	[tilespmem:s3], [sflag:$0x5] =	stream.linear.gather [spmem:s2], $0x20, $0x38;
	[tilespmem:$0x1EF78] =	vst v63  }
0x131: {  	s30 =	simm.s32 $0xA138;
	s2 =	simm.s32 $0x0  }
0x132: {  	[tilespmem:s30], [sflag:$0x5] =	stream.linear.gather [spmem:s2], $0x800, $0x38;
	[tilespmem:$0x1EF78] =	vst v63  }
.Ltmp23:
0x133: {  	_ = 	snop;
	(pc) =	sbr.rel .LBB2_30-.Ltmp23, $4  }
0x134: {  	_ =	swait.ge [sflag:s0], $0x820  }
0x135: {  	[sflag:s0] =	ssyncset.done $0x0  }
0x136: {  	s31 =	simm.s32 $0x6;
	[sflag:s0] =	ssyncadd.s32 $0xFFFFF7E0  }
0x137: {  	s3 =	simm.s32 $0x0;
	[sflag:s31] =	ssyncpa.u1 $0x0  }
.LBB2_36:
0x138: {  	p0 =	slt.u32 s4, $0x9C79  }
0x139: {  	s0 =	sand.u32 @p0 $0xFFF8, s4  }
0x13a: {  	s4 =	sand.u32 @p0 $0x7, s4;
	s5 =	simm.s32 @p0 $0xA0C8;
	s0 =	sadd.s32 @p0 s1, s0  }
0x13b: {  	[tilespmem:s5], [sflag:$0x6] =	stream.linear.gather @p0 [hbm4b:s0+s4], $0x40, $0x38;
	[tilespmem:$0x1EF78] =	vst v63  }
0x13c: {  	s0 =	simm.s32 @p0 $0x6  }
0x13d: {  	_ =	swait.ge @p0 [sflag:s0], $0x40  }
0x13e: {  	[sflag:s0] =	ssyncset.done @p0 $0x0  }
0x13f: {  	[sflag:s0] =	ssyncadd.s32 @p0 $0xFFFFFFC0  }
0x140: {  	v1 =	vld @p0 [tilespmem:$0xA0C8];
	_ =	sdelay $0x2  }
0x141: {  	s0 =	sshll.u32 @p0 s3, $0x8  }
0x142: {  	s4 =	sshrl.u32 @p0 s0, $0x2  }
0x143: {  	[tilespmem:s4+$0xA138] =	vst.add.f32.msk @p0 $0xffff, v1  }
0x144: {  	v1 =	vld @p0 [tilespmem:$0xA0D8];
	_ =	sdelay $0x4  }
0x145: {  	[tilespmem:s4+$0xA148] =	vst.add.f32.msk @p0 $0xffff, v1  }
0x146: {  	v1 =	vld @p0 [tilespmem:$0xA0E8];
	_ =	sdelay $0x4  }
0x147: {  	[tilespmem:s4+$0xA158] =	vst.add.f32.msk @p0 $0xffff, v1  }
0x148: {  	v1 =	vld @p0 [tilespmem:$0xA0F8];
	_ =	sdelay $0x3  }
0x149: {  	s5 =	sshll.u32 @!p0 s3, $0x8  }
0x14a: {  	s5 =	smov.u32 @p0 s0;
	[tilespmem:s4+$0xA168] =	vst.add.f32.msk @p0 $0xffff, v1  }
0x14b: {  	s0 =	sshrl.u32 s5, $0x2;
	[tilespmem:s2+$0xA118] =	vst.msk $0x1, v0  }
0x14c: {  	v0 =	vld [tilespmem:s0+$0xA138];
	_ =	sdelay $0x2  }
0x14d: {  	s31 =	sshll.u32 s2, $0x8  }
0x14e: {  	s4 =	sshra.s32 s31, $0x2  }
0x14f: {  	[tilespmem:s4+$0xA138] =	vst v0  }
0x150: {  	v0 =	vld [tilespmem:s0+$0xA148];
	_ =	sdelay $0x4  }
0x151: {  	[tilespmem:s4+$0xA148] =	vst v0  }
0x152: {  	v0 =	vld [tilespmem:s0+$0xA158];
	_ =	sdelay $0x4  }
0x153: {  	[tilespmem:s4+$0xA158] =	vst v0  }
0x154: {  	v0 =	vld [tilespmem:s0+$0xA168];
	_ =	sdelay $0x4  }
0x155: {  	s2 =	sadd.s32 $0x1, s2;
	[tilespmem:s4+$0xA168] =	vst v0  }
.LBB2_37:
0x156: {  	s3 =	sadd.s32 $0x1, s3  }
0x157: {  	p0 =	sne.s32 s3, $0x20  }
.Ltmp24:
0x158: {  	_ = 	snop;
	(pc) =	sbr.rel @!p0 .LBB2_38-.Ltmp24, $1  }
0x159: {  	_ =	sdelay $0x3  }
.LBB2_30:
0x15a: {  	v0 =	vld.msk [tilespmem:s3+$0xA118], $0x1;
	_ =	sdelay $0x4  }
0x15b: {  	(v2sf) =	vpush v0, $0x0;
	_ =	sdelay $0xe  }
0x15c: {  	s4 =	spop (v2sf)  }
0x15d: {  	p0 =	seq.s32 s4, $0xFFFFFFFF  }
.Ltmp25:
0x15e: {  	_ = 	snop;
	(pc) =	sbr.rel @p0 .LBB2_37-.Ltmp25, $1  }
0x15f: {  	_ =	sdelay $0x3  }
0x160: {  	p0 =	slt.s32 s2, $0x1  }
.Ltmp26:
0x161: {  	_ = 	snop;
	(pc) =	sbr.rel @p0 .LBB2_36-.Ltmp26, $1  }
0x162: {  	_ =	sdelay $0x3  }
0x163: {  	s5 =	simm.s32 $0xA118;
	p0 =	por $0x0, $0x0  }
0x164: {  	v1 =	vld.msk @!p0 [tilespmem:s5+$0x0], $0x1;
	_ =	sdelay $0x4  }
0x165: {  	(v2sf) =	vpush @!p0 v1, $0x0;
	_ =	sdelay $0xd  }
0x166: {  	p2 =	sne.s32 s2, $0x1  }
.Ltmp27:
0x167: {  	s0 =	spop @!p0 (v2sf);
	(pc) =	sbr.rel @!p2 .LBB2_34-.Ltmp27, $4  }
0x168: {  	p1 =	seq.s32 @!p0 s4, s0  }
0x169: {  	s6 =	simm.s32 $0x0;
	p1 =	por !p1, p0  }
0x16a: {  	s0 =	simm.s32 $0xFFFFFFFF;
	s6 =	simm.s32 @p1 $0xFFFFFFFF  }
0x16b: {  	s7 =	simm.s32 $0x1;
	s6 =	smov.u32 @p0 s0  }
.LBB2_33:
0x16c: {  	s0 =	smov.u32 s6;
	p0 =	sne.s32 s6, $0xFFFFFFFF  }
0x16d: {  	s5 =	sadd.s32 $0x1, s5;
	s6 =	smov.u32 s7;
	s7 =	sadd.s32 $0x1, s7  }
0x16e: {  	p1 =	sne.s32 s2, s7;
	v1 =	vld.msk @!p0 [tilespmem:s5+$0x0], $0x1;
	_ =	sdelay $0x4  }
0x16f: {  	(v2sf) =	vpush @!p0 v1, $0x0;
	_ =	sdelay $0xe  }
.Ltmp28:
0x170: {  	s8 =	spop @!p0 (v2sf);
	(pc) =	sbr.rel @p1 .LBB2_33-.Ltmp28, $4  }
0x171: {  	p2 =	seq.s32 @!p0 s4, s8  }
0x172: {  	p2 =	por !p2, p0  }
0x173: {  	s6 =	simm.s32 @p2 $0xFFFFFFFF  }
0x174: {  	s6 =	smov.u32 @p0 s0  }
.LBB2_34:
0x175: {  	p0 =	seq.s32 s6, $0xFFFFFFFF  }
.Ltmp29:
0x176: {  	_ = 	snop;
	(pc) =	sbr.rel @p0 .LBB2_36-.Ltmp29, $1  }
0x177: {  	_ =	sdelay $0x3  }
0x178: {  	s0 =	sshll.u32 s3, $0x6  }
0x179: {  	s0 =	sand.u32 $0x3FFFFFC0, s0  }
0x17a: {  	v0 =	vld [tilespmem:s0+$0xA138];
	_ =	sdelay $0x2  }
0x17b: {  	s4 =	sshll.u32 s6, $0x8  }
0x17c: {  	s4 =	sshra.s32 s4, $0x2  }
0x17d: {  	[tilespmem:s4+$0xA138] =	vst.add.f32.msk $0xffff, v0  }
0x17e: {  	v0 =	vld [tilespmem:s0+$0xA148];
	_ =	sdelay $0x4  }
0x17f: {  	[tilespmem:s4+$0xA148] =	vst.add.f32.msk $0xffff, v0  }
0x180: {  	v0 =	vld [tilespmem:s0+$0xA158];
	_ =	sdelay $0x4  }
0x181: {  	[tilespmem:s4+$0xA158] =	vst.add.f32.msk $0xffff, v0  }
0x182: {  	v0 =	vld [tilespmem:s0+$0xA168]  }
.Ltmp30:
0x183: {  	_ = 	snop;
	(pc) =	sbr.rel .LBB2_37-.Ltmp30, $2  }
0x184: {  	_ =	sdelay $0x2  }
0x185: {  	[tilespmem:s4+$0xA168] =	vst.add.f32.msk $0xffff, v0  }
.LBB2_38:
0x186: {  	p0 =	slt.s32 s2, $0x1  }
.Ltmp31:
0x187: {  	_ = 	snop;
	(pc) =	sbr.rel @p0 .LBB2_42-.Ltmp31, $3  }
0x188: {  	_ =	sdelay $0x1  }
0x189: {  	s0 =	simm.s32 $0x6  }
0x18a: {  	s3 =	simm.s32 $0x0;
	[sflag:s0] =	ssyncpa.u1 $0x1  }
0x18b: {  	s0 =	simm.s32 $0xA118  }
0x18c: {  	v0 =	vld.msk [tilespmem:s0+$0x0], $0x1;
	_ =	sdelay $0x4  }
0x18d: {  	(v2sf) =	vpush v0, $0x0;
	_ =	sdelay $0xe  }
0x18e: {  	s2 =	sadd.s32 $0xFFFFFFFF, s2;
	s0 =	spop (v2sf)  }
0x18f: {  	p1 =	sne.s32 s2, $0x0;
	p0 =	sgt.u32 s0, $0x9C78  }
.Ltmp32:
0x190: {  	s5 =	sand.u32 @!p0 $0xFFF8, s0;
	(pc) =	sbr.rel @!p1 .LBB2_41-.Ltmp32, $4  }
0x191: {  	s4 =	simm.s32 $0xA138;
	s0 =	sand.u32 @!p0 $0x7, s0;
	s5 =	sadd.s32 @!p0 s1, s5  }
0x192: {  	[hbm4b:s5+s0] =	stream.linear.scatter @!p0 [tilespmem:s4], [sflag:$0x5], $0x40, $0x38;
	[tilespmem:$0x1EF78] =	vst v63  }
0x193: {  	s0 =	simm.s32 $0x0  }
0x194: {  	s5 =	simm.s32 $0xA119;
	s0 =	simm.s32 @!p0 $0x100  }
.LBB2_40:
0x195: {  	v0 =	vld.msk [tilespmem:s5+$0x0], $0x1;
	s2 =	sadd.s32 $0xFFFFFFFF, s2;
	s3 =	sadd.s32 s3, s0  }
0x196: {  	p0 =	sne.s32 s2, $0x0;
	_ =	sdelay $0x3  }
0x197: {  	(v2sf) =	vpush v0, $0x0;
	_ =	sdelay $0xe  }
.Ltmp33:
0x198: {  	s6 =	spop (v2sf);
	(pc) =	sbr.rel @p0 .LBB2_40-.Ltmp33, $4  }
0x199: {  	s0 =	simm.s32 $0x0;
	p1 =	sgt.u32 s6, $0x9C78  }
0x19a: {  	s4 =	sadd.s32 $0x40, s4;
	s0 =	simm.s32 @!p1 $0x100;
	s7 =	sand.u32 @!p1 $0xFFF8, s6  }
0x19b: {  	s5 =	sadd.s32 $0x1, s5;
	s6 =	sand.u32 @!p1 $0x7, s6;
	s7 =	sadd.s32 @!p1 s1, s7  }
0x19c: {  	[hbm4b:s7+s6] =	stream.linear.scatter @!p1 [tilespmem:s4], [sflag:$0x5], $0x40, $0x38;
	[tilespmem:$0x1EF78] =	vst v63  }
.LBB2_41:
0x19d: {  	s0 =	sadd.s32 s3, s0  }
0x19e: {  	s3 =	sshrl.u32 s0, $0x2  }
.LBB2_42:
0x19f: {  	s0 =	simm.s32 $0x5  }
0x1a0: {  	_ =	swait.ge [sflag:s0], s3  }
0x1a1: {  	s1 =	ssub.s32 $0x0, s3;
	[sflag:s0] =	ssyncset.done $0x0  }
0x1a2: {  	[sflag:s0] =	ssyncadd.s32 s1  }
0x1a3: {  	[sflag:s0] =	ssyncpa.u1 $0x1  }
0x1a4: {  	s30 =	simm.s32 $0x1;
	_ =	sfence  }
0x1a5: {  	[sflag:s30] =	ssyncpa.u1 $0x1  }
0x1a6: {  	_ =	strace $0x90000059  }
0x1a7: {  	[bflag:$0x2] =	sbarrier.arrive $0xFFFF  }
0x1a8: {  	s31 =	rddreg [dreg:$0x1]  }
0x1a9: {  	s0 =	sadd.s32 $0x100000, s31  }
0x1aa: {  	[sflag:s0] =	ssyncadd.tile.s32 $0x1;
	_ =	shalt  }
.Lfunc_end2:
_tile_overlayer_lowered:
.L_overlay_start_2:
0x1ab: {  	(tag) =	ssettag $0x2  }
0x1ac: {  	s0 =	rddreg [dreg:$0x0];
	s2 =	stileid.u32  }
0x1ad: {  	s1 =	rddreg [dreg:$0x1];
	p0 =	sne.s32 s2, $0x0  }
0x1ae: {  	s3 =	rddreg [dreg:$0x2];
	[bflag:$0x3] =	sbarrier.arrive $0xFFFF;
	s2 =	simm.s32 @!p0 $0x1C01  }
0x1af: {  	[timem:s3], [sflag:s2] =	dma.local @!p0 [hbm:s0], s1  }
0x1b0: {  	s0 =	simm.s32 @!p0 $0x1  }
0x1b1: {  	_ =	swait.ge @!p0 [sflag:s0], s1  }
0x1b2: {  	s1 =	ssub.s32 @!p0 $0x0, s1;
	[sflag:s0] =	ssyncset.done @!p0 $0x0  }
0x1b3: {  	[sflag:s0] =	ssyncadd.s32 @!p0 s1  }
0x1b4: {  	[bflag:$0x3] =	sbarrier.arrive $0xFFFF  }
0x1b5: {  	_ =	shalt  }

// kernel: scatter_offload_async_start.7
scs
__scs_entry_jumppad:
0x0: {  	(pc) =	sbr.rel $0x88, $3  }
0x1: {  	(tag) =	ssettag $0x0;
	lr =	simm.s32 $0x1  }
0x2: {  	[smem:$0x3F7E] =	sst lr;
	_ =	strace $0xD0000000  }
0x3: {  	_ = 	snop  }
0x4: {  	_ = 	snop  }
0x5: {  	_ = 	snop  }
0x6: {  	_ = 	snop  }
0x7: {  	_ = 	snop  }
__scs_overlays_trampoline_lowered:
0x8: {  	[smem:$0x3F8D] =	sst s0  }
0x9: {  	[smem:$0x3F8E] =	sst s1  }
0xa: {  	[smem:$0x3F8F] =	sst s2  }
0xb: {  	[smem:$0x3F90] =	sst s3  }
0xc: {  	[smem:$0x3F91] =	sst s4  }
0xd: {  	[smem:$0x3F92] =	sst s5  }
0xe: {  	[smem:$0x3F93] =	sst s6  }
0xf: {  	[smem:$0x3F94] =	sst s7  }
0x10: {  	[smem:$0x3F95] =	sst s8  }
0x11: {  	[smem:$0x3F96] =	sst s9;
	s0 =	simm.s32 @!p0 $0x0  }
0x12: {  	s1 =	sld [smem:$0x3F7C];
	s0 =	simm.s32 @p0 $0x1  }
0x13: {  	[smem:$0x3F97] =	sst s0;
	s0 =	simm.s32 @!p1 $0x0  }
0x14: {  	s2 =	sld [smem:$0x3F7B];
	s0 =	simm.s32 @p1 $0x1  }
0x15: {  	[smem:$0x3F98] =	sst s0;
	s0 =	simm.s32 @!p2 $0x0  }
0x16: {  	s3 =	sld [smem:$0x3FDB];
	s0 =	simm.s32 @p2 $0x1  }
0x17: {  	s4 =	simm.s32 $0x1BF5;
	[smem:$0x3F9A] =	sst s0  }
0x18: {  	s0 =	sld [smem:$0x3F7D];
	_ =	swait.ge [sflag:s4], $0x0  }
0x19: {  	s7 =	sld [smem:$0x3F7E]  }
0x1a: {  	s8 =	sadd.s32 $0xFFFFE003, lr  }
0x1b: {  	s9 =	sadd.s32 $0xFFFFFEF7, lr;
	s5 =	simm.s32 $0xFFFFFFFF;
	p2 =	slt.u32 s8, $0xFFFFF086  }
0x1c: {  	p1 =	slt.u32 s9, $0xF7A;
	s5 =	simm.s32 @!p2 $0x0  }
0x1d: {  	s5 =	simm.s32 @p1 $0x1;
	p0 =	seq.s32 s7, s2  }
0x1e: {  	s7 =	smul.u32 @!p0 $0xF7A, s2;
	p2 =	seq.s32 @!p0 s5, $0x0  }
0x1f: {  	s9 =	smul.u32 $0xF7A, s1;
	s8 =	simm.s32 @!p0 $0x1BF5;
	p2 =	por !p2, p0  }
0x20: {  	[sflag:s8] =	ssyncset.s32 @!p0 $0xFFFFF086;
	s6 =	sadd.s32 @!p0 s3, s7;
	s7 =	simm.s32 @!p0 $0x108  }
0x21: {  	s3 =	sadd.s32 s3, s9;
	s6 =	sadd.s32 @!p0 $0x88, s6;
	s7 =	simm.s32 @p2 $0x1082  }
0x22: {  	[simem:s7], [sflag:s8] =	dma.local @!p0 [hbm:s6], $0xF7A  }
0x23: {  	s9 =	sor.u32 $0xD0000000, s2;
	s6 =	simm.s32 $0x108;
	_ =	swait.ge @!p0 [sflag:s8], $0x0  }
0x24: {  	s3 =	sadd.s32 $0x88, s3;
	s6 =	simm.s32 @!p1 $0x1082;
	[sflag:s4] =	ssyncset.s32 $0xFFFFF086  }
0x25: {  	[simem:s6], [sflag:s4] =	dma.local [hbm:s3], $0xF7A  }
0x26: {  	[smem:$0x3F7E] =	sst s1;
	(tag) =	ssettag s2;
	_ =	strace s9  }
0x27: {  	s1 =	sld [smem:$0x3F8E]  }
0x28: {  	s2 =	sld [smem:$0x3F8F]  }
0x29: {  	s4 =	sld [smem:$0x3F91]  }
0x2a: {  	p0 =	seq.s32 s5, $0x0;
	s5 =	sld [smem:$0x3F92]  }
0x2b: {  	s6 =	sld [smem:$0x3F93]  }
0x2c: {  	s7 =	sld [smem:$0x3F94]  }
0x2d: {  	s3 =	simm.s32 $0x108;
	s8 =	sld [smem:$0x3F95]  }
0x2e: {  	s3 =	simm.s32 @!p0 $0x1082;
	s9 =	sld [smem:$0x3F96]  }
0x2f: {  	lr =	sadd.s32 s0, s3;
	s0 =	sld [smem:$0x3F8D]  }
0x30: {  	s3 =	sld [smem:$0x3F90]  }
0x31: {  	[smem:$0x3F99] =	sst s10  }
0x32: {  	s10 =	sld [smem:$0x3F97];
	_ =	sdelay $0x3  }
0x33: {  	p0 =	seq.s32 s10, $0x1;
	s10 =	sld [smem:$0x3F99];
	_ =	sdelay $0x3  }
0x34: {  	[smem:$0x3F99] =	sst s10  }
0x35: {  	s10 =	sld [smem:$0x3F98];
	_ =	sdelay $0x3  }
0x36: {  	p1 =	seq.s32 s10, $0x1;
	s10 =	sld [smem:$0x3F99];
	_ =	sdelay $0x3  }
0x37: {  	[smem:$0x3F99] =	sst s10  }
0x38: {  	s10 =	sld [smem:$0x3F9A]  }
0x39: {  	_ = 	snop;
	(pc) =	sbr.ind lr, $3  }
0x3a: {  	_ = 	snop  }
0x3b: {  	_ = 	snop  }
0x3c: {  	p2 =	seq.s32 s10, $0x1;
	s10 =	sld [smem:$0x3F99]  }
0x3d: {  	_ =	shalt  }
0x3e: {  	_ =	shalt  }
0x3f: {  	_ =	shalt  }
0x40: {  	_ =	shalt  }
0x41: {  	_ =	shalt  }
0x42: {  	_ =	shalt  }
0x43: {  	_ =	shalt  }
0x44: {  	_ =	shalt  }
0x45: {  	_ =	shalt  }
0x46: {  	_ =	shalt  }
0x47: {  	_ =	shalt  }
0x48: {  	_ =	shalt  }
0x49: {  	_ =	shalt  }
0x4a: {  	_ =	shalt  }
0x4b: {  	_ =	shalt  }
0x4c: {  	_ =	shalt  }
0x4d: {  	_ =	shalt  }
0x4e: {  	_ =	shalt  }
0x4f: {  	_ =	shalt  }
0x50: {  	_ =	shalt  }
0x51: {  	_ =	shalt  }
0x52: {  	_ =	shalt  }
0x53: {  	_ =	shalt  }
0x54: {  	_ =	shalt  }
0x55: {  	_ =	shalt  }
0x56: {  	_ =	shalt  }
0x57: {  	_ =	shalt  }
0x58: {  	_ =	shalt  }
0x59: {  	_ =	shalt  }
0x5a: {  	_ =	shalt  }
0x5b: {  	_ =	shalt  }
0x5c: {  	_ =	shalt  }
0x5d: {  	_ =	shalt  }
0x5e: {  	_ =	shalt  }
0x5f: {  	_ =	shalt  }
0x60: {  	_ =	shalt  }
0x61: {  	_ =	shalt  }
0x62: {  	_ =	shalt  }
0x63: {  	_ =	shalt  }
0x64: {  	_ =	shalt  }
0x65: {  	_ =	shalt  }
0x66: {  	_ =	shalt  }
0x67: {  	_ =	shalt  }
0x68: {  	_ =	shalt  }
0x69: {  	_ =	shalt  }
0x6a: {  	_ =	shalt  }
0x6b: {  	_ =	shalt  }
0x6c: {  	_ =	shalt  }
0x6d: {  	_ =	shalt  }
0x6e: {  	_ =	shalt  }
0x6f: {  	_ =	shalt  }
0x70: {  	_ =	shalt  }
0x71: {  	_ =	shalt  }
0x72: {  	_ =	shalt  }
0x73: {  	_ =	shalt  }
0x74: {  	_ =	shalt  }
0x75: {  	_ =	shalt  }
0x76: {  	_ =	shalt  }
0x77: {  	_ =	shalt  }
0x78: {  	_ =	shalt  }
0x79: {  	_ =	shalt  }
0x7a: {  	_ =	shalt  }
0x7b: {  	_ =	shalt  }
0x7c: {  	_ =	shalt  }
0x7d: {  	_ =	shalt  }
0x7e: {  	_ =	shalt  }
0x7f: {  	_ =	shalt  }
0x80: {  	_ =	shalt  }
0x81: {  	_ =	shalt  }
0x82: {  	_ =	shalt  }
0x83: {  	_ =	shalt  }
0x84: {  	_ =	shalt  }
0x85: {  	_ =	shalt  }
0x86: {  	_ =	shalt  }
0x87: {  	_ =	shalt  }
.Lfunc_end0:
.L_simem_size_0:
called_computation.7_lowered:
.L_overlay_start_0:
0x88: {  	s0 =	sld [smem:$0x3FD9]  }
0x89: {  	s1 =	sld [smem:$0x3FFE];
	_ =	sdelay $0x3  }
0x8a: {  	s0 =	sadd.s32 s1, s0  }
0x8b: {  	[smem:$0x3FA5] =	sst s0  }
0x8c: {  	_ = 	snop  }
0x8d: {  	(tm) =	ssettm $0x1  }
0x8e: {  	s15 =	sld [smem:$0x3FFB];
	_ =	sdelay $0x3  }
0x8f: {  	_ =	strace s15  }
0x90: {  	s0 =	sld [smem:$0x3FFC];
	_ =	sdelay $0x3  }
0x91: {  	_ =	strace s0  }
0x92: {  	s0 =	sld [smem:$0x3FFD];
	_ =	sdelay $0x3  }
0x93: {  	_ =	strace s0  }
0x94: {  	_ =	strace $0x8FFFFFFF  }
0x95: {  	s16 =	sld [smem:$0x3FDB];
	_ =	sdelay $0x1  }
0x96: {  	s17 =	simm.s32 $_scs_section_size  }
0x97: {  	s2 =	simm.s32 $_size__tile_overlayer_lowered;
	s3 =	simm.s32 $_tile_overlayer_lowered  }
0x98: {  	s20 =	simm.s32 $0x1BFF;
	s19 =	sshll.u32 s3, $0x1;
	s0 =	sadd.s32 s17, s16  }
0x99: {  	s4 =	simm.s32 $0x0;
	s18 =	sshll.u32 s2, $0x1;
	s2 =	sadd.s32 s19, s0  }
0x9a: {  	[timem:s4], [sflag:s20] =	dma.local [hbm:s2], s18  }
0x9b: {  	_ =	swait.ge [sflag:s20], s18  }
0x9c: {  	s1 =	ssub.s32 $0x0, s18;
	[sflag:s20] =	ssyncset.done $0x0  }
0x9d: {  	[sflag:s20] =	ssyncadd.s32 s1;
	_ =	sdelay $0x1  }
0x9e: {  	s21 =	simm.s32 $0x1B8B  }
0x9f: {  	_ =	swait.ge [sflag:s21], $0x1  }
0xa0: {  	[sflag:s21] =	ssyncset.done $0x0  }
0xa1: {  	s23 =	simm.s32 $0x1B8E;
	s22 =	sld [smem:$0x3FFE];
	[sflag:s21] =	ssyncadd.s32 $0xFFFFFFFF  }
0xa2: {  	s24 =	simm.s32 $execute0_lowered;
	[smem:$0x3FD2] =	sst s23  }
0xa3: {  	s2 =	sshll.u32 s24, $0x1;
	_ =	strace $0x8000005B;
	[dreg:$0x1] =	wrdreg $0xFFFFFFFF  }
0xa4: {  	s25 =	simm.s32 $_size_execute0_lowered;
	s0 =	sadd.s32 s0, s2;
	[dreg:$0x0] =	wrdreg $0x0  }
0xa5: {  	s2 =	sshll.u32 s25, $0x1;
	[dreg:$0x2] =	wrdreg s0  }
0xa6: {  	[dreg:$0x3] =	wrdreg s2  }
0xa7: {  	[dreg:$0x4] =	wrdreg $0xC0  }
0xa8: {  	_ =	task [dreg:s4], $0x5FFFF  }
0xa9: {  	[dreg:$0x1] =	wrdreg $0xFFFFFFFF  }
0xaa: {  	[dreg:$0x0] =	wrdreg $0x60  }
0xab: {  	[dreg:$0x2] =	wrdreg s22  }
0xac: {  	[dreg:$0x3] =	wrdreg $0x9  }
0xad: {  	_ =	task.clear_ibuf [dreg:s4], $0x4FFFF;
	_ =	strace $0x9000005B  }
0xae: {  	s26 =	simm.s32 $0x9;
	_ =	strace $0x8000005D  }
0xaf: {  	_ =	swait.ge [sflag:s26], $0x1  }
0xb0: {  	[sflag:s26] =	ssyncadd.s32 $0xFFFFFFFF  }
0xb1: {  	_ =	strace $0x9000005D  }
0xb2: {  	_ =	sfence  }
0xb3: {  	s28 =	sld [smem:$0x0];
	_ =	sdelay $0x1  }
0xb4: {  	s29 =	srdreg.scid  }
0xb5: {  	s30 =	sshll.u32 s29, $0xD;
	s31 =	sshrl.u32 s29, $0x2  }
0xb6: {  	s1 =	sand.u32 $0x1, s29;
	s2 =	sand.u32 $0x4000, s30;
	s0 =	sadd.s32 s31, s28  }
0xb7: {  	s1 =	sor.u32 s2, s1;
	s0 =	sshll.u32 s0, $0x11  }
0xb8: {  	s0 =	sor.u32 s0, s1  }
0xb9: {  	s0 =	sadd.s32 $0x8F2B, s0  }
0xba: {  	[sflag:s0] =	ssyncadd.remote.s32 $0x1  }
0xbb: {  	_ =	sfence.sel $0xFFFF  }
0xbc: {  	[dreg:$0x0] =	wrdreg $0xFFFFFFFF;
	(pc) =	sbr.abs _section_cstart, $3  }
0xbd: {  	[dreg:$0x1] =	wrdreg $0xFFFFFFFF  }
0xbe: {  	_ =	task.clear_ibuf [dreg:s4], $0x2FFFF;
	_ =	strace $0x9FFFFFFF  }
0xbf: {  	(tm) =	ssettm $0x7FFFFFFF  }
tec
execute0_lowered:
.L_overlay_start_1:
0x0: {  	(tag) =	ssettag $0x1  }
0x1: {  	s0 =	rddreg [dreg:$0x0];
	_ =	strace $0x8000005C;
	s1 =	simm.s32 $0x1  }
0x2: {  	s8 =	simm.s32 $0x88;
	v0 =	vimm.s32 $0x0;
	[sflag:s1] =	ssyncpa.u1 $0x0  }
0x3: {  	[tilespmem:s8+$0x30] =	vst v0  }
0x4: {  	s1 =	sadd.s32 $0x5D000, s0;
	s3 =	sadd.s32 $0x53000, s0;
	[tilespmem:s8+$0x20] =	vst v0  }
0x5: {  	s4 =	sadd.s32 $0x71000, s0;
	s5 =	sadd.s32 $0x570A00, s0;
	s0 =	simm.s32 $0x40;
	[tilespmem:s8+$0x10] =	vst v0  }
.LBB2_1:
0x6: {  	s0 =	sadd.s32 $0x40, s0  }
0x7: {  	[tilespmem:s8+$0x0] =	vst v0;
	s8 =	sadd.s32 $0x40, s8;
	p0 =	slt.u32 s0, $0x5040  }
.Ltmp0:
0x8: {  	(pc) =	sbr.rel @p0 .LBB2_1-.Ltmp0, $4  }
0x9: {  	_ = 	snop  }
0xa: {  	[tilespmem:s8+$0x30] =	vst v0  }
0xb: {  	[tilespmem:s8+$0x20] =	vst v0  }
0xc: {  	[tilespmem:s8+$0x10] =	vst v0  }
0xd: {  	s9 =	stileid.u32  }
0xe: {  	s0 =	smul.u32 $0x3F, s9  }
0xf: {  	s2 =	smin.u32 s9, $0x8  }
0x10: {  	s0 =	sadd.s32 s2, s0  }
0x11: {  	p0 =	slt.u32 s9, $0x8;
	s6 =	smul.u32 $0x140, s0;
	s0 =	simm.s32 $0x5000  }
0x12: {  	s0 =	simm.s32 @!p0 $0x4EC0  }
0x13: {  	s0 =	sadd.s32 s0, s6  }
0x14: {  	s7 =	smin.u32 s0, $0x4F588  }
0x15: {  	s0 =	ssub.s32 s7, s6  }
0x16: {  	p0 =	sgt.s32 s0, $0x0  }
0x17: {  	s0 =	simm.s32 @!p0 $0x0  }
0x18: {  	s29 =	simm.s32 $0x2;
	s10 =	simm.s32 $0x7;
	s28 =	smulhi.u32 $0x66666667, s0  }
0x19: {  	s31 =	simm.s32 $0x8;
	s11 =	simm.s32 $0x1;
	s15 =	simm.s32 $0x0  }
0x1a: {  	p1 =	por $0x0, $0x0;
	s16 =	simm.s32 $0xA;
	s2 =	sshrl.u32 s28, $0x7  }
0x1b: {  	s20 =	simm.s32 $0x0;
	s17 =	simm.s32 $0x0;
	s30 =	smul.u32 $0x140, s2  }
.Ltmp1:
0x1c: {  	[tilespmem:s8+$0x0] =	vst v0;
	v0 =	vimm.s32 $0xFFFFFFFF;
	s19 =	simm.s32 $0x0;
	[sflag:s29] =	ssyncpa.u1 $0x0;
	(pc) =	sbr.rel .LBB2_3-.Ltmp1, $4  }
0x1d: {  	[tilespmem:$0xA108] =	vst v0;
	[sflag:s10] =	ssyncpa.u1 $0x0;
	p0 =	sne.s32 s0, s30;
	s0 =	simm.s32 $0x1  }
0x1e: {  	s10 =	simm.s32 $0x9;
	[sflag:s31] =	ssyncpa.u1 $0x0;
	s0 =	simm.s32 @!p0 $0x0  }
0x1f: {  	s13 =	sshll.u32 s9, $0x7;
	[sflag:s10] =	ssyncpa.u1 $0x0;
	s12 =	sadd.s32 s0, s2  }
0x20: {  	v0 =	vlaneseq.u32;
	s18 =	smov.u32 s6;
	p0 =	por $0x1, $0x1;
	s14 =	sadd.s32 $0x1, s12  }
.LBB2_24:
0x21: {  	s0 =	sshrl.u32 s29, $0x2  }
.LBB2_26:
0x22: {  	_ =	swait.ge [sflag:s16], s0  }
0x23: {  	s31 =	ssub.s32 $0x0, s0;
	v1 =	vmov s22;
	vm0 =	veq.s32 v0, $0x0;
	[sflag:s16] =	ssyncset.done $0x0  }
0x24: {  	vm15 =	veq.s32 v0, $0x2;
	v1 =	vsel vm0, s28, v1;
	[sflag:s16] =	ssyncadd.s32 s31  }
0x25: {  	v1 =	vsel vm15, s20, v1;
	[sflag:s16] =	ssyncpa.u1 $0x1  }
0x26: {  	[tilespmem:$0xA108] =	vst v1  }
.LBB2_27:
0x27: {  	s0 =	sadd.s32 $0x140, s18  }
0x28: {  	s2 =	smov.u32 s6;
	p2 =	slt.s32 s0, s7  }
0x29: {  	s2 =	smov.u32 @p2 s0;
	p2 =	sne.s32 s19, s14  }
.Ltmp2:
0x2a: {  	_ = 	snop;
	(pc) =	sbr.rel @!p2 .LBB2_28-.Ltmp2, $4  }
0x2b: {  	_ = 	snop  }
0x2c: {  	s20 =	smov.u32 s17  }
0x2d: {  	s31 =	sadd.s32 $0x1, s19;
	s17 =	smov.u32 s18;
	p0 =	por !p0, !p0  }
0x2e: {  	p1 =	por !p1, !p1;
	s19 =	smov.u32 s31;
	s18 =	smov.u32 s2  }
.LBB2_3:
0x2f: {  	p2 =	sge.u32 s19, s12  }
0x30: {  	s0 =	smulhi.u32 @!p2 $0xAAAAAAAB, s19  }
0x31: {  	s2 =	smov.u32 s18;
	p3 =	sgt.s32 @!p2 s18, $0x4F448  }
0x32: {  	s8 =	sshra.s32 @!p2 s18, $0x1F;
	p3 =	por !p3, p2;
	s0 =	sshrl.u32 @!p2 s0, $0x1  }
0x33: {  	s8 =	sand.u32 @!p2 s8, s18;
	s2 =	simm.s32 @p3 $0x4F448;
	s0 =	smul.u32 @!p2 $0x3, s0  }
0x34: {  	s2 =	ssub.s32 @!p2 s2, s8  }
0x35: {  	s22 =	sadd.s32 $0xFFFFFFFF, s19;
	s2 =	sadd.s32 @!p2 $0xFFFB0BB8, s2;
	s0 =	ssub.s32 @!p2 s19, s0  }
0x36: {  	s8 =	sshll.u32 @!p2 s2, $0x2;
	p3 =	sgt.s32 @!p2 s2, $0x13F;
	s0 =	smul.u32 @!p2 $0x500, s0  }
0x37: {  	s21 =	sand.u32 @!p2 $0x7, s18;
	s2 =	ssub.s32 @!p2 $0x500, s8;
	p3 =	por !p3, p2  }
0x38: {  	s8 =	sshrl.u32 @!p2 s18, $0x3;
	s2 =	sshrl.u32 @!p2 s2, $0x2;
	s0 =	sshrl.u32 @!p2 s0, $0x2  }
0x39: {  	s8 =	sadd.s32 @!p2 s5, s8;
	s2 =	simm.s32 @!p3 $0x0;
	s0 =	sadd.s32 @!p2 $0xA938, s0  }
0x3a: {  	[tilespmem:s0], [sflag:$0x8] =	stream.linear.gather @!p2 [hbm4b:s8+s21], s2, $0x38;
	[tilespmem:$0x1EF78] =	vst v63  }
0x3b: {  	p2 =	sge.u32 s22, s12  }
0x3c: {  	p3 =	sgt.s32 @!p2 s17, $0x4F448  }
0x3d: {  	s0 =	smov.u32 s17;
	s2 =	sshra.s32 @!p2 s17, $0x1F;
	p3 =	por !p3, p2  }
0x3e: {  	s2 =	sand.u32 @!p2 s2, s17;
	s0 =	simm.s32 @p3 $0x4F448  }
0x3f: {  	s0 =	ssub.s32 @!p2 s0, s2  }
0x40: {  	s0 =	sadd.s32 @!p2 $0xFFFB0BB8, s0  }
0x41: {  	s2 =	sshll.u32 @!p2 s0, $0x2  }
0x42: {  	p3 =	sgt.s32 @!p2 s0, $0x13F;
	s0 =	ssub.s32 @!p2 $0x500, s2  }
0x43: {  	p3 =	por !p3, p2;
	s0 =	sshrl.u32 @!p2 s0, $0x2  }
0x44: {  	s8 =	simm.s32 @!p2 $0x8;
	s2 =	sand.u32 @!p2 $0x1, s22;
	s0 =	simm.s32 @!p3 $0x0  }
0x45: {  	s2 =	smul.u32 @!p2 $0x500, s2;
	_ =	swait.ge @!p2 [sflag:s8], s0  }
0x46: {  	s21 =	ssub.s32 @!p2 $0x0, s0;
	[sflag:s8] =	ssyncset.done @!p2 $0x0  }
0x47: {  	s2 =	sshrl.u32 @!p2 s2, $0x2;
	[sflag:s8] =	ssyncadd.s32 @!p2 s21;
	s8 =	sshrl.u32 @!p2 s17, $0x3  }
0x48: {  	s2 =	sadd.s32 @!p2 $0xACF8, s2;
	s21 =	sand.u32 @!p2 $0x7, s17;
	s8 =	sadd.s32 @!p2 s3, s8  }
0x49: {  	[tilespmem:s2], [sflag:$0x9] =	stream.linear.gather @!p2 [hbm4b:s8+s21], s0, $0x38;
	[tilespmem:$0x1EF78] =	vst v63  }
0x4a: {  	s21 =	ssub.s32 @!p2 $0x4F588, s17  }
0x4b: {  	p3 =	slt.s32 @!p2 s21, $0x1  }
0x4c: {  	p3 =	por p2, p3  }
.Ltmp3:
0x4d: {  	_ = 	snop;
	(pc) =	sbr.rel @p3 .LBB2_9-.Ltmp3, $1  }
0x4e: {  	_ =	sdelay $0x3  }
0x4f: {  	s0 =	smulhi.u32 $0xAAAAAAAB, s22;
	_ =	sdelay $0x1  }
0x50: {  	s0 =	sshrl.u32 s0, $0x1  }
0x51: {  	s0 =	smul.u32 $0x3, s0;
	_ =	sdelay $0x1  }
0x52: {  	s0 =	ssub.s32 s22, s0  }
0x53: {  	s2 =	simm.s32 $0x1;
	s0 =	smul.u32 $0x500, s0  }
.Ltmp4:
0x54: {  	s2 =	simm.s32 @!p0 $0x0;
	(pc) =	sbr.rel .LBB2_6-.Ltmp4, $4  }
0x55: {  	s2 =	smul.u32 $0x28000, s2  }
0x56: {  	p3 =	slt.s32 @!p2 s21, $0x140;
	s0 =	sshrl.u32 s0, $0x2  }
0x57: {  	p2 =	por !p3, p2;
	s2 =	sshrl.u32 s2, $0x2;
	s0 =	sadd.s32 $0xA938, s0  }
0x58: {  	s23 =	simm.s32 $0x0;
	s21 =	simm.s32 @p2 $0x140;
	s22 =	sadd.s32 $0xAF78, s2;
	v1 =	vmov s0  }
.LBB2_5:
0x59: {  	p2 =	sge.s32 s23, s21  }
.Ltmp5:
0x5a: {  	_ = 	snop;
	(pc) =	sbr.rel @p2 .LBB2_9-.Ltmp5, $2  }
0x5b: {  	_ =	sdelay $0x2  }
0x5c: {  	s22 =	sadd.s32 $0x800, s22  }
.LBB2_6:
0x5d: {  	p2 =	sle.s32 s21, s23  }
.Ltmp6:
0x5e: {  	_ = 	snop;
	(pc) =	sbr.rel @p2 .LBB2_5-.Ltmp6, $2  }
0x5f: {  	_ =	sdelay $0x2  }
0x60: {  	s24 =	smov.u32 s23;
	s23 =	sadd.s32 $0x10, s23  }
0x61: {  	s0 =	ssub.s32 s21, s24  }
0x62: {  	p2 =	slt.s32 s0, $0x10  }
0x63: {  	s0 =	simm.s32 @!p2 $0x10  }
0x64: {  	v2 =	vmov s0  }
0x65: {  	vm0 =	vgt.s32 v2, v0;
	_ =	sdelay $0x5  }
0x66: {  	v2 =	vld.idx.msk [tilespmem:v1+s24+$0x0 ss:$0x1], vm0;
	_ =	sdelay $0x2  }
0x67: {  	p2 =	slt.s32 s23, s21;
	s0 =	smov.u32 s21  }
0x68: {  	s2 =	smov.u32 s22;
	s25 =	simm.s32 $0x0;
	s0 =	smov.u32 @p2 s23  }
.LBB2_8:
0x69: {  	(v2sf) =	vpush v2, s25;
	_ =	sdelay $0xc  }
0x6a: {  	s25 =	sadd.s32 $0x1, s25  }
0x6b: {  	s31 =	sadd.s32 s25, s24  }
0x6c: {  	p2 =	slt.s32 s31, s0;
	s8 =	spop (v2sf)  }
.Ltmp7:
0x6d: {  	s8 =	sshll.u32 s8, $0x4;
	(pc) =	sbr.rel @p2 .LBB2_8-.Ltmp7, $4  }
0x6e: {  	s8 =	sand.u32 $0x1FFFFFF0, s8  }
0x6f: {  	s8 =	sadd.s32 s4, s8  }
0x70: {  	[tilespmem:s2], [sflag:$0x7] =	stream.linear.gather [hbm4b:s8+s15], $0x40, $0x38;
	[tilespmem:$0x1EF78] =	vst v63  }
0x71: {  	s2 =	sadd.s32 $0x80, s2  }
.Ltmp8:
0x72: {  	_ = 	snop;
	(pc) =	sbr.rel .LBB2_5-.Ltmp8, $1  }
0x73: {  	_ =	sdelay $0x3  }
.LBB2_9:
0x74: {  	p2 =	slt.u32 s19, $0x2  }
.Ltmp9:
0x75: {  	_ = 	snop;
	(pc) =	sbr.rel @p2 .LBB2_27-.Ltmp9, $1  }
0x76: {  	_ =	sdelay $0x3  }
0x77: {  	p2 =	sgt.s32 s20, $0x4F448;
	s0 =	smov.u32 s20  }
0x78: {  	s2 =	sshra.s32 s20, $0x1F;
	s8 =	ssub.s32 $0x4F588, s20;
	s0 =	simm.s32 @!p2 $0x4F448  }
0x79: {  	s2 =	sand.u32 s2, s20;
	p2 =	slt.s32 s8, $0x140;
	s21 =	smov.u32 s8  }
0x7a: {  	s0 =	ssub.s32 s0, s2;
	s21 =	simm.s32 @!p2 $0x140  }
0x7b: {  	s0 =	sadd.s32 $0xFFFB0BB8, s0;
	s26 =	sshll.u32 s21, $0x6  }
0x7c: {  	s9 =	simm.s32 $0x7;
	s29 =	sshll.u32 s0, $0x2;
	s2 =	sand.u32 $0x3FFFFFC0, s26  }
0x7d: {  	p2 =	sgt.s32 s0, $0x13F;
	s30 =	ssub.s32 $0x500, s29;
	_ =	swait.ge [sflag:s9], s2  }
0x7e: {  	s2 =	ssub.s32 $0x0, s2;
	[sflag:s9] =	ssyncset.done $0x0;
	s0 =	sshrl.u32 s30, $0x2  }
0x7f: {  	[sflag:s9] =	ssyncadd.s32 s2;
	s0 =	simm.s32 @p2 $0x0  }
0x80: {  	_ =	swait.ge [sflag:s10], s0  }
0x81: {  	s0 =	ssub.s32 $0x0, s0;
	[sflag:s10] =	ssyncset.done $0x0  }
0x82: {  	[sflag:s10] =	ssyncadd.s32 s0  }
0x83: {  	v1 =	vld [tilespmem:$0xA108];
	_ =	sdelay $0x4  }
0x84: {  	(v2sf) =	vpush v1, $0x0  }
0x85: {  	(v2sf) =	vpush v1, $0x1  }
0x86: {  	(v2sf) =	vpush v1, $0x2;
	_ =	sdelay $0x3  }
0x87: {  	s0 =	sadd.s32 $0x140, s20  }
0x88: {  	p2 =	slt.s32 s7, s0  }
0x89: {  	s0 =	smov.u32 @p2 s7;
	p2 =	sgt.s32 s8, $0x0  }
0x8a: {  	s24 =	ssub.s32 s0, s20;
	s8 =	simm.s32 @!p2 $0x0  }
0x8b: {  	p2 =	slt.s32 s8, s24  }
0x8c: {  	s24 =	smov.u32 @p2 s8  }
0x8d: {  	s23 =	simm.s32 $0x1;
	p2 =	slt.s32 s24, $0x1  }
.Ltmp10:
0x8e: {  	s23 =	simm.s32 @!p1 $0x0;
	(pc) =	sbr.rel @p2 .LBB2_14-.Ltmp10, $4  }
0x8f: {  	s31 =	smul.u32 $0x500, s23  }
0x90: {  	s25 =	spop (v2sf)  }
0x91: {  	s0 =	sshrl.u32 s31, $0x2;
	s28 =	spop (v2sf)  }
0x92: {  	s21 =	sadd.s32 $0xACF8, s0;
	s20 =	spop (v2sf)  }
0x93: {  	s0 =	smin.u32 s24, $0x10  }
0x94: {  	v1 =	vmov s0  }
0x95: {  	p3 =	sgt.s32 s24, $0x10;
	vm1 =	vgt.u32 v1, v0  }
.Ltmp11:
0x96: {  	_ = 	snop;
	(pc) =	sbr.rel @!p3 .LBB2_13-.Ltmp11, $2  }
0x97: {  	_ =	sdelay $0x2  }
0x98: {  	s26 =	simm.s32 $0x10;
	s29 =	sadd.s32 $0xFFFFFFF0, s24;
	s22 =	smov.u32 s21;
	vm0 =	vmmov vm1  }
.LBB2_12:
0x99: {  	s0 =	smin.u32 s29, $0x10;
	s26 =	sadd.s32 $0x10, s26;
	v1 =	vld.msk [tilespmem:s22+$0x0 ss:$0x1], vm1  }
0x9a: {  	v2 =	vmov s0;
	p3 =	slt.s32 s26, s24  }
0x9b: {  	vm1 =	vgt.u32 v2, v0  }
.Ltmp12:
0x9c: {  	(pc) =	sbr.rel @p3 .LBB2_12-.Ltmp12, $3  }
0x9d: {  	_ =	sdelay $0x1  }
0x9e: {  	v1 =	vshll.u32 v1, $0x4  }
0x9f: {  	s29 =	sadd.s32 $0xFFFFFFF0, s29;
	[tilespmem:s22+$0x0] =	vst.msk vm0, v1;
	s22 =	sadd.s32 $0x10, s22;
	vm0 =	vmmov vm1  }
.LBB2_13:
0xa0: {  	_ =	sdelay $0x4  }
0xa1: {  	v1 =	vld.msk [tilespmem:s22+$0x0 ss:$0x1], vm1;
	_ =	sdelay $0x4  }
0xa2: {  	v1 =	vshll.u32 v1, $0x4  }
0xa3: {  	[tilespmem:s22+$0x0] =	vst.msk vm0, v1  }
.LBB2_14:
0xa4: {  	s0 =	sand.u32 $0x1, s19  }
0xa5: {  	s0 =	smul.u32 $0x140, s0  }
0xa6: {  	p3 =	sne.s32 s28, $0xFFFFFFFF  }
0xa7: {  	v1 =	vld.msk @!p3 [tilespmem:s0+$0xACF8], $0x1;
	_ =	sdelay $0x4  }
0xa8: {  	(v2sf) =	vpush @!p3 v1, $0x0;
	_ =	sdelay $0xc  }
.Ltmp13:
0xa9: {  	_ = 	snop;
	(pc) =	sbr.rel @p2 .LBB2_25-.Ltmp13, $4  }
0xaa: {  	_ = 	snop  }
0xab: {  	s26 =	spop @!p3 (v2sf)  }
0xac: {  	s20 =	simm.s32 @!p3 $0x0;
	s22 =	smov.u32 s26  }
0xad: {  	[sflag:s16] =	ssyncpa.u1 $0x0;
	s26 =	smov.u32 @p3 s25;
	s22 =	smov.u32 @p3 s28  }
0xae: {  	v1 =	vld.msk [tilespmem:s21+$0x0], $0x1;
	_ =	sdelay $0x4  }
0xaf: {  	(v2sf) =	vpush v1, $0x0;
	_ =	sdelay $0xe  }
0xb0: {  	s0 =	smul.u32 $0x28000, s23;
	s30 =	spop (v2sf)  }
0xb1: {  	s24 =	ssub.s32 $0x0, s24;
	p2 =	seq.s32 s26, s30  }
0xb2: {  	s28 =	sadd.s32 $0x1, s24;
	s0 =	sshrl.u32 s0, $0x2;
	p3 =	sgt.s32 @!p2 s26, $0x0  }
0xb3: {  	s23 =	sadd.s32 $0xAF98, s0;
	s0 =	smov.u32 s26;
	p3 =	por !p3, p2  }
0xb4: {  	s0 =	simm.s32 @p3 $0x0;
	p3 =	seq.s32 s28, $0x0  }
.Ltmp14:
0xb5: {  	_ = 	snop;
	(pc) =	sbr.rel @p3 .LBB2_17-.Ltmp14, $4  }
0xb6: {  	_ = 	snop  }
0xb7: {  	s25 =	simm.s32 $0x0;
	s31 =	simm.s32 @!p2 $0x1;
	s2 =	smin.u32 @!p2 s0, $0x13878  }
0xb8: {  	s29 =	sadd.s32 $0x1, s21;
	s31 =	smov.u32 @p2 s25;
	s8 =	sand.u32 @!p2 $0x1FFF8, s2  }
0xb9: {  	s0 =	simm.s32 @!p2 $0x50C8;
	s2 =	sand.u32 @!p2 $0x7, s2;
	s8 =	sadd.s32 @!p2 s1, s8  }
.LBB2_16:
0xba: {  	s9 =	smov.u32 s31  }
0xbb: {  	[tilespmem:s0], [sflag:$0x2] =	stream.linear.gather @!p2 [hbm4b:s8+s2], $0x40, $0x38;
	[tilespmem:$0x1EF78] =	vst v63  }
0xbc: {  	s28 =	sadd.s32 $0x1, s28;
	s2 =	smov.u32 s30;
	v1 =	vld.msk [tilespmem:s29+$0x0], $0x1  }
0xbd: {  	p3 =	seq.s32 s28, $0x0;
	_ =	sdelay $0x3  }
0xbe: {  	(v2sf) =	vpush v1, $0x0;
	_ =	sdelay $0xe  }
0xbf: {  	s30 =	spop (v2sf)  }
0xc0: {  	p2 =	seq.s32 s2, s30  }
0xc1: {  	p4 =	sgt.s32 @!p2 s2, $0x0;
	s0 =	sshll.u32 @!p2 s31, $0x8;
	s31 =	sadd.s32 @!p2 $0x1, s31  }
.Ltmp15:
0xc2: {  	p4 =	por !p4, p2;
	s0 =	sshra.s32 @!p2 s0, $0x2;
	(pc) =	sbr.rel @!p3 .LBB2_16-.Ltmp15, $4  }
0xc3: {  	s31 =	smov.u32 @p2 s9;
	s2 =	simm.s32 @p4 $0x0;
	s0 =	sadd.s32 @!p2 $0x50C8, s0  }
0xc4: {  	s2 =	smin.u32 @!p2 s2, $0x13878  }
0xc5: {  	s8 =	sand.u32 @!p2 $0x1FFF8, s2;
	s2 =	sand.u32 @!p2 $0x7, s2  }
0xc6: {  	s29 =	sadd.s32 $0x1, s29;
	s8 =	sadd.s32 @!p2 s1, s8  }
.LBB2_17:
0xc7: {  	[tilespmem:s0], [sflag:$0x2] =	stream.linear.gather @!p2 [hbm4b:s8+s2], $0x40, $0x38;
	[tilespmem:$0x1EF78] =	vst v63  }
.Ltmp16:
0xc8: {  	s30 =	sshll.u32 s31, $0x6;
	(pc) =	sbr.rel .LBB2_18-.Ltmp16, $4  }
0xc9: {  	s31 =	simm.s32 $0x2;
	s0 =	sand.u32 $0x3FFFFFC0, s30  }
0xca: {  	_ =	swait.ge [sflag:s31], s0  }
0xcb: {  	s0 =	ssub.s32 $0x0, s0;
	[sflag:s31] =	ssyncset.done $0x0  }
0xcc: {  	s29 =	simm.s32 $0x0;
	[sflag:s31] =	ssyncadd.s32 s0  }
.LBB2_19:
0xcd: {  	v1 =	vld [tilespmem:s23+$0xFFFFFFE0];
	_ =	sdelay $0x4  }
0xce: {  	[tilespmem:s30+$0x88] =	vst.add.f32.msk $0xffff, v1  }
0xcf: {  	v1 =	vld [tilespmem:s23+$0xFFFFFFF0];
	_ =	sdelay $0x4  }
0xd0: {  	[tilespmem:s30+$0x98] =	vst.add.f32.msk $0xffff, v1  }
0xd1: {  	v1 =	vld [tilespmem:s23+$0x0];
	_ =	sdelay $0x4  }
0xd2: {  	[tilespmem:s30+$0xA8] =	vst.add.f32.msk $0xffff, v1  }
0xd3: {  	v1 =	vld [tilespmem:s23+$0x10];
	_ =	sdelay $0x4  }
0xd4: {  	[tilespmem:s30+$0xB8] =	vst.add.f32.msk $0xffff, v1  }
.LBB2_23:
0xd5: {  	s24 =	sadd.s32 $0x1, s24  }
0xd6: {  	p2 =	seq.s32 s24, $0x0  }
.Ltmp17:
0xd7: {  	_ = 	snop;
	(pc) =	sbr.rel @p2 .LBB2_24-.Ltmp17, $2  }
0xd8: {  	_ =	sdelay $0x2  }
0xd9: {  	s23 =	sadd.s32 $0x80, s23;
	s21 =	sadd.s32 $0x1, s21;
	s26 =	smov.u32 s28  }
.LBB2_18:
0xda: {  	v1 =	vld.msk [tilespmem:s21+$0x0], $0x1;
	_ =	sdelay $0x4  }
0xdb: {  	(v2sf) =	vpush v1, $0x0;
	_ =	sdelay $0xe  }
0xdc: {  	s28 =	spop (v2sf)  }
0xdd: {  	p2 =	sne.s32 s26, s28  }
.Ltmp18:
0xde: {  	_ = 	snop;
	(pc) =	sbr.rel @!p2 .LBB2_19-.Ltmp18, $3  }
0xdf: {  	_ =	sdelay $0x1  }
0xe0: {  	s0 =	sshll.u32 s20, $0x8  }
0xe1: {  	s30 =	sshra.s32 s0, $0x2  }
0xe2: {  	p2 =	seq.s32 s26, s22  }
.Ltmp19:
0xe3: {  	_ = 	snop;
	(pc) =	sbr.rel @!p2 .LBB2_21-.Ltmp19, $1  }
0xe4: {  	_ =	sdelay $0x3  }
.Ltmp20:
0xe5: {  	s0 =	sadd.s32 $0x88, s30;
	(pc) =	sbr.rel .LBB2_22-.Ltmp20, $4  }
0xe6: {  	[spmem:s13] =	stream.linear.scatter [tilespmem:s0], [sflag:$0x1], $0x40, $0x38;
	[tilespmem:$0x1EF78] =	vst v63  }
0xe7: {  	_ =	swait.ge [sflag:s11], $0x40  }
0xe8: {  	[sflag:s11] =	ssyncset.done $0x0  }
0xe9: {  	[sflag:s11] =	ssyncadd.s32 $0xFFFFFFC0  }
.LBB2_21:
0xea: {  	s0 =	sshll.u32 s25, $0x8  }
0xeb: {  	s0 =	sshra.s32 s0, $0x2  }
0xec: {  	v1 =	vld [tilespmem:s0+$0x50C8];
	_ =	sdelay $0x4  }
0xed: {  	[tilespmem:s30+$0x88] =	vst.add.f32.msk $0xffff, v1  }
0xee: {  	v1 =	vld [tilespmem:s0+$0x50D8];
	_ =	sdelay $0x4  }
0xef: {  	[tilespmem:s30+$0x98] =	vst.add.f32.msk $0xffff, v1  }
0xf0: {  	v1 =	vld [tilespmem:s0+$0x50E8];
	_ =	sdelay $0x4  }
0xf1: {  	[tilespmem:s30+$0xA8] =	vst.add.f32.msk $0xffff, v1  }
0xf2: {  	v1 =	vld [tilespmem:s0+$0x50F8];
	_ =	sdelay $0x2  }
0xf3: {  	p2 =	sgt.u32 s26, $0x13878  }
0xf4: {  	s0 =	sand.u32 @!p2 $0x1FFF8, s26  }
0xf5: {  	s2 =	sadd.s32 $0x88, s30;
	s8 =	sand.u32 @!p2 $0x7, s26;
	s0 =	sadd.s32 @!p2 s1, s0;
	[tilespmem:s30+$0xB8] =	vst.add.f32.msk $0xffff, v1  }
0xf6: {  	[hbm4b:s0+s8] =	stream.linear.scatter @!p2 [tilespmem:s2], [sflag:$0xA], $0x40, $0x38;
	[tilespmem:$0x1EF78] =	vst v63  }
0xf7: {  	s0 =	simm.s32 $0x0  }
0xf8: {  	s0 =	simm.s32 @!p2 $0x100  }
0xf9: {  	s29 =	sadd.s32 s0, s29  }
.LBB2_22:
0xfa: {  	s0 =	sadd.s32 $0x1, s20  }
0xfb: {  	s2 =	smulhi.u32 $0xCCCCCCCD, s0;
	_ =	sdelay $0x1  }
0xfc: {  	v1 =	vld [tilespmem:s23+$0xFFFFFFE0];
	s2 =	sshrl.u32 s2, $0x8  }
0xfd: {  	s2 =	smul.u32 $0x140, s2;
	_ =	sdelay $0x1  }
0xfe: {  	s20 =	ssub.s32 s0, s2  }
0xff: {  	s0 =	sshll.u32 s20, $0x6  }
0x100: {  	[tilespmem:s0+$0x88] =	vst v1  }
0x101: {  	v1 =	vld [tilespmem:s23+$0xFFFFFFF0];
	_ =	sdelay $0x4  }
0x102: {  	[tilespmem:s0+$0x98] =	vst v1  }
0x103: {  	v1 =	vld [tilespmem:s23+$0x0];
	_ =	sdelay $0x4  }
0x104: {  	[tilespmem:s0+$0xA8] =	vst v1  }
0x105: {  	v1 =	vld [tilespmem:s23+$0x10]  }
.Ltmp21:
0x106: {  	_ = 	snop;
	(pc) =	sbr.rel .LBB2_23-.Ltmp21, $2  }
0x107: {  	_ =	sdelay $0x2  }
0x108: {  	s25 =	sadd.s32 $0x1, s25;
	[tilespmem:s0+$0xB8] =	vst v1  }
.LBB2_25:
.Ltmp22:
0x109: {  	(pc) =	sbr.rel .LBB2_26-.Ltmp22, $4  }
0x10a: {  	_ = 	snop  }
0x10b: {  	s0 =	simm.s32 $0x2  }
0x10c: {  	_ =	swait.ge [sflag:s0], $0x0  }
0x10d: {  	s28 =	smov.u32 s26;
	[sflag:s0] =	ssyncset.done $0x0;
	s0 =	simm.s32 $0x0  }
.LBB2_28:
0x10e: {  	_ =	sfence.sel $0x180000  }
0x10f: {  	s0 =	simm.s32 $0x7;
	[bflag:$0x0] =	sbarrier.arrive $0xFFFF  }
0x110: {  	s25 =	simm.s32 $0x8;
	[sflag:s0] =	ssyncpa.u1 $0x1  }
0x111: {  	s26 =	simm.s32 $0x9;
	[sflag:s25] =	ssyncpa.u1 $0x1  }
0x112: {  	s28 =	simm.s32 $0x2;
	[sflag:s26] =	ssyncpa.u1 $0x1  }
0x113: {  	[sflag:s28] =	ssyncpa.u1 $0x1  }
0x114: {  	v0 =	vld [tilespmem:$0xA108];
	_ =	sdelay $0x4  }
0x115: {  	(v2sf) =	vpush v0, $0x0  }
0x116: {  	(v2sf) =	vpush v0, $0x1;
	_ =	sdelay $0x1  }
0x117: {  	(v2sf) =	vpush v0, $0x2;
	_ =	sdelay $0xb  }
0x118: {  	s0 =	spop (v2sf)  }
0x119: {  	s2 =	spop (v2sf)  }
0x11a: {  	s3 =	smov.u32 s0;
	p0 =	sne.s32 s0, s2  }
0x11b: {  	s4 =	spop (v2sf);
	s3 =	simm.s32 @!p0 $0xFFFFFFFF  }
0x11c: {  	v2 =	vimm.s32 $0x1;
	v3 =	vlaneseq.u32;
	p0 =	seq.s32 s4, $0xFFFFFFFF;
	v1 =	vmov s3  }
0x11d: {  	s7 =	stileid.u32;
	v0 =	vperm.xlane v0, v2;
	p1 =	sne.s32 @!p0 s0, s2;
	v1 =	vperm.xlane v1, v3  }
0x11e: {  	vm0 =	vcmask $0x3F04;
	s6 =	simm.s32 $0xA108;
	s0 =	simm.s32 @!p0 $0x1;
	p1 =	por !p1, p0  }
0x11f: {  	s3 =	sshll.u32 s7, $0x1;
	s2 =	sshll.u32 @!p0 s4, $0x8;
	s0 =	simm.s32 @p1 $0x0;
	v0 =	vsel vm0, v1, v0  }
0x120: {  	s5 =	sor.u32 $0x800, s3;
	s2 =	sshra.s32 @!p0 s2, $0x2;
	s0 =	sor.u32 @!p0 s0, s3;
	[tilespmem:$0xA108] =	vst v0  }
0x121: {  	[spmem:s5] =	stream.linear.scatter [tilespmem:s6], [sflag:$0x1], $0x2, $0x38;
	[tilespmem:$0x1EF78] =	vst v63  }
0x122: {  	s2 =	sadd.s32 @!p0 $0x88, s2;
	s0 =	sshll.u32 @!p0 s0, $0x6  }
0x123: {  	[spmem:s0] =	stream.linear.scatter @!p0 [tilespmem:s2], [sflag:$0x1], $0x40, $0x38;
	[tilespmem:$0x1EF78] =	vst v63  }
0x124: {  	s2 =	simm.s32 @!p0 $0x42  }
0x125: {  	s0 =	simm.s32 $0x1;
	s2 =	simm.s32 @p0 $0x2  }
0x126: {  	_ =	swait.ge [sflag:s0], s2  }
0x127: {  	s2 =	ssub.s32 $0x0, s2;
	[sflag:s0] =	ssyncset.done $0x0  }
0x128: {  	[sflag:s0] =	ssyncadd.s32 s2  }
0x129: {  	_ =	sfence.stream.spmem  }
0x12a: {  	s29 =	simm.s32 $0x3;
	[bflag:$0x0] =	sbarrier.arrive $0xFFFF  }
0x12b: {  	s30 =	simm.s32 $0x4;
	[sflag:s29] =	ssyncpa.u1 $0x1  }
0x12c: {  	s31 =	simm.s32 $0x3C;
	[sflag:s30] =	ssyncpa.u1 $0x1  }
0x12d: {  	p0 =	sne.s32 s7, $0x0;
	[sflag:s31] =	ssyncpa.u1 $0x1  }
0x12e: {  	_ =	sfence @p0  }
0x12f: {  	[sflag:s0] =	ssyncpa.u1 @p0 $0x1  }
0x130: {  	_ =	strace @p0 $0x9000005C  }
0x131: {  	[bflag:$0x2] =	sbarrier.arrive @p0 $0xFFFF  }
0x132: {  	_ =	shalt @p0  }
.LBB2_29:
0x133: {  	_ =	sfence.stream.spmem;
	s0 =	simm.s32 $0x5  }
0x134: {  	s2 =	simm.s32 $0x800;
	s3 =	simm.s32 $0xA118;
	[sflag:s0] =	ssyncpa.u1 $0x0  }
0x135: {  	[tilespmem:s3], [sflag:$0x5] =	stream.linear.gather [spmem:s2], $0x20, $0x38;
	[tilespmem:$0x1EF78] =	vst v63  }
0x136: {  	s30 =	simm.s32 $0xA138;
	s2 =	simm.s32 $0x0  }
0x137: {  	[tilespmem:s30], [sflag:$0x5] =	stream.linear.gather [spmem:s2], $0x800, $0x38;
	[tilespmem:$0x1EF78] =	vst v63  }
.Ltmp23:
0x138: {  	_ = 	snop;
	(pc) =	sbr.rel .LBB2_30-.Ltmp23, $4  }
0x139: {  	_ =	swait.ge [sflag:s0], $0x820  }
0x13a: {  	[sflag:s0] =	ssyncset.done $0x0  }
0x13b: {  	s31 =	simm.s32 $0x6;
	[sflag:s0] =	ssyncadd.s32 $0xFFFFF7E0  }
0x13c: {  	s3 =	simm.s32 $0x0;
	[sflag:s31] =	ssyncpa.u1 $0x0  }
.LBB2_36:
0x13d: {  	p0 =	slt.u32 s4, $0x13879  }
0x13e: {  	s0 =	sand.u32 @p0 $0x1FFF8, s4  }
0x13f: {  	s4 =	sand.u32 @p0 $0x7, s4;
	s5 =	simm.s32 @p0 $0xA0C8;
	s0 =	sadd.s32 @p0 s1, s0  }
0x140: {  	[tilespmem:s5], [sflag:$0x6] =	stream.linear.gather @p0 [hbm4b:s0+s4], $0x40, $0x38;
	[tilespmem:$0x1EF78] =	vst v63  }
0x141: {  	s0 =	simm.s32 @p0 $0x6  }
0x142: {  	_ =	swait.ge @p0 [sflag:s0], $0x40  }
0x143: {  	[sflag:s0] =	ssyncset.done @p0 $0x0  }
0x144: {  	[sflag:s0] =	ssyncadd.s32 @p0 $0xFFFFFFC0  }
0x145: {  	v1 =	vld @p0 [tilespmem:$0xA0C8];
	_ =	sdelay $0x2  }
0x146: {  	s0 =	sshll.u32 @p0 s3, $0x8  }
0x147: {  	s4 =	sshrl.u32 @p0 s0, $0x2  }
0x148: {  	[tilespmem:s4+$0xA138] =	vst.add.f32.msk @p0 $0xffff, v1  }
0x149: {  	v1 =	vld @p0 [tilespmem:$0xA0D8];
	_ =	sdelay $0x4  }
0x14a: {  	[tilespmem:s4+$0xA148] =	vst.add.f32.msk @p0 $0xffff, v1  }
0x14b: {  	v1 =	vld @p0 [tilespmem:$0xA0E8];
	_ =	sdelay $0x4  }
0x14c: {  	[tilespmem:s4+$0xA158] =	vst.add.f32.msk @p0 $0xffff, v1  }
0x14d: {  	v1 =	vld @p0 [tilespmem:$0xA0F8];
	_ =	sdelay $0x3  }
0x14e: {  	s5 =	sshll.u32 @!p0 s3, $0x8  }
0x14f: {  	s5 =	smov.u32 @p0 s0;
	[tilespmem:s4+$0xA168] =	vst.add.f32.msk @p0 $0xffff, v1  }
0x150: {  	s0 =	sshrl.u32 s5, $0x2;
	[tilespmem:s2+$0xA118] =	vst.msk $0x1, v0  }
0x151: {  	v0 =	vld [tilespmem:s0+$0xA138];
	_ =	sdelay $0x2  }
0x152: {  	s31 =	sshll.u32 s2, $0x8  }
0x153: {  	s4 =	sshra.s32 s31, $0x2  }
0x154: {  	[tilespmem:s4+$0xA138] =	vst v0  }
0x155: {  	v0 =	vld [tilespmem:s0+$0xA148];
	_ =	sdelay $0x4  }
0x156: {  	[tilespmem:s4+$0xA148] =	vst v0  }
0x157: {  	v0 =	vld [tilespmem:s0+$0xA158];
	_ =	sdelay $0x4  }
0x158: {  	[tilespmem:s4+$0xA158] =	vst v0  }
0x159: {  	v0 =	vld [tilespmem:s0+$0xA168];
	_ =	sdelay $0x4  }
0x15a: {  	s2 =	sadd.s32 $0x1, s2;
	[tilespmem:s4+$0xA168] =	vst v0  }
.LBB2_37:
0x15b: {  	s3 =	sadd.s32 $0x1, s3  }
0x15c: {  	p0 =	sne.s32 s3, $0x20  }
.Ltmp24:
0x15d: {  	_ = 	snop;
	(pc) =	sbr.rel @!p0 .LBB2_38-.Ltmp24, $1  }
0x15e: {  	_ =	sdelay $0x3  }
.LBB2_30:
0x15f: {  	v0 =	vld.msk [tilespmem:s3+$0xA118], $0x1;
	_ =	sdelay $0x4  }
0x160: {  	(v2sf) =	vpush v0, $0x0;
	_ =	sdelay $0xe  }
0x161: {  	s4 =	spop (v2sf)  }
0x162: {  	p0 =	seq.s32 s4, $0xFFFFFFFF  }
.Ltmp25:
0x163: {  	_ = 	snop;
	(pc) =	sbr.rel @p0 .LBB2_37-.Ltmp25, $1  }
0x164: {  	_ =	sdelay $0x3  }
0x165: {  	p0 =	slt.s32 s2, $0x1  }
.Ltmp26:
0x166: {  	_ = 	snop;
	(pc) =	sbr.rel @p0 .LBB2_36-.Ltmp26, $1  }
0x167: {  	_ =	sdelay $0x3  }
0x168: {  	s5 =	simm.s32 $0xA118;
	p0 =	por $0x0, $0x0  }
0x169: {  	v1 =	vld.msk @!p0 [tilespmem:s5+$0x0], $0x1;
	_ =	sdelay $0x4  }
0x16a: {  	(v2sf) =	vpush @!p0 v1, $0x0;
	_ =	sdelay $0xd  }
0x16b: {  	p2 =	sne.s32 s2, $0x1  }
.Ltmp27:
0x16c: {  	s0 =	spop @!p0 (v2sf);
	(pc) =	sbr.rel @!p2 .LBB2_34-.Ltmp27, $4  }
0x16d: {  	p1 =	seq.s32 @!p0 s4, s0  }
0x16e: {  	s6 =	simm.s32 $0x0;
	p1 =	por !p1, p0  }
0x16f: {  	s0 =	simm.s32 $0xFFFFFFFF;
	s6 =	simm.s32 @p1 $0xFFFFFFFF  }
0x170: {  	s7 =	simm.s32 $0x1;
	s6 =	smov.u32 @p0 s0  }
.LBB2_33:
0x171: {  	s0 =	smov.u32 s6;
	p0 =	sne.s32 s6, $0xFFFFFFFF  }
0x172: {  	s5 =	sadd.s32 $0x1, s5;
	s6 =	smov.u32 s7;
	s7 =	sadd.s32 $0x1, s7  }
0x173: {  	p1 =	sne.s32 s2, s7;
	v1 =	vld.msk @!p0 [tilespmem:s5+$0x0], $0x1;
	_ =	sdelay $0x4  }
0x174: {  	(v2sf) =	vpush @!p0 v1, $0x0;
	_ =	sdelay $0xe  }
.Ltmp28:
0x175: {  	s8 =	spop @!p0 (v2sf);
	(pc) =	sbr.rel @p1 .LBB2_33-.Ltmp28, $4  }
0x176: {  	p2 =	seq.s32 @!p0 s4, s8  }
0x177: {  	p2 =	por !p2, p0  }
0x178: {  	s6 =	simm.s32 @p2 $0xFFFFFFFF  }
0x179: {  	s6 =	smov.u32 @p0 s0  }
.LBB2_34:
0x17a: {  	p0 =	seq.s32 s6, $0xFFFFFFFF  }
.Ltmp29:
0x17b: {  	_ = 	snop;
	(pc) =	sbr.rel @p0 .LBB2_36-.Ltmp29, $1  }
0x17c: {  	_ =	sdelay $0x3  }
0x17d: {  	s0 =	sshll.u32 s3, $0x6  }
0x17e: {  	s0 =	sand.u32 $0x3FFFFFC0, s0  }
0x17f: {  	v0 =	vld [tilespmem:s0+$0xA138];
	_ =	sdelay $0x2  }
0x180: {  	s4 =	sshll.u32 s6, $0x8  }
0x181: {  	s4 =	sshra.s32 s4, $0x2  }
0x182: {  	[tilespmem:s4+$0xA138] =	vst.add.f32.msk $0xffff, v0  }
0x183: {  	v0 =	vld [tilespmem:s0+$0xA148];
	_ =	sdelay $0x4  }
0x184: {  	[tilespmem:s4+$0xA148] =	vst.add.f32.msk $0xffff, v0  }
0x185: {  	v0 =	vld [tilespmem:s0+$0xA158];
	_ =	sdelay $0x4  }
0x186: {  	[tilespmem:s4+$0xA158] =	vst.add.f32.msk $0xffff, v0  }
0x187: {  	v0 =	vld [tilespmem:s0+$0xA168]  }
.Ltmp30:
0x188: {  	_ = 	snop;
	(pc) =	sbr.rel .LBB2_37-.Ltmp30, $2  }
0x189: {  	_ =	sdelay $0x2  }
0x18a: {  	[tilespmem:s4+$0xA168] =	vst.add.f32.msk $0xffff, v0  }
.LBB2_38:
0x18b: {  	p0 =	slt.s32 s2, $0x1  }
.Ltmp31:
0x18c: {  	_ = 	snop;
	(pc) =	sbr.rel @p0 .LBB2_42-.Ltmp31, $3  }
0x18d: {  	_ =	sdelay $0x1  }
0x18e: {  	s0 =	simm.s32 $0x6  }
0x18f: {  	s3 =	simm.s32 $0x0;
	[sflag:s0] =	ssyncpa.u1 $0x1  }
0x190: {  	s0 =	simm.s32 $0xA118  }
0x191: {  	v0 =	vld.msk [tilespmem:s0+$0x0], $0x1;
	_ =	sdelay $0x4  }
0x192: {  	(v2sf) =	vpush v0, $0x0;
	_ =	sdelay $0xe  }
0x193: {  	s2 =	sadd.s32 $0xFFFFFFFF, s2;
	s0 =	spop (v2sf)  }
0x194: {  	p1 =	sne.s32 s2, $0x0;
	p0 =	sgt.u32 s0, $0x13878  }
.Ltmp32:
0x195: {  	s5 =	sand.u32 @!p0 $0x1FFF8, s0;
	(pc) =	sbr.rel @!p1 .LBB2_41-.Ltmp32, $4  }
0x196: {  	s4 =	simm.s32 $0xA138;
	s0 =	sand.u32 @!p0 $0x7, s0;
	s5 =	sadd.s32 @!p0 s1, s5  }
0x197: {  	[hbm4b:s5+s0] =	stream.linear.scatter @!p0 [tilespmem:s4], [sflag:$0x5], $0x40, $0x38;
	[tilespmem:$0x1EF78] =	vst v63  }
0x198: {  	s0 =	simm.s32 $0x0  }
0x199: {  	s5 =	simm.s32 $0xA119;
	s0 =	simm.s32 @!p0 $0x100  }
.LBB2_40:
0x19a: {  	v0 =	vld.msk [tilespmem:s5+$0x0], $0x1;
	s2 =	sadd.s32 $0xFFFFFFFF, s2;
	s3 =	sadd.s32 s3, s0  }
0x19b: {  	p0 =	sne.s32 s2, $0x0;
	_ =	sdelay $0x3  }
0x19c: {  	(v2sf) =	vpush v0, $0x0;
	_ =	sdelay $0xe  }
.Ltmp33:
0x19d: {  	s6 =	spop (v2sf);
	(pc) =	sbr.rel @p0 .LBB2_40-.Ltmp33, $4  }
0x19e: {  	s0 =	simm.s32 $0x0;
	p1 =	sgt.u32 s6, $0x13878  }
0x19f: {  	s4 =	sadd.s32 $0x40, s4;
	s0 =	simm.s32 @!p1 $0x100;
	s7 =	sand.u32 @!p1 $0x1FFF8, s6  }
0x1a0: {  	s5 =	sadd.s32 $0x1, s5;
	s6 =	sand.u32 @!p1 $0x7, s6;
	s7 =	sadd.s32 @!p1 s1, s7  }
0x1a1: {  	[hbm4b:s7+s6] =	stream.linear.scatter @!p1 [tilespmem:s4], [sflag:$0x5], $0x40, $0x38;
	[tilespmem:$0x1EF78] =	vst v63  }
.LBB2_41:
0x1a2: {  	s0 =	sadd.s32 s3, s0  }
0x1a3: {  	s3 =	sshrl.u32 s0, $0x2  }
.LBB2_42:
0x1a4: {  	s0 =	simm.s32 $0x5  }
0x1a5: {  	_ =	swait.ge [sflag:s0], s3  }
0x1a6: {  	s1 =	ssub.s32 $0x0, s3;
	[sflag:s0] =	ssyncset.done $0x0  }
0x1a7: {  	[sflag:s0] =	ssyncadd.s32 s1  }
0x1a8: {  	[sflag:s0] =	ssyncpa.u1 $0x1  }
0x1a9: {  	s30 =	simm.s32 $0x1;
	_ =	sfence  }
0x1aa: {  	[sflag:s30] =	ssyncpa.u1 $0x1  }
0x1ab: {  	_ =	strace $0x9000005C  }
0x1ac: {  	[bflag:$0x2] =	sbarrier.arrive $0xFFFF  }
0x1ad: {  	s31 =	rddreg [dreg:$0x1]  }
0x1ae: {  	s0 =	sadd.s32 $0x100000, s31  }
0x1af: {  	[sflag:s0] =	ssyncadd.tile.s32 $0x1;
	_ =	shalt  }
.Lfunc_end2:
_tile_overlayer_lowered:
.L_overlay_start_2:
0x1b0: {  	(tag) =	ssettag $0x2  }
0x1b1: {  	s0 =	rddreg [dreg:$0x0];
	s2 =	stileid.u32  }
0x1b2: {  	s1 =	rddreg [dreg:$0x1];
	p0 =	sne.s32 s2, $0x0  }
0x1b3: {  	s3 =	rddreg [dreg:$0x2];
	[bflag:$0x3] =	sbarrier.arrive $0xFFFF;
	s2 =	simm.s32 @!p0 $0x1C01  }
0x1b4: {  	[timem:s3], [sflag:s2] =	dma.local @!p0 [hbm:s0], s1  }
0x1b5: {  	s0 =	simm.s32 @!p0 $0x1  }
0x1b6: {  	_ =	swait.ge @!p0 [sflag:s0], s1  }
0x1b7: {  	s1 =	ssub.s32 @!p0 $0x0, s1;
	[sflag:s0] =	ssyncset.done @!p0 $0x0  }
0x1b8: {  	[sflag:s0] =	ssyncadd.s32 @!p0 s1  }
0x1b9: {  	[bflag:$0x3] =	sbarrier.arrive $0xFFFF  }
0x1ba: {  	_ =	shalt  }

// kernel: scatter_offload_async_start.8
scs
__scs_entry_jumppad:
0x0: {  	(pc) =	sbr.rel $0x88, $3  }
0x1: {  	(tag) =	ssettag $0x0;
	lr =	simm.s32 $0x1  }
0x2: {  	[smem:$0x3F7E] =	sst lr;
	_ =	strace $0xD0000000  }
0x3: {  	_ = 	snop  }
0x4: {  	_ = 	snop  }
0x5: {  	_ = 	snop  }
0x6: {  	_ = 	snop  }
0x7: {  	_ = 	snop  }
__scs_overlays_trampoline_lowered:
0x8: {  	[smem:$0x3F8D] =	sst s0  }
0x9: {  	[smem:$0x3F8E] =	sst s1  }
0xa: {  	[smem:$0x3F8F] =	sst s2  }
0xb: {  	[smem:$0x3F90] =	sst s3  }
0xc: {  	[smem:$0x3F91] =	sst s4  }
0xd: {  	[smem:$0x3F92] =	sst s5  }
0xe: {  	[smem:$0x3F93] =	sst s6  }
0xf: {  	[smem:$0x3F94] =	sst s7  }
0x10: {  	[smem:$0x3F95] =	sst s8  }
0x11: {  	[smem:$0x3F96] =	sst s9;
	s0 =	simm.s32 @!p0 $0x0  }
0x12: {  	s1 =	sld [smem:$0x3F7C];
	s0 =	simm.s32 @p0 $0x1  }
0x13: {  	[smem:$0x3F97] =	sst s0;
	s0 =	simm.s32 @!p1 $0x0  }
0x14: {  	s2 =	sld [smem:$0x3F7B];
	s0 =	simm.s32 @p1 $0x1  }
0x15: {  	[smem:$0x3F98] =	sst s0;
	s0 =	simm.s32 @!p2 $0x0  }
0x16: {  	s3 =	sld [smem:$0x3FDB];
	s0 =	simm.s32 @p2 $0x1  }
0x17: {  	s4 =	simm.s32 $0x1BF5;
	[smem:$0x3F9A] =	sst s0  }
0x18: {  	s0 =	sld [smem:$0x3F7D];
	_ =	swait.ge [sflag:s4], $0x0  }
0x19: {  	s7 =	sld [smem:$0x3F7E]  }
0x1a: {  	s8 =	sadd.s32 $0xFFFFE003, lr  }
0x1b: {  	s9 =	sadd.s32 $0xFFFFFEF7, lr;
	s5 =	simm.s32 $0xFFFFFFFF;
	p2 =	slt.u32 s8, $0xFFFFF086  }
0x1c: {  	p1 =	slt.u32 s9, $0xF7A;
	s5 =	simm.s32 @!p2 $0x0  }
0x1d: {  	s5 =	simm.s32 @p1 $0x1;
	p0 =	seq.s32 s7, s2  }
0x1e: {  	s7 =	smul.u32 @!p0 $0xF7A, s2;
	p2 =	seq.s32 @!p0 s5, $0x0  }
0x1f: {  	s9 =	smul.u32 $0xF7A, s1;
	s8 =	simm.s32 @!p0 $0x1BF5;
	p2 =	por !p2, p0  }
0x20: {  	[sflag:s8] =	ssyncset.s32 @!p0 $0xFFFFF086;
	s6 =	sadd.s32 @!p0 s3, s7;
	s7 =	simm.s32 @!p0 $0x108  }
0x21: {  	s3 =	sadd.s32 s3, s9;
	s6 =	sadd.s32 @!p0 $0x88, s6;
	s7 =	simm.s32 @p2 $0x1082  }
0x22: {  	[simem:s7], [sflag:s8] =	dma.local @!p0 [hbm:s6], $0xF7A  }
0x23: {  	s9 =	sor.u32 $0xD0000000, s2;
	s6 =	simm.s32 $0x108;
	_ =	swait.ge @!p0 [sflag:s8], $0x0  }
0x24: {  	s3 =	sadd.s32 $0x88, s3;
	s6 =	simm.s32 @!p1 $0x1082;
	[sflag:s4] =	ssyncset.s32 $0xFFFFF086  }
0x25: {  	[simem:s6], [sflag:s4] =	dma.local [hbm:s3], $0xF7A  }
0x26: {  	[smem:$0x3F7E] =	sst s1;
	(tag) =	ssettag s2;
	_ =	strace s9  }
0x27: {  	s1 =	sld [smem:$0x3F8E]  }
0x28: {  	s2 =	sld [smem:$0x3F8F]  }
0x29: {  	s4 =	sld [smem:$0x3F91]  }
0x2a: {  	p0 =	seq.s32 s5, $0x0;
	s5 =	sld [smem:$0x3F92]  }
0x2b: {  	s6 =	sld [smem:$0x3F93]  }
0x2c: {  	s7 =	sld [smem:$0x3F94]  }
0x2d: {  	s3 =	simm.s32 $0x108;
	s8 =	sld [smem:$0x3F95]  }
0x2e: {  	s3 =	simm.s32 @!p0 $0x1082;
	s9 =	sld [smem:$0x3F96]  }
0x2f: {  	lr =	sadd.s32 s0, s3;
	s0 =	sld [smem:$0x3F8D]  }
0x30: {  	s3 =	sld [smem:$0x3F90]  }
0x31: {  	[smem:$0x3F99] =	sst s10  }
0x32: {  	s10 =	sld [smem:$0x3F97];
	_ =	sdelay $0x3  }
0x33: {  	p0 =	seq.s32 s10, $0x1;
	s10 =	sld [smem:$0x3F99];
	_ =	sdelay $0x3  }
0x34: {  	[smem:$0x3F99] =	sst s10  }
0x35: {  	s10 =	sld [smem:$0x3F98];
	_ =	sdelay $0x3  }
0x36: {  	p1 =	seq.s32 s10, $0x1;
	s10 =	sld [smem:$0x3F99];
	_ =	sdelay $0x3  }
0x37: {  	[smem:$0x3F99] =	sst s10  }
0x38: {  	s10 =	sld [smem:$0x3F9A]  }
0x39: {  	_ = 	snop;
	(pc) =	sbr.ind lr, $3  }
0x3a: {  	_ = 	snop  }
0x3b: {  	_ = 	snop  }
0x3c: {  	p2 =	seq.s32 s10, $0x1;
	s10 =	sld [smem:$0x3F99]  }
0x3d: {  	_ =	shalt  }
0x3e: {  	_ =	shalt  }
0x3f: {  	_ =	shalt  }
0x40: {  	_ =	shalt  }
0x41: {  	_ =	shalt  }
0x42: {  	_ =	shalt  }
0x43: {  	_ =	shalt  }
0x44: {  	_ =	shalt  }
0x45: {  	_ =	shalt  }
0x46: {  	_ =	shalt  }
0x47: {  	_ =	shalt  }
0x48: {  	_ =	shalt  }
0x49: {  	_ =	shalt  }
0x4a: {  	_ =	shalt  }
0x4b: {  	_ =	shalt  }
0x4c: {  	_ =	shalt  }
0x4d: {  	_ =	shalt  }
0x4e: {  	_ =	shalt  }
0x4f: {  	_ =	shalt  }
0x50: {  	_ =	shalt  }
0x51: {  	_ =	shalt  }
0x52: {  	_ =	shalt  }
0x53: {  	_ =	shalt  }
0x54: {  	_ =	shalt  }
0x55: {  	_ =	shalt  }
0x56: {  	_ =	shalt  }
0x57: {  	_ =	shalt  }
0x58: {  	_ =	shalt  }
0x59: {  	_ =	shalt  }
0x5a: {  	_ =	shalt  }
0x5b: {  	_ =	shalt  }
0x5c: {  	_ =	shalt  }
0x5d: {  	_ =	shalt  }
0x5e: {  	_ =	shalt  }
0x5f: {  	_ =	shalt  }
0x60: {  	_ =	shalt  }
0x61: {  	_ =	shalt  }
0x62: {  	_ =	shalt  }
0x63: {  	_ =	shalt  }
0x64: {  	_ =	shalt  }
0x65: {  	_ =	shalt  }
0x66: {  	_ =	shalt  }
0x67: {  	_ =	shalt  }
0x68: {  	_ =	shalt  }
0x69: {  	_ =	shalt  }
0x6a: {  	_ =	shalt  }
0x6b: {  	_ =	shalt  }
0x6c: {  	_ =	shalt  }
0x6d: {  	_ =	shalt  }
0x6e: {  	_ =	shalt  }
0x6f: {  	_ =	shalt  }
0x70: {  	_ =	shalt  }
0x71: {  	_ =	shalt  }
0x72: {  	_ =	shalt  }
0x73: {  	_ =	shalt  }
0x74: {  	_ =	shalt  }
0x75: {  	_ =	shalt  }
0x76: {  	_ =	shalt  }
0x77: {  	_ =	shalt  }
0x78: {  	_ =	shalt  }
0x79: {  	_ =	shalt  }
0x7a: {  	_ =	shalt  }
0x7b: {  	_ =	shalt  }
0x7c: {  	_ =	shalt  }
0x7d: {  	_ =	shalt  }
0x7e: {  	_ =	shalt  }
0x7f: {  	_ =	shalt  }
0x80: {  	_ =	shalt  }
0x81: {  	_ =	shalt  }
0x82: {  	_ =	shalt  }
0x83: {  	_ =	shalt  }
0x84: {  	_ =	shalt  }
0x85: {  	_ =	shalt  }
0x86: {  	_ =	shalt  }
0x87: {  	_ =	shalt  }
.Lfunc_end0:
.L_simem_size_0:
called_computation.8_lowered:
.L_overlay_start_0:
0x88: {  	s0 =	sld [smem:$0x3FD9]  }
0x89: {  	s1 =	sld [smem:$0x3FFE];
	_ =	sdelay $0x3  }
0x8a: {  	s0 =	sadd.s32 s1, s0  }
0x8b: {  	[smem:$0x3FA5] =	sst s0  }
0x8c: {  	_ = 	snop  }
0x8d: {  	s0 =	sld [smem:$0x3FD0];
	(tm) =	ssettm $0x1  }
0x8e: {  	s16 =	sld [smem:$0x3FFB];
	_ =	sdelay $0x3  }
0x8f: {  	_ =	strace s16  }
0x90: {  	s1 =	sld [smem:$0x3FFC];
	_ =	sdelay $0x3  }
0x91: {  	_ =	strace s1  }
0x92: {  	s1 =	sld [smem:$0x3FFD];
	_ =	sdelay $0x3  }
0x93: {  	_ =	strace s1  }
0x94: {  	_ =	strace $0x8FFFFFFF  }
0x95: {  	s17 =	sld [smem:$0x3FDB];
	_ =	sdelay $0x1  }
0x96: {  	s2 =	simm.s32 $_scs_section_size  }
0x97: {  	s3 =	simm.s32 $_size__tile_overlayer_lowered;
	s4 =	simm.s32 $_tile_overlayer_lowered  }
0x98: {  	s20 =	simm.s32 $0x1BFF;
	s19 =	sshll.u32 s4, $0x1;
	s1 =	sadd.s32 s2, s17  }
0x99: {  	s5 =	simm.s32 $0x0;
	s18 =	sshll.u32 s3, $0x1;
	s3 =	sadd.s32 s19, s1  }
0x9a: {  	[timem:s5], [sflag:s20] =	dma.local [hbm:s3], s18  }
0x9b: {  	_ =	swait.ge [sflag:s20], s18  }
0x9c: {  	s2 =	ssub.s32 $0x0, s18;
	[sflag:s20] =	ssyncset.done $0x0  }
0x9d: {  	[sflag:s20] =	ssyncadd.s32 s2;
	_ =	sdelay $0x1  }
0x9e: {  	s21 =	simm.s32 $0x1B8B  }
0x9f: {  	_ =	swait.ge [sflag:s21], $0x1  }
0xa0: {  	[sflag:s21] =	ssyncset.done $0x0  }
0xa1: {  	s23 =	simm.s32 $0x1B8E;
	s22 =	sld [smem:$0x3FFE];
	[sflag:s21] =	ssyncadd.s32 $0xFFFFFFFF  }
0xa2: {  	s24 =	simm.s32 $execute0_lowered;
	[smem:$0x3FD2] =	sst s23  }
0xa3: {  	s3 =	sshll.u32 s24, $0x1;
	_ =	strace $0x8000005E;
	[dreg:$0x1] =	wrdreg $0xFFFFFFFF  }
0xa4: {  	s25 =	simm.s32 $_size_execute0_lowered;
	s1 =	sadd.s32 s1, s3;
	[dreg:$0x0] =	wrdreg $0x0  }
0xa5: {  	s3 =	sshll.u32 s25, $0x1;
	[dreg:$0x2] =	wrdreg s1  }
0xa6: {  	[dreg:$0x3] =	wrdreg s3  }
0xa7: {  	[dreg:$0x4] =	wrdreg $0xC0  }
0xa8: {  	_ =	task [dreg:s5], $0x5FFFF  }
0xa9: {  	[dreg:$0x1] =	wrdreg $0xFFFFFFFF  }
0xaa: {  	[dreg:$0x0] =	wrdreg $0x60  }
0xab: {  	[dreg:$0x2] =	wrdreg s0  }
0xac: {  	[dreg:$0x3] =	wrdreg s22  }
0xad: {  	[dreg:$0x4] =	wrdreg $0x9  }
0xae: {  	_ =	task.clear_ibuf [dreg:s5], $0x5FFFF;
	_ =	strace $0x9000005E  }
0xaf: {  	s26 =	simm.s32 $0x9;
	_ =	strace $0x80000060  }
0xb0: {  	_ =	swait.ge [sflag:s26], $0x1  }
0xb1: {  	[sflag:s26] =	ssyncadd.s32 $0xFFFFFFFF  }
0xb2: {  	_ =	strace $0x90000060  }
0xb3: {  	_ =	sfence  }
0xb4: {  	s28 =	sld [smem:$0x0];
	_ =	sdelay $0x1  }
0xb5: {  	s29 =	srdreg.scid  }
0xb6: {  	s30 =	sshll.u32 s29, $0xD;
	s31 =	sshrl.u32 s29, $0x2  }
0xb7: {  	s2 =	sand.u32 $0x4000, s30;
	s1 =	sand.u32 $0x1, s29;
	s0 =	sadd.s32 s31, s28  }
0xb8: {  	s1 =	sor.u32 s2, s1;
	s0 =	sshll.u32 s0, $0x11  }
0xb9: {  	s0 =	sor.u32 s0, s1  }
0xba: {  	s0 =	sadd.s32 $0x8F2B, s0  }
0xbb: {  	[sflag:s0] =	ssyncadd.remote.s32 $0x1  }
0xbc: {  	_ =	sfence.sel $0xFFFF  }
0xbd: {  	[dreg:$0x0] =	wrdreg $0xFFFFFFFF;
	(pc) =	sbr.abs _section_cstart, $3  }
0xbe: {  	[dreg:$0x1] =	wrdreg $0xFFFFFFFF  }
0xbf: {  	_ =	task.clear_ibuf [dreg:s5], $0x2FFFF;
	_ =	strace $0x9FFFFFFF  }
0xc0: {  	(tm) =	ssettm $0x7FFFFFFF  }
0xc1: {  	_ =	shalt  }
tec
execute0_lowered:
.L_overlay_start_1:
0x0: {  	(tag) =	ssettag $0x1  }
0x1: {  	s1 =	rddreg [dreg:$0x0]  }
0x2: {  	s0 =	rddreg [dreg:$0x1];
	_ =	strace $0x8000005F;
	s2 =	simm.s32 $0x1  }
0x3: {  	s8 =	simm.s32 $0x88;
	v0 =	vimm.s32 $0x0;
	[sflag:s2] =	ssyncpa.u1 $0x0  }
0x4: {  	[tilespmem:s8+$0x30] =	vst v0  }
0x5: {  	s3 =	sadd.s32 $0x3C400, s0;
	[tilespmem:s8+$0x20] =	vst v0  }
0x6: {  	s4 =	sadd.s32 $0x50800, s0;
	s5 =	sadd.s32 $0x46600, s0;
	s0 =	simm.s32 $0x40;
	[tilespmem:s8+$0x10] =	vst v0  }
.LBB2_1:
0x7: {  	s0 =	sadd.s32 $0x40, s0  }
0x8: {  	[tilespmem:s8+$0x0] =	vst v0;
	s8 =	sadd.s32 $0x40, s8;
	p0 =	slt.u32 s0, $0x5040  }
.Ltmp0:
0x9: {  	(pc) =	sbr.rel @p0 .LBB2_1-.Ltmp0, $4  }
0xa: {  	_ = 	snop  }
0xb: {  	[tilespmem:s8+$0x30] =	vst v0  }
0xc: {  	[tilespmem:s8+$0x20] =	vst v0  }
0xd: {  	[tilespmem:s8+$0x10] =	vst v0  }
0xe: {  	s9 =	stileid.u32  }
0xf: {  	s0 =	smin.u32 s9, $0x8;
	s2 =	sshll.u32 s9, $0x6  }
0x10: {  	s0 =	sor.u32 s0, s2  }
0x11: {  	p0 =	slt.u32 s9, $0x8;
	s6 =	smul.u32 $0x140, s0;
	s0 =	simm.s32 $0x5140  }
0x12: {  	s0 =	simm.s32 @!p0 $0x5000  }
0x13: {  	s0 =	sadd.s32 s0, s6  }
0x14: {  	s7 =	smin.u32 s0, $0x50910  }
0x15: {  	s0 =	ssub.s32 s7, s6  }
0x16: {  	p0 =	sgt.s32 s0, $0x0  }
0x17: {  	s0 =	simm.s32 @!p0 $0x0  }
0x18: {  	s29 =	simm.s32 $0x2;
	s10 =	simm.s32 $0x7;
	s28 =	smulhi.u32 $0x66666667, s0  }
0x19: {  	s31 =	simm.s32 $0x8;
	s11 =	simm.s32 $0x1;
	s15 =	simm.s32 $0x0  }
0x1a: {  	p1 =	por $0x0, $0x0;
	s16 =	simm.s32 $0xA;
	s2 =	sshrl.u32 s28, $0x7  }
0x1b: {  	s20 =	simm.s32 $0x0;
	s17 =	simm.s32 $0x0;
	s30 =	smul.u32 $0x140, s2  }
.Ltmp1:
0x1c: {  	[tilespmem:s8+$0x0] =	vst v0;
	v0 =	vimm.s32 $0xFFFFFFFF;
	s19 =	simm.s32 $0x0;
	[sflag:s29] =	ssyncpa.u1 $0x0;
	(pc) =	sbr.rel .LBB2_3-.Ltmp1, $4  }
0x1d: {  	[tilespmem:$0xA108] =	vst v0;
	[sflag:s10] =	ssyncpa.u1 $0x0;
	p0 =	sne.s32 s0, s30;
	s0 =	simm.s32 $0x1  }
0x1e: {  	s10 =	simm.s32 $0x9;
	[sflag:s31] =	ssyncpa.u1 $0x0;
	s0 =	simm.s32 @!p0 $0x0  }
0x1f: {  	s13 =	sshll.u32 s9, $0x7;
	[sflag:s10] =	ssyncpa.u1 $0x0;
	s12 =	sadd.s32 s0, s2  }
0x20: {  	v0 =	vlaneseq.u32;
	s18 =	smov.u32 s6;
	p0 =	por $0x1, $0x1;
	s14 =	sadd.s32 $0x1, s12  }
.LBB2_24:
0x21: {  	s0 =	sshrl.u32 s29, $0x2  }
.LBB2_26:
0x22: {  	_ =	swait.ge [sflag:s16], s0  }
0x23: {  	s31 =	ssub.s32 $0x0, s0;
	v1 =	vmov s22;
	vm0 =	veq.s32 v0, $0x0;
	[sflag:s16] =	ssyncset.done $0x0  }
0x24: {  	vm15 =	veq.s32 v0, $0x2;
	v1 =	vsel vm0, s28, v1;
	[sflag:s16] =	ssyncadd.s32 s31  }
0x25: {  	v1 =	vsel vm15, s20, v1;
	[sflag:s16] =	ssyncpa.u1 $0x1  }
0x26: {  	[tilespmem:$0xA108] =	vst v1  }
.LBB2_27:
0x27: {  	s0 =	sadd.s32 $0x140, s18  }
0x28: {  	s2 =	smov.u32 s6;
	p2 =	slt.s32 s0, s7  }
0x29: {  	s2 =	smov.u32 @p2 s0;
	p2 =	sne.s32 s19, s14  }
.Ltmp2:
0x2a: {  	_ = 	snop;
	(pc) =	sbr.rel @!p2 .LBB2_28-.Ltmp2, $4  }
0x2b: {  	_ = 	snop  }
0x2c: {  	s20 =	smov.u32 s17  }
0x2d: {  	s31 =	sadd.s32 $0x1, s19;
	s17 =	smov.u32 s18;
	p0 =	por !p0, !p0  }
0x2e: {  	p1 =	por !p1, !p1;
	s19 =	smov.u32 s31;
	s18 =	smov.u32 s2  }
.LBB2_3:
0x2f: {  	p2 =	sge.u32 s19, s12  }
0x30: {  	s0 =	smulhi.u32 @!p2 $0xAAAAAAAB, s19  }
0x31: {  	s2 =	smov.u32 s18;
	p3 =	sgt.s32 @!p2 s18, $0x507D0  }
0x32: {  	s8 =	sshra.s32 @!p2 s18, $0x1F;
	p3 =	por !p3, p2;
	s0 =	sshrl.u32 @!p2 s0, $0x1  }
0x33: {  	s8 =	sand.u32 @!p2 s8, s18;
	s2 =	simm.s32 @p3 $0x507D0;
	s0 =	smul.u32 @!p2 $0x3, s0  }
0x34: {  	s2 =	ssub.s32 @!p2 s2, s8  }
0x35: {  	s22 =	sadd.s32 $0xFFFFFFFF, s19;
	s2 =	sadd.s32 @!p2 $0xFFFAF830, s2;
	s0 =	ssub.s32 @!p2 s19, s0  }
0x36: {  	s8 =	sshll.u32 @!p2 s2, $0x2;
	p3 =	sgt.s32 @!p2 s2, $0x13F;
	s0 =	smul.u32 @!p2 $0x500, s0  }
0x37: {  	s21 =	sand.u32 @!p2 $0x7, s18;
	s2 =	ssub.s32 @!p2 $0x500, s8;
	p3 =	por !p3, p2  }
0x38: {  	s8 =	sshrl.u32 @!p2 s18, $0x3;
	s2 =	sshrl.u32 @!p2 s2, $0x2;
	s0 =	sshrl.u32 @!p2 s0, $0x2  }
0x39: {  	s8 =	sadd.s32 @!p2 s5, s8;
	s2 =	simm.s32 @!p3 $0x0;
	s0 =	sadd.s32 @!p2 $0xA938, s0  }
0x3a: {  	[tilespmem:s0], [sflag:$0x8] =	stream.linear.gather @!p2 [hbm4b:s8+s21], s2, $0x38;
	[tilespmem:$0x1EF78] =	vst v63  }
0x3b: {  	p2 =	sge.u32 s22, s12  }
0x3c: {  	p3 =	sgt.s32 @!p2 s17, $0x507D0  }
0x3d: {  	s0 =	smov.u32 s17;
	s2 =	sshra.s32 @!p2 s17, $0x1F;
	p3 =	por !p3, p2  }
0x3e: {  	s2 =	sand.u32 @!p2 s2, s17;
	s0 =	simm.s32 @p3 $0x507D0  }
0x3f: {  	s0 =	ssub.s32 @!p2 s0, s2  }
0x40: {  	s0 =	sadd.s32 @!p2 $0xFFFAF830, s0  }
0x41: {  	s2 =	sshll.u32 @!p2 s0, $0x2  }
0x42: {  	p3 =	sgt.s32 @!p2 s0, $0x13F;
	s0 =	ssub.s32 @!p2 $0x500, s2  }
0x43: {  	p3 =	por !p3, p2;
	s0 =	sshrl.u32 @!p2 s0, $0x2  }
0x44: {  	s8 =	simm.s32 @!p2 $0x8;
	s2 =	sand.u32 @!p2 $0x1, s22;
	s0 =	simm.s32 @!p3 $0x0  }
0x45: {  	s2 =	smul.u32 @!p2 $0x500, s2;
	_ =	swait.ge @!p2 [sflag:s8], s0  }
0x46: {  	s21 =	ssub.s32 @!p2 $0x0, s0;
	[sflag:s8] =	ssyncset.done @!p2 $0x0  }
0x47: {  	s2 =	sshrl.u32 @!p2 s2, $0x2;
	[sflag:s8] =	ssyncadd.s32 @!p2 s21;
	s8 =	sshrl.u32 @!p2 s17, $0x3  }
0x48: {  	s2 =	sadd.s32 @!p2 $0xACF8, s2;
	s21 =	sand.u32 @!p2 $0x7, s17;
	s8 =	sadd.s32 @!p2 s3, s8  }
0x49: {  	[tilespmem:s2], [sflag:$0x9] =	stream.linear.gather @!p2 [hbm4b:s8+s21], s0, $0x38;
	[tilespmem:$0x1EF78] =	vst v63  }
0x4a: {  	s21 =	ssub.s32 @!p2 $0x50910, s17  }
0x4b: {  	p3 =	slt.s32 @!p2 s21, $0x1  }
0x4c: {  	p3 =	por p2, p3  }
.Ltmp3:
0x4d: {  	_ = 	snop;
	(pc) =	sbr.rel @p3 .LBB2_9-.Ltmp3, $1  }
0x4e: {  	_ =	sdelay $0x3  }
0x4f: {  	s0 =	smulhi.u32 $0xAAAAAAAB, s22;
	_ =	sdelay $0x1  }
0x50: {  	s0 =	sshrl.u32 s0, $0x1  }
0x51: {  	s0 =	smul.u32 $0x3, s0;
	_ =	sdelay $0x1  }
0x52: {  	s0 =	ssub.s32 s22, s0  }
0x53: {  	s2 =	simm.s32 $0x1;
	s0 =	smul.u32 $0x500, s0  }
.Ltmp4:
0x54: {  	s2 =	simm.s32 @!p0 $0x0;
	(pc) =	sbr.rel .LBB2_6-.Ltmp4, $4  }
0x55: {  	s2 =	smul.u32 $0x28000, s2  }
0x56: {  	p3 =	slt.s32 @!p2 s21, $0x140;
	s0 =	sshrl.u32 s0, $0x2  }
0x57: {  	p2 =	por !p3, p2;
	s2 =	sshrl.u32 s2, $0x2;
	s0 =	sadd.s32 $0xA938, s0  }
0x58: {  	s23 =	simm.s32 $0x0;
	s21 =	simm.s32 @p2 $0x140;
	s22 =	sadd.s32 $0xAF78, s2;
	v1 =	vmov s0  }
.LBB2_5:
0x59: {  	p2 =	sge.s32 s23, s21  }
.Ltmp5:
0x5a: {  	_ = 	snop;
	(pc) =	sbr.rel @p2 .LBB2_9-.Ltmp5, $2  }
0x5b: {  	_ =	sdelay $0x2  }
0x5c: {  	s22 =	sadd.s32 $0x800, s22  }
.LBB2_6:
0x5d: {  	p2 =	sle.s32 s21, s23  }
.Ltmp6:
0x5e: {  	_ = 	snop;
	(pc) =	sbr.rel @p2 .LBB2_5-.Ltmp6, $2  }
0x5f: {  	_ =	sdelay $0x2  }
0x60: {  	s24 =	smov.u32 s23;
	s23 =	sadd.s32 $0x10, s23  }
0x61: {  	s0 =	ssub.s32 s21, s24  }
0x62: {  	p2 =	slt.s32 s0, $0x10  }
0x63: {  	s0 =	simm.s32 @!p2 $0x10  }
0x64: {  	v2 =	vmov s0  }
0x65: {  	vm0 =	vgt.s32 v2, v0;
	_ =	sdelay $0x5  }
0x66: {  	v2 =	vld.idx.msk [tilespmem:v1+s24+$0x0 ss:$0x1], vm0;
	_ =	sdelay $0x2  }
0x67: {  	p2 =	slt.s32 s23, s21;
	s0 =	smov.u32 s21  }
0x68: {  	s2 =	smov.u32 s22;
	s25 =	simm.s32 $0x0;
	s0 =	smov.u32 @p2 s23  }
.LBB2_8:
0x69: {  	(v2sf) =	vpush v2, s25;
	_ =	sdelay $0xc  }
0x6a: {  	s25 =	sadd.s32 $0x1, s25  }
0x6b: {  	s31 =	sadd.s32 s25, s24  }
0x6c: {  	p2 =	slt.s32 s31, s0;
	s8 =	spop (v2sf)  }
.Ltmp7:
0x6d: {  	s8 =	sshll.u32 s8, $0x4;
	(pc) =	sbr.rel @p2 .LBB2_8-.Ltmp7, $4  }
0x6e: {  	s8 =	sand.u32 $0x1FFFFFF0, s8  }
0x6f: {  	s8 =	sadd.s32 s4, s8  }
0x70: {  	[tilespmem:s2], [sflag:$0x7] =	stream.linear.gather [hbm4b:s8+s15], $0x40, $0x38;
	[tilespmem:$0x1EF78] =	vst v63  }
0x71: {  	s2 =	sadd.s32 $0x80, s2  }
.Ltmp8:
0x72: {  	_ = 	snop;
	(pc) =	sbr.rel .LBB2_5-.Ltmp8, $1  }
0x73: {  	_ =	sdelay $0x3  }
.LBB2_9:
0x74: {  	p2 =	slt.u32 s19, $0x2  }
.Ltmp9:
0x75: {  	_ = 	snop;
	(pc) =	sbr.rel @p2 .LBB2_27-.Ltmp9, $1  }
0x76: {  	_ =	sdelay $0x3  }
0x77: {  	p2 =	sgt.s32 s20, $0x507D0;
	s0 =	smov.u32 s20  }
0x78: {  	s2 =	sshra.s32 s20, $0x1F;
	s8 =	ssub.s32 $0x50910, s20;
	s0 =	simm.s32 @!p2 $0x507D0  }
0x79: {  	s2 =	sand.u32 s2, s20;
	p2 =	slt.s32 s8, $0x140;
	s21 =	smov.u32 s8  }
0x7a: {  	s0 =	ssub.s32 s0, s2;
	s21 =	simm.s32 @!p2 $0x140  }
0x7b: {  	s0 =	sadd.s32 $0xFFFAF830, s0;
	s26 =	sshll.u32 s21, $0x6  }
0x7c: {  	s9 =	simm.s32 $0x7;
	s29 =	sshll.u32 s0, $0x2;
	s2 =	sand.u32 $0x3FFFFFC0, s26  }
0x7d: {  	p2 =	sgt.s32 s0, $0x13F;
	s30 =	ssub.s32 $0x500, s29;
	_ =	swait.ge [sflag:s9], s2  }
0x7e: {  	s2 =	ssub.s32 $0x0, s2;
	[sflag:s9] =	ssyncset.done $0x0;
	s0 =	sshrl.u32 s30, $0x2  }
0x7f: {  	[sflag:s9] =	ssyncadd.s32 s2;
	s0 =	simm.s32 @p2 $0x0  }
0x80: {  	_ =	swait.ge [sflag:s10], s0  }
0x81: {  	s0 =	ssub.s32 $0x0, s0;
	[sflag:s10] =	ssyncset.done $0x0  }
0x82: {  	[sflag:s10] =	ssyncadd.s32 s0  }
0x83: {  	v1 =	vld [tilespmem:$0xA108];
	_ =	sdelay $0x4  }
0x84: {  	(v2sf) =	vpush v1, $0x0  }
0x85: {  	(v2sf) =	vpush v1, $0x1  }
0x86: {  	(v2sf) =	vpush v1, $0x2;
	_ =	sdelay $0x3  }
0x87: {  	s0 =	sadd.s32 $0x140, s20  }
0x88: {  	p2 =	slt.s32 s7, s0  }
0x89: {  	s0 =	smov.u32 @p2 s7;
	p2 =	sgt.s32 s8, $0x0  }
0x8a: {  	s24 =	ssub.s32 s0, s20;
	s8 =	simm.s32 @!p2 $0x0  }
0x8b: {  	p2 =	slt.s32 s8, s24  }
0x8c: {  	s24 =	smov.u32 @p2 s8  }
0x8d: {  	s23 =	simm.s32 $0x1;
	p2 =	slt.s32 s24, $0x1  }
.Ltmp10:
0x8e: {  	s23 =	simm.s32 @!p1 $0x0;
	(pc) =	sbr.rel @p2 .LBB2_14-.Ltmp10, $4  }
0x8f: {  	s31 =	smul.u32 $0x500, s23  }
0x90: {  	s25 =	spop (v2sf)  }
0x91: {  	s0 =	sshrl.u32 s31, $0x2;
	s28 =	spop (v2sf)  }
0x92: {  	s21 =	sadd.s32 $0xACF8, s0;
	s20 =	spop (v2sf)  }
0x93: {  	s0 =	smin.u32 s24, $0x10  }
0x94: {  	v1 =	vmov s0  }
0x95: {  	p3 =	sgt.s32 s24, $0x10;
	vm1 =	vgt.u32 v1, v0  }
.Ltmp11:
0x96: {  	_ = 	snop;
	(pc) =	sbr.rel @!p3 .LBB2_13-.Ltmp11, $2  }
0x97: {  	_ =	sdelay $0x2  }
0x98: {  	s26 =	simm.s32 $0x10;
	s29 =	sadd.s32 $0xFFFFFFF0, s24;
	s22 =	smov.u32 s21;
	vm0 =	vmmov vm1  }
.LBB2_12:
0x99: {  	s0 =	smin.u32 s29, $0x10;
	s26 =	sadd.s32 $0x10, s26;
	v1 =	vld.msk [tilespmem:s22+$0x0 ss:$0x1], vm1  }
0x9a: {  	v2 =	vmov s0;
	p3 =	slt.s32 s26, s24  }
0x9b: {  	vm1 =	vgt.u32 v2, v0  }
.Ltmp12:
0x9c: {  	(pc) =	sbr.rel @p3 .LBB2_12-.Ltmp12, $3  }
0x9d: {  	_ =	sdelay $0x1  }
0x9e: {  	v1 =	vshll.u32 v1, $0x4  }
0x9f: {  	s29 =	sadd.s32 $0xFFFFFFF0, s29;
	[tilespmem:s22+$0x0] =	vst.msk vm0, v1;
	s22 =	sadd.s32 $0x10, s22;
	vm0 =	vmmov vm1  }
.LBB2_13:
0xa0: {  	_ =	sdelay $0x4  }
0xa1: {  	v1 =	vld.msk [tilespmem:s22+$0x0 ss:$0x1], vm1;
	_ =	sdelay $0x4  }
0xa2: {  	v1 =	vshll.u32 v1, $0x4  }
0xa3: {  	[tilespmem:s22+$0x0] =	vst.msk vm0, v1  }
.LBB2_14:
0xa4: {  	s0 =	sand.u32 $0x1, s19  }
0xa5: {  	s0 =	smul.u32 $0x140, s0  }
0xa6: {  	p3 =	sne.s32 s28, $0xFFFFFFFF  }
0xa7: {  	v1 =	vld.msk @!p3 [tilespmem:s0+$0xACF8], $0x1;
	_ =	sdelay $0x4  }
0xa8: {  	(v2sf) =	vpush @!p3 v1, $0x0;
	_ =	sdelay $0xc  }
.Ltmp13:
0xa9: {  	_ = 	snop;
	(pc) =	sbr.rel @p2 .LBB2_25-.Ltmp13, $4  }
0xaa: {  	_ = 	snop  }
0xab: {  	s26 =	spop @!p3 (v2sf)  }
0xac: {  	s20 =	simm.s32 @!p3 $0x0;
	s22 =	smov.u32 s26  }
0xad: {  	[sflag:s16] =	ssyncpa.u1 $0x0;
	s26 =	smov.u32 @p3 s25;
	s22 =	smov.u32 @p3 s28  }
0xae: {  	v1 =	vld.msk [tilespmem:s21+$0x0], $0x1;
	_ =	sdelay $0x4  }
0xaf: {  	(v2sf) =	vpush v1, $0x0;
	_ =	sdelay $0xe  }
0xb0: {  	s0 =	smul.u32 $0x28000, s23;
	s30 =	spop (v2sf)  }
0xb1: {  	s24 =	ssub.s32 $0x0, s24;
	p2 =	seq.s32 s26, s30  }
0xb2: {  	s28 =	sadd.s32 $0x1, s24;
	s0 =	sshrl.u32 s0, $0x2;
	p3 =	sgt.s32 @!p2 s26, $0x0  }
0xb3: {  	s23 =	sadd.s32 $0xAF98, s0;
	s0 =	smov.u32 s26;
	p3 =	por !p3, p2  }
0xb4: {  	s0 =	simm.s32 @p3 $0x0;
	p3 =	seq.s32 s28, $0x0  }
.Ltmp14:
0xb5: {  	_ = 	snop;
	(pc) =	sbr.rel @p3 .LBB2_17-.Ltmp14, $4  }
0xb6: {  	_ = 	snop  }
0xb7: {  	s25 =	simm.s32 $0x0;
	s31 =	simm.s32 @!p2 $0x1;
	s2 =	smin.u32 @!p2 s0, $0x270F8  }
0xb8: {  	s29 =	sadd.s32 $0x1, s21;
	s31 =	smov.u32 @p2 s25;
	s8 =	sand.u32 @!p2 $0x3FFF8, s2  }
0xb9: {  	s0 =	simm.s32 @!p2 $0x50C8;
	s2 =	sand.u32 @!p2 $0x7, s2;
	s8 =	sadd.s32 @!p2 s1, s8  }
.LBB2_16:
0xba: {  	s9 =	smov.u32 s31  }
0xbb: {  	[tilespmem:s0], [sflag:$0x2] =	stream.linear.gather @!p2 [hbm4b:s8+s2], $0x40, $0x38;
	[tilespmem:$0x1EF78] =	vst v63  }
0xbc: {  	s28 =	sadd.s32 $0x1, s28;
	s2 =	smov.u32 s30;
	v1 =	vld.msk [tilespmem:s29+$0x0], $0x1  }
0xbd: {  	p3 =	seq.s32 s28, $0x0;
	_ =	sdelay $0x3  }
0xbe: {  	(v2sf) =	vpush v1, $0x0;
	_ =	sdelay $0xe  }
0xbf: {  	s30 =	spop (v2sf)  }
0xc0: {  	p2 =	seq.s32 s2, s30  }
0xc1: {  	p4 =	sgt.s32 @!p2 s2, $0x0;
	s0 =	sshll.u32 @!p2 s31, $0x8;
	s31 =	sadd.s32 @!p2 $0x1, s31  }
.Ltmp15:
0xc2: {  	p4 =	por !p4, p2;
	s0 =	sshra.s32 @!p2 s0, $0x2;
	(pc) =	sbr.rel @!p3 .LBB2_16-.Ltmp15, $4  }
0xc3: {  	s31 =	smov.u32 @p2 s9;
	s2 =	simm.s32 @p4 $0x0;
	s0 =	sadd.s32 @!p2 $0x50C8, s0  }
0xc4: {  	s2 =	smin.u32 @!p2 s2, $0x270F8  }
0xc5: {  	s8 =	sand.u32 @!p2 $0x3FFF8, s2;
	s2 =	sand.u32 @!p2 $0x7, s2  }
0xc6: {  	s29 =	sadd.s32 $0x1, s29;
	s8 =	sadd.s32 @!p2 s1, s8  }
.LBB2_17:
0xc7: {  	[tilespmem:s0], [sflag:$0x2] =	stream.linear.gather @!p2 [hbm4b:s8+s2], $0x40, $0x38;
	[tilespmem:$0x1EF78] =	vst v63  }
.Ltmp16:
0xc8: {  	s30 =	sshll.u32 s31, $0x6;
	(pc) =	sbr.rel .LBB2_18-.Ltmp16, $4  }
0xc9: {  	s31 =	simm.s32 $0x2;
	s0 =	sand.u32 $0x3FFFFFC0, s30  }
0xca: {  	_ =	swait.ge [sflag:s31], s0  }
0xcb: {  	s0 =	ssub.s32 $0x0, s0;
	[sflag:s31] =	ssyncset.done $0x0  }
0xcc: {  	s29 =	simm.s32 $0x0;
	[sflag:s31] =	ssyncadd.s32 s0  }
.LBB2_19:
0xcd: {  	v1 =	vld [tilespmem:s23+$0xFFFFFFE0];
	_ =	sdelay $0x4  }
0xce: {  	[tilespmem:s30+$0x88] =	vst.add.f32.msk $0xffff, v1  }
0xcf: {  	v1 =	vld [tilespmem:s23+$0xFFFFFFF0];
	_ =	sdelay $0x4  }
0xd0: {  	[tilespmem:s30+$0x98] =	vst.add.f32.msk $0xffff, v1  }
0xd1: {  	v1 =	vld [tilespmem:s23+$0x0];
	_ =	sdelay $0x4  }
0xd2: {  	[tilespmem:s30+$0xA8] =	vst.add.f32.msk $0xffff, v1  }
0xd3: {  	v1 =	vld [tilespmem:s23+$0x10];
	_ =	sdelay $0x4  }
0xd4: {  	[tilespmem:s30+$0xB8] =	vst.add.f32.msk $0xffff, v1  }
.LBB2_23:
0xd5: {  	s24 =	sadd.s32 $0x1, s24  }
0xd6: {  	p2 =	seq.s32 s24, $0x0  }
.Ltmp17:
0xd7: {  	_ = 	snop;
	(pc) =	sbr.rel @p2 .LBB2_24-.Ltmp17, $2  }
0xd8: {  	_ =	sdelay $0x2  }
0xd9: {  	s23 =	sadd.s32 $0x80, s23;
	s21 =	sadd.s32 $0x1, s21;
	s26 =	smov.u32 s28  }
.LBB2_18:
0xda: {  	v1 =	vld.msk [tilespmem:s21+$0x0], $0x1;
	_ =	sdelay $0x4  }
0xdb: {  	(v2sf) =	vpush v1, $0x0;
	_ =	sdelay $0xe  }
0xdc: {  	s28 =	spop (v2sf)  }
0xdd: {  	p2 =	sne.s32 s26, s28  }
.Ltmp18:
0xde: {  	_ = 	snop;
	(pc) =	sbr.rel @!p2 .LBB2_19-.Ltmp18, $3  }
0xdf: {  	_ =	sdelay $0x1  }
0xe0: {  	s0 =	sshll.u32 s20, $0x8  }
0xe1: {  	s30 =	sshra.s32 s0, $0x2  }
0xe2: {  	p2 =	seq.s32 s26, s22  }
.Ltmp19:
0xe3: {  	_ = 	snop;
	(pc) =	sbr.rel @!p2 .LBB2_21-.Ltmp19, $1  }
0xe4: {  	_ =	sdelay $0x3  }
.Ltmp20:
0xe5: {  	s0 =	sadd.s32 $0x88, s30;
	(pc) =	sbr.rel .LBB2_22-.Ltmp20, $4  }
0xe6: {  	[spmem:s13] =	stream.linear.scatter [tilespmem:s0], [sflag:$0x1], $0x40, $0x38;
	[tilespmem:$0x1EF78] =	vst v63  }
0xe7: {  	_ =	swait.ge [sflag:s11], $0x40  }
0xe8: {  	[sflag:s11] =	ssyncset.done $0x0  }
0xe9: {  	[sflag:s11] =	ssyncadd.s32 $0xFFFFFFC0  }
.LBB2_21:
0xea: {  	s0 =	sshll.u32 s25, $0x8  }
0xeb: {  	s0 =	sshra.s32 s0, $0x2  }
0xec: {  	v1 =	vld [tilespmem:s0+$0x50C8];
	_ =	sdelay $0x4  }
0xed: {  	[tilespmem:s30+$0x88] =	vst.add.f32.msk $0xffff, v1  }
0xee: {  	v1 =	vld [tilespmem:s0+$0x50D8];
	_ =	sdelay $0x4  }
0xef: {  	[tilespmem:s30+$0x98] =	vst.add.f32.msk $0xffff, v1  }
0xf0: {  	v1 =	vld [tilespmem:s0+$0x50E8];
	_ =	sdelay $0x4  }
0xf1: {  	[tilespmem:s30+$0xA8] =	vst.add.f32.msk $0xffff, v1  }
0xf2: {  	v1 =	vld [tilespmem:s0+$0x50F8];
	_ =	sdelay $0x2  }
0xf3: {  	p2 =	sgt.u32 s26, $0x270F8  }
0xf4: {  	s0 =	sand.u32 @!p2 $0x3FFF8, s26  }
0xf5: {  	s2 =	sadd.s32 $0x88, s30;
	s8 =	sand.u32 @!p2 $0x7, s26;
	s0 =	sadd.s32 @!p2 s1, s0;
	[tilespmem:s30+$0xB8] =	vst.add.f32.msk $0xffff, v1  }
0xf6: {  	[hbm4b:s0+s8] =	stream.linear.scatter @!p2 [tilespmem:s2], [sflag:$0xA], $0x40, $0x38;
	[tilespmem:$0x1EF78] =	vst v63  }
0xf7: {  	s0 =	simm.s32 $0x0  }
0xf8: {  	s0 =	simm.s32 @!p2 $0x100  }
0xf9: {  	s29 =	sadd.s32 s0, s29  }
.LBB2_22:
0xfa: {  	s0 =	sadd.s32 $0x1, s20  }
0xfb: {  	s2 =	smulhi.u32 $0xCCCCCCCD, s0;
	_ =	sdelay $0x1  }
0xfc: {  	v1 =	vld [tilespmem:s23+$0xFFFFFFE0];
	s2 =	sshrl.u32 s2, $0x8  }
0xfd: {  	s2 =	smul.u32 $0x140, s2;
	_ =	sdelay $0x1  }
0xfe: {  	s20 =	ssub.s32 s0, s2  }
0xff: {  	s0 =	sshll.u32 s20, $0x6  }
0x100: {  	[tilespmem:s0+$0x88] =	vst v1  }
0x101: {  	v1 =	vld [tilespmem:s23+$0xFFFFFFF0];
	_ =	sdelay $0x4  }
0x102: {  	[tilespmem:s0+$0x98] =	vst v1  }
0x103: {  	v1 =	vld [tilespmem:s23+$0x0];
	_ =	sdelay $0x4  }
0x104: {  	[tilespmem:s0+$0xA8] =	vst v1  }
0x105: {  	v1 =	vld [tilespmem:s23+$0x10]  }
.Ltmp21:
0x106: {  	_ = 	snop;
	(pc) =	sbr.rel .LBB2_23-.Ltmp21, $2  }
0x107: {  	_ =	sdelay $0x2  }
0x108: {  	s25 =	sadd.s32 $0x1, s25;
	[tilespmem:s0+$0xB8] =	vst v1  }
.LBB2_25:
.Ltmp22:
0x109: {  	(pc) =	sbr.rel .LBB2_26-.Ltmp22, $4  }
0x10a: {  	_ = 	snop  }
0x10b: {  	s0 =	simm.s32 $0x2  }
0x10c: {  	_ =	swait.ge [sflag:s0], $0x0  }
0x10d: {  	s28 =	smov.u32 s26;
	[sflag:s0] =	ssyncset.done $0x0;
	s0 =	simm.s32 $0x0  }
.LBB2_28:
0x10e: {  	_ =	sfence.sel $0x180000  }
0x10f: {  	s0 =	simm.s32 $0x7;
	[bflag:$0x0] =	sbarrier.arrive $0xFFFF  }
0x110: {  	s25 =	simm.s32 $0x8;
	[sflag:s0] =	ssyncpa.u1 $0x1  }
0x111: {  	s26 =	simm.s32 $0x9;
	[sflag:s25] =	ssyncpa.u1 $0x1  }
0x112: {  	s28 =	simm.s32 $0x2;
	[sflag:s26] =	ssyncpa.u1 $0x1  }
0x113: {  	[sflag:s28] =	ssyncpa.u1 $0x1  }
0x114: {  	v0 =	vld [tilespmem:$0xA108];
	_ =	sdelay $0x4  }
0x115: {  	(v2sf) =	vpush v0, $0x0  }
0x116: {  	(v2sf) =	vpush v0, $0x1;
	_ =	sdelay $0x1  }
0x117: {  	(v2sf) =	vpush v0, $0x2;
	_ =	sdelay $0xb  }
0x118: {  	s0 =	spop (v2sf)  }
0x119: {  	s2 =	spop (v2sf)  }
0x11a: {  	s3 =	smov.u32 s0;
	p0 =	sne.s32 s0, s2  }
0x11b: {  	s4 =	spop (v2sf);
	s3 =	simm.s32 @!p0 $0xFFFFFFFF  }
0x11c: {  	v2 =	vimm.s32 $0x1;
	v3 =	vlaneseq.u32;
	p0 =	seq.s32 s4, $0xFFFFFFFF;
	v1 =	vmov s3  }
0x11d: {  	s7 =	stileid.u32;
	v0 =	vperm.xlane v0, v2;
	p1 =	sne.s32 @!p0 s0, s2;
	v1 =	vperm.xlane v1, v3  }
0x11e: {  	vm0 =	vcmask $0x3F04;
	s6 =	simm.s32 $0xA108;
	s0 =	simm.s32 @!p0 $0x1;
	p1 =	por !p1, p0  }
0x11f: {  	s3 =	sshll.u32 s7, $0x1;
	s2 =	sshll.u32 @!p0 s4, $0x8;
	s0 =	simm.s32 @p1 $0x0;
	v0 =	vsel vm0, v1, v0  }
0x120: {  	s5 =	sor.u32 $0x800, s3;
	s2 =	sshra.s32 @!p0 s2, $0x2;
	s0 =	sor.u32 @!p0 s0, s3;
	[tilespmem:$0xA108] =	vst v0  }
0x121: {  	[spmem:s5] =	stream.linear.scatter [tilespmem:s6], [sflag:$0x1], $0x2, $0x38;
	[tilespmem:$0x1EF78] =	vst v63  }
0x122: {  	s2 =	sadd.s32 @!p0 $0x88, s2;
	s0 =	sshll.u32 @!p0 s0, $0x6  }
0x123: {  	[spmem:s0] =	stream.linear.scatter @!p0 [tilespmem:s2], [sflag:$0x1], $0x40, $0x38;
	[tilespmem:$0x1EF78] =	vst v63  }
0x124: {  	s2 =	simm.s32 @!p0 $0x42  }
0x125: {  	s0 =	simm.s32 $0x1;
	s2 =	simm.s32 @p0 $0x2  }
0x126: {  	_ =	swait.ge [sflag:s0], s2  }
0x127: {  	s2 =	ssub.s32 $0x0, s2;
	[sflag:s0] =	ssyncset.done $0x0  }
0x128: {  	[sflag:s0] =	ssyncadd.s32 s2  }
0x129: {  	_ =	sfence.stream.spmem  }
0x12a: {  	s29 =	simm.s32 $0x3;
	[bflag:$0x0] =	sbarrier.arrive $0xFFFF  }
0x12b: {  	s30 =	simm.s32 $0x4;
	[sflag:s29] =	ssyncpa.u1 $0x1  }
0x12c: {  	s31 =	simm.s32 $0x3C;
	[sflag:s30] =	ssyncpa.u1 $0x1  }
0x12d: {  	p0 =	sne.s32 s7, $0x0;
	[sflag:s31] =	ssyncpa.u1 $0x1  }
0x12e: {  	_ =	sfence @p0  }
0x12f: {  	[sflag:s0] =	ssyncpa.u1 @p0 $0x1  }
0x130: {  	_ =	strace @p0 $0x9000005F  }
0x131: {  	[bflag:$0x2] =	sbarrier.arrive @p0 $0xFFFF  }
0x132: {  	_ =	shalt @p0  }
.LBB2_29:
0x133: {  	_ =	sfence.stream.spmem;
	s0 =	simm.s32 $0x5  }
0x134: {  	s2 =	simm.s32 $0x800;
	s3 =	simm.s32 $0xA118;
	[sflag:s0] =	ssyncpa.u1 $0x0  }
0x135: {  	[tilespmem:s3], [sflag:$0x5] =	stream.linear.gather [spmem:s2], $0x20, $0x38;
	[tilespmem:$0x1EF78] =	vst v63  }
0x136: {  	s30 =	simm.s32 $0xA138;
	s2 =	simm.s32 $0x0  }
0x137: {  	[tilespmem:s30], [sflag:$0x5] =	stream.linear.gather [spmem:s2], $0x800, $0x38;
	[tilespmem:$0x1EF78] =	vst v63  }
.Ltmp23:
0x138: {  	_ = 	snop;
	(pc) =	sbr.rel .LBB2_30-.Ltmp23, $4  }
0x139: {  	_ =	swait.ge [sflag:s0], $0x820  }
0x13a: {  	[sflag:s0] =	ssyncset.done $0x0  }
0x13b: {  	s31 =	simm.s32 $0x6;
	[sflag:s0] =	ssyncadd.s32 $0xFFFFF7E0  }
0x13c: {  	s3 =	simm.s32 $0x0;
	[sflag:s31] =	ssyncpa.u1 $0x0  }
.LBB2_36:
0x13d: {  	p0 =	slt.u32 s4, $0x270F9  }
0x13e: {  	s0 =	sand.u32 @p0 $0x3FFF8, s4  }
0x13f: {  	s4 =	sand.u32 @p0 $0x7, s4;
	s5 =	simm.s32 @p0 $0xA0C8;
	s0 =	sadd.s32 @p0 s1, s0  }
0x140: {  	[tilespmem:s5], [sflag:$0x6] =	stream.linear.gather @p0 [hbm4b:s0+s4], $0x40, $0x38;
	[tilespmem:$0x1EF78] =	vst v63  }
0x141: {  	s0 =	simm.s32 @p0 $0x6  }
0x142: {  	_ =	swait.ge @p0 [sflag:s0], $0x40  }
0x143: {  	[sflag:s0] =	ssyncset.done @p0 $0x0  }
0x144: {  	[sflag:s0] =	ssyncadd.s32 @p0 $0xFFFFFFC0  }
0x145: {  	v1 =	vld @p0 [tilespmem:$0xA0C8];
	_ =	sdelay $0x2  }
0x146: {  	s0 =	sshll.u32 @p0 s3, $0x8  }
0x147: {  	s4 =	sshrl.u32 @p0 s0, $0x2  }
0x148: {  	[tilespmem:s4+$0xA138] =	vst.add.f32.msk @p0 $0xffff, v1  }
0x149: {  	v1 =	vld @p0 [tilespmem:$0xA0D8];
	_ =	sdelay $0x4  }
0x14a: {  	[tilespmem:s4+$0xA148] =	vst.add.f32.msk @p0 $0xffff, v1  }
0x14b: {  	v1 =	vld @p0 [tilespmem:$0xA0E8];
	_ =	sdelay $0x4  }
0x14c: {  	[tilespmem:s4+$0xA158] =	vst.add.f32.msk @p0 $0xffff, v1  }
0x14d: {  	v1 =	vld @p0 [tilespmem:$0xA0F8];
	_ =	sdelay $0x3  }
0x14e: {  	s5 =	sshll.u32 @!p0 s3, $0x8  }
0x14f: {  	s5 =	smov.u32 @p0 s0;
	[tilespmem:s4+$0xA168] =	vst.add.f32.msk @p0 $0xffff, v1  }
0x150: {  	s0 =	sshrl.u32 s5, $0x2;
	[tilespmem:s2+$0xA118] =	vst.msk $0x1, v0  }
0x151: {  	v0 =	vld [tilespmem:s0+$0xA138];
	_ =	sdelay $0x2  }
0x152: {  	s31 =	sshll.u32 s2, $0x8  }
0x153: {  	s4 =	sshra.s32 s31, $0x2  }
0x154: {  	[tilespmem:s4+$0xA138] =	vst v0  }
0x155: {  	v0 =	vld [tilespmem:s0+$0xA148];
	_ =	sdelay $0x4  }
0x156: {  	[tilespmem:s4+$0xA148] =	vst v0  }
0x157: {  	v0 =	vld [tilespmem:s0+$0xA158];
	_ =	sdelay $0x4  }
0x158: {  	[tilespmem:s4+$0xA158] =	vst v0  }
0x159: {  	v0 =	vld [tilespmem:s0+$0xA168];
	_ =	sdelay $0x4  }
0x15a: {  	s2 =	sadd.s32 $0x1, s2;
	[tilespmem:s4+$0xA168] =	vst v0  }
.LBB2_37:
0x15b: {  	s3 =	sadd.s32 $0x1, s3  }
0x15c: {  	p0 =	sne.s32 s3, $0x20  }
.Ltmp24:
0x15d: {  	_ = 	snop;
	(pc) =	sbr.rel @!p0 .LBB2_38-.Ltmp24, $1  }
0x15e: {  	_ =	sdelay $0x3  }
.LBB2_30:
0x15f: {  	v0 =	vld.msk [tilespmem:s3+$0xA118], $0x1;
	_ =	sdelay $0x4  }
0x160: {  	(v2sf) =	vpush v0, $0x0;
	_ =	sdelay $0xe  }
0x161: {  	s4 =	spop (v2sf)  }
0x162: {  	p0 =	seq.s32 s4, $0xFFFFFFFF  }
.Ltmp25:
0x163: {  	_ = 	snop;
	(pc) =	sbr.rel @p0 .LBB2_37-.Ltmp25, $1  }
0x164: {  	_ =	sdelay $0x3  }
0x165: {  	p0 =	slt.s32 s2, $0x1  }
.Ltmp26:
0x166: {  	_ = 	snop;
	(pc) =	sbr.rel @p0 .LBB2_36-.Ltmp26, $1  }
0x167: {  	_ =	sdelay $0x3  }
0x168: {  	s5 =	simm.s32 $0xA118;
	p0 =	por $0x0, $0x0  }
0x169: {  	v1 =	vld.msk @!p0 [tilespmem:s5+$0x0], $0x1;
	_ =	sdelay $0x4  }
0x16a: {  	(v2sf) =	vpush @!p0 v1, $0x0;
	_ =	sdelay $0xd  }
0x16b: {  	p2 =	sne.s32 s2, $0x1  }
.Ltmp27:
0x16c: {  	s0 =	spop @!p0 (v2sf);
	(pc) =	sbr.rel @!p2 .LBB2_34-.Ltmp27, $4  }
0x16d: {  	p1 =	seq.s32 @!p0 s4, s0  }
0x16e: {  	s6 =	simm.s32 $0x0;
	p1 =	por !p1, p0  }
0x16f: {  	s0 =	simm.s32 $0xFFFFFFFF;
	s6 =	simm.s32 @p1 $0xFFFFFFFF  }
0x170: {  	s7 =	simm.s32 $0x1;
	s6 =	smov.u32 @p0 s0  }
.LBB2_33:
0x171: {  	s0 =	smov.u32 s6;
	p0 =	sne.s32 s6, $0xFFFFFFFF  }
0x172: {  	s5 =	sadd.s32 $0x1, s5;
	s6 =	smov.u32 s7;
	s7 =	sadd.s32 $0x1, s7  }
0x173: {  	p1 =	sne.s32 s2, s7;
	v1 =	vld.msk @!p0 [tilespmem:s5+$0x0], $0x1;
	_ =	sdelay $0x4  }
0x174: {  	(v2sf) =	vpush @!p0 v1, $0x0;
	_ =	sdelay $0xe  }
.Ltmp28:
0x175: {  	s8 =	spop @!p0 (v2sf);
	(pc) =	sbr.rel @p1 .LBB2_33-.Ltmp28, $4  }
0x176: {  	p2 =	seq.s32 @!p0 s4, s8  }
0x177: {  	p2 =	por !p2, p0  }
0x178: {  	s6 =	simm.s32 @p2 $0xFFFFFFFF  }
0x179: {  	s6 =	smov.u32 @p0 s0  }
.LBB2_34:
0x17a: {  	p0 =	seq.s32 s6, $0xFFFFFFFF  }
.Ltmp29:
0x17b: {  	_ = 	snop;
	(pc) =	sbr.rel @p0 .LBB2_36-.Ltmp29, $1  }
0x17c: {  	_ =	sdelay $0x3  }
0x17d: {  	s0 =	sshll.u32 s3, $0x6  }
0x17e: {  	s0 =	sand.u32 $0x3FFFFFC0, s0  }
0x17f: {  	v0 =	vld [tilespmem:s0+$0xA138];
	_ =	sdelay $0x2  }
0x180: {  	s4 =	sshll.u32 s6, $0x8  }
0x181: {  	s4 =	sshra.s32 s4, $0x2  }
0x182: {  	[tilespmem:s4+$0xA138] =	vst.add.f32.msk $0xffff, v0  }
0x183: {  	v0 =	vld [tilespmem:s0+$0xA148];
	_ =	sdelay $0x4  }
0x184: {  	[tilespmem:s4+$0xA148] =	vst.add.f32.msk $0xffff, v0  }
0x185: {  	v0 =	vld [tilespmem:s0+$0xA158];
	_ =	sdelay $0x4  }
0x186: {  	[tilespmem:s4+$0xA158] =	vst.add.f32.msk $0xffff, v0  }
0x187: {  	v0 =	vld [tilespmem:s0+$0xA168]  }
.Ltmp30:
0x188: {  	_ = 	snop;
	(pc) =	sbr.rel .LBB2_37-.Ltmp30, $2  }
0x189: {  	_ =	sdelay $0x2  }
0x18a: {  	[tilespmem:s4+$0xA168] =	vst.add.f32.msk $0xffff, v0  }
.LBB2_38:
0x18b: {  	p0 =	slt.s32 s2, $0x1  }
.Ltmp31:
0x18c: {  	_ = 	snop;
	(pc) =	sbr.rel @p0 .LBB2_42-.Ltmp31, $3  }
0x18d: {  	_ =	sdelay $0x1  }
0x18e: {  	s0 =	simm.s32 $0x6  }
0x18f: {  	s3 =	simm.s32 $0x0;
	[sflag:s0] =	ssyncpa.u1 $0x1  }
0x190: {  	s0 =	simm.s32 $0xA118  }
0x191: {  	v0 =	vld.msk [tilespmem:s0+$0x0], $0x1;
	_ =	sdelay $0x4  }
0x192: {  	(v2sf) =	vpush v0, $0x0;
	_ =	sdelay $0xe  }
0x193: {  	s2 =	sadd.s32 $0xFFFFFFFF, s2;
	s0 =	spop (v2sf)  }
0x194: {  	p1 =	sne.s32 s2, $0x0;
	p0 =	sgt.u32 s0, $0x270F8  }
.Ltmp32:
0x195: {  	s5 =	sand.u32 @!p0 $0x3FFF8, s0;
	(pc) =	sbr.rel @!p1 .LBB2_41-.Ltmp32, $4  }
0x196: {  	s4 =	simm.s32 $0xA138;
	s0 =	sand.u32 @!p0 $0x7, s0;
	s5 =	sadd.s32 @!p0 s1, s5  }
0x197: {  	[hbm4b:s5+s0] =	stream.linear.scatter @!p0 [tilespmem:s4], [sflag:$0x5], $0x40, $0x38;
	[tilespmem:$0x1EF78] =	vst v63  }
0x198: {  	s0 =	simm.s32 $0x0  }
0x199: {  	s5 =	simm.s32 $0xA119;
	s0 =	simm.s32 @!p0 $0x100  }
.LBB2_40:
0x19a: {  	v0 =	vld.msk [tilespmem:s5+$0x0], $0x1;
	s2 =	sadd.s32 $0xFFFFFFFF, s2;
	s3 =	sadd.s32 s3, s0  }
0x19b: {  	p0 =	sne.s32 s2, $0x0;
	_ =	sdelay $0x3  }
0x19c: {  	(v2sf) =	vpush v0, $0x0;
	_ =	sdelay $0xe  }
.Ltmp33:
0x19d: {  	s6 =	spop (v2sf);
	(pc) =	sbr.rel @p0 .LBB2_40-.Ltmp33, $4  }
0x19e: {  	s0 =	simm.s32 $0x0;
	p1 =	sgt.u32 s6, $0x270F8  }
0x19f: {  	s4 =	sadd.s32 $0x40, s4;
	s0 =	simm.s32 @!p1 $0x100;
	s7 =	sand.u32 @!p1 $0x3FFF8, s6  }
0x1a0: {  	s5 =	sadd.s32 $0x1, s5;
	s6 =	sand.u32 @!p1 $0x7, s6;
	s7 =	sadd.s32 @!p1 s1, s7  }
0x1a1: {  	[hbm4b:s7+s6] =	stream.linear.scatter @!p1 [tilespmem:s4], [sflag:$0x5], $0x40, $0x38;
	[tilespmem:$0x1EF78] =	vst v63  }
.LBB2_41:
0x1a2: {  	s0 =	sadd.s32 s3, s0  }
0x1a3: {  	s3 =	sshrl.u32 s0, $0x2  }
.LBB2_42:
0x1a4: {  	s0 =	simm.s32 $0x5  }
0x1a5: {  	_ =	swait.ge [sflag:s0], s3  }
0x1a6: {  	s1 =	ssub.s32 $0x0, s3;
	[sflag:s0] =	ssyncset.done $0x0  }
0x1a7: {  	[sflag:s0] =	ssyncadd.s32 s1  }
0x1a8: {  	[sflag:s0] =	ssyncpa.u1 $0x1  }
0x1a9: {  	s30 =	simm.s32 $0x1;
	_ =	sfence  }
0x1aa: {  	[sflag:s30] =	ssyncpa.u1 $0x1  }
0x1ab: {  	_ =	strace $0x9000005F  }
0x1ac: {  	[bflag:$0x2] =	sbarrier.arrive $0xFFFF  }
0x1ad: {  	s31 =	rddreg [dreg:$0x2]  }
0x1ae: {  	s0 =	sadd.s32 $0x100000, s31  }
0x1af: {  	[sflag:s0] =	ssyncadd.tile.s32 $0x1;
	_ =	shalt  }
.Lfunc_end2:
_tile_overlayer_lowered:
.L_overlay_start_2:
0x1b0: {  	(tag) =	ssettag $0x2  }
0x1b1: {  	s0 =	rddreg [dreg:$0x0];
	s2 =	stileid.u32  }
0x1b2: {  	s1 =	rddreg [dreg:$0x1];
	p0 =	sne.s32 s2, $0x0  }
0x1b3: {  	s3 =	rddreg [dreg:$0x2];
	[bflag:$0x3] =	sbarrier.arrive $0xFFFF;
	s2 =	simm.s32 @!p0 $0x1C01  }
0x1b4: {  	[timem:s3], [sflag:s2] =	dma.local @!p0 [hbm:s0], s1  }
0x1b5: {  	s0 =	simm.s32 @!p0 $0x1  }
0x1b6: {  	_ =	swait.ge @!p0 [sflag:s0], s1  }
0x1b7: {  	s1 =	ssub.s32 @!p0 $0x0, s1;
	[sflag:s0] =	ssyncset.done @!p0 $0x0  }
0x1b8: {  	[sflag:s0] =	ssyncadd.s32 @!p0 s1  }
0x1b9: {  	[bflag:$0x3] =	sbarrier.arrive $0xFFFF  }
0x1ba: {  	_ =	shalt  }

// kernel: scatter_offload_async_start
scs
__scs_entry_jumppad:
0x0: {  	(pc) =	sbr.rel $0x88, $3  }
0x1: {  	(tag) =	ssettag $0x0;
	lr =	simm.s32 $0x1  }
0x2: {  	[smem:$0x3F7E] =	sst lr;
	_ =	strace $0xD0000000  }
0x3: {  	_ = 	snop  }
0x4: {  	_ = 	snop  }
0x5: {  	_ = 	snop  }
0x6: {  	_ = 	snop  }
0x7: {  	_ = 	snop  }
__scs_overlays_trampoline_lowered:
0x8: {  	[smem:$0x3F8D] =	sst s0  }
0x9: {  	[smem:$0x3F8E] =	sst s1  }
0xa: {  	[smem:$0x3F8F] =	sst s2  }
0xb: {  	[smem:$0x3F90] =	sst s3  }
0xc: {  	[smem:$0x3F91] =	sst s4  }
0xd: {  	[smem:$0x3F92] =	sst s5  }
0xe: {  	[smem:$0x3F93] =	sst s6  }
0xf: {  	[smem:$0x3F94] =	sst s7  }
0x10: {  	[smem:$0x3F95] =	sst s8  }
0x11: {  	[smem:$0x3F96] =	sst s9;
	s0 =	simm.s32 @!p0 $0x0  }
0x12: {  	s1 =	sld [smem:$0x3F7C];
	s0 =	simm.s32 @p0 $0x1  }
0x13: {  	[smem:$0x3F97] =	sst s0;
	s0 =	simm.s32 @!p1 $0x0  }
0x14: {  	s2 =	sld [smem:$0x3F7B];
	s0 =	simm.s32 @p1 $0x1  }
0x15: {  	[smem:$0x3F98] =	sst s0;
	s0 =	simm.s32 @!p2 $0x0  }
0x16: {  	s3 =	sld [smem:$0x3FDB];
	s0 =	simm.s32 @p2 $0x1  }
0x17: {  	s4 =	simm.s32 $0x1BF5;
	[smem:$0x3F9A] =	sst s0  }
0x18: {  	s0 =	sld [smem:$0x3F7D];
	_ =	swait.ge [sflag:s4], $0x0  }
0x19: {  	s7 =	sld [smem:$0x3F7E]  }
0x1a: {  	s8 =	sadd.s32 $0xFFFFE003, lr  }
0x1b: {  	s9 =	sadd.s32 $0xFFFFFEF7, lr;
	s5 =	simm.s32 $0xFFFFFFFF;
	p2 =	slt.u32 s8, $0xFFFFF086  }
0x1c: {  	p1 =	slt.u32 s9, $0xF7A;
	s5 =	simm.s32 @!p2 $0x0  }
0x1d: {  	s5 =	simm.s32 @p1 $0x1;
	p0 =	seq.s32 s7, s2  }
0x1e: {  	s7 =	smul.u32 @!p0 $0xF7A, s2;
	p2 =	seq.s32 @!p0 s5, $0x0  }
0x1f: {  	s9 =	smul.u32 $0xF7A, s1;
	s8 =	simm.s32 @!p0 $0x1BF5;
	p2 =	por !p2, p0  }
0x20: {  	[sflag:s8] =	ssyncset.s32 @!p0 $0xFFFFF086;
	s6 =	sadd.s32 @!p0 s3, s7;
	s7 =	simm.s32 @!p0 $0x108  }
0x21: {  	s3 =	sadd.s32 s3, s9;
	s6 =	sadd.s32 @!p0 $0x88, s6;
	s7 =	simm.s32 @p2 $0x1082  }
0x22: {  	[simem:s7], [sflag:s8] =	dma.local @!p0 [hbm:s6], $0xF7A  }
0x23: {  	s9 =	sor.u32 $0xD0000000, s2;
	s6 =	simm.s32 $0x108;
	_ =	swait.ge @!p0 [sflag:s8], $0x0  }
0x24: {  	s3 =	sadd.s32 $0x88, s3;
	s6 =	simm.s32 @!p1 $0x1082;
	[sflag:s4] =	ssyncset.s32 $0xFFFFF086  }
0x25: {  	[simem:s6], [sflag:s4] =	dma.local [hbm:s3], $0xF7A  }
0x26: {  	[smem:$0x3F7E] =	sst s1;
	(tag) =	ssettag s2;
	_ =	strace s9  }
0x27: {  	s1 =	sld [smem:$0x3F8E]  }
0x28: {  	s2 =	sld [smem:$0x3F8F]  }
0x29: {  	s4 =	sld [smem:$0x3F91]  }
0x2a: {  	p0 =	seq.s32 s5, $0x0;
	s5 =	sld [smem:$0x3F92]  }
0x2b: {  	s6 =	sld [smem:$0x3F93]  }
0x2c: {  	s7 =	sld [smem:$0x3F94]  }
0x2d: {  	s3 =	simm.s32 $0x108;
	s8 =	sld [smem:$0x3F95]  }
0x2e: {  	s3 =	simm.s32 @!p0 $0x1082;
	s9 =	sld [smem:$0x3F96]  }
0x2f: {  	lr =	sadd.s32 s0, s3;
	s0 =	sld [smem:$0x3F8D]  }
0x30: {  	s3 =	sld [smem:$0x3F90]  }
0x31: {  	[smem:$0x3F99] =	sst s10  }
0x32: {  	s10 =	sld [smem:$0x3F97];
	_ =	sdelay $0x3  }
0x33: {  	p0 =	seq.s32 s10, $0x1;
	s10 =	sld [smem:$0x3F99];
	_ =	sdelay $0x3  }
0x34: {  	[smem:$0x3F99] =	sst s10  }
0x35: {  	s10 =	sld [smem:$0x3F98];
	_ =	sdelay $0x3  }
0x36: {  	p1 =	seq.s32 s10, $0x1;
	s10 =	sld [smem:$0x3F99];
	_ =	sdelay $0x3  }
0x37: {  	[smem:$0x3F99] =	sst s10  }
0x38: {  	s10 =	sld [smem:$0x3F9A]  }
0x39: {  	_ = 	snop;
	(pc) =	sbr.ind lr, $3  }
0x3a: {  	_ = 	snop  }
0x3b: {  	_ = 	snop  }
0x3c: {  	p2 =	seq.s32 s10, $0x1;
	s10 =	sld [smem:$0x3F99]  }
0x3d: {  	_ =	shalt  }
0x3e: {  	_ =	shalt  }
0x3f: {  	_ =	shalt  }
0x40: {  	_ =	shalt  }
0x41: {  	_ =	shalt  }
0x42: {  	_ =	shalt  }
0x43: {  	_ =	shalt  }
0x44: {  	_ =	shalt  }
0x45: {  	_ =	shalt  }
0x46: {  	_ =	shalt  }
0x47: {  	_ =	shalt  }
0x48: {  	_ =	shalt  }
0x49: {  	_ =	shalt  }
0x4a: {  	_ =	shalt  }
0x4b: {  	_ =	shalt  }
0x4c: {  	_ =	shalt  }
0x4d: {  	_ =	shalt  }
0x4e: {  	_ =	shalt  }
0x4f: {  	_ =	shalt  }
0x50: {  	_ =	shalt  }
0x51: {  	_ =	shalt  }
0x52: {  	_ =	shalt  }
0x53: {  	_ =	shalt  }
0x54: {  	_ =	shalt  }
0x55: {  	_ =	shalt  }
0x56: {  	_ =	shalt  }
0x57: {  	_ =	shalt  }
0x58: {  	_ =	shalt  }
0x59: {  	_ =	shalt  }
0x5a: {  	_ =	shalt  }
0x5b: {  	_ =	shalt  }
0x5c: {  	_ =	shalt  }
0x5d: {  	_ =	shalt  }
0x5e: {  	_ =	shalt  }
0x5f: {  	_ =	shalt  }
0x60: {  	_ =	shalt  }
0x61: {  	_ =	shalt  }
0x62: {  	_ =	shalt  }
0x63: {  	_ =	shalt  }
0x64: {  	_ =	shalt  }
0x65: {  	_ =	shalt  }
0x66: {  	_ =	shalt  }
0x67: {  	_ =	shalt  }
0x68: {  	_ =	shalt  }
0x69: {  	_ =	shalt  }
0x6a: {  	_ =	shalt  }
0x6b: {  	_ =	shalt  }
0x6c: {  	_ =	shalt  }
0x6d: {  	_ =	shalt  }
0x6e: {  	_ =	shalt  }
0x6f: {  	_ =	shalt  }
0x70: {  	_ =	shalt  }
0x71: {  	_ =	shalt  }
0x72: {  	_ =	shalt  }
0x73: {  	_ =	shalt  }
0x74: {  	_ =	shalt  }
0x75: {  	_ =	shalt  }
0x76: {  	_ =	shalt  }
0x77: {  	_ =	shalt  }
0x78: {  	_ =	shalt  }
0x79: {  	_ =	shalt  }
0x7a: {  	_ =	shalt  }
0x7b: {  	_ =	shalt  }
0x7c: {  	_ =	shalt  }
0x7d: {  	_ =	shalt  }
0x7e: {  	_ =	shalt  }
0x7f: {  	_ =	shalt  }
0x80: {  	_ =	shalt  }
0x81: {  	_ =	shalt  }
0x82: {  	_ =	shalt  }
0x83: {  	_ =	shalt  }
0x84: {  	_ =	shalt  }
0x85: {  	_ =	shalt  }
0x86: {  	_ =	shalt  }
0x87: {  	_ =	shalt  }
.Lfunc_end0:
.L_simem_size_0:
called_computation_lowered:
.L_overlay_start_0:
0x88: {  	s0 =	sld [smem:$0x3FD9]  }
0x89: {  	s1 =	sld [smem:$0x3FFE];
	_ =	sdelay $0x3  }
0x8a: {  	s0 =	sadd.s32 s1, s0  }
0x8b: {  	[smem:$0x3FA5] =	sst s0  }
0x8c: {  	_ = 	snop  }
0x8d: {  	(tm) =	ssettm $0x1  }
0x8e: {  	s15 =	sld [smem:$0x3FFB];
	_ =	sdelay $0x3  }
0x8f: {  	_ =	strace s15  }
0x90: {  	s0 =	sld [smem:$0x3FFC];
	_ =	sdelay $0x3  }
0x91: {  	_ =	strace s0  }
0x92: {  	s0 =	sld [smem:$0x3FFD];
	_ =	sdelay $0x3  }
0x93: {  	_ =	strace s0  }
0x94: {  	_ =	strace $0x8FFFFFFF  }
0x95: {  	s16 =	sld [smem:$0x3FDB];
	_ =	sdelay $0x1  }
0x96: {  	s17 =	simm.s32 $_scs_section_size  }
0x97: {  	s2 =	simm.s32 $_size__tile_overlayer_lowered;
	s3 =	simm.s32 $_tile_overlayer_lowered  }
0x98: {  	s20 =	simm.s32 $0x1BFF;
	s19 =	sshll.u32 s3, $0x1;
	s0 =	sadd.s32 s17, s16  }
0x99: {  	s4 =	simm.s32 $0x0;
	s18 =	sshll.u32 s2, $0x1;
	s2 =	sadd.s32 s19, s0  }
0x9a: {  	[timem:s4], [sflag:s20] =	dma.local [hbm:s2], s18  }
0x9b: {  	_ =	swait.ge [sflag:s20], s18  }
0x9c: {  	s1 =	ssub.s32 $0x0, s18;
	[sflag:s20] =	ssyncset.done $0x0  }
0x9d: {  	[sflag:s20] =	ssyncadd.s32 s1;
	_ =	sdelay $0x1  }
0x9e: {  	s21 =	simm.s32 $0x1B8B  }
0x9f: {  	_ =	swait.ge [sflag:s21], $0x1  }
0xa0: {  	[sflag:s21] =	ssyncset.done $0x0  }
0xa1: {  	s23 =	simm.s32 $0x1B8E;
	s22 =	sld [smem:$0x3FFE];
	[sflag:s21] =	ssyncadd.s32 $0xFFFFFFFF  }
0xa2: {  	s24 =	simm.s32 $execute0_lowered;
	[smem:$0x3FD2] =	sst s23  }
0xa3: {  	s2 =	sshll.u32 s24, $0x1;
	_ =	strace $0x80000046;
	[dreg:$0x1] =	wrdreg $0xFFFFFFFF  }
0xa4: {  	s25 =	simm.s32 $_size_execute0_lowered;
	s0 =	sadd.s32 s0, s2;
	[dreg:$0x0] =	wrdreg $0x0  }
0xa5: {  	s2 =	sshll.u32 s25, $0x1;
	[dreg:$0x2] =	wrdreg s0  }
0xa6: {  	[dreg:$0x3] =	wrdreg s2  }
0xa7: {  	[dreg:$0x4] =	wrdreg $0xC0  }
0xa8: {  	_ =	task [dreg:s4], $0x5FFFF  }
0xa9: {  	[dreg:$0x1] =	wrdreg $0xFFFFFFFF  }
0xaa: {  	[dreg:$0x0] =	wrdreg $0x60  }
0xab: {  	[dreg:$0x2] =	wrdreg s22  }
0xac: {  	[dreg:$0x3] =	wrdreg $0x9  }
0xad: {  	_ =	task.clear_ibuf [dreg:s4], $0x4FFFF;
	_ =	strace $0x90000046  }
0xae: {  	s26 =	simm.s32 $0x9;
	_ =	strace $0x80000048  }
0xaf: {  	_ =	swait.ge [sflag:s26], $0x1  }
0xb0: {  	[sflag:s26] =	ssyncadd.s32 $0xFFFFFFFF  }
0xb1: {  	_ =	strace $0x90000048  }
0xb2: {  	_ =	sfence  }
0xb3: {  	s28 =	sld [smem:$0x0];
	_ =	sdelay $0x1  }
0xb4: {  	s29 =	srdreg.scid  }
0xb5: {  	s30 =	sshll.u32 s29, $0xD;
	s31 =	sshrl.u32 s29, $0x2  }
0xb6: {  	s1 =	sand.u32 $0x1, s29;
	s2 =	sand.u32 $0x4000, s30;
	s0 =	sadd.s32 s31, s28  }
0xb7: {  	s1 =	sor.u32 s2, s1;
	s0 =	sshll.u32 s0, $0x11  }
0xb8: {  	s0 =	sor.u32 s0, s1  }
0xb9: {  	s0 =	sadd.s32 $0x8F2B, s0  }
0xba: {  	[sflag:s0] =	ssyncadd.remote.s32 $0x1  }
0xbb: {  	_ =	sfence.sel $0xFFFF  }
0xbc: {  	[dreg:$0x0] =	wrdreg $0xFFFFFFFF;
	(pc) =	sbr.abs _section_cstart, $3  }
0xbd: {  	[dreg:$0x1] =	wrdreg $0xFFFFFFFF  }
0xbe: {  	_ =	task.clear_ibuf [dreg:s4], $0x2FFFF;
	_ =	strace $0x9FFFFFFF  }
0xbf: {  	(tm) =	ssettm $0x7FFFFFFF  }
tec
execute0_lowered:
.L_overlay_start_1:
0x0: {  	(tag) =	ssettag $0x1  }
0x1: {  	s0 =	rddreg [dreg:$0x0]  }
0x2: {  	s6 =	stileid.u32;
	_ =	strace $0x80000047;
	s2 =	simm.s32 $0x1  }
0x3: {  	v1 =	vimm.s32 $0xFFFFFFFF;
	s1 =	smul.u32 $0x3, s6;
	[sflag:s2] =	ssyncpa.u1 $0x0  }
0x4: {  	s3 =	smin.u32 s6, $0x7;
	[tilespmem:$0x10] =	vst v1  }
0x5: {  	v0 =	vimm.f32 $0.0e+00;
	[tilespmem:$0x20] =	vst v1;
	s1 =	sadd.s32 s3, s1  }
0x6: {  	p0 =	slt.u32 s6, $0x7;
	[tilespmem:$0x30] =	vst v0;
	s3 =	smul.u32 $0x1770, s1;
	s1 =	simm.s32 $0x5DC0  }
0x7: {  	[tilespmem:$0x40] =	vst v0;
	s1 =	simm.s32 @!p0 $0x4650  }
0x8: {  	[tilespmem:$0x50] =	vst v0;
	s1 =	sadd.s32 s1, s3  }
0x9: {  	[tilespmem:$0x60] =	vst v1;
	s4 =	smin.u32 s1, $0x50910  }
0xa: {  	s7 =	simm.s32 $0x2;
	[tilespmem:$0x70] =	vst v1;
	s9 =	ssub.s32 s4, s3  }
0xb: {  	s8 =	simm.s32 $0x8;
	s31 =	simm.s32 $0x9;
	[tilespmem:$0x80] =	vst v1;
	p0 =	sgt.s32 s9, $0x0  }
0xc: {  	s16 =	simm.s32 $0x0;
	s17 =	simm.s32 $0xF0;
	v1 =	vimm.s32 $0x0;
	[tilespmem:$0xB0] =	vst v0;
	s9 =	simm.s32 @!p0 $0x0  }
0xd: {  	s18 =	simm.s32 $0xFFFFFFFF;
	s19 =	simm.s32 $0xFFFFD220;
	[tilespmem:$0x90] =	vst v1;
	s5 =	smulhi.u32 $0x57619F1, s9  }
0xe: {  	s20 =	simm.s32 $0xFFFFFFFE;
	[tilespmem:$0xA0] =	vst v1;
	[sflag:s7] =	ssyncpa.u1 $0x0;
	s7 =	simm.s32 $0x7  }
0xf: {  	s21 =	simm.s32 $0xF;
	[sflag:s7] =	ssyncpa.u1 $0x0;
	s10 =	sshrl.u32 s5, $0x7  }
0x10: {  	s25 =	simm.s32 $0x0;
	[sflag:s8] =	ssyncpa.u1 $0x0;
	s11 =	smul.u32 $0x1770, s10  }
0x11: {  	s24 =	simm.s32 $0x0;
	s14 =	sshllo.u32 s6, $0x1;
	[sflag:s31] =	ssyncpa.u1 $0x0  }
.Ltmp0:
0x12: {  	s1 =	sadd.s32 $0x50800, s0;
	p0 =	sne.s32 s9, s11;
	(pc) =	sbr.rel .LBB2_1-.Ltmp0, $4  }
0x13: {  	s5 =	sadd.s32 $0x13C00, s0;
	s0 =	sadd.s32 $0x1DE00, s0;
	s2 =	simm.s32 @!p0 $0x0  }
0x14: {  	s23 =	smov.u32 s3;
	[dreg:$0x2] =	wrdreg s0;
	s9 =	sadd.s32 s2, s10  }
0x15: {  	vm0 =	vmmov $0xffff;
	v2 =	vlaneseq.u32;
	p0 =	por $0x0, $0x0;
	s10 =	sshll.u32 s6, $0x1;
	s11 =	sadd.s32 $0x1, s9  }
0x16: {  	vm1 =	vmxor vm1, vm1;
	vm2 =	vmmov $0x1;
	vm3 =	vcmask $0x3F3C;
	s12 =	sadd.s32 $0x2, s9;
	s13 =	sor.u32 $0x81, s10;
	s15 =	sor.u32 $0x80, s10  }
.LBB2_9:
0x17: {  	p1 =	slt.u32 s24, $0x3  }
0x18: {  	s0 =	simm.s32 @!p1 $0x2  }
0x19: {  	_ =	swait.ge @!p1 [sflag:s0], $0x1770  }
0x1a: {  	[sflag:s0] =	ssyncset.done @!p1 $0x0  }
0x1b: {  	[sflag:s0] =	ssyncadd.s32 @!p1 $0xFFFFE890;
	s0 =	simm.s32 @!p1 $0x9  }
0x1c: {  	_ =	swait.ge @!p1 [sflag:s0], $0x10  }
0x1d: {  	[sflag:s0] =	ssyncset.done @!p1 $0x0  }
0x1e: {  	[sflag:s0] =	ssyncadd.s32 @!p1 $0xFFFFFFF0;
	p1 =	sne.s32 s24, s12  }
.Ltmp1:
0x1f: {  	s2 =	sadd.s32 $0x1770, s23;
	(pc) =	sbr.rel @!p1 .LBB2_10-.Ltmp1, $4  }
0x20: {  	s6 =	smov.u32 s3;
	s31 =	sadd.s32 $0x1, s24;
	s17 =	sadd.s32 $0x1770, s17  }
0x21: {  	s18 =	sadd.s32 $0x1, s18;
	s25 =	smov.u32 s23;
	p2 =	slt.s32 s2, s4  }
0x22: {  	p0 =	por !p0, !p0;
	s19 =	sadd.s32 $0x1770, s19;
	s6 =	smov.u32 @p2 s2  }
0x23: {  	s20 =	sadd.s32 $0x1, s20;
	s23 =	smov.u32 s6;
	s24 =	smov.u32 s31  }
.LBB2_1:
0x24: {  	p1 =	sge.u32 s24, s9  }
0x25: {  	s0 =	smulhi.u32 @!p1 $0xAAAAAAAB, s24;
	_ =	sdelay $0x1  }
0x26: {  	s0 =	sshrl.u32 @!p1 s0, $0x1  }
0x27: {  	s0 =	smul.u32 @!p1 $0x3, s0;
	_ =	sdelay $0x1  }
0x28: {  	s0 =	ssub.s32 @!p1 s24, s0  }
0x29: {  	s0 =	smul.u32 @!p1 $0x5DC0, s0;
	_ =	sdelay $0x1  }
0x2a: {  	s2 =	sshrl.u32 @!p1 s23, $0x3;
	s0 =	sshrl.u32 @!p1 s0, $0x2  }
0x2b: {  	s22 =	sand.u32 @!p1 $0x7, s23;
	s2 =	sadd.s32 @!p1 s5, s2;
	s0 =	sadd.s32 @!p1 $0x100, s0  }
0x2c: {  	[tilespmem:s0], [sflag:$0x7] =	stream.linear.gather @!p1 [hbm4b:s2+s22], $0x1770, $0x38;
	[tilespmem:$0xD410] =	vst v63  }
0x2d: {  	s0 =	sadd.s32 $0xFFFFFFFF, s24  }
0x2e: {  	p1 =	sge.u32 s0, s9  }
.Ltmp2:
0x2f: {  	_ = 	snop;
	(pc) =	sbr.rel @p1 .LBB2_5-.Ltmp2, $1  }
0x30: {  	_ =	sdelay $0x3  }
0x31: {  	s2 =	smulhi.u32 $0xAAAAAAAB, s0;
	_ =	sdelay $0x1  }
0x32: {  	s2 =	sshrl.u32 s2, $0x1  }
0x33: {  	s2 =	smul.u32 $0x3, s2;
	_ =	sdelay $0x1  }
0x34: {  	s2 =	ssub.s32 s0, s2  }
0x35: {  	s2 =	smul.u32 $0x5DC0, s2  }
0x36: {  	_ =	swait.ge [sflag:s7], $0x1770  }
0x37: {  	[sflag:s7] =	ssyncset.done $0x0;
	s2 =	sshrl.u32 s2, $0x2  }
0x38: {  	[sflag:s7] =	ssyncadd.s32 $0xFFFFE890;
	(ifvalue) =	ssetifvalue $0xFFFFFFFF;
	v3 =	vld.msk [tilespmem:s2+$0x100 ss:$0x1], $0xffff;
	_ =	sdelay $0x2  }
0x39: {  	s30 =	smulhi.u32 $0xAAAAAAAB, s18;
	p1 =	sne.s32 s24, $0x1  }
0x3a: {  	v4 =	vimm.s32 @!p1 $0x0  }
0x3b: {  	s2 =	sshrl.u32 s30, $0x1;
	v4 =	vperm.xlane @!p1 v3, v4  }
0x3c: {  	s22 =	sshll.u32 s24, $0x4;
	s2 =	smul.u32 $0xFFFEE6C0, s2;
	vm4 =	vlt.u32 v3, $0x2800  }
0x3d: {  	s22 =	sand.u32 $0x10, s22;
	v3 =	vnsel vm4, $0xFFFFFFFE, v3;
	vm4 =	vlt.u32 @!p1 v4, $0x2800  }
0x3e: {  	s2 =	sshra.s32 s2, $0x2;
	[tilespmem:s22+$0x60] =	vst v3;
	v3 =	vnsel @!p1 vm4, $0xFFFFFFFE, v4  }
0x3f: {  	s28 =	sadd.s32 s2, s17;
	[tilespmem:$0x80] =	vst @!p1 v3  }
0x40: {  	v3 =	vld.msk [tilespmem:s28+$0x0 ss:$0x1], $0xffff;
	_ =	sdelay $0x4  }
0x41: {  	(xrf1) =	vunique.msk.u32 $0xffff, v3;
	_ =	sdelay $0xd  }
0x42: {  	v4 =	vimm.s32 $0xFFFFFFFF;
	v5, _, _ =	vpop (xrf1)  }
0x43: {  	vm5 =	vne.s32 v3, v4;
	vm4 =	veq.s32 v5, v2  }
0x44: {  	vm6 =	vlt.u32 v3, $0x2800;
	vm4 =	vmand vm5, vm4  }
0x45: {  	vm4 =	vmand vm6, vm4  }
0x46: {  	v4 =	vnsel vm4, $0xFFFFFFFF, v3  }
0x47: {  	s31 =	sand.u32 $0x1, s0  }
0x48: {  	s0 =	simm.s32 $0x1770;
	p1 =	seq.s32 s31, $0x1  }
0x49: {  	s0 =	simm.s32 @!p1 $0x0  }
0x4a: {  	s26 =	sadd.s32 $0x5EB0, s0;
	(ifvalue) =	ssetifvalue $0xFFFFFFFF  }
0x4b: {  	v3 =	vperm.xlane v3, v1;
	[tilespmem:s26], [sflag:$0x8] =	stream.indirect_vreg.gather [hbm4b:s1+s16], $0x1, v4, vm0, $0x4038;
	v4 =	vnsel vm6, $0xFFFFFFFE, v4;
	[tilespmem:$0xD410] =	vst v63  }
0x4c: {  	s2 =	simm.s32 $0x0;
	s22 =	sadd.s32 $0xFFFFFFF0, s28;
	[tilespmem:s28+$0x0] =	vst v4  }
.LBB2_3:
0x4d: {  	v4 =	vld.msk [tilespmem:s22+$0x0 ss:$0x1], $0xffff;
	s2 =	sadd.s32 $0x10, s2;
	v5 =	vmov v3;
	s28 =	smov.u32 s22  }
0x4e: {  	p1 =	slt.u32 s2, $0x1760;
	_ =	sdelay $0x4  }
0x4f: {  	v3 =	vperm.xlane v4, v1;
	(xrf1) =	vunique.msk.u32 $0xffff, v4;
	_ =	sdelay $0xd  }
0x50: {  	v6, _, _ =	vpop (xrf1)  }
0x51: {  	vm5 =	vne.s32 v4, v5;
	vm4 =	veq.s32 v6, v2  }
0x52: {  	vm6 =	vlt.u32 v4, $0x2800;
	vm4 =	vmand vm5, vm4  }
0x53: {  	vm4 =	vmand vm6, vm4  }
0x54: {  	v4 =	vnsel vm4, $0xFFFFFFFF, v4  }
.Ltmp3:
0x55: {  	v5 =	vnsel vm6, $0xFFFFFFFE, v4;
	(pc) =	sbr.rel @p1 .LBB2_3-.Ltmp3, $3  }
0x56: {  	_ =	sdelay $0x1  }
0x57: {  	s22 =	sadd.s32 $0xFFFFFFF0, s22;
	s26 =	sadd.s32 $0xFFFFFFF0, s26;
	(ifvalue) =	ssetifvalue $0xFFFFFFFF  }
0x58: {  	[tilespmem:s26], [sflag:$0x8] =	stream.indirect_vreg.gather [hbm4b:s1+s16], $0x1, v4, vm0, $0x4038;
	[tilespmem:s28+$0x0] =	vst v5  }
0x59: {  	s2 =	sshrl.u32 s25, $0x3;
	s6 =	rddreg [dreg:$0x2]  }
0x5a: {  	s0 =	sadd.s32 $0x7630, s0;
	s2 =	sadd.s32 s6, s2  }
0x5b: {  	[tilespmem:s0], [sflag:$0x8] =	stream.linear.gather [hbm:s2], $0x1770, $0x38;
	[tilespmem:$0xD410] =	vst v63  }
.LBB2_5:
0x5c: {  	p1 =	slt.u32 s24, $0x2  }
0x5d: {  	p2 =	sge.u32 @!p1 s24, s12  }
0x5e: {  	p1 =	por p1, p2  }
.Ltmp4:
0x5f: {  	_ = 	snop;
	(pc) =	sbr.rel @p1 .LBB2_9-.Ltmp4, $1  }
0x60: {  	_ =	sdelay $0x3  }
0x61: {  	s0 =	sadd.s32 $0xFFFFFFFE, s24  }
0x62: {  	s2 =	smulhi.u32 $0xAAAAAAAB, s0;
	_ =	sdelay $0x1  }
0x63: {  	s2 =	sshrl.u32 s2, $0x1  }
0x64: {  	s2 =	smul.u32 $0x3, s2;
	_ =	sdelay $0x1  }
0x65: {  	s0 =	ssub.s32 s0, s2  }
0x66: {  	_ =	swait.ge [sflag:s8], $0x2EE0;
	s0 =	smul.u32 $0x1770, s0  }
0x67: {  	p1 =	sne.s32 s24, s11;
	[sflag:s8] =	ssyncset.done $0x0  }
0x68: {  	[sflag:s8] =	ssyncadd.s32 $0xFFFFD120;
	s2 =	sadd.s32 @!p1 $0x186F, s0  }
0x69: {  	[spmem:s13] =	stream.linear.scatter @!p1 [tilespmem:s2], [sflag:$0x1], $0x1, $0x38;
	[tilespmem:$0xD410] =	vst v63  }
0x6a: {  	s2 =	simm.s32 @!p1 $0x1  }
0x6b: {  	_ =	swait.ge @!p1 [sflag:s2], $0x1  }
0x6c: {  	s22 =	sshll.u32 s24, $0x4;
	[sflag:s2] =	ssyncset.done @!p1 $0x0  }
0x6d: {  	s25 =	sand.u32 $0x10, s22;
	[sflag:s2] =	ssyncadd.s32 @!p1 $0xFFFFFFFF  }
0x6e: {  	s2 =	sxor.u32 $0x10, s25;
	v4 =	vld [tilespmem:s25+$0x10]  }
0x6f: {  	v5 =	vld [tilespmem:s2+$0x60]  }
0x70: {  	v3 =	vld [tilespmem:$0x80];
	_ =	sdelay $0x2  }
0x71: {  	(v2sf) =	vpush v4, $0x0  }
0x72: {  	(v2sf) =	vpush v5, $0x0  }
0x73: {  	(v2sf) =	vpush v3, $0x0;
	_ =	sdelay $0xc  }
0x74: {  	s6 =	spop (v2sf)  }
0x75: {  	s28 =	spop (v2sf)  }
0x76: {  	s26 =	spop (v2sf)  }
0x77: {  	p2 =	seq.s32 s6, s28;
	p3 =	seq.s32 s26, s6  }
0x78: {  	p3 =	por p2, p3  }
0x79: {  	s6 =	sand.u32 $0x1, s24;
	v4 =	vpsel p3, $0xFFFFFFFF, v4  }
0x7a: {  	s28 =	smul.u32 $0x1770, s6;
	[tilespmem:s25+$0x10] =	vst.msk $0x1, v4  }
0x7b: {  	v4 =	vld [tilespmem:$0x30]  }
0x7c: {  	v5 =	vld [tilespmem:s28+$0x7630]  }
0x7d: {  	v6 =	vld [tilespmem:s25+$0x40];
	_ =	sdelay $0x3  }
0x7e: {  	vm4 =	vmmov vm1;
	v5 =	vadd.f32 v5, v4  }
0x7f: {  	vm5 =	vmmov vm2;
	vm4 =	vmmov @p2 vm2;
	v4 =	vadd.f32 v6, v4  }
0x80: {  	s22 =	sshll.u32 s6, $0x4;
	vm5 =	vmmov @p3 vm1;
	[tilespmem:s28+$0x7630] =	vst.msk vm4, v5  }
0x81: {  	[tilespmem:s22+$0xD3F0] =	vst.msk vm5, v4  }
0x82: {  	v4 =	vld [tilespmem:s28+$0x5EB0];
	_ =	sdelay $0x3  }
0x83: {  	v5 =	vimm.f32 $0.0e+00  }
0x84: {  	v4 =	vshift.insert v4, v5, s21  }
0x85: {  	s29 =	sor.u32 $0x40, s2  }
0x86: {  	[tilespmem:s29+$0x0] =	vst.msk $0x1, v4  }
0x87: {  	[tilespmem:s28+$0x5EBF] =	vst.msk $0x1, v5  }
0x88: {  	v4 =	vld [tilespmem:s0+$0x1860];
	_ =	sdelay $0x1  }
0x89: {  	s29 =	smulhi.u32 $0xAAAAAAAB, s20;
	s0 =	simm.s32 $0x1  }
0x8a: {  	s0 =	simm.s32 @!p0 $0x0  }
0x8b: {  	s29 =	sshrl.u32 s29, $0x1;
	s0 =	smul.u32 $0x5DC0, s0  }
0x8c: {  	s29 =	smul.u32 $0xFFFEE6C0, s29;
	v4 =	vshift.insert v4, v1, s21  }
0x8d: {  	s0 =	sshrl.u32 s0, $0x2  }
0x8e: {  	s29 =	sshra.s32 s29, $0x2;
	s30 =	sadd.s32 $0x7630, s0;
	[tilespmem:s2+$0x10] =	vst.msk $0x1, v4  }
0x8f: {  	s6 =	sadd.s32 s29, s19;
	v6 =	vld [tilespmem:s30+$0x0]  }
0x90: {  	v7 =	vld [tilespmem:s6+$0x0];
	_ =	sdelay $0x3  }
0x91: {  	v5 =	vadd.f32 v6, v5  }
0x92: {  	vm4 =	vne.s32 v7, $0xFFFFFFFF  }
0x93: {  	(xrf2) =	vadd.seg.scan.f32 vm4, v5;
	_ =	sdelay $0x3  }
0x94: {  	s31 =	sadd.s32 $0x4750, s0;
	v5 =	vperm.xlane v4, v1  }
0x95: {  	v6 =	vld [tilespmem:s31+$0x0]  }
0x96: {  	vm5 =	veq.s32 v7, v3;
	vm6 =	veq.s32 v7, v5  }
0x97: {  	vm7 =	vgt.u32 v7, $0xFFFFFFFD;
	vm6 =	vmor vm6, vm5  }
0x98: {  	vm6 =	vmor vm6, vm7  }
0x99: {  	v9 =	vld [tilespmem:$0xA0];
	v7 =	vsel vm6, $0xFFFFFFFF, v7  }
0x9a: {  	v10 =	vld [tilespmem:$0x90];
	v6 =	vsel vm5, $0x0, v6;
	v8, _, _ =	vpop (xrf2)  }
0x9b: {  	v6 =	vadd.f32 v8, v6  }
0x9c: {  	s0 =	sadd.s32 $0xA510, s0  }
0x9d: {  	vm4 =	vmand vm4, vm3;
	[tilespmem:s0+$0x0] =	vst v6;
	(ifvalue) =	ssetifvalue $0xFFFFFFFF  }
0x9e: {  	vm6 =	veq.s32 v9, $0x1;
	[hbm4b:s1+s16] =	stream.indirect_vreg.scatter [tilespmem:s0], [sflag:$0x2], $0x1, v7, vm0, $0x4038;
	v7 =	vsel vm4, $0x0, v8;
	[tilespmem:$0xD410] =	vst v63  }
0x9f: {  	s29 =	sadd.s32 $0xD3F0, s22;
	s22 =	sadd.s32 $0x10, s6;
	s2 =	simm.s32 $0x0;
	vm4 =	vmor vm6, vm5;
	v6 =	vsel vm5, v8, v10;
	v7 =	vshift.insert v7, v0, s21  }
.LBB2_7:
0xa0: {  	v8 =	vld [tilespmem:s22+$0x0];
	s30 =	sadd.s32 $0x10, s30  }
0xa1: {  	s31 =	sadd.s32 $0x10, s31;
	v9 =	vld [tilespmem:s30+$0x0]  }
0xa2: {  	s2 =	sadd.s32 $0x10, s2;
	v10 =	vld [tilespmem:s31+$0x0]  }
0xa3: {  	p2 =	slt.u32 s2, $0x1760;
	_ =	sdelay $0x2  }
0xa4: {  	v7 =	vadd.f32 v9, v7  }
0xa5: {  	vm5 =	vne.s32 v8, $0xFFFFFFFF  }
0xa6: {  	vm6 =	vmand vm5, vm3;
	(xrf2) =	vadd.seg.scan.f32 vm5, v7;
	_ =	sdelay $0x5  }
0xa7: {  	vm7 =	veq.s32 v8, v5;
	vm5 =	veq.s32 v8, v3  }
0xa8: {  	vm8 =	vgt.u32 v8, $0xFFFFFFFD;
	vm4 =	vmor vm4, vm5;
	vm7 =	vmor vm7, vm5  }
0xa9: {  	vm7 =	vmor vm7, vm8  }
0xaa: {  	v8 =	vsel vm7, $0xFFFFFFFF, v8  }
.Ltmp5:
0xab: {  	v7 =	vsel vm5, $0x0, v10;
	v9, _, _ =	vpop (xrf2);
	(pc) =	sbr.rel @p2 .LBB2_7-.Ltmp5, $4  }
0xac: {  	v6 =	vsel vm5, v9, v6;
	v10 =	vadd.f32 v9, v7;
	v7 =	vsel vm6, $0x0, v9  }
0xad: {  	s0 =	sadd.s32 $0x10, s0;
	v7 =	vshift.insert v7, v0, s21  }
0xae: {  	s22 =	sadd.s32 $0x10, s22;
	[tilespmem:s0+$0x0] =	vst v10;
	(ifvalue) =	ssetifvalue $0xFFFFFFFF  }
0xaf: {  	[hbm4b:s1+s16] =	stream.indirect_vreg.scatter [tilespmem:s0], [sflag:$0x2], $0x1, v8, vm0, $0x4038;
	[tilespmem:$0xD410] =	vst v63  }
0xb0: {  	v3 =	vld [tilespmem:s28+$0xBC70];
	_ =	sdelay $0x4  }
0xb1: {  	v3 =	vshift.insert v3, v0, s21  }
0xb2: {  	s0 =	simm.s32 $0x30  }
0xb3: {  	[tilespmem:s0+$0x0] =	vst.msk $0x1, v3  }
0xb4: {  	v3 =	vsel vm4, $0x1, v1;
	[tilespmem:$0x90] =	vst v6  }
0xb5: {  	s0 =	sadd.s32 @!p1 $0xBC7F, s28;
	[tilespmem:$0xA0] =	vst v3  }
0xb6: {  	[spmem:s14] =	stream.linear.scatter @!p1 [tilespmem:s0], [sflag:$0x1], $0x1, $0x38;
	[tilespmem:$0xD410] =	vst v63  }
0xb7: {  	s0 =	simm.s32 @!p1 $0x1  }
0xb8: {  	v3 =	vmctz.xlane @!p1 vm4;
	_ =	swait.ge @!p1 [sflag:s0], $0x1  }
0xb9: {  	(v2sf) =	vpush @!p1 v4, $0x0  }
0xba: {  	(v2sf) =	vpush @!p1 v3, $0x0;
	_ =	sdelay $0xd  }
0xbb: {  	s2 =	spop @!p1 (v2sf)  }
0xbc: {  	s6 =	spop @!p1 (v2sf)  }
0xbd: {  	p2 =	sne.s32 @!p1 s26, s2;
	p3 =	slt.s32 @!p1 s6, $0xF  }
0xbe: {  	[sflag:s0] =	ssyncset.done @!p1 $0x0;
	p2 =	por p2, p1;
	p3 =	por !p3, p1  }
0xbf: {  	[sflag:s0] =	ssyncadd.s32 @!p1 $0xFFFFFFFF;
	v3 =	vimm.s32 @!p2 $0xFFFFFFFF;
	s6 =	simm.s32 @p3 $0xF  }
0xc0: {  	[tilespmem:$0x80] =	vst @!p2 v3;
	s2 =	sadd.s32 @!p1 $0x90, s6  }
0xc1: {  	[spmem:s10] =	stream.linear.scatter @!p1 [tilespmem:s2], [sflag:$0x1], $0x1, $0x38;
	[tilespmem:$0xD410] =	vst v63  }
0xc2: {  	_ =	swait.ge @!p1 [sflag:s0], $0x1  }
0xc3: {  	[sflag:s0] =	ssyncset.done @!p1 $0x0  }
0xc4: {  	s2 =	simm.s32 @!p1 $0x80;
	[sflag:s0] =	ssyncadd.s32 @!p1 $0xFFFFFFFF  }
0xc5: {  	[spmem:s15] =	stream.linear.scatter @!p1 [tilespmem:s2], [sflag:$0x1], $0x1, $0x38;
	[tilespmem:$0xD410] =	vst v63  }
0xc6: {  	_ =	swait.ge @!p1 [sflag:s0], $0x1  }
0xc7: {  	[sflag:s0] =	ssyncset.done @!p1 $0x0  }
0xc8: {  	[sflag:s0] =	ssyncadd.s32 @!p1 $0xFFFFFFFF;
	(ifvalue) =	ssetifvalue $0xFFFFFFFF;
	v3 =	vld [tilespmem:s25+$0x10];
	_ =	sdelay $0x3  }
.Ltmp6:
0xc9: {  	_ = 	snop;
	(pc) =	sbr.rel .LBB2_9-.Ltmp6, $3  }
0xca: {  	_ =	sdelay $0x1  }
0xcb: {  	(ifvalue) =	ssetifvalue $0xFFFFFFFF  }
0xcc: {  	[hbm4b:s1+s16] =	stream.indirect_vreg.scatter [tilespmem:s29], [sflag:$0x9], $0x1, v3, vm0, $0x4038;
	[tilespmem:$0xD410] =	vst v63  }
.LBB2_10:
0xcd: {  	_ =	sfence.sel $0x180000  }
0xce: {  	s0 =	simm.s32 $0x7;
	[bflag:$0x0] =	sbarrier.arrive $0xFFFF  }
0xcf: {  	s26 =	simm.s32 $0x8;
	[sflag:s0] =	ssyncpa.u1 $0x1  }
0xd0: {  	s28 =	simm.s32 $0x9;
	[sflag:s26] =	ssyncpa.u1 $0x1  }
0xd1: {  	[sflag:s28] =	ssyncpa.u1 $0x1  }
0xd2: {  	_ =	sfence.stream.spmem  }
0xd3: {  	s29 =	simm.s32 $0x3;
	[bflag:$0x0] =	sbarrier.arrive $0xFFFF  }
0xd4: {  	s30 =	simm.s32 $0x4;
	[sflag:s29] =	ssyncpa.u1 $0x1  }
0xd5: {  	s31 =	simm.s32 $0x3C;
	s2 =	stileid.u32;
	[sflag:s30] =	ssyncpa.u1 $0x1  }
0xd6: {  	p0 =	sne.s32 s2, $0x0;
	[sflag:s31] =	ssyncpa.u1 $0x1  }
0xd7: {  	s0 =	simm.s32 @p0 $0x1;
	_ =	sfence @p0  }
0xd8: {  	[sflag:s0] =	ssyncpa.u1 @p0 $0x1;
	s0 =	simm.s32 @p0 $0x2  }
0xd9: {  	[sflag:s0] =	ssyncpa.u1 @p0 $0x1  }
0xda: {  	_ =	strace @p0 $0x90000047  }
0xdb: {  	[bflag:$0x2] =	sbarrier.arrive @p0 $0xFFFF  }
0xdc: {  	_ =	shalt @p0  }
.LBB2_11:
0xdd: {  	_ =	sfence.stream.spmem;
	s0 =	simm.s32 $0x5  }
0xde: {  	s2 =	simm.s32 $0x80;
	s3 =	simm.s32 $0xC0;
	[sflag:s0] =	ssyncpa.u1 $0x0  }
0xdf: {  	[tilespmem:s3], [sflag:$0x5] =	stream.linear.gather [spmem:s2], $0x20, $0x38;
	[tilespmem:$0xD410] =	vst v63  }
0xe0: {  	s2 =	simm.s32 $0x0;
	s3 =	simm.s32 $0xE0  }
0xe1: {  	[tilespmem:s3], [sflag:$0x5] =	stream.linear.gather [spmem:s2], $0x20, $0x38;
	[tilespmem:$0xD410] =	vst v63  }
.Ltmp7:
0xe2: {  	_ = 	snop;
	(pc) =	sbr.rel .LBB2_12-.Ltmp7, $4  }
0xe3: {  	_ =	swait.ge [sflag:s0], $0x40  }
0xe4: {  	[sflag:s0] =	ssyncset.done $0x0  }
0xe5: {  	s31 =	simm.s32 $0x6;
	[sflag:s0] =	ssyncadd.s32 $0xFFFFFFC0  }
0xe6: {  	s4 =	simm.s32 $0x0;
	[sflag:s31] =	ssyncpa.u1 $0x0  }
.LBB2_17:
0xe7: {  	p0 =	sgt.u32 s5, $0x27FF  }
0xe8: {  	s0 =	sshrl.u32 @!p0 s5, $0x3  }
0xe9: {  	s5 =	sand.u32 @!p0 $0x7, s5;
	s6 =	simm.s32 @!p0 $0xB0;
	s0 =	sadd.s32 @!p0 s1, s0  }
0xea: {  	[tilespmem:s6], [sflag:$0x6] =	stream.linear.gather @!p0 [hbm4b:s0+s5], $0x1, $0x38;
	[tilespmem:$0xD410] =	vst v63  }
0xeb: {  	s0 =	simm.s32 @!p0 $0x6  }
0xec: {  	_ =	swait.ge @!p0 [sflag:s0], $0x1  }
0xed: {  	[sflag:s0] =	ssyncset.done @!p0 $0x0  }
0xee: {  	[sflag:s0] =	ssyncadd.s32 @!p0 $0xFFFFFFFF  }
0xef: {  	v2 =	vmov @!p0 s4;
	v1 =	vld.msk @!p0 [tilespmem:$0xB0], $0x1;
	_ =	sdelay $0x3  }
0xf0: {  	s0 =	simm.s32 @!p0 $0xE0  }
0xf1: {  	[tilespmem:v2+s0+$0x0], v1 =	vst.idx.ret.add.f32.msk @!p0 $0x1, v1  }
0xf2: {  	[tilespmem:s2+$0xC0] =	vst.msk $0x1, v0  }
0xf3: {  	v0 =	vld.msk [tilespmem:s4+$0xE0], $0x1;
	_ =	sdelay $0x4  }
0xf4: {  	[tilespmem:s2+$0xE0] =	vst.msk $0x1, v0;
	s2 =	sadd.s32 $0x1, s2  }
.LBB2_19:
0xf5: {  	s4 =	sadd.s32 $0x1, s4  }
0xf6: {  	p0 =	sne.s32 s4, $0x20  }
.Ltmp8:
0xf7: {  	_ = 	snop;
	(pc) =	sbr.rel @!p0 .LBB2_20-.Ltmp8, $1  }
0xf8: {  	_ =	sdelay $0x3  }
.LBB2_12:
0xf9: {  	v0 =	vld.msk [tilespmem:s4+$0xC0], $0x1;
	_ =	sdelay $0x4  }
0xfa: {  	(v2sf) =	vpush v0, $0x0;
	_ =	sdelay $0xe  }
0xfb: {  	s5 =	spop (v2sf)  }
0xfc: {  	p0 =	seq.s32 s5, $0xFFFFFFFF  }
.Ltmp9:
0xfd: {  	_ = 	snop;
	(pc) =	sbr.rel @p0 .LBB2_19-.Ltmp9, $1  }
0xfe: {  	_ =	sdelay $0x3  }
0xff: {  	p0 =	slt.s32 s2, $0x1  }
.Ltmp10:
0x100: {  	_ = 	snop;
	(pc) =	sbr.rel @p0 .LBB2_17-.Ltmp10, $1  }
0x101: {  	_ =	sdelay $0x3  }
0x102: {  	s0 =	simm.s32 $0xC0;
	p0 =	por $0x0, $0x0  }
0x103: {  	v1 =	vld.msk @!p0 [tilespmem:s0+$0x0], $0x1;
	_ =	sdelay $0x4  }
0x104: {  	(v2sf) =	vpush @!p0 v1, $0x0;
	_ =	sdelay $0xd  }
0x105: {  	p2 =	sne.s32 s2, $0x1  }
.Ltmp11:
0x106: {  	s6 =	spop @!p0 (v2sf);
	(pc) =	sbr.rel @!p2 .LBB2_16-.Ltmp11, $4  }
0x107: {  	p1 =	seq.s32 @!p0 s5, s6  }
0x108: {  	s6 =	simm.s32 $0x0;
	p1 =	por !p1, p0  }
0x109: {  	s8 =	simm.s32 $0xFFFFFFFF;
	s6 =	simm.s32 @p1 $0xFFFFFFFF  }
0x10a: {  	s7 =	simm.s32 $0x1;
	s6 =	smov.u32 @p0 s8  }
.LBB2_15:
0x10b: {  	s8 =	smov.u32 s6;
	p0 =	sne.s32 s6, $0xFFFFFFFF  }
0x10c: {  	s0 =	sadd.s32 $0x1, s0;
	s6 =	smov.u32 s7;
	s7 =	sadd.s32 $0x1, s7  }
0x10d: {  	p1 =	sne.s32 s2, s7;
	v1 =	vld.msk @!p0 [tilespmem:s0+$0x0], $0x1;
	_ =	sdelay $0x4  }
0x10e: {  	(v2sf) =	vpush @!p0 v1, $0x0;
	_ =	sdelay $0xe  }
.Ltmp12:
0x10f: {  	s9 =	spop @!p0 (v2sf);
	(pc) =	sbr.rel @p1 .LBB2_15-.Ltmp12, $4  }
0x110: {  	p2 =	seq.s32 @!p0 s5, s9  }
0x111: {  	p2 =	por !p2, p0  }
0x112: {  	s6 =	simm.s32 @p2 $0xFFFFFFFF  }
0x113: {  	s6 =	smov.u32 @p0 s8  }
.LBB2_16:
0x114: {  	p0 =	sne.s32 s6, $0xFFFFFFFF  }
.Ltmp13:
0x115: {  	_ = 	snop;
	(pc) =	sbr.rel @!p0 .LBB2_17-.Ltmp13, $1  }
0x116: {  	_ =	sdelay $0x3  }
0x117: {  	v0 =	vld.msk [tilespmem:s4+$0xE0], $0x1;
	v1 =	vmov s6  }
.Ltmp14:
0x118: {  	_ = 	snop;
	(pc) =	sbr.rel .LBB2_19-.Ltmp14, $2  }
0x119: {  	_ =	sdelay $0x2  }
0x11a: {  	[tilespmem:v1+s3+$0x0], v0 =	vst.idx.ret.add.f32.msk $0x1, v0  }
.LBB2_20:
0x11b: {  	p0 =	slt.s32 s2, $0x1  }
.Ltmp15:
0x11c: {  	_ = 	snop;
	(pc) =	sbr.rel @p0 .LBB2_24-.Ltmp15, $3  }
0x11d: {  	_ =	sdelay $0x1  }
0x11e: {  	s0 =	simm.s32 $0x6  }
0x11f: {  	s3 =	simm.s32 $0x0;
	[sflag:s0] =	ssyncpa.u1 $0x1  }
0x120: {  	s0 =	simm.s32 $0xC0  }
0x121: {  	v0 =	vld.msk [tilespmem:s0+$0x0], $0x1;
	_ =	sdelay $0x4  }
0x122: {  	(v2sf) =	vpush v0, $0x0;
	_ =	sdelay $0xe  }
0x123: {  	s2 =	sadd.s32 $0xFFFFFFFF, s2;
	s4 =	spop (v2sf)  }
0x124: {  	p1 =	sne.s32 s2, $0x0;
	p0 =	sgt.u32 s4, $0x27FF  }
.Ltmp16:
0x125: {  	s5 =	sshrl.u32 @!p0 s4, $0x3;
	(pc) =	sbr.rel @!p1 .LBB2_23-.Ltmp16, $4  }
0x126: {  	s0 =	simm.s32 $0xE0;
	s4 =	sand.u32 @!p0 $0x7, s4;
	s5 =	sadd.s32 @!p0 s1, s5  }
0x127: {  	[hbm4b:s5+s4] =	stream.linear.scatter @!p0 [tilespmem:s0], [sflag:$0x5], $0x1, $0x38;
	[tilespmem:$0xD410] =	vst v63  }
0x128: {  	s5 =	simm.s32 $0x0  }
0x129: {  	s4 =	simm.s32 $0xC1;
	s5 =	simm.s32 @!p0 $0x4  }
.LBB2_22:
0x12a: {  	v0 =	vld.msk [tilespmem:s4+$0x0], $0x1;
	s2 =	sadd.s32 $0xFFFFFFFF, s2;
	s3 =	sadd.s32 s3, s5  }
0x12b: {  	p0 =	sne.s32 s2, $0x0;
	_ =	sdelay $0x3  }
0x12c: {  	(v2sf) =	vpush v0, $0x0;
	_ =	sdelay $0xe  }
.Ltmp17:
0x12d: {  	s6 =	spop (v2sf);
	(pc) =	sbr.rel @p0 .LBB2_22-.Ltmp17, $4  }
0x12e: {  	s5 =	simm.s32 $0x0;
	p1 =	sgt.u32 s6, $0x27FF  }
0x12f: {  	s0 =	sadd.s32 $0x1, s0;
	s5 =	simm.s32 @!p1 $0x4;
	s7 =	sshrl.u32 @!p1 s6, $0x3  }
0x130: {  	s4 =	sadd.s32 $0x1, s4;
	s6 =	sand.u32 @!p1 $0x7, s6;
	s7 =	sadd.s32 @!p1 s1, s7  }
0x131: {  	[hbm4b:s7+s6] =	stream.linear.scatter @!p1 [tilespmem:s0], [sflag:$0x5], $0x1, $0x38;
	[tilespmem:$0xD410] =	vst v63  }
.LBB2_23:
0x132: {  	s0 =	sadd.s32 s3, s5  }
0x133: {  	s3 =	sshrl.u32 s0, $0x2  }
.LBB2_24:
0x134: {  	s0 =	simm.s32 $0x5  }
0x135: {  	_ =	swait.ge [sflag:s0], s3  }
0x136: {  	s1 =	ssub.s32 $0x0, s3;
	[sflag:s0] =	ssyncset.done $0x0  }
0x137: {  	[sflag:s0] =	ssyncadd.s32 s1  }
0x138: {  	[sflag:s0] =	ssyncpa.u1 $0x1  }
0x139: {  	s29 =	simm.s32 $0x1;
	_ =	sfence  }
0x13a: {  	s30 =	simm.s32 $0x2;
	[sflag:s29] =	ssyncpa.u1 $0x1  }
0x13b: {  	[sflag:s30] =	ssyncpa.u1 $0x1  }
0x13c: {  	_ =	strace $0x90000047  }
0x13d: {  	[bflag:$0x2] =	sbarrier.arrive $0xFFFF  }
0x13e: {  	s31 =	rddreg [dreg:$0x1]  }
0x13f: {  	s0 =	sadd.s32 $0x100000, s31  }
0x140: {  	[sflag:s0] =	ssyncadd.tile.s32 $0x1;
	_ =	shalt  }
.Lfunc_end2:
_tile_overlayer_lowered:
.L_overlay_start_2:
0x141: {  	(tag) =	ssettag $0x2  }
0x142: {  	s0 =	rddreg [dreg:$0x0];
	s2 =	stileid.u32  }
0x143: {  	s1 =	rddreg [dreg:$0x1];
	p0 =	sne.s32 s2, $0x0  }
0x144: {  	s3 =	rddreg [dreg:$0x2];
	[bflag:$0x3] =	sbarrier.arrive $0xFFFF;
	s2 =	simm.s32 @!p0 $0x1C01  }
0x145: {  	[timem:s3], [sflag:s2] =	dma.local @!p0 [hbm:s0], s1  }
0x146: {  	s0 =	simm.s32 @!p0 $0x1  }
0x147: {  	_ =	swait.ge @!p0 [sflag:s0], s1  }
0x148: {  	s1 =	ssub.s32 @!p0 $0x0, s1;
	[sflag:s0] =	ssyncset.done @!p0 $0x0  }
0x149: {  	[sflag:s0] =	ssyncadd.s32 @!p0 s1  }
0x14a: {  	[bflag:$0x3] =	sbarrier.arrive $0xFFFF  }
0x14b: {  	_ =	shalt  }

</sc_bundles>
